<compile_context>
chip_gen: v7x
topology: tpu7x:2x2x1
jax: 0.10.2.dev20260603
libtpu: 0.0.44.dev20260713+nightly
codegen_flags: <defaults>
</compile_context>

<pallas_src>
import functools

import jax
import jax.numpy as jnp
from jax import lax
from jax.experimental import pallas as pl
from jax.experimental.pallas import tpu as pltpu
from jax.experimental.pallas import tpu_sc as plsc

N_NODES = 10000
N_EDGES = 160000
HID = 256
NREL = 500
NRES = 50000

NC = 2
NS = 16
HHALF = HID // 2

EDGE_PER_SUB = N_EDGES // NS
EBATCH = 80
NEB = EDGE_PER_SUB // EBATCH
NPADN = 10240
ROWS_PER_SUB = NPADN // NS
TROWS = 1024
TROWS_PER_SUB = TROWS // NS

NPAD = 10240
GROWS_PER_W = NPAD * 5 // (NC * NS)
GBATCH = 80
NGB = GROWS_PER_W // GBATCH

TN = 2000
RN = N_NODES // TN
NRES_P = 50176
TK = 896
RK = NRES_P // TK


def _sc_mesh():
    return plsc.VectorSubcoreMesh(
        core_axis_name="c", subcore_axis_name="s", num_cores=NC, num_subcores=NS
    )


_SC_PARAMS = pltpu.CompilerParams(use_tc_tiling_on_sc=False)


NHALF = NPADN // 2
NROWS_ACC = NHALF + 8
STRIPE = NHALF // NS


def _sc_edge_aggregate(etypes, inv, dst, ta, tb, zf):
    kfn = pl.kernel(
        _edge_agg_body,
        out_type=jax.ShapeDtypeStruct((NC, NPADN, HHALF), jnp.float32),
        mesh=_sc_mesh(),
        scratch_types=[
            pltpu.VMEM_SHARED((NROWS_ACC, HHALF), jnp.float32),
            pltpu.VMEM((EBATCH,), jnp.int32),
            pltpu.VMEM((EBATCH,), jnp.int32),
            pltpu.VMEM((EBATCH,), jnp.int32),
            pltpu.VMEM((EBATCH,), jnp.int32),
            pltpu.VMEM((EBATCH,), jnp.int32),
            pltpu.VMEM((EBATCH, HHALF), jnp.float32),
            pltpu.VMEM((STRIPE, HHALF), jnp.float32),
            pltpu.SemaphoreType.DMA,
        ],
        compiler_params=_SC_PARAMS,
    )
    return kfn(etypes, inv, dst, ta, tb, zf)


def _edge_agg_body(et_hbm, iv_hbm, dst_hbm, ta_hbm, tb_hbm, zf_hbm,
                   featp_hbm,
                   fa_sp,
                   et_v, iv_v, code_v, dst_v, sdst_v, rows_v,
                   zbuf_v, sem):
    c = lax.axis_index("c")
    s = lax.axis_index("s")

    for p in range(2):
        pltpu.sync_copy(zf_hbm, zbuf_v)
        pltpu.sync_copy(zbuf_v, fa_sp.at[pl.ds(s * STRIPE, STRIPE)])

        @pl.when(s == 0)
        def _():
            pltpu.sync_copy(zf_hbm.at[pl.ds(0, 8)], fa_sp.at[pl.ds(NHALF, 8)])

        plsc.subcore_barrier()

        def body(b, carry, p=p):
            base = s * EDGE_PER_SUB + b * EBATCH
            pltpu.sync_copy(et_hbm.at[pl.ds(base, EBATCH)], et_v)
            pltpu.sync_copy(iv_hbm.at[pl.ds(base, EBATCH)], iv_v)
            pltpu.sync_copy(dst_hbm.at[pl.ds(base, EBATCH)], dst_v)
            for i in range(EBATCH // 16):
                sl = pl.ds(i * 16, 16)
                code_v[sl] = et_v[sl] + NREL * iv_v[sl]
                t = dst_v[sl] - (p * NHALF)
                ok = (t >= 0) & (t < NHALF)
                sdst_v[sl] = jnp.where(ok, t, NHALF)

            @pl.when(c == 0)
            def _():
                pltpu.async_copy(ta_hbm.at[code_v], rows_v, sem).wait()

            @pl.when(c == 1)
            def _():
                pltpu.async_copy(tb_hbm.at[code_v], rows_v, sem).wait()

            pltpu.sync_copy(rows_v, fa_sp.at[sdst_v], add=True)
            return carry

        lax.fori_loop(0, NEB, body, 0)
        plsc.subcore_barrier()

        pltpu.sync_copy(fa_sp.at[pl.ds(s * STRIPE, STRIPE)], zbuf_v)
        pltpu.sync_copy(zbuf_v,
                        featp_hbm.at[c, pl.ds(p * NHALF + s * STRIPE, STRIPE)])


def _sc_degrees(dst, src, zd):
    kfn = pl.kernel(
        _degrees_body,
        out_type=(
            jax.ShapeDtypeStruct((NPADN, 16), jnp.float32),
            jax.ShapeDtypeStruct((NPADN, 16), jnp.float32),
        ),
        mesh=_sc_mesh(),
        scratch_types=[
            pltpu.VMEM_SHARED((NPADN, 16), jnp.float32),
            pltpu.VMEM((EBATCH,), jnp.int32),
            pltpu.VMEM((EBATCH, 16), jnp.float32),
            pltpu.VMEM((ROWS_PER_SUB, 16), jnp.float32),
        ],
        compiler_params=_SC_PARAMS,
    )
    return kfn(dst, src, zd)


def _degrees_body(dst_hbm, src_hbm, zd_hbm,
                  indeg_hbm, outdeg_hbm,
                  dg_sp, tgt_v, ones_v, zdbuf_v):
    c = lax.axis_index("c")
    s = lax.axis_index("s")
    r0 = s * ROWS_PER_SUB

    for i in range(EBATCH):
        ones_v[i, :] = jnp.ones((16,), jnp.float32)

    pltpu.sync_copy(zd_hbm, zdbuf_v)
    pltpu.sync_copy(zdbuf_v, dg_sp.at[pl.ds(r0, ROWS_PER_SUB)])
    plsc.subcore_barrier()

    def body(b, carry):
        base = s * EDGE_PER_SUB + b * EBATCH

        @pl.when(c == 0)
        def _():
            pltpu.sync_copy(dst_hbm.at[pl.ds(base, EBATCH)], tgt_v)

        @pl.when(c == 1)
        def _():
            pltpu.sync_copy(src_hbm.at[pl.ds(base, EBATCH)], tgt_v)

        pltpu.sync_copy(ones_v, dg_sp.at[tgt_v], add=True)
        return carry

    lax.fori_loop(0, NEB, body, 0)
    plsc.subcore_barrier()
    pltpu.sync_copy(dg_sp.at[pl.ds(r0, ROWS_PER_SUB)], zdbuf_v)

    @pl.when(c == 0)
    def _():
        pltpu.sync_copy(zdbuf_v, indeg_hbm.at[pl.ds(r0, ROWS_PER_SUB)])

    @pl.when(c == 1)
    def _():
        pltpu.sync_copy(zdbuf_v, outdeg_hbm.at[pl.ds(r0, ROWS_PER_SUB)])


def _sc_gather_rows(res, idxf):
    kfn = pl.kernel(
        _gather_body,
        out_type=jax.ShapeDtypeStruct((NPAD * 5, HID), jnp.float32),
        mesh=_sc_mesh(),
        scratch_types=[
            pltpu.VMEM((GBATCH,), jnp.int32),
            pltpu.VMEM((GBATCH, HID), jnp.float32),
            pltpu.SemaphoreType.DMA,
        ],
        compiler_params=_SC_PARAMS,
    )
    return kfn(res, idxf)


def _gather_body(res_hbm, idx_hbm, out_hbm, idx_v, rows_v, sem):
    wid = lax.axis_index("s") * NC + lax.axis_index("c")

    def body(b, carry):
        base = wid * GROWS_PER_W + b * GBATCH
        pltpu.sync_copy(idx_hbm.at[pl.ds(base, GBATCH)], idx_v)
        pltpu.async_copy(res_hbm.at[idx_v], rows_v, sem).wait()
        pltpu.sync_copy(rows_v, out_hbm.at[pl.ds(base, GBATCH)])
        return carry

    lax.fori_loop(0, NGB, body, 0)


P_COMP = 2048
CROWS_PER_W = P_COMP // (NC * NS)
CNB = 4
CNODES_B = CROWS_PER_W // CNB


def _sc_gather_xcomp(ent, comp_idx):
    kfn = pl.kernel(
        _gather_xcomp_body,
        out_type=jax.ShapeDtypeStruct((P_COMP, HID), jnp.float32),
        mesh=_sc_mesh(),
        scratch_types=[
            pltpu.VMEM((CROWS_PER_W,), jnp.int32),
            pltpu.VMEM((CROWS_PER_W, HID), jnp.float32),
            pltpu.SemaphoreType.DMA,
        ],
        compiler_params=_SC_PARAMS,
    )
    return kfn(ent, comp_idx)


def _gather_xcomp_body(ent_hbm, idx_hbm, out_hbm, idx_v, rows_v, sem):
    wid = lax.axis_index("s") * NC + lax.axis_index("c")
    base = wid * CROWS_PER_W
    pltpu.sync_copy(idx_hbm.at[pl.ds(base, CROWS_PER_W)], idx_v)
    pltpu.async_copy(ent_hbm.at[idx_v], rows_v, sem).wait()
    pltpu.sync_copy(rows_v, out_hbm.at[pl.ds(base, CROWS_PER_W)])


def _sc_gather_scatter_comp(res, tk5, scat5, w16c, nid):
    kfn = pl.kernel(
        _gs_comp_body,
        out_type=(
            jax.ShapeDtypeStruct((NPAD * 5, HID), jnp.float32),
            jax.ShapeDtypeStruct((NPAD, 16), jnp.float32),
        ),
        mesh=_sc_mesh(),
        scratch_types=[
            pltpu.VMEM((CNODES_B * 5,), jnp.int32),
            pltpu.VMEM((CNODES_B * 5,), jnp.int32),
            pltpu.VMEM((CNODES_B,), jnp.int32),
            pltpu.VMEM((CNODES_B * 5, HID), jnp.float32),
            pltpu.VMEM((CNODES_B, 16), jnp.float32),
            pltpu.SemaphoreType.DMA,
            pltpu.SemaphoreType.DMA,
            pltpu.SemaphoreType.DMA,
        ],
        compiler_params=_SC_PARAMS,
    )
    return kfn(res, tk5, scat5, w16c, nid)


def _gs_comp_body(res_hbm, tk5_hbm, scat5_hbm, w16c_hbm, nid_hbm,
                  g5f_hbm, w16d_hbm,
                  tk_v, sc_v, nid_v, rows_v, w_v, sem, sem2, sem3):
    wid = lax.axis_index("s") * NC + lax.axis_index("c")

    def body(b, carry):
        nb = wid * CROWS_PER_W + b * CNODES_B
        rb = nb * 5
        pltpu.sync_copy(tk5_hbm.at[pl.ds(rb, CNODES_B * 5)], tk_v)
        pltpu.sync_copy(scat5_hbm.at[pl.ds(rb, CNODES_B * 5)], sc_v)
        pltpu.sync_copy(nid_hbm.at[pl.ds(nb, CNODES_B)], nid_v)
        pltpu.sync_copy(w16c_hbm.at[pl.ds(nb, CNODES_B)], w_v)
        pltpu.async_copy(res_hbm.at[tk_v], rows_v, sem).wait()
        pltpu.async_copy(rows_v, g5f_hbm.at[sc_v], sem2).wait()
        pltpu.async_copy(w_v, w16d_hbm.at[nid_v], sem3).wait()
        return carry

    lax.fori_loop(0, CNB, body, 0)


def _knn_body(x_ref, z_ref, idx_ref, w_ref, tv_s, ti_s):
    j = pl.program_id(1)
    x = x_ref[...]
    z = z_ref[...]
    tn = x.shape[0]
    xden = jnp.maximum(jnp.sqrt(jnp.sum(x * x, axis=1, keepdims=True)), 1e-12)
    xb = (x / xden).astype(jnp.bfloat16)
    zden = jnp.maximum(jnp.sqrt(jnp.sum(z * z, axis=1, keepdims=True)), 1e-12)
    zb = (z / zden).astype(jnp.bfloat16)
    s = lax.dot_general(xb, zb, (((1,), (1,)), ((), ())),
                        preferred_element_type=jnp.float32)
    gcol = j * TK + lax.broadcasted_iota(jnp.int32, (tn, TK), 1)
    s = jnp.where(gcol < NRES, s, -jnp.inf)

    @pl.when(j == 0)
    def _():
        tv_s[...] = jnp.full((tn, 5), -jnp.inf, jnp.float32)
        ti_s[...] = jnp.zeros((tn, 5), jnp.int32)

    old_v = tv_s[...]
    old_i = ti_s[...]
    aug = jnp.concatenate([old_v, s], axis=1)
    aw = 5 + TK
    iota = lax.broadcasted_iota(jnp.int32, (tn, aw), 1)
    iota5 = lax.broadcasted_iota(jnp.int32, (tn, 5), 1)
    nv, ni = [], []
    for _ in range(5):
        m = jnp.max(aug, axis=1, keepdims=True)
        cand = jnp.where(aug == m, iota, aw)
        am = jnp.min(cand, axis=1, keepdims=True)
        old_at = jnp.sum(jnp.where(iota5 == am, old_i, 0), axis=1,
                         keepdims=True)
        gidx = jnp.where(am < 5, old_at, j * TK + (am - 5))
        nv.append(m)
        ni.append(gidx)
        aug = jnp.where(iota == am, -jnp.inf, aug)
    tv = jnp.concatenate(nv, axis=1)
    ti = jnp.concatenate(ni, axis=1)
    tv_s[...] = tv
    ti_s[...] = ti

    @pl.when(j == RK - 1)
    def _():
        tsc = tv / 0.2
        e = jnp.exp(tsc - jnp.max(tsc, axis=1, keepdims=True))
        w_ref[...] = e / jnp.sum(e, axis=1, keepdims=True)
        idx_ref[...] = ti


def _tc_knn(x, res, tn):
    n = x.shape[0]
    return pl.pallas_call(
        _knn_body,
        grid=(n // tn, RK),
        in_specs=[
            pl.BlockSpec((tn, HID), lambda i, j: (i, 0)),
            pl.BlockSpec((TK, HID), lambda i, j: (j, 0)),
        ],
        out_specs=[
            pl.BlockSpec((tn, 5), lambda i, j: (i, 0)),
            pl.BlockSpec((tn, 5), lambda i, j: (i, 0)),
        ],
        out_shape=[
            jax.ShapeDtypeStruct((n, 5), jnp.int32),
            jax.ShapeDtypeStruct((n, 5), jnp.float32),
        ],
        scratch_shapes=[
            pltpu.VMEM((tn, 5), jnp.float32),
            pltpu.VMEM((tn, 5), jnp.int32),
        ],
    )(x, res)


def _final_body(fa_ref, fb_ref, id_ref, od_ref, g_ref, w_ref,
                w1_ref, b1_ref, w2_ref, b2_ref, o_ref):
    ind = id_ref[...][:, 0:1]
    outd = od_ref[...][:, 0:1]
    fsum = jnp.concatenate([fa_ref[...], fb_ref[...]], axis=1)
    feat = fsum / jnp.maximum(ind, 1.0)
    w = w_ref[...]
    g = g_ref[...]
    ze = w[:, 0:1] * g[:, 0:HID]
    for k in range(1, 5):
        ze = ze + w[:, k:k + 1] * g[:, k * HID:(k + 1) * HID]
    feat = jnp.where((ind + outd) == 0.0, ze, feat)
    fb = feat.astype(jnp.bfloat16)
    w1b = w1_ref[...].astype(jnp.bfloat16)
    h = lax.dot_general(fb, w1b, (((1,), (1,)), ((), ())),
                        preferred_element_type=jnp.float32) + b1_ref[...]
    h = jnp.maximum(h, 0.0)
    hb = h.astype(jnp.bfloat16)
    w2b = w2_ref[...].astype(jnp.bfloat16)
    o_ref[...] = lax.dot_general(hb, w2b, (((1,), (1,)), ((), ())),
                                 preferred_element_type=jnp.float32) + b2_ref[...]


def _tc_final(fa, fb, indeg, outdeg, g5, w8, W1, b1, W2, b2):
    return pl.pallas_call(
        _final_body,
        grid=(RN,),
        in_specs=[
            pl.BlockSpec((TN, HHALF), lambda i: (i, 0)),
            pl.BlockSpec((TN, HHALF), lambda i: (i, 0)),
            pl.BlockSpec((TN, 16), lambda i: (i, 0)),
            pl.BlockSpec((TN, 16), lambda i: (i, 0)),
            pl.BlockSpec((TN, 5 * HID), lambda i: (i, 0)),
            pl.BlockSpec((TN, 16), lambda i: (i, 0)),
            pl.BlockSpec((HID, HID), lambda i: (0, 0)),
            pl.BlockSpec((1, HID), lambda i: (0, 0)),
            pl.BlockSpec((HID, HID), lambda i: (0, 0)),
            pl.BlockSpec((1, HID), lambda i: (0, 0)),
        ],
        out_specs=pl.BlockSpec((TN, HID), lambda i: (i, 0)),
        out_shape=jax.ShapeDtypeStruct((N_NODES, HID), jnp.float32),
    )(fa, fb, indeg, outdeg, g5, w8, W1, b1, W2, b2)


def kernel(edge_index, etypes, inv, ent_type_feat_emb,
           rel_head_emb, rel_tail_emb, res_ent_emb, W1, b1, W2, b2):
    ei = edge_index.astype(jnp.int32)
    et = etypes.astype(jnp.int32)
    iv = inv.astype(jnp.int32)

    t = jnp.concatenate([rel_tail_emb, rel_head_emb], axis=0)
    t2 = jnp.pad(t, ((0, TROWS - 2 * NREL), (0, 0)))
    ta = t2[:, :HHALF]
    tb = t2[:, HHALF:]
    zf = jnp.zeros((STRIPE, HHALF), jnp.float32)
    zd = jnp.zeros((ROWS_PER_SUB, 16), jnp.float32)

    indeg, outdeg = _sc_degrees(ei[1], ei[0], zd)
    featp = _sc_edge_aggregate(et, iv, ei[1], ta, tb, zf)

    ent = ent_type_feat_emb
    res = res_ent_emb
    zmask = (indeg[:N_NODES, 0] + outdeg[:N_NODES, 0]) == 0.0
    z_count = jnp.sum(zmask.astype(jnp.int32))
    pos = jnp.cumsum(zmask.astype(jnp.int32)) - 1
    scat_pos = jnp.where(zmask, pos, P_COMP)
    comp_idx = (jnp.zeros((P_COMP,), jnp.int32)
                .at[scat_pos].set(jnp.arange(N_NODES, dtype=jnp.int32),
                                  mode="drop"))

    def comp_branch(_):
        xc = _sc_gather_xcomp(ent, comp_idx)
        tki, wc = _tc_knn(xc, res, P_COMP)
        tk5 = tki.reshape(-1)
        scat5 = (comp_idx[:, None] * 5
                 + jnp.arange(5, dtype=jnp.int32)[None, :]).reshape(-1)
        w16c = jnp.pad(wc, ((0, 0), (0, 11)))
        g5f, w16d = _sc_gather_scatter_comp(res, tk5, scat5, w16c, comp_idx)
        return g5f.reshape(NPAD, 5 * HID), w16d

    def dense_branch(_):
        tki, w = _tc_knn(ent, res, TN)
        idxf = jnp.pad(tki, ((0, NPAD - N_NODES), (0, 0))).reshape(-1)
        gath = _sc_gather_rows(res, idxf)
        w16 = jnp.pad(w, ((0, NPAD - N_NODES), (0, 11)))
        return gath.reshape(NPAD, 5 * HID), w16

    g5, w16d = lax.cond(z_count <= P_COMP, comp_branch, dense_branch, None)

    return _tc_final(featp[0], featp[1], indeg, outdeg, g5, w16d,
                     W1, b1.reshape(1, HID), W2, b2.reshape(1, HID))

# --- scband reference (transcript-rebuilt; emitter-appended) ---
"""Pipeline reference for scband-con-rel-encoder-13237089206715 (READ-ONLY COPY).

The authoritative reference and input builder live on the scoring server;
editing this copy changes nothing except your own understanding.
"""

import jax, jax.numpy as jnp
import numpy as np

N_NODES = 10000
N_EDGES = 160000
HID = 256
NREL = 500
NRES = 50000


def _l2norm(x, eps=1e-12):
    n = jnp.sqrt(jnp.sum(x * x, axis=1, keepdims=True))
    return x / jnp.maximum(n, eps)


def setup_inputs(seed: int = 0) -> dict:
    key = jax.random.key(seed)
    ks = jax.random.split(key, 12)
    edge_index = jax.random.randint(ks[0], (2, N_EDGES), 0, 8000)
    etypes = jax.random.randint(ks[1], (N_EDGES,), 0, NREL)
    inv = jax.random.randint(ks[2], (N_EDGES,), 0, 2)
    ent_type_feat_emb = jax.random.normal(ks[3], (N_NODES, HID), dtype=jnp.float32)
    # learned parameters
    rel_head_emb = jax.random.normal(ks[4], (NREL, HID), dtype=jnp.float32) * 0.05
    rel_tail_emb = jax.random.normal(ks[5], (NREL, HID), dtype=jnp.float32) * 0.05
    res_ent_emb = jax.random.normal(ks[6], (NRES, HID), dtype=jnp.float32) * 0.05
    W1 = jax.random.normal(ks[7], (HID, HID), dtype=jnp.float32) * (1.0 / np.sqrt(HID))
    b1 = jnp.zeros((HID,), dtype=jnp.float32)
    W2 = jax.random.normal(ks[8], (HID, HID), dtype=jnp.float32) * (1.0 / np.sqrt(HID))
    b2 = jnp.zeros((HID,), dtype=jnp.float32)
    return {"edge_index": edge_index, "etypes": etypes, "inv": inv,
            "ent_type_feat_emb": ent_type_feat_emb,
            "rel_head_emb": rel_head_emb, "rel_tail_emb": rel_tail_emb,
            "res_ent_emb": res_ent_emb, "W1": W1, "b1": b1, "W2": W2, "b2": b2}


def reference(edge_index, etypes, inv, ent_type_feat_emb,
              rel_head_emb, rel_tail_emb, res_ent_emb, W1, b1, W2, b2):
    N = ent_type_feat_emb.shape[0]
    E = edge_index.shape[1]
    src = edge_index[0]
    dst = edge_index[1]
    # per-edge embedding: rel_head for inv==1 edges, rel_tail for inv==0
    ent_e = jnp.where((inv == 1)[:, None],
                      jnp.take(rel_head_emb, etypes, axis=0),
                      jnp.take(rel_tail_emb, etypes, axis=0))
    # copy_e -> mean reduce over incoming edges
    ones = jnp.ones((E,), dtype=jnp.float32)
    in_deg = jax.ops.segment_sum(ones, dst, num_segments=N)
    feat = jax.ops.segment_sum(ent_e, dst, num_segments=N) / jnp.maximum(in_deg, 1.0)[:, None]
    # zero-degree nodes (in+out == 0) -- depends only on int edge_index
    out_deg = jax.ops.segment_sum(ones, src, num_segments=N)
    deg = in_deg + out_deg
    zero_mask = deg == 0.0
    # KNN retrieval over residual-entity codebook
    z1 = _l2norm(ent_type_feat_emb)
    z2 = _l2norm(res_ent_emb)
    sim = z1 @ z2.T
    topk_sim, topk_idx = jax.lax.top_k(sim, 5)
    w = jax.nn.softmax(topk_sim / 0.2, axis=-1)
    gathered = jnp.take(res_ent_emb, topk_idx.reshape(-1), axis=0)
    gathered = gathered.reshape(topk_idx.shape[0], 5, res_ent_emb.shape[1])
    zero_emb = jnp.sum(w[:, :, None] * gathered, axis=1)
    feat = jnp.where(zero_mask[:, None], zero_emb, feat)
    # MLP
    h = jnp.maximum(feat @ W1.T + b1, 0.0)
    return h @ W2.T + b2

if __name__ == "__main__":
    import jax
    _d = setup_inputs()
    print(jax.jit(kernel)(*tuple(_d.values())))

</pallas_src>

<mosaic_0001>
#map = affine_map<(d0, d1) -> (0, 0)>
#map1 = affine_map<(d0, d1) -> (0)>
module attributes {stable_mosaic.version = 14 : i64} {
  func.func @_gather_body(%arg0: i32, %arg1: i32, %arg2: memref<50000x256xf32, #tpu.memory_space<hbm>>, %arg3: memref<51200xi32, #tpu.memory_space<hbm>>, %arg4: memref<51200x256xf32, #tpu.memory_space<hbm>>, %arg5: memref<80xi32, #tpu.memory_space<vmem>>, %arg6: memref<80x256xf32, #tpu.memory_space<vmem>>, %arg7: memref<!tpu.dma_semaphore, #tpu.memory_space<semaphore_mem>>) attributes {dimension_semantics = [#tpu.dimension_semantics<core_parallel>, #tpu.dimension_semantics<subcore_parallel>], iteration_bounds = array<i64: 2, 16>, scalar_prefetch = 0 : i64, scratch_operands = 3 : i64, tpu.core_type = #tpu.core_type<sc_vector_subcore>, window_params = [{transform_indices = #map}, {transform_indices = #map1}, {transform_indices = #map}]} {
    %mul3A = arith.constant 2 : i32
    %mul3A_0 = arith.muli %arg1, %mul3A : i32
    %add3A = arith.addi %mul3A_0, %arg0 : i32
    %scan3A = arith.constant 0 : i32
    %scan3A_1 = arith.constant 0 : i32
    %scan3A_2 = arith.constant 20 : i32
    %scan3A_3 = arith.addi %scan3A_1, %scan3A_2 : i32
    %scan3A_4 = arith.constant 1 : i32
    scf.for %scan3A_6 = %scan3A_1 to %scan3A_3 step %scan3A_4  : i32 {
      %mul3A_7 = arith.constant 1600 : i32
      %mul3A_8 = arith.muli %add3A, %mul3A_7 : i32
      %mul3A_9 = arith.constant 80 : i32
      %mul3A_10 = arith.muli %scan3A_6, %mul3A_9 : i32
      %add3A_11 = arith.addi %mul3A_8, %mul3A_10 : i32
      "tpu.region"() ({
        %run_scoped3A = tpu.sem_alloc : memref<!tpu.dma_semaphore, #tpu.memory_space<semaphore_mem>>
        %dma_start3A_16 = tpu.memref_slice %arg3[%add3A_11] : memref<51200xi32, #tpu.memory_space<hbm>> -> memref<80xi32, #tpu.memory_space<hbm>>
        %dma_start3A_17 = tpu.memref_slice %arg3[%add3A_11] : memref<51200xi32, #tpu.memory_space<hbm>> -> memref<80xi32, #tpu.memory_space<hbm>>
        tpu.enqueue_dma source(%dma_start3A_17 : memref<80xi32, #tpu.memory_space<hbm>>) target(%arg5 : memref<80xi32, #tpu.memory_space<vmem>>) target_semaphore(%run_scoped3A : memref<!tpu.dma_semaphore, #tpu.memory_space<semaphore_mem>>)
        %dma_wait3A_18 = tpu.memref_slice %arg3[%add3A_11] : memref<51200xi32, #tpu.memory_space<hbm>> -> memref<80xi32, #tpu.memory_space<hbm>>
        %dma_wait3A_19 = tpu.memref_slice %arg3[%add3A_11] : memref<51200xi32, #tpu.memory_space<hbm>> -> memref<80xi32, #tpu.memory_space<hbm>>
        tpu.wait_dma2 semaphore(%run_scoped3A : memref<!tpu.dma_semaphore, #tpu.memory_space<semaphore_mem>>) src(%dma_wait3A_19 : memref<80xi32, #tpu.memory_space<hbm>>) dst(%arg5 : memref<80xi32, #tpu.memory_space<vmem>>)
        tpu.yield
      }) : () -> ()
      %dma_start3A = arith.constant 0 : i32
      %dma_start3A_12 = arith.constant 0 : i32
      %dma_start3A_13 = tpu.memref_slice %arg2[%dma_start3A, %dma_start3A_12] : memref<50000x256xf32, #tpu.memory_space<hbm>> -> memref<50000x256xf32, #tpu.memory_space<hbm>>
      tpu.enqueue_indirect_dma source(%dma_start3A_13 : memref<50000x256xf32, #tpu.memory_space<hbm>>) target(%arg6 : memref<80x256xf32, #tpu.memory_space<vmem>>) offsets(%arg5 : memref<80xi32, #tpu.memory_space<vmem>>) semaphore(%arg7 : memref<!tpu.dma_semaphore, #tpu.memory_space<semaphore_mem>>)
      %dma_wait3A = arith.constant 0 : i32
      %dma_wait3A_14 = arith.constant 0 : i32
      %dma_wait3A_15 = tpu.memref_slice %arg2[%dma_wait3A, %dma_wait3A_14] : memref<50000x256xf32, #tpu.memory_space<hbm>> -> memref<50000x256xf32, #tpu.memory_space<hbm>>
      tpu.wait_indirect_dma semaphore(%arg7 : memref<!tpu.dma_semaphore, #tpu.memory_space<semaphore_mem>>) src(%dma_wait3A_15 : memref<50000x256xf32, #tpu.memory_space<hbm>>) dst(%arg6 : memref<80x256xf32, #tpu.memory_space<vmem>>)
      "tpu.region"() ({
        %run_scoped3A = tpu.sem_alloc : memref<!tpu.dma_semaphore, #tpu.memory_space<semaphore_mem>>
        %dma_start3A_16 = arith.constant 0 : i32
        %dma_start3A_17 = tpu.memref_slice %arg4[%add3A_11, %dma_start3A_16] : memref<51200x256xf32, #tpu.memory_space<hbm>> -> memref<80x256xf32, #tpu.memory_space<hbm>>
        %dma_start3A_18 = arith.constant 0 : i32
        %dma_start3A_19 = tpu.memref_slice %arg4[%add3A_11, %dma_start3A_18] : memref<51200x256xf32, #tpu.memory_space<hbm>> -> memref<80x256xf32, #tpu.memory_space<hbm>>
        tpu.enqueue_dma source(%arg6 : memref<80x256xf32, #tpu.memory_space<vmem>>) target(%dma_start3A_19 : memref<80x256xf32, #tpu.memory_space<hbm>>) target_semaphore(%run_scoped3A : memref<!tpu.dma_semaphore, #tpu.memory_space<semaphore_mem>>)
        %dma_wait3A_20 = arith.constant 0 : i32
        %dma_wait3A_21 = tpu.memref_slice %arg4[%add3A_11, %dma_wait3A_20] : memref<51200x256xf32, #tpu.memory_space<hbm>> -> memref<80x256xf32, #tpu.memory_space<hbm>>
        %dma_wait3A_22 = arith.constant 0 : i32
        %dma_wait3A_23 = tpu.memref_slice %arg4[%add3A_11, %dma_wait3A_22] : memref<51200x256xf32, #tpu.memory_space<hbm>> -> memref<80x256xf32, #tpu.memory_space<hbm>>
        tpu.wait_dma2 semaphore(%run_scoped3A : memref<!tpu.dma_semaphore, #tpu.memory_space<semaphore_mem>>) src(%arg6 : memref<80x256xf32, #tpu.memory_space<vmem>>) dst(%dma_wait3A_23 : memref<80x256xf32, #tpu.memory_space<hbm>>)
        tpu.yield
      }) : () -> ()
    }
    %scan3A_5 = arith.constant 20 : i32
    return
  }
}

#map = affine_map<(d0, d1) -> (0, 0)>
#map1 = affine_map<(d0, d1) -> (0)>
module attributes {stable_mosaic.version = 14 : i64} {
  func.func @_gather_xcomp_body(%arg0: i32, %arg1: i32, %arg2: memref<10000x256xf32, #tpu.memory_space<hbm>>, %arg3: memref<2048xi32, #tpu.memory_space<hbm>>, %arg4: memref<2048x256xf32, #tpu.memory_space<hbm>>, %arg5: memref<64xi32, #tpu.memory_space<vmem>>, %arg6: memref<64x256xf32, #tpu.memory_space<vmem>>, %arg7: memref<!tpu.dma_semaphore, #tpu.memory_space<semaphore_mem>>) attributes {dimension_semantics = [#tpu.dimension_semantics<core_parallel>, #tpu.dimension_semantics<subcore_parallel>], iteration_bounds = array<i64: 2, 16>, scalar_prefetch = 0 : i64, scratch_operands = 3 : i64, tpu.core_type = #tpu.core_type<sc_vector_subcore>, window_params = [{transform_indices = #map}, {transform_indices = #map1}, {transform_indices = #map}]} {
    %mul3A = arith.constant 2 : i32
    %mul3A_0 = arith.muli %arg1, %mul3A : i32
    %add3A = arith.addi %mul3A_0, %arg0 : i32
    %mul3A_1 = arith.constant 64 : i32
    %mul3A_2 = arith.muli %add3A, %mul3A_1 : i32
    "tpu.region"() ({
      %run_scoped3A = tpu.sem_alloc : memref<!tpu.dma_semaphore, #tpu.memory_space<semaphore_mem>>
      %dma_start3A_7 = tpu.memref_slice %arg3[%mul3A_2] : memref<2048xi32, #tpu.memory_space<hbm>> -> memref<64xi32, #tpu.memory_space<hbm>>
      %dma_start3A_8 = tpu.memref_slice %arg3[%mul3A_2] : memref<2048xi32, #tpu.memory_space<hbm>> -> memref<64xi32, #tpu.memory_space<hbm>>
      tpu.enqueue_dma source(%dma_start3A_8 : memref<64xi32, #tpu.memory_space<hbm>>) target(%arg5 : memref<64xi32, #tpu.memory_space<vmem>>) target_semaphore(%run_scoped3A : memref<!tpu.dma_semaphore, #tpu.memory_space<semaphore_mem>>)
      %dma_wait3A_9 = tpu.memref_slice %arg3[%mul3A_2] : memref<2048xi32, #tpu.memory_space<hbm>> -> memref<64xi32, #tpu.memory_space<hbm>>
      %dma_wait3A_10 = tpu.memref_slice %arg3[%mul3A_2] : memref<2048xi32, #tpu.memory_space<hbm>> -> memref<64xi32, #tpu.memory_space<hbm>>
      tpu.wait_dma2 semaphore(%run_scoped3A : memref<!tpu.dma_semaphore, #tpu.memory_space<semaphore_mem>>) src(%dma_wait3A_10 : memref<64xi32, #tpu.memory_space<hbm>>) dst(%arg5 : memref<64xi32, #tpu.memory_space<vmem>>)
      tpu.yield
    }) : () -> ()
    %dma_start3A = arith.constant 0 : i32
    %dma_start3A_3 = arith.constant 0 : i32
    %dma_start3A_4 = tpu.memref_slice %arg2[%dma_start3A, %dma_start3A_3] : memref<10000x256xf32, #tpu.memory_space<hbm>> -> memref<10000x256xf32, #tpu.memory_space<hbm>>
    tpu.enqueue_indirect_dma source(%dma_start3A_4 : memref<10000x256xf32, #tpu.memory_space<hbm>>) target(%arg6 : memref<64x256xf32, #tpu.memory_space<vmem>>) offsets(%arg5 : memref<64xi32, #tpu.memory_space<vmem>>) semaphore(%arg7 : memref<!tpu.dma_semaphore, #tpu.memory_space<semaphore_mem>>)
    %dma_wait3A = arith.constant 0 : i32
    %dma_wait3A_5 = arith.constant 0 : i32
    %dma_wait3A_6 = tpu.memref_slice %arg2[%dma_wait3A, %dma_wait3A_5] : memref<10000x256xf32, #tpu.memory_space<hbm>> -> memref<10000x256xf32, #tpu.memory_space<hbm>>
    tpu.wait_indirect_dma semaphore(%arg7 : memref<!tpu.dma_semaphore, #tpu.memory_space<semaphore_mem>>) src(%dma_wait3A_6 : memref<10000x256xf32, #tpu.memory_space<hbm>>) dst(%arg6 : memref<64x256xf32, #tpu.memory_space<vmem>>)
    "tpu.region"() ({
      %run_scoped3A = tpu.sem_alloc : memref<!tpu.dma_semaphore, #tpu.memory_space<semaphore_mem>>
      %dma_start3A_7 = arith.constant 0 : i32
      %dma_start3A_8 = tpu.memref_slice %arg4[%mul3A_2, %dma_start3A_7] : memref<2048x256xf32, #tpu.memory_space<hbm>> -> memref<64x256xf32, #tpu.memory_space<hbm>>
      %dma_start3A_9 = arith.constant 0 : i32
      %dma_start3A_10 = tpu.memref_slice %arg4[%mul3A_2, %dma_start3A_9] : memref<2048x256xf32, #tpu.memory_space<hbm>> -> memref<64x256xf32, #tpu.memory_space<hbm>>
      tpu.enqueue_dma source(%arg6 : memref<64x256xf32, #tpu.memory_space<vmem>>) target(%dma_start3A_10 : memref<64x256xf32, #tpu.memory_space<hbm>>) target_semaphore(%run_scoped3A : memref<!tpu.dma_semaphore, #tpu.memory_space<semaphore_mem>>)
      %dma_wait3A_11 = arith.constant 0 : i32
      %dma_wait3A_12 = tpu.memref_slice %arg4[%mul3A_2, %dma_wait3A_11] : memref<2048x256xf32, #tpu.memory_space<hbm>> -> memref<64x256xf32, #tpu.memory_space<hbm>>
      %dma_wait3A_13 = arith.constant 0 : i32
      %dma_wait3A_14 = tpu.memref_slice %arg4[%mul3A_2, %dma_wait3A_13] : memref<2048x256xf32, #tpu.memory_space<hbm>> -> memref<64x256xf32, #tpu.memory_space<hbm>>
      tpu.wait_dma2 semaphore(%run_scoped3A : memref<!tpu.dma_semaphore, #tpu.memory_space<semaphore_mem>>) src(%arg6 : memref<64x256xf32, #tpu.memory_space<vmem>>) dst(%dma_wait3A_14 : memref<64x256xf32, #tpu.memory_space<hbm>>)
      tpu.yield
    }) : () -> ()
    return
  }
}

#map = affine_map<(d0, d1) -> (0, 0)>
#map1 = affine_map<(d0, d1) -> (0)>
module attributes {stable_mosaic.version = 14 : i64} {
  func.func @_gs_comp_body(%arg0: i32, %arg1: i32, %arg2: memref<50000x256xf32, #tpu.memory_space<hbm>>, %arg3: memref<10240xi32, #tpu.memory_space<hbm>>, %arg4: memref<10240xi32, #tpu.memory_space<hbm>>, %arg5: memref<2048x16xf32, #tpu.memory_space<hbm>>, %arg6: memref<2048xi32, #tpu.memory_space<hbm>>, %arg7: memref<51200x256xf32, #tpu.memory_space<hbm>>, %arg8: memref<10240x16xf32, #tpu.memory_space<hbm>>, %arg9: memref<80xi32, #tpu.memory_space<vmem>>, %arg10: memref<80xi32, #tpu.memory_space<vmem>>, %arg11: memref<16xi32, #tpu.memory_space<vmem>>, %arg12: memref<80x256xf32, #tpu.memory_space<vmem>>, %arg13: memref<16x16xf32, #tpu.memory_space<vmem>>, %arg14: memref<!tpu.dma_semaphore, #tpu.memory_space<semaphore_mem>>, %arg15: memref<!tpu.dma_semaphore, #tpu.memory_space<semaphore_mem>>, %arg16: memref<!tpu.dma_semaphore, #tpu.memory_space<semaphore_mem>>) attributes {dimension_semantics = [#tpu.dimension_semantics<core_parallel>, #tpu.dimension_semantics<subcore_parallel>], iteration_bounds = array<i64: 2, 16>, scalar_prefetch = 0 : i64, scratch_operands = 8 : i64, tpu.core_type = #tpu.core_type<sc_vector_subcore>, window_params = [{transform_indices = #map}, {transform_indices = #map1}, {transform_indices = #map1}, {transform_indices = #map}, {transform_indices = #map1}, {transform_indices = #map}, {transform_indices = #map}]} {
    %mul3A = arith.constant 2 : i32
    %mul3A_0 = arith.muli %arg1, %mul3A : i32
    %add3A = arith.addi %mul3A_0, %arg0 : i32
    %scan3A = arith.constant 0 : i32
    %scan3A_1 = arith.constant 0 : i32
    %scan3A_2 = arith.constant 4 : i32
    %scan3A_3 = arith.addi %scan3A_1, %scan3A_2 : i32
    %scan3A_4 = arith.constant 1 : i32
    scf.for %scan3A_6 = %scan3A_1 to %scan3A_3 step %scan3A_4  : i32 {
      %mul3A_7 = arith.constant 64 : i32
      %mul3A_8 = arith.muli %add3A, %mul3A_7 : i32
      %mul3A_9 = arith.constant 16 : i32
      %mul3A_10 = arith.muli %scan3A_6, %mul3A_9 : i32
      %add3A_11 = arith.addi %mul3A_8, %mul3A_10 : i32
      %mul3A_12 = arith.constant 5 : i32
      %mul3A_13 = arith.muli %add3A_11, %mul3A_12 : i32
      "tpu.region"() ({
        %run_scoped3A = tpu.sem_alloc : memref<!tpu.dma_semaphore, #tpu.memory_space<semaphore_mem>>
        %dma_start3A_30 = tpu.memref_slice %arg3[%mul3A_13] : memref<10240xi32, #tpu.memory_space<hbm>> -> memref<80xi32, #tpu.memory_space<hbm>>
        %dma_start3A_31 = tpu.memref_slice %arg3[%mul3A_13] : memref<10240xi32, #tpu.memory_space<hbm>> -> memref<80xi32, #tpu.memory_space<hbm>>
        tpu.enqueue_dma source(%dma_start3A_31 : memref<80xi32, #tpu.memory_space<hbm>>) target(%arg9 : memref<80xi32, #tpu.memory_space<vmem>>) target_semaphore(%run_scoped3A : memref<!tpu.dma_semaphore, #tpu.memory_space<semaphore_mem>>)
        %dma_wait3A_32 = tpu.memref_slice %arg3[%mul3A_13] : memref<10240xi32, #tpu.memory_space<hbm>> -> memref<80xi32, #tpu.memory_space<hbm>>
        %dma_wait3A_33 = tpu.memref_slice %arg3[%mul3A_13] : memref<10240xi32, #tpu.memory_space<hbm>> -> memref<80xi32, #tpu.memory_space<hbm>>
        tpu.wait_dma2 semaphore(%run_scoped3A : memref<!tpu.dma_semaphore, #tpu.memory_space<semaphore_mem>>) src(%dma_wait3A_33 : memref<80xi32, #tpu.memory_space<hbm>>) dst(%arg9 : memref<80xi32, #tpu.memory_space<vmem>>)
        tpu.yield
      }) : () -> ()
      "tpu.region"() ({
        %run_scoped3A = tpu.sem_alloc : memref<!tpu.dma_semaphore, #tpu.memory_space<semaphore_mem>>
        %dma_start3A_30 = tpu.memref_slice %arg4[%mul3A_13] : memref<10240xi32, #tpu.memory_space<hbm>> -> memref<80xi32, #tpu.memory_space<hbm>>
        %dma_start3A_31 = tpu.memref_slice %arg4[%mul3A_13] : memref<10240xi32, #tpu.memory_space<hbm>> -> memref<80xi32, #tpu.memory_space<hbm>>
        tpu.enqueue_dma source(%dma_start3A_31 : memref<80xi32, #tpu.memory_space<hbm>>) target(%arg10 : memref<80xi32, #tpu.memory_space<vmem>>) target_semaphore(%run_scoped3A : memref<!tpu.dma_semaphore, #tpu.memory_space<semaphore_mem>>)
        %dma_wait3A_32 = tpu.memref_slice %arg4[%mul3A_13] : memref<10240xi32, #tpu.memory_space<hbm>> -> memref<80xi32, #tpu.memory_space<hbm>>
        %dma_wait3A_33 = tpu.memref_slice %arg4[%mul3A_13] : memref<10240xi32, #tpu.memory_space<hbm>> -> memref<80xi32, #tpu.memory_space<hbm>>
        tpu.wait_dma2 semaphore(%run_scoped3A : memref<!tpu.dma_semaphore, #tpu.memory_space<semaphore_mem>>) src(%dma_wait3A_33 : memref<80xi32, #tpu.memory_space<hbm>>) dst(%arg10 : memref<80xi32, #tpu.memory_space<vmem>>)
        tpu.yield
      }) : () -> ()
      "tpu.region"() ({
        %run_scoped3A = tpu.sem_alloc : memref<!tpu.dma_semaphore, #tpu.memory_space<semaphore_mem>>
        %dma_start3A_30 = tpu.memref_slice %arg6[%add3A_11] : memref<2048xi32, #tpu.memory_space<hbm>> -> memref<16xi32, #tpu.memory_space<hbm>>
        %dma_start3A_31 = tpu.memref_slice %arg6[%add3A_11] : memref<2048xi32, #tpu.memory_space<hbm>> -> memref<16xi32, #tpu.memory_space<hbm>>
        tpu.enqueue_dma source(%dma_start3A_31 : memref<16xi32, #tpu.memory_space<hbm>>) target(%arg11 : memref<16xi32, #tpu.memory_space<vmem>>) target_semaphore(%run_scoped3A : memref<!tpu.dma_semaphore, #tpu.memory_space<semaphore_mem>>)
        %dma_wait3A_32 = tpu.memref_slice %arg6[%add3A_11] : memref<2048xi32, #tpu.memory_space<hbm>> -> memref<16xi32, #tpu.memory_space<hbm>>
        %dma_wait3A_33 = tpu.memref_slice %arg6[%add3A_11] : memref<2048xi32, #tpu.memory_space<hbm>> -> memref<16xi32, #tpu.memory_space<hbm>>
        tpu.wait_dma2 semaphore(%run_scoped3A : memref<!tpu.dma_semaphore, #tpu.memory_space<semaphore_mem>>) src(%dma_wait3A_33 : memref<16xi32, #tpu.memory_space<hbm>>) dst(%arg11 : memref<16xi32, #tpu.memory_space<vmem>>)
        tpu.yield
      }) : () -> ()
      "tpu.region"() ({
        %run_scoped3A = tpu.sem_alloc : memref<!tpu.dma_semaphore, #tpu.memory_space<semaphore_mem>>
        %dma_start3A_30 = arith.constant 0 : i32
        %dma_start3A_31 = tpu.memref_slice %arg5[%add3A_11, %dma_start3A_30] : memref<2048x16xf32, #tpu.memory_space<hbm>> -> memref<16x16xf32, #tpu.memory_space<hbm>>
        %dma_start3A_32 = arith.constant 0 : i32
        %dma_start3A_33 = tpu.memref_slice %arg5[%add3A_11, %dma_start3A_32] : memref<2048x16xf32, #tpu.memory_space<hbm>> -> memref<16x16xf32, #tpu.memory_space<hbm>>
        tpu.enqueue_dma source(%dma_start3A_33 : memref<16x16xf32, #tpu.memory_space<hbm>>) target(%arg13 : memref<16x16xf32, #tpu.memory_space<vmem>>) target_semaphore(%run_scoped3A : memref<!tpu.dma_semaphore, #tpu.memory_space<semaphore_mem>>)
        %dma_wait3A_34 = arith.constant 0 : i32
        %dma_wait3A_35 = tpu.memref_slice %arg5[%add3A_11, %dma_wait3A_34] : memref<2048x16xf32, #tpu.memory_space<hbm>> -> memref<16x16xf32, #tpu.memory_space<hbm>>
        %dma_wait3A_36 = arith.constant 0 : i32
        %dma_wait3A_37 = tpu.memref_slice %arg5[%add3A_11, %dma_wait3A_36] : memref<2048x16xf32, #tpu.memory_space<hbm>> -> memref<16x16xf32, #tpu.memory_space<hbm>>
        tpu.wait_dma2 semaphore(%run_scoped3A : memref<!tpu.dma_semaphore, #tpu.memory_space<semaphore_mem>>) src(%dma_wait3A_37 : memref<16x16xf32, #tpu.memory_space<hbm>>) dst(%arg13 : memref<16x16xf32, #tpu.memory_space<vmem>>)
        tpu.yield
      }) : () -> ()
      %dma_start3A = arith.constant 0 : i32
      %dma_start3A_14 = arith.constant 0 : i32
      %dma_start3A_15 = tpu.memref_slice %arg2[%dma_start3A, %dma_start3A_14] : memref<50000x256xf32, #tpu.memory_space<hbm>> -> memref<50000x256xf32, #tpu.memory_space<hbm>>
      tpu.enqueue_indirect_dma source(%dma_start3A_15 : memref<50000x256xf32, #tpu.memory_space<hbm>>) target(%arg12 : memref<80x256xf32, #tpu.memory_space<vmem>>) offsets(%arg9 : memref<80xi32, #tpu.memory_space<vmem>>) semaphore(%arg14 : memref<!tpu.dma_semaphore, #tpu.memory_space<semaphore_mem>>)
      %dma_wait3A = arith.constant 0 : i32
      %dma_wait3A_16 = arith.constant 0 : i32
      %dma_wait3A_17 = tpu.memref_slice %arg2[%dma_wait3A, %dma_wait3A_16] : memref<50000x256xf32, #tpu.memory_space<hbm>> -> memref<50000x256xf32, #tpu.memory_space<hbm>>
      tpu.wait_indirect_dma semaphore(%arg14 : memref<!tpu.dma_semaphore, #tpu.memory_space<semaphore_mem>>) src(%dma_wait3A_17 : memref<50000x256xf32, #tpu.memory_space<hbm>>) dst(%arg12 : memref<80x256xf32, #tpu.memory_space<vmem>>)
      %dma_start3A_18 = arith.constant 0 : i32
      %dma_start3A_19 = arith.constant 0 : i32
      %dma_start3A_20 = tpu.memref_slice %arg7[%dma_start3A_18, %dma_start3A_19] : memref<51200x256xf32, #tpu.memory_space<hbm>> -> memref<51200x256xf32, #tpu.memory_space<hbm>>
      tpu.enqueue_indirect_dma source(%arg12 : memref<80x256xf32, #tpu.memory_space<vmem>>) target(%dma_start3A_20 : memref<51200x256xf32, #tpu.memory_space<hbm>>) offsets(%arg10 : memref<80xi32, #tpu.memory_space<vmem>>) semaphore(%arg15 : memref<!tpu.dma_semaphore, #tpu.memory_space<semaphore_mem>>)
      %dma_wait3A_21 = arith.constant 0 : i32
      %dma_wait3A_22 = arith.constant 0 : i32
      %dma_wait3A_23 = tpu.memref_slice %arg7[%dma_wait3A_21, %dma_wait3A_22] : memref<51200x256xf32, #tpu.memory_space<hbm>> -> memref<51200x256xf32, #tpu.memory_space<hbm>>
      tpu.wait_indirect_dma semaphore(%arg15 : memref<!tpu.dma_semaphore, #tpu.memory_space<semaphore_mem>>) src(%arg12 : memref<80x256xf32, #tpu.memory_space<vmem>>) dst(%dma_wait3A_23 : memref<51200x256xf32, #tpu.memory_space<hbm>>)
      %dma_start3A_24 = arith.constant 0 : i32
      %dma_start3A_25 = arith.constant 0 : i32
      %dma_start3A_26 = tpu.memref_slice %arg8[%dma_start3A_24, %dma_start3A_25] : memref<10240x16xf32, #tpu.memory_space<hbm>> -> memref<10240x16xf32, #tpu.memory_space<hbm>>
      tpu.enqueue_indirect_dma source(%arg13 : memref<16x16xf32, #tpu.memory_space<vmem>>) target(%dma_start3A_26 : memref<10240x16xf32, #tpu.memory_space<hbm>>) offsets(%arg11 : memref<16xi32, #tpu.memory_space<vmem>>) semaphore(%arg16 : memref<!tpu.dma_semaphore, #tpu.memory_space<semaphore_mem>>)
      %dma_wait3A_27 = arith.constant 0 : i32
      %dma_wait3A_28 = arith.constant 0 : i32
      %dma_wait3A_29 = tpu.memref_slice %arg8[%dma_wait3A_27, %dma_wait3A_28] : memref<10240x16xf32, #tpu.memory_space<hbm>> -> memref<10240x16xf32, #tpu.memory_space<hbm>>
      tpu.wait_indirect_dma semaphore(%arg16 : memref<!tpu.dma_semaphore, #tpu.memory_space<semaphore_mem>>) src(%arg13 : memref<16x16xf32, #tpu.memory_space<vmem>>) dst(%dma_wait3A_29 : memref<10240x16xf32, #tpu.memory_space<hbm>>)
    }
    %scan3A_5 = arith.constant 4 : i32
    return
  }
}

#map = affine_map<(d0, d1) -> (0)>
#map1 = affine_map<(d0, d1) -> (0, 0)>
module attributes {stable_mosaic.version = 14 : i64} {
  func.func @_degrees_body(%arg0: i32, %arg1: i32, %arg2: memref<160000xi32, #tpu.memory_space<hbm>>, %arg3: memref<160000xi32, #tpu.memory_space<hbm>>, %arg4: memref<640x16xf32, #tpu.memory_space<hbm>>, %arg5: memref<10240x16xf32, #tpu.memory_space<hbm>>, %arg6: memref<10240x16xf32, #tpu.memory_space<hbm>>, %arg7: memref<10240x16xf32, #tpu.memory_space<vmem_shared>>, %arg8: memref<80xi32, #tpu.memory_space<vmem>>, %arg9: memref<80x16xf32, #tpu.memory_space<vmem>>, %arg10: memref<640x16xf32, #tpu.memory_space<vmem>>) attributes {dimension_semantics = [#tpu.dimension_semantics<core_parallel>, #tpu.dimension_semantics<subcore_parallel>], iteration_bounds = array<i64: 2, 16>, scalar_prefetch = 0 : i64, scratch_operands = 4 : i64, tpu.core_type = #tpu.core_type<sc_vector_subcore>, window_params = [{transform_indices = #map}, {transform_indices = #map}, {transform_indices = #map1}, {transform_indices = #map1}, {transform_indices = #map1}]} {
    %mul3A = arith.constant 640 : i32
    %mul3A_0 = arith.muli %arg1, %mul3A : i32
    %broadcast_in_dim3A = arith.constant 1.000000e+00 : f32
    %broadcast_in_dim3A_1 = vector.broadcast %broadcast_in_dim3A : f32 to vector<16xf32>
    %swap3A = arith.constant 0 : i32
    %swap3A_2 = arith.index_cast %swap3A : i32 to index
    %swap3A_3 = arith.constant 0 : index
    %swap3A_4 = tpu.vector_load %arg9[%swap3A_2, %swap3A_3] {strides = array<i32>} : memref<80x16xf32, #tpu.memory_space<vmem>>, vector<1x16xf32>,
    %swap3A_5 = vector.shape_cast %swap3A_4 : vector<1x16xf32> to vector<16xf32>
    %swap3A_6 = vector.shape_cast %broadcast_in_dim3A_1 : vector<16xf32> to vector<1x16xf32>
    tpu.vector_store %arg9[%swap3A_2, %swap3A_3], %swap3A_6 {strides = array<i32>} : memref<80x16xf32, #tpu.memory_space<vmem>>, vector<1x16xf32>,
    %broadcast_in_dim3A_7 = arith.constant 1.000000e+00 : f32
    %broadcast_in_dim3A_8 = vector.broadcast %broadcast_in_dim3A_7 : f32 to vector<16xf32>
    %swap3A_9 = arith.constant 1 : i32
    %swap3A_10 = arith.index_cast %swap3A_9 : i32 to index
    %swap3A_11 = arith.constant 0 : index
    %swap3A_12 = tpu.vector_load %arg9[%swap3A_10, %swap3A_11] {strides = array<i32>} : memref<80x16xf32, #tpu.memory_space<vmem>>, vector<1x16xf32>,
    %swap3A_13 = vector.shape_cast %swap3A_12 : vector<1x16xf32> to vector<16xf32>
    %swap3A_14 = vector.shape_cast %broadcast_in_dim3A_8 : vector<16xf32> to vector<1x16xf32>
    tpu.vector_store %arg9[%swap3A_10, %swap3A_11], %swap3A_14 {strides = array<i32>} : memref<80x16xf32, #tpu.memory_space<vmem>>, vector<1x16xf32>,
    %broadcast_in_dim3A_15 = arith.constant 1.000000e+00 : f32
    %broadcast_in_dim3A_16 = vector.broadcast %broadcast_in_dim3A_15 : f32 to vector<16xf32>
    %swap3A_17 = arith.constant 2 : i32
    %swap3A_18 = arith.index_cast %swap3A_17 : i32 to index
    %swap3A_19 = arith.constant 0 : index
    %swap3A_20 = tpu.vector_load %arg9[%swap3A_18, %swap3A_19] {strides = array<i32>} : memref<80x16xf32, #tpu.memory_space<vmem>>, vector<1x16xf32>,
    %swap3A_21 = vector.shape_cast %swap3A_20 : vector<1x16xf32> to vector<16xf32>
    %swap3A_22 = vector.shape_cast %broadcast_in_dim3A_16 : vector<16xf32> to vector<1x16xf32>
    tpu.vector_store %arg9[%swap3A_18, %swap3A_19], %swap3A_22 {strides = array<i32>} : memref<80x16xf32, #tpu.memory_space<vmem>>, vector<1x16xf32>,
    %broadcast_in_dim3A_23 = arith.constant 1.000000e+00 : f32
    %broadcast_in_dim3A_24 = vector.broadcast %broadcast_in_dim3A_23 : f32 to vector<16xf32>
    %swap3A_25 = arith.constant 3 : i32
    %swap3A_26 = arith.index_cast %swap3A_25 : i32 to index
    %swap3A_27 = arith.constant 0 : index
    %swap3A_28 = tpu.vector_load %arg9[%swap3A_26, %swap3A_27] {strides = array<i32>} : memref<80x16xf32, #tpu.memory_space<vmem>>, vector<1x16xf32>,
    %swap3A_29 = vector.shape_cast %swap3A_28 : vector<1x16xf32> to vector<16xf32>
    %swap3A_30 = vector.shape_cast %broadcast_in_dim3A_24 : vector<16xf32> to vector<1x16xf32>
    tpu.vector_store %arg9[%swap3A_26, %swap3A_27], %swap3A_30 {strides = array<i32>} : memref<80x16xf32, #tpu.memory_space<vmem>>, vector<1x16xf32>,
    %broadcast_in_dim3A_31 = arith.constant 1.000000e+00 : f32
    %broadcast_in_dim3A_32 = vector.broadcast %broadcast_in_dim3A_31 : f32 to vector<16xf32>
    %swap3A_33 = arith.constant 4 : i32
    %swap3A_34 = arith.index_cast %swap3A_33 : i32 to index
    %swap3A_35 = arith.constant 0 : index
    %swap3A_36 = tpu.vector_load %arg9[%swap3A_34, %swap3A_35] {strides = array<i32>} : memref<80x16xf32, #tpu.memory_space<vmem>>, vector<1x16xf32>,
    %swap3A_37 = vector.shape_cast %swap3A_36 : vector<1x16xf32> to vector<16xf32>
    %swap3A_38 = vector.shape_cast %broadcast_in_dim3A_32 : vector<16xf32> to vector<1x16xf32>
    tpu.vector_store %arg9[%swap3A_34, %swap3A_35], %swap3A_38 {strides = array<i32>} : memref<80x16xf32, #tpu.memory_space<vmem>>, vector<1x16xf32>,
    %broadcast_in_dim3A_39 = arith.constant 1.000000e+00 : f32
    %broadcast_in_dim3A_40 = vector.broadcast %broadcast_in_dim3A_39 : f32 to vector<16xf32>
    %swap3A_41 = arith.constant 5 : i32
    %swap3A_42 = arith.index_cast %swap3A_41 : i32 to index
    %swap3A_43 = arith.constant 0 : index
    %swap3A_44 = tpu.vector_load %arg9[%swap3A_42, %swap3A_43] {strides = array<i32>} : memref<80x16xf32, #tpu.memory_space<vmem>>, vector<1x16xf32>,
    %swap3A_45 = vector.shape_cast %swap3A_44 : vector<1x16xf32> to vector<16xf32>
    %swap3A_46 = vector.shape_cast %broadcast_in_dim3A_40 : vector<16xf32> to vector<1x16xf32>
    tpu.vector_store %arg9[%swap3A_42, %swap3A_43], %swap3A_46 {strides = array<i32>} : memref<80x16xf32, #tpu.memory_space<vmem>>, vector<1x16xf32>,
    %broadcast_in_dim3A_47 = arith.constant 1.000000e+00 : f32
    %broadcast_in_dim3A_48 = vector.broadcast %broadcast_in_dim3A_47 : f32 to vector<16xf32>
    %swap3A_49 = arith.constant 6 : i32
    %swap3A_50 = arith.index_cast %swap3A_49 : i32 to index
    %swap3A_51 = arith.constant 0 : index
    %swap3A_52 = tpu.vector_load %arg9[%swap3A_50, %swap3A_51] {strides = array<i32>} : memref<80x16xf32, #tpu.memory_space<vmem>>, vector<1x16xf32>,
    %swap3A_53 = vector.shape_cast %swap3A_52 : vector<1x16xf32> to vector<16xf32>
    %swap3A_54 = vector.shape_cast %broadcast_in_dim3A_48 : vector<16xf32> to vector<1x16xf32>
    tpu.vector_store %arg9[%swap3A_50, %swap3A_51], %swap3A_54 {strides = array<i32>} : memref<80x16xf32, #tpu.memory_space<vmem>>, vector<1x16xf32>,
    %broadcast_in_dim3A_55 = arith.constant 1.000000e+00 : f32
    %broadcast_in_dim3A_56 = vector.broadcast %broadcast_in_dim3A_55 : f32 to vector<16xf32>
    %swap3A_57 = arith.constant 7 : i32
    %swap3A_58 = arith.index_cast %swap3A_57 : i32 to index
    %swap3A_59 = arith.constant 0 : index
    %swap3A_60 = tpu.vector_load %arg9[%swap3A_58, %swap3A_59] {strides = array<i32>} : memref<80x16xf32, #tpu.memory_space<vmem>>, vector<1x16xf32>,
    %swap3A_61 = vector.shape_cast %swap3A_60 : vector<1x16xf32> to vector<16xf32>
    %swap3A_62 = vector.shape_cast %broadcast_in_dim3A_56 : vector<16xf32> to vector<1x16xf32>
    tpu.vector_store %arg9[%swap3A_58, %swap3A_59], %swap3A_62 {strides = array<i32>} : memref<80x16xf32, #tpu.memory_space<vmem>>, vector<1x16xf32>,
    %broadcast_in_dim3A_63 = arith.constant 1.000000e+00 : f32
    %broadcast_in_dim3A_64 = vector.broadcast %broadcast_in_dim3A_63 : f32 to vector<16xf32>
    %swap3A_65 = arith.constant 8 : i32
    %swap3A_66 = arith.index_cast %swap3A_65 : i32 to index
    %swap3A_67 = arith.constant 0 : index
    %swap3A_68 = tpu.vector_load %arg9[%swap3A_66, %swap3A_67] {strides = array<i32>} : memref<80x16xf32, #tpu.memory_space<vmem>>, vector<1x16xf32>,
    %swap3A_69 = vector.shape_cast %swap3A_68 : vector<1x16xf32> to vector<16xf32>
    %swap3A_70 = vector.shape_cast %broadcast_in_dim3A_64 : vector<16xf32> to vector<1x16xf32>
    tpu.vector_store %arg9[%swap3A_66, %swap3A_67], %swap3A_70 {strides = array<i32>} : memref<80x16xf32, #tpu.memory_space<vmem>>, vector<1x16xf32>,
    %broadcast_in_dim3A_71 = arith.constant 1.000000e+00 : f32
    %broadcast_in_dim3A_72 = vector.broadcast %broadcast_in_dim3A_71 : f32 to vector<16xf32>
    %swap3A_73 = arith.constant 9 : i32
    %swap3A_74 = arith.index_cast %swap3A_73 : i32 to index
    %swap3A_75 = arith.constant 0 : index
    %swap3A_76 = tpu.vector_load %arg9[%swap3A_74, %swap3A_75] {strides = array<i32>} : memref<80x16xf32, #tpu.memory_space<vmem>>, vector<1x16xf32>,
    %swap3A_77 = vector.shape_cast %swap3A_76 : vector<1x16xf32> to vector<16xf32>
    %swap3A_78 = vector.shape_cast %broadcast_in_dim3A_72 : vector<16xf32> to vector<1x16xf32>
    tpu.vector_store %arg9[%swap3A_74, %swap3A_75], %swap3A_78 {strides = array<i32>} : memref<80x16xf32, #tpu.memory_space<vmem>>, vector<1x16xf32>,
    %broadcast_in_dim3A_79 = arith.constant 1.000000e+00 : f32
    %broadcast_in_dim3A_80 = vector.broadcast %broadcast_in_dim3A_79 : f32 to vector<16xf32>
    %swap3A_81 = arith.constant 10 : i32
    %swap3A_82 = arith.index_cast %swap3A_81 : i32 to index
    %swap3A_83 = arith.constant 0 : index
    %swap3A_84 = tpu.vector_load %arg9[%swap3A_82, %swap3A_83] {strides = array<i32>} : memref<80x16xf32, #tpu.memory_space<vmem>>, vector<1x16xf32>,
    %swap3A_85 = vector.shape_cast %swap3A_84 : vector<1x16xf32> to vector<16xf32>
    %swap3A_86 = vector.shape_cast %broadcast_in_dim3A_80 : vector<16xf32> to vector<1x16xf32>
    tpu.vector_store %arg9[%swap3A_82, %swap3A_83], %swap3A_86 {strides = array<i32>} : memref<80x16xf32, #tpu.memory_space<vmem>>, vector<1x16xf32>,
    %broadcast_in_dim3A_87 = arith.constant 1.000000e+00 : f32
    %broadcast_in_dim3A_88 = vector.broadcast %broadcast_in_dim3A_87 : f32 to vector<16xf32>
    %swap3A_89 = arith.constant 11 : i32
    %swap3A_90 = arith.index_cast %swap3A_89 : i32 to index
    %swap3A_91 = arith.constant 0 : index
    %swap3A_92 = tpu.vector_load %arg9[%swap3A_90, %swap3A_91] {strides = array<i32>} : memref<80x16xf32, #tpu.memory_space<vmem>>, vector<1x16xf32>,
    %swap3A_93 = vector.shape_cast %swap3A_92 : vector<1x16xf32> to vector<16xf32>
    %swap3A_94 = vector.shape_cast %broadcast_in_dim3A_88 : vector<16xf32> to vector<1x16xf32>
    tpu.vector_store %arg9[%swap3A_90, %swap3A_91], %swap3A_94 {strides = array<i32>} : memref<80x16xf32, #tpu.memory_space<vmem>>, vector<1x16xf32>,
    %broadcast_in_dim3A_95 = arith.constant 1.000000e+00 : f32
    %broadcast_in_dim3A_96 = vector.broadcast %broadcast_in_dim3A_95 : f32 to vector<16xf32>
    %swap3A_97 = arith.constant 12 : i32
    %swap3A_98 = arith.index_cast %swap3A_97 : i32 to index
    %swap3A_99 = arith.constant 0 : index
    %swap3A_100 = tpu.vector_load %arg9[%swap3A_98, %swap3A_99] {strides = array<i32>} : memref<80x16xf32, #tpu.memory_space<vmem>>, vector<1x16xf32>,
    %swap3A_101 = vector.shape_cast %swap3A_100 : vector<1x16xf32> to vector<16xf32>
    %swap3A_102 = vector.shape_cast %broadcast_in_dim3A_96 : vector<16xf32> to vector<1x16xf32>
    tpu.vector_store %arg9[%swap3A_98, %swap3A_99], %swap3A_102 {strides = array<i32>} : memref<80x16xf32, #tpu.memory_space<vmem>>, vector<1x16xf32>,
    %broadcast_in_dim3A_103 = arith.constant 1.000000e+00 : f32
    %broadcast_in_dim3A_104 = vector.broadcast %broadcast_in_dim3A_103 : f32 to vector<16xf32>
    %swap3A_105 = arith.constant 13 : i32
    %swap3A_106 = arith.index_cast %swap3A_105 : i32 to index
    %swap3A_107 = arith.constant 0 : index
    %swap3A_108 = tpu.vector_load %arg9[%swap3A_106, %swap3A_107] {strides = array<i32>} : memref<80x16xf32, #tpu.memory_space<vmem>>, vector<1x16xf32>,
    %swap3A_109 = vector.shape_cast %swap3A_108 : vector<1x16xf32> to vector<16xf32>
    %swap3A_110 = vector.shape_cast %broadcast_in_dim3A_104 : vector<16xf32> to vector<1x16xf32>
    tpu.vector_store %arg9[%swap3A_106, %swap3A_107], %swap3A_110 {strides = array<i32>} : memref<80x16xf32, #tpu.memory_space<vmem>>, vector<1x16xf32>,
    %broadcast_in_dim3A_111 = arith.constant 1.000000e+00 : f32
    %broadcast_in_dim3A_112 = vector.broadcast %broadcast_in_dim3A_111 : f32 to vector<16xf32>
    %swap3A_113 = arith.constant 14 : i32
    %swap3A_114 = arith.index_cast %swap3A_113 : i32 to index
    %swap3A_115 = arith.constant 0 : index
    %swap3A_116 = tpu.vector_load %arg9[%swap3A_114, %swap3A_115] {strides = array<i32>} : memref<80x16xf32, #tpu.memory_space<vmem>>, vector<1x16xf32>,
    %swap3A_117 = vector.shape_cast %swap3A_116 : vector<1x16xf32> to vector<16xf32>
    %swap3A_118 = vector.shape_cast %broadcast_in_dim3A_112 : vector<16xf32> to vector<1x16xf32>
    tpu.vector_store %arg9[%swap3A_114, %swap3A_115], %swap3A_118 {strides = array<i32>} : memref<80x16xf32, #tpu.memory_space<vmem>>, vector<1x16xf32>,
    %broadcast_in_dim3A_119 = arith.constant 1.000000e+00 : f32
    %broadcast_in_dim3A_120 = vector.broadcast %broadcast_in_dim3A_119 : f32 to vector<16xf32>
    %swap3A_121 = arith.constant 15 : i32
    %swap3A_122 = arith.index_cast %swap3A_121 : i32 to index
    %swap3A_123 = arith.constant 0 : index
    %swap3A_124 = tpu.vector_load %arg9[%swap3A_122, %swap3A_123] {strides = array<i32>} : memref<80x16xf32, #tpu.memory_space<vmem>>, vector<1x16xf32>,
    %swap3A_125 = vector.shape_cast %swap3A_124 : vector<1x16xf32> to vector<16xf32>
    %swap3A_126 = vector.shape_cast %broadcast_in_dim3A_120 : vector<16xf32> to vector<1x16xf32>
    tpu.vector_store %arg9[%swap3A_122, %swap3A_123], %swap3A_126 {strides = array<i32>} : memref<80x16xf32, #tpu.memory_space<vmem>>, vector<1x16xf32>,
    %broadcast_in_dim3A_127 = arith.constant 1.000000e+00 : f32
    %broadcast_in_dim3A_128 = vector.broadcast %broadcast_in_dim3A_127 : f32 to vector<16xf32>
    %swap3A_129 = arith.constant 16 : i32
    %swap3A_130 = arith.index_cast %swap3A_129 : i32 to index
    %swap3A_131 = arith.constant 0 : index
    %swap3A_132 = tpu.vector_load %arg9[%swap3A_130, %swap3A_131] {strides = array<i32>} : memref<80x16xf32, #tpu.memory_space<vmem>>, vector<1x16xf32>,
    %swap3A_133 = vector.shape_cast %swap3A_132 : vector<1x16xf32> to vector<16xf32>
    %swap3A_134 = vector.shape_cast %broadcast_in_dim3A_128 : vector<16xf32> to vector<1x16xf32>
    tpu.vector_store %arg9[%swap3A_130, %swap3A_131], %swap3A_134 {strides = array<i32>} : memref<80x16xf32, #tpu.memory_space<vmem>>, vector<1x16xf32>,
    %broadcast_in_dim3A_135 = arith.constant 1.000000e+00 : f32
    %broadcast_in_dim3A_136 = vector.broadcast %broadcast_in_dim3A_135 : f32 to vector<16xf32>
    %swap3A_137 = arith.constant 17 : i32
    %swap3A_138 = arith.index_cast %swap3A_137 : i32 to index
    %swap3A_139 = arith.constant 0 : index
    %swap3A_140 = tpu.vector_load %arg9[%swap3A_138, %swap3A_139] {strides = array<i32>} : memref<80x16xf32, #tpu.memory_space<vmem>>, vector<1x16xf32>,
    %swap3A_141 = vector.shape_cast %swap3A_140 : vector<1x16xf32> to vector<16xf32>
    %swap3A_142 = vector.shape_cast %broadcast_in_dim3A_136 : vector<16xf32> to vector<1x16xf32>
    tpu.vector_store %arg9[%swap3A_138, %swap3A_139], %swap3A_142 {strides = array<i32>} : memref<80x16xf32, #tpu.memory_space<vmem>>, vector<1x16xf32>,
    %broadcast_in_dim3A_143 = arith.constant 1.000000e+00 : f32
    %broadcast_in_dim3A_144 = vector.broadcast %broadcast_in_dim3A_143 : f32 to vector<16xf32>
    %swap3A_145 = arith.constant 18 : i32
    %swap3A_146 = arith.index_cast %swap3A_145 : i32 to index
    %swap3A_147 = arith.constant 0 : index
    %swap3A_148 = tpu.vector_load %arg9[%swap3A_146, %swap3A_147] {strides = array<i32>} : memref<80x16xf32, #tpu.memory_space<vmem>>, vector<1x16xf32>,
    %swap3A_149 = vector.shape_cast %swap3A_148 : vector<1x16xf32> to vector<16xf32>
    %swap3A_150 = vector.shape_cast %broadcast_in_dim3A_144 : vector<16xf32> to vector<1x16xf32>
    tpu.vector_store %arg9[%swap3A_146, %swap3A_147], %swap3A_150 {strides = array<i32>} : memref<80x16xf32, #tpu.memory_space<vmem>>, vector<1x16xf32>,
    %broadcast_in_dim3A_151 = arith.constant 1.000000e+00 : f32
    %broadcast_in_dim3A_152 = vector.broadcast %broadcast_in_dim3A_151 : f32 to vector<16xf32>
    %swap3A_153 = arith.constant 19 : i32
    %swap3A_154 = arith.index_cast %swap3A_153 : i32 to index
    %swap3A_155 = arith.constant 0 : index
    %swap3A_156 = tpu.vector_load %arg9[%swap3A_154, %swap3A_155] {strides = array<i32>} : memref<80x16xf32, #tpu.memory_space<vmem>>, vector<1x16xf32>,
    %swap3A_157 = vector.shape_cast %swap3A_156 : vector<1x16xf32> to vector<16xf32>
    %swap3A_158 = vector.shape_cast %broadcast_in_dim3A_152 : vector<16xf32> to vector<1x16xf32>
    tpu.vector_store %arg9[%swap3A_154, %swap3A_155], %swap3A_158 {strides = array<i32>} : memref<80x16xf32, #tpu.memory_space<vmem>>, vector<1x16xf32>,
    %broadcast_in_dim3A_159 = arith.constant 1.000000e+00 : f32
    %broadcast_in_dim3A_160 = vector.broadcast %broadcast_in_dim3A_159 : f32 to vector<16xf32>
    %swap3A_161 = arith.constant 20 : i32
    %swap3A_162 = arith.index_cast %swap3A_161 : i32 to index
    %swap3A_163 = arith.constant 0 : index
    %swap3A_164 = tpu.vector_load %arg9[%swap3A_162, %swap3A_163] {strides = array<i32>} : memref<80x16xf32, #tpu.memory_space<vmem>>, vector<1x16xf32>,
    %swap3A_165 = vector.shape_cast %swap3A_164 : vector<1x16xf32> to vector<16xf32>
    %swap3A_166 = vector.shape_cast %broadcast_in_dim3A_160 : vector<16xf32> to vector<1x16xf32>
    tpu.vector_store %arg9[%swap3A_162, %swap3A_163], %swap3A_166 {strides = array<i32>} : memref<80x16xf32, #tpu.memory_space<vmem>>, vector<1x16xf32>,
    %broadcast_in_dim3A_167 = arith.constant 1.000000e+00 : f32
    %broadcast_in_dim3A_168 = vector.broadcast %broadcast_in_dim3A_167 : f32 to vector<16xf32>
    %swap3A_169 = arith.constant 21 : i32
    %swap3A_170 = arith.index_cast %swap3A_169 : i32 to index
    %swap3A_171 = arith.constant 0 : index
    %swap3A_172 = tpu.vector_load %arg9[%swap3A_170, %swap3A_171] {strides = array<i32>} : memref<80x16xf32, #tpu.memory_space<vmem>>, vector<1x16xf32>,
    %swap3A_173 = vector.shape_cast %swap3A_172 : vector<1x16xf32> to vector<16xf32>
    %swap3A_174 = vector.shape_cast %broadcast_in_dim3A_168 : vector<16xf32> to vector<1x16xf32>
    tpu.vector_store %arg9[%swap3A_170, %swap3A_171], %swap3A_174 {strides = array<i32>} : memref<80x16xf32, #tpu.memory_space<vmem>>, vector<1x16xf32>,
    %broadcast_in_dim3A_175 = arith.constant 1.000000e+00 : f32
    %broadcast_in_dim3A_176 = vector.broadcast %broadcast_in_dim3A_175 : f32 to vector<16xf32>
    %swap3A_177 = arith.constant 22 : i32
    %swap3A_178 = arith.index_cast %swap3A_177 : i32 to index
    %swap3A_179 = arith.constant 0 : index
    %swap3A_180 = tpu.vector_load %arg9[%swap3A_178, %swap3A_179] {strides = array<i32>} : memref<80x16xf32, #tpu.memory_space<vmem>>, vector<1x16xf32>,
    %swap3A_181 = vector.shape_cast %swap3A_180 : vector<1x16xf32> to vector<16xf32>
    %swap3A_182 = vector.shape_cast %broadcast_in_dim3A_176 : vector<16xf32> to vector<1x16xf32>
    tpu.vector_store %arg9[%swap3A_178, %swap3A_179], %swap3A_182 {strides = array<i32>} : memref<80x16xf32, #tpu.memory_space<vmem>>, vector<1x16xf32>,
    %broadcast_in_dim3A_183 = arith.constant 1.000000e+00 : f32
    %broadcast_in_dim3A_184 = vector.broadcast %broadcast_in_dim3A_183 : f32 to vector<16xf32>
    %swap3A_185 = arith.constant 23 : i32
    %swap3A_186 = arith.index_cast %swap3A_185 : i32 to index
    %swap3A_187 = arith.constant 0 : index
    %swap3A_188 = tpu.vector_load %arg9[%swap3A_186, %swap3A_187] {strides = array<i32>} : memref<80x16xf32, #tpu.memory_space<vmem>>, vector<1x16xf32>,
    %swap3A_189 = vector.shape_cast %swap3A_188 : vector<1x16xf32> to vector<16xf32>
    %swap3A_190 = vector.shape_cast %broadcast_in_dim3A_184 : vector<16xf32> to vector<1x16xf32>
    tpu.vector_store %arg9[%swap3A_186, %swap3A_187], %swap3A_190 {strides = array<i32>} : memref<80x16xf32, #tpu.memory_space<vmem>>, vector<1x16xf32>,
    %broadcast_in_dim3A_191 = arith.constant 1.000000e+00 : f32
    %broadcast_in_dim3A_192 = vector.broadcast %broadcast_in_dim3A_191 : f32 to vector<16xf32>
    %swap3A_193 = arith.constant 24 : i32
    %swap3A_194 = arith.index_cast %swap3A_193 : i32 to index
    %swap3A_195 = arith.constant 0 : index
    %swap3A_196 = tpu.vector_load %arg9[%swap3A_194, %swap3A_195] {strides = array<i32>} : memref<80x16xf32, #tpu.memory_space<vmem>>, vector<1x16xf32>,
    %swap3A_197 = vector.shape_cast %swap3A_196 : vector<1x16xf32> to vector<16xf32>
    %swap3A_198 = vector.shape_cast %broadcast_in_dim3A_192 : vector<16xf32> to vector<1x16xf32>
    tpu.vector_store %arg9[%swap3A_194, %swap3A_195], %swap3A_198 {strides = array<i32>} : memref<80x16xf32, #tpu.memory_space<vmem>>, vector<1x16xf32>,
    %broadcast_in_dim3A_199 = arith.constant 1.000000e+00 : f32
    %broadcast_in_dim3A_200 = vector.broadcast %broadcast_in_dim3A_199 : f32 to vector<16xf32>
    %swap3A_201 = arith.constant 25 : i32
    %swap3A_202 = arith.index_cast %swap3A_201 : i32 to index
    %swap3A_203 = arith.constant 0 : index
    %swap3A_204 = tpu.vector_load %arg9[%swap3A_202, %swap3A_203] {strides = array<i32>} : memref<80x16xf32, #tpu.memory_space<vmem>>, vector<1x16xf32>,
    %swap3A_205 = vector.shape_cast %swap3A_204 : vector<1x16xf32> to vector<16xf32>
    %swap3A_206 = vector.shape_cast %broadcast_in_dim3A_200 : vector<16xf32> to vector<1x16xf32>
    tpu.vector_store %arg9[%swap3A_202, %swap3A_203], %swap3A_206 {strides = array<i32>} : memref<80x16xf32, #tpu.memory_space<vmem>>, vector<1x16xf32>,
    %broadcast_in_dim3A_207 = arith.constant 1.000000e+00 : f32
    %broadcast_in_dim3A_208 = vector.broadcast %broadcast_in_dim3A_207 : f32 to vector<16xf32>
    %swap3A_209 = arith.constant 26 : i32
    %swap3A_210 = arith.index_cast %swap3A_209 : i32 to index
    %swap3A_211 = arith.constant 0 : index
    %swap3A_212 = tpu.vector_load %arg9[%swap3A_210, %swap3A_211] {strides = array<i32>} : memref<80x16xf32, #tpu.memory_space<vmem>>, vector<1x16xf32>,
    %swap3A_213 = vector.shape_cast %swap3A_212 : vector<1x16xf32> to vector<16xf32>
    %swap3A_214 = vector.shape_cast %broadcast_in_dim3A_208 : vector<16xf32> to vector<1x16xf32>
    tpu.vector_store %arg9[%swap3A_210, %swap3A_211], %swap3A_214 {strides = array<i32>} : memref<80x16xf32, #tpu.memory_space<vmem>>, vector<1x16xf32>,
    %broadcast_in_dim3A_215 = arith.constant 1.000000e+00 : f32
    %broadcast_in_dim3A_216 = vector.broadcast %broadcast_in_dim3A_215 : f32 to vector<16xf32>
    %swap3A_217 = arith.constant 27 : i32
    %swap3A_218 = arith.index_cast %swap3A_217 : i32 to index
    %swap3A_219 = arith.constant 0 : index
    %swap3A_220 = tpu.vector_load %arg9[%swap3A_218, %swap3A_219] {strides = array<i32>} : memref<80x16xf32, #tpu.memory_space<vmem>>, vector<1x16xf32>,
    %swap3A_221 = vector.shape_cast %swap3A_220 : vector<1x16xf32> to vector<16xf32>
    %swap3A_222 = vector.shape_cast %broadcast_in_dim3A_216 : vector<16xf32> to vector<1x16xf32>
    tpu.vector_store %arg9[%swap3A_218, %swap3A_219], %swap3A_222 {strides = array<i32>} : memref<80x16xf32, #tpu.memory_space<vmem>>, vector<1x16xf32>,
    %broadcast_in_dim3A_223 = arith.constant 1.000000e+00 : f32
    %broadcast_in_dim3A_224 = vector.broadcast %broadcast_in_dim3A_223 : f32 to vector<16xf32>
    %swap3A_225 = arith.constant 28 : i32
    %swap3A_226 = arith.index_cast %swap3A_225 : i32 to index
    %swap3A_227 = arith.constant 0 : index
    %swap3A_228 = tpu.vector_load %arg9[%swap3A_226, %swap3A_227] {strides = array<i32>} : memref<80x16xf32, #tpu.memory_space<vmem>>, vector<1x16xf32>,
    %swap3A_229 = vector.shape_cast %swap3A_228 : vector<1x16xf32> to vector<16xf32>
    %swap3A_230 = vector.shape_cast %broadcast_in_dim3A_224 : vector<16xf32> to vector<1x16xf32>
    tpu.vector_store %arg9[%swap3A_226, %swap3A_227], %swap3A_230 {strides = array<i32>} : memref<80x16xf32, #tpu.memory_space<vmem>>, vector<1x16xf32>,
    %broadcast_in_dim3A_231 = arith.constant 1.000000e+00 : f32
    %broadcast_in_dim3A_232 = vector.broadcast %broadcast_in_dim3A_231 : f32 to vector<16xf32>
    %swap3A_233 = arith.constant 29 : i32
    %swap3A_234 = arith.index_cast %swap3A_233 : i32 to index
    %swap3A_235 = arith.constant 0 : index
    %swap3A_236 = tpu.vector_load %arg9[%swap3A_234, %swap3A_235] {strides = array<i32>} : memref<80x16xf32, #tpu.memory_space<vmem>>, vector<1x16xf32>,
    %swap3A_237 = vector.shape_cast %swap3A_236 : vector<1x16xf32> to vector<16xf32>
    %swap3A_238 = vector.shape_cast %broadcast_in_dim3A_232 : vector<16xf32> to vector<1x16xf32>
    tpu.vector_store %arg9[%swap3A_234, %swap3A_235], %swap3A_238 {strides = array<i32>} : memref<80x16xf32, #tpu.memory_space<vmem>>, vector<1x16xf32>,
    %broadcast_in_dim3A_239 = arith.constant 1.000000e+00 : f32
    %broadcast_in_dim3A_240 = vector.broadcast %broadcast_in_dim3A_239 : f32 to vector<16xf32>
    %swap3A_241 = arith.constant 30 : i32
    %swap3A_242 = arith.index_cast %swap3A_241 : i32 to index
    %swap3A_243 = arith.constant 0 : index
    %swap3A_244 = tpu.vector_load %arg9[%swap3A_242, %swap3A_243] {strides = array<i32>} : memref<80x16xf32, #tpu.memory_space<vmem>>, vector<1x16xf32>,
    %swap3A_245 = vector.shape_cast %swap3A_244 : vector<1x16xf32> to vector<16xf32>
    %swap3A_246 = vector.shape_cast %broadcast_in_dim3A_240 : vector<16xf32> to vector<1x16xf32>
    tpu.vector_store %arg9[%swap3A_242, %swap3A_243], %swap3A_246 {strides = array<i32>} : memref<80x16xf32, #tpu.memory_space<vmem>>, vector<1x16xf32>,
    %broadcast_in_dim3A_247 = arith.constant 1.000000e+00 : f32
    %broadcast_in_dim3A_248 = vector.broadcast %broadcast_in_dim3A_247 : f32 to vector<16xf32>
    %swap3A_249 = arith.constant 31 : i32
    %swap3A_250 = arith.index_cast %swap3A_249 : i32 to index
    %swap3A_251 = arith.constant 0 : index
    %swap3A_252 = tpu.vector_load %arg9[%swap3A_250, %swap3A_251] {strides = array<i32>} : memref<80x16xf32, #tpu.memory_space<vmem>>, vector<1x16xf32>,
    %swap3A_253 = vector.shape_cast %swap3A_252 : vector<1x16xf32> to vector<16xf32>
    %swap3A_254 = vector.shape_cast %broadcast_in_dim3A_248 : vector<16xf32> to vector<1x16xf32>
    tpu.vector_store %arg9[%swap3A_250, %swap3A_251], %swap3A_254 {strides = array<i32>} : memref<80x16xf32, #tpu.memory_space<vmem>>, vector<1x16xf32>,
    %broadcast_in_dim3A_255 = arith.constant 1.000000e+00 : f32
    %broadcast_in_dim3A_256 = vector.broadcast %broadcast_in_dim3A_255 : f32 to vector<16xf32>
    %swap3A_257 = arith.constant 32 : i32
    %swap3A_258 = arith.index_cast %swap3A_257 : i32 to index
    %swap3A_259 = arith.constant 0 : index
    %swap3A_260 = tpu.vector_load %arg9[%swap3A_258, %swap3A_259] {strides = array<i32>} : memref<80x16xf32, #tpu.memory_space<vmem>>, vector<1x16xf32>,
    %swap3A_261 = vector.shape_cast %swap3A_260 : vector<1x16xf32> to vector<16xf32>
    %swap3A_262 = vector.shape_cast %broadcast_in_dim3A_256 : vector<16xf32> to vector<1x16xf32>
    tpu.vector_store %arg9[%swap3A_258, %swap3A_259], %swap3A_262 {strides = array<i32>} : memref<80x16xf32, #tpu.memory_space<vmem>>, vector<1x16xf32>,
    %broadcast_in_dim3A_263 = arith.constant 1.000000e+00 : f32
    %broadcast_in_dim3A_264 = vector.broadcast %broadcast_in_dim3A_263 : f32 to vector<16xf32>
    %swap3A_265 = arith.constant 33 : i32
    %swap3A_266 = arith.index_cast %swap3A_265 : i32 to index
    %swap3A_267 = arith.constant 0 : index
    %swap3A_268 = tpu.vector_load %arg9[%swap3A_266, %swap3A_267] {strides = array<i32>} : memref<80x16xf32, #tpu.memory_space<vmem>>, vector<1x16xf32>,
    %swap3A_269 = vector.shape_cast %swap3A_268 : vector<1x16xf32> to vector<16xf32>
    %swap3A_270 = vector.shape_cast %broadcast_in_dim3A_264 : vector<16xf32> to vector<1x16xf32>
    tpu.vector_store %arg9[%swap3A_266, %swap3A_267], %swap3A_270 {strides = array<i32>} : memref<80x16xf32, #tpu.memory_space<vmem>>, vector<1x16xf32>,
    %broadcast_in_dim3A_271 = arith.constant 1.000000e+00 : f32
    %broadcast_in_dim3A_272 = vector.broadcast %broadcast_in_dim3A_271 : f32 to vector<16xf32>
    %swap3A_273 = arith.constant 34 : i32
    %swap3A_274 = arith.index_cast %swap3A_273 : i32 to index
    %swap3A_275 = arith.constant 0 : index
    %swap3A_276 = tpu.vector_load %arg9[%swap3A_274, %swap3A_275] {strides = array<i32>} : memref<80x16xf32, #tpu.memory_space<vmem>>, vector<1x16xf32>,
    %swap3A_277 = vector.shape_cast %swap3A_276 : vector<1x16xf32> to vector<16xf32>
    %swap3A_278 = vector.shape_cast %broadcast_in_dim3A_272 : vector<16xf32> to vector<1x16xf32>
    tpu.vector_store %arg9[%swap3A_274, %swap3A_275], %swap3A_278 {strides = array<i32>} : memref<80x16xf32, #tpu.memory_space<vmem>>, vector<1x16xf32>,
    %broadcast_in_dim3A_279 = arith.constant 1.000000e+00 : f32
    %broadcast_in_dim3A_280 = vector.broadcast %broadcast_in_dim3A_279 : f32 to vector<16xf32>
    %swap3A_281 = arith.constant 35 : i32
    %swap3A_282 = arith.index_cast %swap3A_281 : i32 to index
    %swap3A_283 = arith.constant 0 : index
    %swap3A_284 = tpu.vector_load %arg9[%swap3A_282, %swap3A_283] {strides = array<i32>} : memref<80x16xf32, #tpu.memory_space<vmem>>, vector<1x16xf32>,
    %swap3A_285 = vector.shape_cast %swap3A_284 : vector<1x16xf32> to vector<16xf32>
    %swap3A_286 = vector.shape_cast %broadcast_in_dim3A_280 : vector<16xf32> to vector<1x16xf32>
    tpu.vector_store %arg9[%swap3A_282, %swap3A_283], %swap3A_286 {strides = array<i32>} : memref<80x16xf32, #tpu.memory_space<vmem>>, vector<1x16xf32>,
    %broadcast_in_dim3A_287 = arith.constant 1.000000e+00 : f32
    %broadcast_in_dim3A_288 = vector.broadcast %broadcast_in_dim3A_287 : f32 to vector<16xf32>
    %swap3A_289 = arith.constant 36 : i32
    %swap3A_290 = arith.index_cast %swap3A_289 : i32 to index
    %swap3A_291 = arith.constant 0 : index
    %swap3A_292 = tpu.vector_load %arg9[%swap3A_290, %swap3A_291] {strides = array<i32>} : memref<80x16xf32, #tpu.memory_space<vmem>>, vector<1x16xf32>,
    %swap3A_293 = vector.shape_cast %swap3A_292 : vector<1x16xf32> to vector<16xf32>
    %swap3A_294 = vector.shape_cast %broadcast_in_dim3A_288 : vector<16xf32> to vector<1x16xf32>
    tpu.vector_store %arg9[%swap3A_290, %swap3A_291], %swap3A_294 {strides = array<i32>} : memref<80x16xf32, #tpu.memory_space<vmem>>, vector<1x16xf32>,
    %broadcast_in_dim3A_295 = arith.constant 1.000000e+00 : f32
    %broadcast_in_dim3A_296 = vector.broadcast %broadcast_in_dim3A_295 : f32 to vector<16xf32>
    %swap3A_297 = arith.constant 37 : i32
    %swap3A_298 = arith.index_cast %swap3A_297 : i32 to index
    %swap3A_299 = arith.constant 0 : index
    %swap3A_300 = tpu.vector_load %arg9[%swap3A_298, %swap3A_299] {strides = array<i32>} : memref<80x16xf32, #tpu.memory_space<vmem>>, vector<1x16xf32>,
    %swap3A_301 = vector.shape_cast %swap3A_300 : vector<1x16xf32> to vector<16xf32>
    %swap3A_302 = vector.shape_cast %broadcast_in_dim3A_296 : vector<16xf32> to vector<1x16xf32>
    tpu.vector_store %arg9[%swap3A_298, %swap3A_299], %swap3A_302 {strides = array<i32>} : memref<80x16xf32, #tpu.memory_space<vmem>>, vector<1x16xf32>,
    %broadcast_in_dim3A_303 = arith.constant 1.000000e+00 : f32
    %broadcast_in_dim3A_304 = vector.broadcast %broadcast_in_dim3A_303 : f32 to vector<16xf32>
    %swap3A_305 = arith.constant 38 : i32
    %swap3A_306 = arith.index_cast %swap3A_305 : i32 to index
    %swap3A_307 = arith.constant 0 : index
    %swap3A_308 = tpu.vector_load %arg9[%swap3A_306, %swap3A_307] {strides = array<i32>} : memref<80x16xf32, #tpu.memory_space<vmem>>, vector<1x16xf32>,
    %swap3A_309 = vector.shape_cast %swap3A_308 : vector<1x16xf32> to vector<16xf32>
    %swap3A_310 = vector.shape_cast %broadcast_in_dim3A_304 : vector<16xf32> to vector<1x16xf32>
    tpu.vector_store %arg9[%swap3A_306, %swap3A_307], %swap3A_310 {strides = array<i32>} : memref<80x16xf32, #tpu.memory_space<vmem>>, vector<1x16xf32>,
    %broadcast_in_dim3A_311 = arith.constant 1.000000e+00 : f32
    %broadcast_in_dim3A_312 = vector.broadcast %broadcast_in_dim3A_311 : f32 to vector<16xf32>
    %swap3A_313 = arith.constant 39 : i32
    %swap3A_314 = arith.index_cast %swap3A_313 : i32 to index
    %swap3A_315 = arith.constant 0 : index
    %swap3A_316 = tpu.vector_load %arg9[%swap3A_314, %swap3A_315] {strides = array<i32>} : memref<80x16xf32, #tpu.memory_space<vmem>>, vector<1x16xf32>,
    %swap3A_317 = vector.shape_cast %swap3A_316 : vector<1x16xf32> to vector<16xf32>
    %swap3A_318 = vector.shape_cast %broadcast_in_dim3A_312 : vector<16xf32> to vector<1x16xf32>
    tpu.vector_store %arg9[%swap3A_314, %swap3A_315], %swap3A_318 {strides = array<i32>} : memref<80x16xf32, #tpu.memory_space<vmem>>, vector<1x16xf32>,
    %broadcast_in_dim3A_319 = arith.constant 1.000000e+00 : f32
    %broadcast_in_dim3A_320 = vector.broadcast %broadcast_in_dim3A_319 : f32 to vector<16xf32>
    %swap3A_321 = arith.constant 40 : i32
    %swap3A_322 = arith.index_cast %swap3A_321 : i32 to index
    %swap3A_323 = arith.constant 0 : index
    %swap3A_324 = tpu.vector_load %arg9[%swap3A_322, %swap3A_323] {strides = array<i32>} : memref<80x16xf32, #tpu.memory_space<vmem>>, vector<1x16xf32>,
    %swap3A_325 = vector.shape_cast %swap3A_324 : vector<1x16xf32> to vector<16xf32>
    %swap3A_326 = vector.shape_cast %broadcast_in_dim3A_320 : vector<16xf32> to vector<1x16xf32>
    tpu.vector_store %arg9[%swap3A_322, %swap3A_323], %swap3A_326 {strides = array<i32>} : memref<80x16xf32, #tpu.memory_space<vmem>>, vector<1x16xf32>,
    %broadcast_in_dim3A_327 = arith.constant 1.000000e+00 : f32
    %broadcast_in_dim3A_328 = vector.broadcast %broadcast_in_dim3A_327 : f32 to vector<16xf32>
    %swap3A_329 = arith.constant 41 : i32
    %swap3A_330 = arith.index_cast %swap3A_329 : i32 to index
    %swap3A_331 = arith.constant 0 : index
    %swap3A_332 = tpu.vector_load %arg9[%swap3A_330, %swap3A_331] {strides = array<i32>} : memref<80x16xf32, #tpu.memory_space<vmem>>, vector<1x16xf32>,
    %swap3A_333 = vector.shape_cast %swap3A_332 : vector<1x16xf32> to vector<16xf32>
    %swap3A_334 = vector.shape_cast %broadcast_in_dim3A_328 : vector<16xf32> to vector<1x16xf32>
    tpu.vector_store %arg9[%swap3A_330, %swap3A_331], %swap3A_334 {strides = array<i32>} : memref<80x16xf32, #tpu.memory_space<vmem>>, vector<1x16xf32>,
    %broadcast_in_dim3A_335 = arith.constant 1.000000e+00 : f32
    %broadcast_in_dim3A_336 = vector.broadcast %broadcast_in_dim3A_335 : f32 to vector<16xf32>
    %swap3A_337 = arith.constant 42 : i32
    %swap3A_338 = arith.index_cast %swap3A_337 : i32 to index
    %swap3A_339 = arith.constant 0 : index
    %swap3A_340 = tpu.vector_load %arg9[%swap3A_338, %swap3A_339] {strides = array<i32>} : memref<80x16xf32, #tpu.memory_space<vmem>>, vector<1x16xf32>,
    %swap3A_341 = vector.shape_cast %swap3A_340 : vector<1x16xf32> to vector<16xf32>
    %swap3A_342 = vector.shape_cast %broadcast_in_dim3A_336 : vector<16xf32> to vector<1x16xf32>
    tpu.vector_store %arg9[%swap3A_338, %swap3A_339], %swap3A_342 {strides = array<i32>} : memref<80x16xf32, #tpu.memory_space<vmem>>, vector<1x16xf32>,
    %broadcast_in_dim3A_343 = arith.constant 1.000000e+00 : f32
    %broadcast_in_dim3A_344 = vector.broadcast %broadcast_in_dim3A_343 : f32 to vector<16xf32>
    %swap3A_345 = arith.constant 43 : i32
    %swap3A_346 = arith.index_cast %swap3A_345 : i32 to index
    %swap3A_347 = arith.constant 0 : index
    %swap3A_348 = tpu.vector_load %arg9[%swap3A_346, %swap3A_347] {strides = array<i32>} : memref<80x16xf32, #tpu.memory_space<vmem>>, vector<1x16xf32>,
    %swap3A_349 = vector.shape_cast %swap3A_348 : vector<1x16xf32> to vector<16xf32>
    %swap3A_350 = vector.shape_cast %broadcast_in_dim3A_344 : vector<16xf32> to vector<1x16xf32>
    tpu.vector_store %arg9[%swap3A_346, %swap3A_347], %swap3A_350 {strides = array<i32>} : memref<80x16xf32, #tpu.memory_space<vmem>>, vector<1x16xf32>,
    %broadcast_in_dim3A_351 = arith.constant 1.000000e+00 : f32
    %broadcast_in_dim3A_352 = vector.broadcast %broadcast_in_dim3A_351 : f32 to vector<16xf32>
    %swap3A_353 = arith.constant 44 : i32
    %swap3A_354 = arith.index_cast %swap3A_353 : i32 to index
    %swap3A_355 = arith.constant 0 : index
    %swap3A_356 = tpu.vector_load %arg9[%swap3A_354, %swap3A_355] {strides = array<i32>} : memref<80x16xf32, #tpu.memory_space<vmem>>, vector<1x16xf32>,
    %swap3A_357 = vector.shape_cast %swap3A_356 : vector<1x16xf32> to vector<16xf32>
    %swap3A_358 = vector.shape_cast %broadcast_in_dim3A_352 : vector<16xf32> to vector<1x16xf32>
    tpu.vector_store %arg9[%swap3A_354, %swap3A_355], %swap3A_358 {strides = array<i32>} : memref<80x16xf32, #tpu.memory_space<vmem>>, vector<1x16xf32>,
    %broadcast_in_dim3A_359 = arith.constant 1.000000e+00 : f32
    %broadcast_in_dim3A_360 = vector.broadcast %broadcast_in_dim3A_359 : f32 to vector<16xf32>
    %swap3A_361 = arith.constant 45 : i32
    %swap3A_362 = arith.index_cast %swap3A_361 : i32 to index
    %swap3A_363 = arith.constant 0 : index
    %swap3A_364 = tpu.vector_load %arg9[%swap3A_362, %swap3A_363] {strides = array<i32>} : memref<80x16xf32, #tpu.memory_space<vmem>>, vector<1x16xf32>,
    %swap3A_365 = vector.shape_cast %swap3A_364 : vector<1x16xf32> to vector<16xf32>
    %swap3A_366 = vector.shape_cast %broadcast_in_dim3A_360 : vector<16xf32> to vector<1x16xf32>
    tpu.vector_store %arg9[%swap3A_362, %swap3A_363], %swap3A_366 {strides = array<i32>} : memref<80x16xf32, #tpu.memory_space<vmem>>, vector<1x16xf32>,
    %broadcast_in_dim3A_367 = arith.constant 1.000000e+00 : f32
    %broadcast_in_dim3A_368 = vector.broadcast %broadcast_in_dim3A_367 : f32 to vector<16xf32>
    %swap3A_369 = arith.constant 46 : i32
    %swap3A_370 = arith.index_cast %swap3A_369 : i32 to index
    %swap3A_371 = arith.constant 0 : index
    %swap3A_372 = tpu.vector_load %arg9[%swap3A_370, %swap3A_371] {strides = array<i32>} : memref<80x16xf32, #tpu.memory_space<vmem>>, vector<1x16xf32>,
    %swap3A_373 = vector.shape_cast %swap3A_372 : vector<1x16xf32> to vector<16xf32>
    %swap3A_374 = vector.shape_cast %broadcast_in_dim3A_368 : vector<16xf32> to vector<1x16xf32>
    tpu.vector_store %arg9[%swap3A_370, %swap3A_371], %swap3A_374 {strides = array<i32>} : memref<80x16xf32, #tpu.memory_space<vmem>>, vector<1x16xf32>,
    %broadcast_in_dim3A_375 = arith.constant 1.000000e+00 : f32
    %broadcast_in_dim3A_376 = vector.broadcast %broadcast_in_dim3A_375 : f32 to vector<16xf32>
    %swap3A_377 = arith.constant 47 : i32
    %swap3A_378 = arith.index_cast %swap3A_377 : i32 to index
    %swap3A_379 = arith.constant 0 : index
    %swap3A_380 = tpu.vector_load %arg9[%swap3A_378, %swap3A_379] {strides = array<i32>} : memref<80x16xf32, #tpu.memory_space<vmem>>, vector<1x16xf32>,
    %swap3A_381 = vector.shape_cast %swap3A_380 : vector<1x16xf32> to vector<16xf32>
    %swap3A_382 = vector.shape_cast %broadcast_in_dim3A_376 : vector<16xf32> to vector<1x16xf32>
    tpu.vector_store %arg9[%swap3A_378, %swap3A_379], %swap3A_382 {strides = array<i32>} : memref<80x16xf32, #tpu.memory_space<vmem>>, vector<1x16xf32>,
    %broadcast_in_dim3A_383 = arith.constant 1.000000e+00 : f32
    %broadcast_in_dim3A_384 = vector.broadcast %broadcast_in_dim3A_383 : f32 to vector<16xf32>
    %swap3A_385 = arith.constant 48 : i32
    %swap3A_386 = arith.index_cast %swap3A_385 : i32 to index
    %swap3A_387 = arith.constant 0 : index
    %swap3A_388 = tpu.vector_load %arg9[%swap3A_386, %swap3A_387] {strides = array<i32>} : memref<80x16xf32, #tpu.memory_space<vmem>>, vector<1x16xf32>,
    %swap3A_389 = vector.shape_cast %swap3A_388 : vector<1x16xf32> to vector<16xf32>
    %swap3A_390 = vector.shape_cast %broadcast_in_dim3A_384 : vector<16xf32> to vector<1x16xf32>
    tpu.vector_store %arg9[%swap3A_386, %swap3A_387], %swap3A_390 {strides = array<i32>} : memref<80x16xf32, #tpu.memory_space<vmem>>, vector<1x16xf32>,
    %broadcast_in_dim3A_391 = arith.constant 1.000000e+00 : f32
    %broadcast_in_dim3A_392 = vector.broadcast %broadcast_in_dim3A_391 : f32 to vector<16xf32>
    %swap3A_393 = arith.constant 49 : i32
    %swap3A_394 = arith.index_cast %swap3A_393 : i32 to index
    %swap3A_395 = arith.constant 0 : index
    %swap3A_396 = tpu.vector_load %arg9[%swap3A_394, %swap3A_395] {strides = array<i32>} : memref<80x16xf32, #tpu.memory_space<vmem>>, vector<1x16xf32>,
    %swap3A_397 = vector.shape_cast %swap3A_396 : vector<1x16xf32> to vector<16xf32>
    %swap3A_398 = vector.shape_cast %broadcast_in_dim3A_392 : vector<16xf32> to vector<1x16xf32>
    tpu.vector_store %arg9[%swap3A_394, %swap3A_395], %swap3A_398 {strides = array<i32>} : memref<80x16xf32, #tpu.memory_space<vmem>>, vector<1x16xf32>,
    %broadcast_in_dim3A_399 = arith.constant 1.000000e+00 : f32
    %broadcast_in_dim3A_400 = vector.broadcast %broadcast_in_dim3A_399 : f32 to vector<16xf32>
    %swap3A_401 = arith.constant 50 : i32
    %swap3A_402 = arith.index_cast %swap3A_401 : i32 to index
    %swap3A_403 = arith.constant 0 : index
    %swap3A_404 = tpu.vector_load %arg9[%swap3A_402, %swap3A_403] {strides = array<i32>} : memref<80x16xf32, #tpu.memory_space<vmem>>, vector<1x16xf32>,
    %swap3A_405 = vector.shape_cast %swap3A_404 : vector<1x16xf32> to vector<16xf32>
    %swap3A_406 = vector.shape_cast %broadcast_in_dim3A_400 : vector<16xf32> to vector<1x16xf32>
    tpu.vector_store %arg9[%swap3A_402, %swap3A_403], %swap3A_406 {strides = array<i32>} : memref<80x16xf32, #tpu.memory_space<vmem>>, vector<1x16xf32>,
    %broadcast_in_dim3A_407 = arith.constant 1.000000e+00 : f32
    %broadcast_in_dim3A_408 = vector.broadcast %broadcast_in_dim3A_407 : f32 to vector<16xf32>
    %swap3A_409 = arith.constant 51 : i32
    %swap3A_410 = arith.index_cast %swap3A_409 : i32 to index
    %swap3A_411 = arith.constant 0 : index
    %swap3A_412 = tpu.vector_load %arg9[%swap3A_410, %swap3A_411] {strides = array<i32>} : memref<80x16xf32, #tpu.memory_space<vmem>>, vector<1x16xf32>,
    %swap3A_413 = vector.shape_cast %swap3A_412 : vector<1x16xf32> to vector<16xf32>
    %swap3A_414 = vector.shape_cast %broadcast_in_dim3A_408 : vector<16xf32> to vector<1x16xf32>
    tpu.vector_store %arg9[%swap3A_410, %swap3A_411], %swap3A_414 {strides = array<i32>} : memref<80x16xf32, #tpu.memory_space<vmem>>, vector<1x16xf32>,
    %broadcast_in_dim3A_415 = arith.constant 1.000000e+00 : f32
    %broadcast_in_dim3A_416 = vector.broadcast %broadcast_in_dim3A_415 : f32 to vector<16xf32>
    %swap3A_417 = arith.constant 52 : i32
    %swap3A_418 = arith.index_cast %swap3A_417 : i32 to index
    %swap3A_419 = arith.constant 0 : index
    %swap3A_420 = tpu.vector_load %arg9[%swap3A_418, %swap3A_419] {strides = array<i32>} : memref<80x16xf32, #tpu.memory_space<vmem>>, vector<1x16xf32>,
    %swap3A_421 = vector.shape_cast %swap3A_420 : vector<1x16xf32> to vector<16xf32>
    %swap3A_422 = vector.shape_cast %broadcast_in_dim3A_416 : vector<16xf32> to vector<1x16xf32>
    tpu.vector_store %arg9[%swap3A_418, %swap3A_419], %swap3A_422 {strides = array<i32>} : memref<80x16xf32, #tpu.memory_space<vmem>>, vector<1x16xf32>,
    %broadcast_in_dim3A_423 = arith.constant 1.000000e+00 : f32
    %broadcast_in_dim3A_424 = vector.broadcast %broadcast_in_dim3A_423 : f32 to vector<16xf32>
    %swap3A_425 = arith.constant 53 : i32
    %swap3A_426 = arith.index_cast %swap3A_425 : i32 to index
    %swap3A_427 = arith.constant 0 : index
    %swap3A_428 = tpu.vector_load %arg9[%swap3A_426, %swap3A_427] {strides = array<i32>} : memref<80x16xf32, #tpu.memory_space<vmem>>, vector<1x16xf32>,
    %swap3A_429 = vector.shape_cast %swap3A_428 : vector<1x16xf32> to vector<16xf32>
    %swap3A_430 = vector.shape_cast %broadcast_in_dim3A_424 : vector<16xf32> to vector<1x16xf32>
    tpu.vector_store %arg9[%swap3A_426, %swap3A_427], %swap3A_430 {strides = array<i32>} : memref<80x16xf32, #tpu.memory_space<vmem>>, vector<1x16xf32>,
    %broadcast_in_dim3A_431 = arith.constant 1.000000e+00 : f32
    %broadcast_in_dim3A_432 = vector.broadcast %broadcast_in_dim3A_431 : f32 to vector<16xf32>
    %swap3A_433 = arith.constant 54 : i32
    %swap3A_434 = arith.index_cast %swap3A_433 : i32 to index
    %swap3A_435 = arith.constant 0 : index
    %swap3A_436 = tpu.vector_load %arg9[%swap3A_434, %swap3A_435] {strides = array<i32>} : memref<80x16xf32, #tpu.memory_space<vmem>>, vector<1x16xf32>,
    %swap3A_437 = vector.shape_cast %swap3A_436 : vector<1x16xf32> to vector<16xf32>
    %swap3A_438 = vector.shape_cast %broadcast_in_dim3A_432 : vector<16xf32> to vector<1x16xf32>
    tpu.vector_store %arg9[%swap3A_434, %swap3A_435], %swap3A_438 {strides = array<i32>} : memref<80x16xf32, #tpu.memory_space<vmem>>, vector<1x16xf32>,
    %broadcast_in_dim3A_439 = arith.constant 1.000000e+00 : f32
    %broadcast_in_dim3A_440 = vector.broadcast %broadcast_in_dim3A_439 : f32 to vector<16xf32>
    %swap3A_441 = arith.constant 55 : i32
    %swap3A_442 = arith.index_cast %swap3A_441 : i32 to index
    %swap3A_443 = arith.constant 0 : index
    %swap3A_444 = tpu.vector_load %arg9[%swap3A_442, %swap3A_443] {strides = array<i32>} : memref<80x16xf32, #tpu.memory_space<vmem>>, vector<1x16xf32>,
    %swap3A_445 = vector.shape_cast %swap3A_444 : vector<1x16xf32> to vector<16xf32>
    %swap3A_446 = vector.shape_cast %broadcast_in_dim3A_440 : vector<16xf32> to vector<1x16xf32>
    tpu.vector_store %arg9[%swap3A_442, %swap3A_443], %swap3A_446 {strides = array<i32>} : memref<80x16xf32, #tpu.memory_space<vmem>>, vector<1x16xf32>,
    %broadcast_in_dim3A_447 = arith.constant 1.000000e+00 : f32
    %broadcast_in_dim3A_448 = vector.broadcast %broadcast_in_dim3A_447 : f32 to vector<16xf32>
    %swap3A_449 = arith.constant 56 : i32
    %swap3A_450 = arith.index_cast %swap3A_449 : i32 to index
    %swap3A_451 = arith.constant 0 : index
    %swap3A_452 = tpu.vector_load %arg9[%swap3A_450, %swap3A_451] {strides = array<i32>} : memref<80x16xf32, #tpu.memory_space<vmem>>, vector<1x16xf32>,
    %swap3A_453 = vector.shape_cast %swap3A_452 : vector<1x16xf32> to vector<16xf32>
    %swap3A_454 = vector.shape_cast %broadcast_in_dim3A_448 : vector<16xf32> to vector<1x16xf32>
    tpu.vector_store %arg9[%swap3A_450, %swap3A_451], %swap3A_454 {strides = array<i32>} : memref<80x16xf32, #tpu.memory_space<vmem>>, vector<1x16xf32>,
    %broadcast_in_dim3A_455 = arith.constant 1.000000e+00 : f32
    %broadcast_in_dim3A_456 = vector.broadcast %broadcast_in_dim3A_455 : f32 to vector<16xf32>
    %swap3A_457 = arith.constant 57 : i32
    %swap3A_458 = arith.index_cast %swap3A_457 : i32 to index
    %swap3A_459 = arith.constant 0 : index
    %swap3A_460 = tpu.vector_load %arg9[%swap3A_458, %swap3A_459] {strides = array<i32>} : memref<80x16xf32, #tpu.memory_space<vmem>>, vector<1x16xf32>,
    %swap3A_461 = vector.shape_cast %swap3A_460 : vector<1x16xf32> to vector<16xf32>
    %swap3A_462 = vector.shape_cast %broadcast_in_dim3A_456 : vector<16xf32> to vector<1x16xf32>
    tpu.vector_store %arg9[%swap3A_458, %swap3A_459], %swap3A_462 {strides = array<i32>} : memref<80x16xf32, #tpu.memory_space<vmem>>, vector<1x16xf32>,
    %broadcast_in_dim3A_463 = arith.constant 1.000000e+00 : f32
    %broadcast_in_dim3A_464 = vector.broadcast %broadcast_in_dim3A_463 : f32 to vector<16xf32>
    %swap3A_465 = arith.constant 58 : i32
    %swap3A_466 = arith.index_cast %swap3A_465 : i32 to index
    %swap3A_467 = arith.constant 0 : index
    %swap3A_468 = tpu.vector_load %arg9[%swap3A_466, %swap3A_467] {strides = array<i32>} : memref<80x16xf32, #tpu.memory_space<vmem>>, vector<1x16xf32>,
    %swap3A_469 = vector.shape_cast %swap3A_468 : vector<1x16xf32> to vector<16xf32>
    %swap3A_470 = vector.shape_cast %broadcast_in_dim3A_464 : vector<16xf32> to vector<1x16xf32>
    tpu.vector_store %arg9[%swap3A_466, %swap3A_467], %swap3A_470 {strides = array<i32>} : memref<80x16xf32, #tpu.memory_space<vmem>>, vector<1x16xf32>,
    %broadcast_in_dim3A_471 = arith.constant 1.000000e+00 : f32
    %broadcast_in_dim3A_472 = vector.broadcast %broadcast_in_dim3A_471 : f32 to vector<16xf32>
    %swap3A_473 = arith.constant 59 : i32
    %swap3A_474 = arith.index_cast %swap3A_473 : i32 to index
    %swap3A_475 = arith.constant 0 : index
    %swap3A_476 = tpu.vector_load %arg9[%swap3A_474, %swap3A_475] {strides = array<i32>} : memref<80x16xf32, #tpu.memory_space<vmem>>, vector<1x16xf32>,
    %swap3A_477 = vector.shape_cast %swap3A_476 : vector<1x16xf32> to vector<16xf32>
    %swap3A_478 = vector.shape_cast %broadcast_in_dim3A_472 : vector<16xf32> to vector<1x16xf32>
    tpu.vector_store %arg9[%swap3A_474, %swap3A_475], %swap3A_478 {strides = array<i32>} : memref<80x16xf32, #tpu.memory_space<vmem>>, vector<1x16xf32>,
    %broadcast_in_dim3A_479 = arith.constant 1.000000e+00 : f32
    %broadcast_in_dim3A_480 = vector.broadcast %broadcast_in_dim3A_479 : f32 to vector<16xf32>
    %swap3A_481 = arith.constant 60 : i32
    %swap3A_482 = arith.index_cast %swap3A_481 : i32 to index
    %swap3A_483 = arith.constant 0 : index
    %swap3A_484 = tpu.vector_load %arg9[%swap3A_482, %swap3A_483] {strides = array<i32>} : memref<80x16xf32, #tpu.memory_space<vmem>>, vector<1x16xf32>,
    %swap3A_485 = vector.shape_cast %swap3A_484 : vector<1x16xf32> to vector<16xf32>
    %swap3A_486 = vector.shape_cast %broadcast_in_dim3A_480 : vector<16xf32> to vector<1x16xf32>
    tpu.vector_store %arg9[%swap3A_482, %swap3A_483], %swap3A_486 {strides = array<i32>} : memref<80x16xf32, #tpu.memory_space<vmem>>, vector<1x16xf32>,
    %broadcast_in_dim3A_487 = arith.constant 1.000000e+00 : f32
    %broadcast_in_dim3A_488 = vector.broadcast %broadcast_in_dim3A_487 : f32 to vector<16xf32>
    %swap3A_489 = arith.constant 61 : i32
    %swap3A_490 = arith.index_cast %swap3A_489 : i32 to index
    %swap3A_491 = arith.constant 0 : index
    %swap3A_492 = tpu.vector_load %arg9[%swap3A_490, %swap3A_491] {strides = array<i32>} : memref<80x16xf32, #tpu.memory_space<vmem>>, vector<1x16xf32>,
    %swap3A_493 = vector.shape_cast %swap3A_492 : vector<1x16xf32> to vector<16xf32>
    %swap3A_494 = vector.shape_cast %broadcast_in_dim3A_488 : vector<16xf32> to vector<1x16xf32>
    tpu.vector_store %arg9[%swap3A_490, %swap3A_491], %swap3A_494 {strides = array<i32>} : memref<80x16xf32, #tpu.memory_space<vmem>>, vector<1x16xf32>,
    %broadcast_in_dim3A_495 = arith.constant 1.000000e+00 : f32
    %broadcast_in_dim3A_496 = vector.broadcast %broadcast_in_dim3A_495 : f32 to vector<16xf32>
    %swap3A_497 = arith.constant 62 : i32
    %swap3A_498 = arith.index_cast %swap3A_497 : i32 to index
    %swap3A_499 = arith.constant 0 : index
    %swap3A_500 = tpu.vector_load %arg9[%swap3A_498, %swap3A_499] {strides = array<i32>} : memref<80x16xf32, #tpu.memory_space<vmem>>, vector<1x16xf32>,
    %swap3A_501 = vector.shape_cast %swap3A_500 : vector<1x16xf32> to vector<16xf32>
    %swap3A_502 = vector.shape_cast %broadcast_in_dim3A_496 : vector<16xf32> to vector<1x16xf32>
    tpu.vector_store %arg9[%swap3A_498, %swap3A_499], %swap3A_502 {strides = array<i32>} : memref<80x16xf32, #tpu.memory_space<vmem>>, vector<1x16xf32>,
    %broadcast_in_dim3A_503 = arith.constant 1.000000e+00 : f32
    %broadcast_in_dim3A_504 = vector.broadcast %broadcast_in_dim3A_503 : f32 to vector<16xf32>
    %swap3A_505 = arith.constant 63 : i32
    %swap3A_506 = arith.index_cast %swap3A_505 : i32 to index
    %swap3A_507 = arith.constant 0 : index
    %swap3A_508 = tpu.vector_load %arg9[%swap3A_506, %swap3A_507] {strides = array<i32>} : memref<80x16xf32, #tpu.memory_space<vmem>>, vector<1x16xf32>,
    %swap3A_509 = vector.shape_cast %swap3A_508 : vector<1x16xf32> to vector<16xf32>
    %swap3A_510 = vector.shape_cast %broadcast_in_dim3A_504 : vector<16xf32> to vector<1x16xf32>
    tpu.vector_store %arg9[%swap3A_506, %swap3A_507], %swap3A_510 {strides = array<i32>} : memref<80x16xf32, #tpu.memory_space<vmem>>, vector<1x16xf32>,
    %broadcast_in_dim3A_511 = arith.constant 1.000000e+00 : f32
    %broadcast_in_dim3A_512 = vector.broadcast %broadcast_in_dim3A_511 : f32 to vector<16xf32>
    %swap3A_513 = arith.constant 64 : i32
    %swap3A_514 = arith.index_cast %swap3A_513 : i32 to index
    %swap3A_515 = arith.constant 0 : index
    %swap3A_516 = tpu.vector_load %arg9[%swap3A_514, %swap3A_515] {strides = array<i32>} : memref<80x16xf32, #tpu.memory_space<vmem>>, vector<1x16xf32>,
    %swap3A_517 = vector.shape_cast %swap3A_516 : vector<1x16xf32> to vector<16xf32>
    %swap3A_518 = vector.shape_cast %broadcast_in_dim3A_512 : vector<16xf32> to vector<1x16xf32>
    tpu.vector_store %arg9[%swap3A_514, %swap3A_515], %swap3A_518 {strides = array<i32>} : memref<80x16xf32, #tpu.memory_space<vmem>>, vector<1x16xf32>,
    %broadcast_in_dim3A_519 = arith.constant 1.000000e+00 : f32
    %broadcast_in_dim3A_520 = vector.broadcast %broadcast_in_dim3A_519 : f32 to vector<16xf32>
    %swap3A_521 = arith.constant 65 : i32
    %swap3A_522 = arith.index_cast %swap3A_521 : i32 to index
    %swap3A_523 = arith.constant 0 : index
    %swap3A_524 = tpu.vector_load %arg9[%swap3A_522, %swap3A_523] {strides = array<i32>} : memref<80x16xf32, #tpu.memory_space<vmem>>, vector<1x16xf32>,
    %swap3A_525 = vector.shape_cast %swap3A_524 : vector<1x16xf32> to vector<16xf32>
    %swap3A_526 = vector.shape_cast %broadcast_in_dim3A_520 : vector<16xf32> to vector<1x16xf32>
    tpu.vector_store %arg9[%swap3A_522, %swap3A_523], %swap3A_526 {strides = array<i32>} : memref<80x16xf32, #tpu.memory_space<vmem>>, vector<1x16xf32>,
    %broadcast_in_dim3A_527 = arith.constant 1.000000e+00 : f32
    %broadcast_in_dim3A_528 = vector.broadcast %broadcast_in_dim3A_527 : f32 to vector<16xf32>
    %swap3A_529 = arith.constant 66 : i32
    %swap3A_530 = arith.index_cast %swap3A_529 : i32 to index
    %swap3A_531 = arith.constant 0 : index
    %swap3A_532 = tpu.vector_load %arg9[%swap3A_530, %swap3A_531] {strides = array<i32>} : memref<80x16xf32, #tpu.memory_space<vmem>>, vector<1x16xf32>,
    %swap3A_533 = vector.shape_cast %swap3A_532 : vector<1x16xf32> to vector<16xf32>
    %swap3A_534 = vector.shape_cast %broadcast_in_dim3A_528 : vector<16xf32> to vector<1x16xf32>
    tpu.vector_store %arg9[%swap3A_530, %swap3A_531], %swap3A_534 {strides = array<i32>} : memref<80x16xf32, #tpu.memory_space<vmem>>, vector<1x16xf32>,
    %broadcast_in_dim3A_535 = arith.constant 1.000000e+00 : f32
    %broadcast_in_dim3A_536 = vector.broadcast %broadcast_in_dim3A_535 : f32 to vector<16xf32>
    %swap3A_537 = arith.constant 67 : i32
    %swap3A_538 = arith.index_cast %swap3A_537 : i32 to index
    %swap3A_539 = arith.constant 0 : index
    %swap3A_540 = tpu.vector_load %arg9[%swap3A_538, %swap3A_539] {strides = array<i32>} : memref<80x16xf32, #tpu.memory_space<vmem>>, vector<1x16xf32>,
    %swap3A_541 = vector.shape_cast %swap3A_540 : vector<1x16xf32> to vector<16xf32>
    %swap3A_542 = vector.shape_cast %broadcast_in_dim3A_536 : vector<16xf32> to vector<1x16xf32>
    tpu.vector_store %arg9[%swap3A_538, %swap3A_539], %swap3A_542 {strides = array<i32>} : memref<80x16xf32, #tpu.memory_space<vmem>>, vector<1x16xf32>,
    %broadcast_in_dim3A_543 = arith.constant 1.000000e+00 : f32
    %broadcast_in_dim3A_544 = vector.broadcast %broadcast_in_dim3A_543 : f32 to vector<16xf32>
    %swap3A_545 = arith.constant 68 : i32
    %swap3A_546 = arith.index_cast %swap3A_545 : i32 to index
    %swap3A_547 = arith.constant 0 : index
    %swap3A_548 = tpu.vector_load %arg9[%swap3A_546, %swap3A_547] {strides = array<i32>} : memref<80x16xf32, #tpu.memory_space<vmem>>, vector<1x16xf32>,
    %swap3A_549 = vector.shape_cast %swap3A_548 : vector<1x16xf32> to vector<16xf32>
    %swap3A_550 = vector.shape_cast %broadcast_in_dim3A_544 : vector<16xf32> to vector<1x16xf32>
    tpu.vector_store %arg9[%swap3A_546, %swap3A_547], %swap3A_550 {strides = array<i32>} : memref<80x16xf32, #tpu.memory_space<vmem>>, vector<1x16xf32>,
    %broadcast_in_dim3A_551 = arith.constant 1.000000e+00 : f32
    %broadcast_in_dim3A_552 = vector.broadcast %broadcast_in_dim3A_551 : f32 to vector<16xf32>
    %swap3A_553 = arith.constant 69 : i32
    %swap3A_554 = arith.index_cast %swap3A_553 : i32 to index
    %swap3A_555 = arith.constant 0 : index
    %swap3A_556 = tpu.vector_load %arg9[%swap3A_554, %swap3A_555] {strides = array<i32>} : memref<80x16xf32, #tpu.memory_space<vmem>>, vector<1x16xf32>,
    %swap3A_557 = vector.shape_cast %swap3A_556 : vector<1x16xf32> to vector<16xf32>
    %swap3A_558 = vector.shape_cast %broadcast_in_dim3A_552 : vector<16xf32> to vector<1x16xf32>
    tpu.vector_store %arg9[%swap3A_554, %swap3A_555], %swap3A_558 {strides = array<i32>} : memref<80x16xf32, #tpu.memory_space<vmem>>, vector<1x16xf32>,
    %broadcast_in_dim3A_559 = arith.constant 1.000000e+00 : f32
    %broadcast_in_dim3A_560 = vector.broadcast %broadcast_in_dim3A_559 : f32 to vector<16xf32>
    %swap3A_561 = arith.constant 70 : i32
    %swap3A_562 = arith.index_cast %swap3A_561 : i32 to index
    %swap3A_563 = arith.constant 0 : index
    %swap3A_564 = tpu.vector_load %arg9[%swap3A_562, %swap3A_563] {strides = array<i32>} : memref<80x16xf32, #tpu.memory_space<vmem>>, vector<1x16xf32>,
    %swap3A_565 = vector.shape_cast %swap3A_564 : vector<1x16xf32> to vector<16xf32>
    %swap3A_566 = vector.shape_cast %broadcast_in_dim3A_560 : vector<16xf32> to vector<1x16xf32>
    tpu.vector_store %arg9[%swap3A_562, %swap3A_563], %swap3A_566 {strides = array<i32>} : memref<80x16xf32, #tpu.memory_space<vmem>>, vector<1x16xf32>,
    %broadcast_in_dim3A_567 = arith.constant 1.000000e+00 : f32
    %broadcast_in_dim3A_568 = vector.broadcast %broadcast_in_dim3A_567 : f32 to vector<16xf32>
    %swap3A_569 = arith.constant 71 : i32
    %swap3A_570 = arith.index_cast %swap3A_569 : i32 to index
    %swap3A_571 = arith.constant 0 : index
    %swap3A_572 = tpu.vector_load %arg9[%swap3A_570, %swap3A_571] {strides = array<i32>} : memref<80x16xf32, #tpu.memory_space<vmem>>, vector<1x16xf32>,
    %swap3A_573 = vector.shape_cast %swap3A_572 : vector<1x16xf32> to vector<16xf32>
    %swap3A_574 = vector.shape_cast %broadcast_in_dim3A_568 : vector<16xf32> to vector<1x16xf32>
    tpu.vector_store %arg9[%swap3A_570, %swap3A_571], %swap3A_574 {strides = array<i32>} : memref<80x16xf32, #tpu.memory_space<vmem>>, vector<1x16xf32>,
    %broadcast_in_dim3A_575 = arith.constant 1.000000e+00 : f32
    %broadcast_in_dim3A_576 = vector.broadcast %broadcast_in_dim3A_575 : f32 to vector<16xf32>
    %swap3A_577 = arith.constant 72 : i32
    %swap3A_578 = arith.index_cast %swap3A_577 : i32 to index
    %swap3A_579 = arith.constant 0 : index
    %swap3A_580 = tpu.vector_load %arg9[%swap3A_578, %swap3A_579] {strides = array<i32>} : memref<80x16xf32, #tpu.memory_space<vmem>>, vector<1x16xf32>,
    %swap3A_581 = vector.shape_cast %swap3A_580 : vector<1x16xf32> to vector<16xf32>
    %swap3A_582 = vector.shape_cast %broadcast_in_dim3A_576 : vector<16xf32> to vector<1x16xf32>
    tpu.vector_store %arg9[%swap3A_578, %swap3A_579], %swap3A_582 {strides = array<i32>} : memref<80x16xf32, #tpu.memory_space<vmem>>, vector<1x16xf32>,
    %broadcast_in_dim3A_583 = arith.constant 1.000000e+00 : f32
    %broadcast_in_dim3A_584 = vector.broadcast %broadcast_in_dim3A_583 : f32 to vector<16xf32>
    %swap3A_585 = arith.constant 73 : i32
    %swap3A_586 = arith.index_cast %swap3A_585 : i32 to index
    %swap3A_587 = arith.constant 0 : index
    %swap3A_588 = tpu.vector_load %arg9[%swap3A_586, %swap3A_587] {strides = array<i32>} : memref<80x16xf32, #tpu.memory_space<vmem>>, vector<1x16xf32>,
    %swap3A_589 = vector.shape_cast %swap3A_588 : vector<1x16xf32> to vector<16xf32>
    %swap3A_590 = vector.shape_cast %broadcast_in_dim3A_584 : vector<16xf32> to vector<1x16xf32>
    tpu.vector_store %arg9[%swap3A_586, %swap3A_587], %swap3A_590 {strides = array<i32>} : memref<80x16xf32, #tpu.memory_space<vmem>>, vector<1x16xf32>,
    %broadcast_in_dim3A_591 = arith.constant 1.000000e+00 : f32
    %broadcast_in_dim3A_592 = vector.broadcast %broadcast_in_dim3A_591 : f32 to vector<16xf32>
    %swap3A_593 = arith.constant 74 : i32
    %swap3A_594 = arith.index_cast %swap3A_593 : i32 to index
    %swap3A_595 = arith.constant 0 : index
    %swap3A_596 = tpu.vector_load %arg9[%swap3A_594, %swap3A_595] {strides = array<i32>} : memref<80x16xf32, #tpu.memory_space<vmem>>, vector<1x16xf32>,
    %swap3A_597 = vector.shape_cast %swap3A_596 : vector<1x16xf32> to vector<16xf32>
    %swap3A_598 = vector.shape_cast %broadcast_in_dim3A_592 : vector<16xf32> to vector<1x16xf32>
    tpu.vector_store %arg9[%swap3A_594, %swap3A_595], %swap3A_598 {strides = array<i32>} : memref<80x16xf32, #tpu.memory_space<vmem>>, vector<1x16xf32>,
    %broadcast_in_dim3A_599 = arith.constant 1.000000e+00 : f32
    %broadcast_in_dim3A_600 = vector.broadcast %broadcast_in_dim3A_599 : f32 to vector<16xf32>
    %swap3A_601 = arith.constant 75 : i32
    %swap3A_602 = arith.index_cast %swap3A_601 : i32 to index
    %swap3A_603 = arith.constant 0 : index
    %swap3A_604 = tpu.vector_load %arg9[%swap3A_602, %swap3A_603] {strides = array<i32>} : memref<80x16xf32, #tpu.memory_space<vmem>>, vector<1x16xf32>,
    %swap3A_605 = vector.shape_cast %swap3A_604 : vector<1x16xf32> to vector<16xf32>
    %swap3A_606 = vector.shape_cast %broadcast_in_dim3A_600 : vector<16xf32> to vector<1x16xf32>
    tpu.vector_store %arg9[%swap3A_602, %swap3A_603], %swap3A_606 {strides = array<i32>} : memref<80x16xf32, #tpu.memory_space<vmem>>, vector<1x16xf32>,
    %broadcast_in_dim3A_607 = arith.constant 1.000000e+00 : f32
    %broadcast_in_dim3A_608 = vector.broadcast %broadcast_in_dim3A_607 : f32 to vector<16xf32>
    %swap3A_609 = arith.constant 76 : i32
    %swap3A_610 = arith.index_cast %swap3A_609 : i32 to index
    %swap3A_611 = arith.constant 0 : index
    %swap3A_612 = tpu.vector_load %arg9[%swap3A_610, %swap3A_611] {strides = array<i32>} : memref<80x16xf32, #tpu.memory_space<vmem>>, vector<1x16xf32>,
    %swap3A_613 = vector.shape_cast %swap3A_612 : vector<1x16xf32> to vector<16xf32>
    %swap3A_614 = vector.shape_cast %broadcast_in_dim3A_608 : vector<16xf32> to vector<1x16xf32>
    tpu.vector_store %arg9[%swap3A_610, %swap3A_611], %swap3A_614 {strides = array<i32>} : memref<80x16xf32, #tpu.memory_space<vmem>>, vector<1x16xf32>,
    %broadcast_in_dim3A_615 = arith.constant 1.000000e+00 : f32
    %broadcast_in_dim3A_616 = vector.broadcast %broadcast_in_dim3A_615 : f32 to vector<16xf32>
    %swap3A_617 = arith.constant 77 : i32
    %swap3A_618 = arith.index_cast %swap3A_617 : i32 to index
    %swap3A_619 = arith.constant 0 : index
    %swap3A_620 = tpu.vector_load %arg9[%swap3A_618, %swap3A_619] {strides = array<i32>} : memref<80x16xf32, #tpu.memory_space<vmem>>, vector<1x16xf32>,
    %swap3A_621 = vector.shape_cast %swap3A_620 : vector<1x16xf32> to vector<16xf32>
    %swap3A_622 = vector.shape_cast %broadcast_in_dim3A_616 : vector<16xf32> to vector<1x16xf32>
    tpu.vector_store %arg9[%swap3A_618, %swap3A_619], %swap3A_622 {strides = array<i32>} : memref<80x16xf32, #tpu.memory_space<vmem>>, vector<1x16xf32>,
    %broadcast_in_dim3A_623 = arith.constant 1.000000e+00 : f32
    %broadcast_in_dim3A_624 = vector.broadcast %broadcast_in_dim3A_623 : f32 to vector<16xf32>
    %swap3A_625 = arith.constant 78 : i32
    %swap3A_626 = arith.index_cast %swap3A_625 : i32 to index
    %swap3A_627 = arith.constant 0 : index
    %swap3A_628 = tpu.vector_load %arg9[%swap3A_626, %swap3A_627] {strides = array<i32>} : memref<80x16xf32, #tpu.memory_space<vmem>>, vector<1x16xf32>,
    %swap3A_629 = vector.shape_cast %swap3A_628 : vector<1x16xf32> to vector<16xf32>
    %swap3A_630 = vector.shape_cast %broadcast_in_dim3A_624 : vector<16xf32> to vector<1x16xf32>
    tpu.vector_store %arg9[%swap3A_626, %swap3A_627], %swap3A_630 {strides = array<i32>} : memref<80x16xf32, #tpu.memory_space<vmem>>, vector<1x16xf32>,
    %broadcast_in_dim3A_631 = arith.constant 1.000000e+00 : f32
    %broadcast_in_dim3A_632 = vector.broadcast %broadcast_in_dim3A_631 : f32 to vector<16xf32>
    %swap3A_633 = arith.constant 79 : i32
    %swap3A_634 = arith.index_cast %swap3A_633 : i32 to index
    %swap3A_635 = arith.constant 0 : index
    %swap3A_636 = tpu.vector_load %arg9[%swap3A_634, %swap3A_635] {strides = array<i32>} : memref<80x16xf32, #tpu.memory_space<vmem>>, vector<1x16xf32>,
    %swap3A_637 = vector.shape_cast %swap3A_636 : vector<1x16xf32> to vector<16xf32>
    %swap3A_638 = vector.shape_cast %broadcast_in_dim3A_632 : vector<16xf32> to vector<1x16xf32>
    tpu.vector_store %arg9[%swap3A_634, %swap3A_635], %swap3A_638 {strides = array<i32>} : memref<80x16xf32, #tpu.memory_space<vmem>>, vector<1x16xf32>,
    "tpu.region"() ({
      %run_scoped3A = tpu.sem_alloc : memref<!tpu.dma_semaphore, #tpu.memory_space<semaphore_mem>>
      tpu.enqueue_dma source(%arg4 : memref<640x16xf32, #tpu.memory_space<hbm>>) target(%arg10 : memref<640x16xf32, #tpu.memory_space<vmem>>) target_semaphore(%run_scoped3A : memref<!tpu.dma_semaphore, #tpu.memory_space<semaphore_mem>>)
      tpu.wait_dma2 semaphore(%run_scoped3A : memref<!tpu.dma_semaphore, #tpu.memory_space<semaphore_mem>>) src(%arg4 : memref<640x16xf32, #tpu.memory_space<hbm>>) dst(%arg10 : memref<640x16xf32, #tpu.memory_space<vmem>>)
      tpu.yield
    }) : () -> ()
    "tpu.region"() ({
      %run_scoped3A = tpu.sem_alloc : memref<!tpu.dma_semaphore, #tpu.memory_space<semaphore_mem>>
      %dma_start3A = arith.constant 0 : i32
      %dma_start3A_652 = tpu.memref_slice %arg7[%mul3A_0, %dma_start3A] : memref<10240x16xf32, #tpu.memory_space<vmem_shared>> -> memref<640x16xf32, #tpu.memory_space<vmem_shared>>
      %dma_start3A_653 = arith.constant 0 : i32
      %dma_start3A_654 = tpu.memref_slice %arg7[%mul3A_0, %dma_start3A_653] : memref<10240x16xf32, #tpu.memory_space<vmem_shared>> -> memref<640x16xf32, #tpu.memory_space<vmem_shared>>
      tpu.enqueue_dma source(%arg10 : memref<640x16xf32, #tpu.memory_space<vmem>>) target(%dma_start3A_654 : memref<640x16xf32, #tpu.memory_space<vmem_shared>>) target_semaphore(%run_scoped3A : memref<!tpu.dma_semaphore, #tpu.memory_space<semaphore_mem>>)
      %dma_wait3A = arith.constant 0 : i32
      %dma_wait3A_655 = tpu.memref_slice %arg7[%mul3A_0, %dma_wait3A] : memref<10240x16xf32, #tpu.memory_space<vmem_shared>> -> memref<640x16xf32, #tpu.memory_space<vmem_shared>>
      %dma_wait3A_656 = arith.constant 0 : i32
      %dma_wait3A_657 = tpu.memref_slice %arg7[%mul3A_0, %dma_wait3A_656] : memref<10240x16xf32, #tpu.memory_space<vmem_shared>> -> memref<640x16xf32, #tpu.memory_space<vmem_shared>>
      tpu.wait_dma2 semaphore(%run_scoped3A : memref<!tpu.dma_semaphore, #tpu.memory_space<semaphore_mem>>) src(%arg10 : memref<640x16xf32, #tpu.memory_space<vmem>>) dst(%dma_wait3A_657 : memref<640x16xf32, #tpu.memory_space<vmem_shared>>)
      tpu.yield
    }) : () -> ()
    %barrier3A = arith.constant 0 : index
    tpu.barrier barrier_id(%barrier3A)
    %scan3A = arith.constant 0 : i32
    %scan3A_639 = arith.constant 0 : i32
    %scan3A_640 = arith.constant 125 : i32
    %scan3A_641 = arith.addi %scan3A_639, %scan3A_640 : i32
    %scan3A_642 = arith.constant 1 : i32
    scf.for %scan3A_652 = %scan3A_639 to %scan3A_641 step %scan3A_642  : i32 {
      %mul3A_653 = arith.constant 10000 : i32
      %mul3A_654 = arith.muli %arg1, %mul3A_653 : i32
      %mul3A_655 = arith.constant 80 : i32
      %mul3A_656 = arith.muli %scan3A_652, %mul3A_655 : i32
      %add3A = arith.addi %mul3A_654, %mul3A_656 : i32
      %eq3A_657 = arith.constant 0 : i32
      %eq3A_658 = arith.cmpi eq, %arg0, %eq3A_657 : i32
      %convert_element_type3A_659 = arith.extui %eq3A_658 : i1 to i32
      %cond3A_660 = arith.constant 0 : i32
      %cond3A_661 = arith.cmpi ne, %convert_element_type3A_659, %cond3A_660 : i32
      scf.if %cond3A_661 {
        "tpu.region"() ({
          %run_scoped3A = tpu.sem_alloc : memref<!tpu.dma_semaphore, #tpu.memory_space<semaphore_mem>>
          %dma_start3A = tpu.memref_slice %arg2[%add3A] : memref<160000xi32, #tpu.memory_space<hbm>> -> memref<80xi32, #tpu.memory_space<hbm>>
          %dma_start3A_667 = tpu.memref_slice %arg2[%add3A] : memref<160000xi32, #tpu.memory_space<hbm>> -> memref<80xi32, #tpu.memory_space<hbm>>
          tpu.enqueue_dma source(%dma_start3A_667 : memref<80xi32, #tpu.memory_space<hbm>>) target(%arg8 : memref<80xi32, #tpu.memory_space<vmem>>) target_semaphore(%run_scoped3A : memref<!tpu.dma_semaphore, #tpu.memory_space<semaphore_mem>>)
          %dma_wait3A = tpu.memref_slice %arg2[%add3A] : memref<160000xi32, #tpu.memory_space<hbm>> -> memref<80xi32, #tpu.memory_space<hbm>>
          %dma_wait3A_668 = tpu.memref_slice %arg2[%add3A] : memref<160000xi32, #tpu.memory_space<hbm>> -> memref<80xi32, #tpu.memory_space<hbm>>
          tpu.wait_dma2 semaphore(%run_scoped3A : memref<!tpu.dma_semaphore, #tpu.memory_space<semaphore_mem>>) src(%dma_wait3A_668 : memref<80xi32, #tpu.memory_space<hbm>>) dst(%arg8 : memref<80xi32, #tpu.memory_space<vmem>>)
          tpu.yield
        }) : () -> ()
      } else {
      }
      %eq3A_662 = arith.constant 1 : i32
      %eq3A_663 = arith.cmpi eq, %arg0, %eq3A_662 : i32
      %convert_element_type3A_664 = arith.extui %eq3A_663 : i1 to i32
      %cond3A_665 = arith.constant 0 : i32
      %cond3A_666 = arith.cmpi ne, %convert_element_type3A_664, %cond3A_665 : i32
      scf.if %cond3A_666 {
        "tpu.region"() ({
          %run_scoped3A = tpu.sem_alloc : memref<!tpu.dma_semaphore, #tpu.memory_space<semaphore_mem>>
          %dma_start3A = tpu.memref_slice %arg3[%add3A] : memref<160000xi32, #tpu.memory_space<hbm>> -> memref<80xi32, #tpu.memory_space<hbm>>
          %dma_start3A_667 = tpu.memref_slice %arg3[%add3A] : memref<160000xi32, #tpu.memory_space<hbm>> -> memref<80xi32, #tpu.memory_space<hbm>>
          tpu.enqueue_dma source(%dma_start3A_667 : memref<80xi32, #tpu.memory_space<hbm>>) target(%arg8 : memref<80xi32, #tpu.memory_space<vmem>>) target_semaphore(%run_scoped3A : memref<!tpu.dma_semaphore, #tpu.memory_space<semaphore_mem>>)
          %dma_wait3A = tpu.memref_slice %arg3[%add3A] : memref<160000xi32, #tpu.memory_space<hbm>> -> memref<80xi32, #tpu.memory_space<hbm>>
          %dma_wait3A_668 = tpu.memref_slice %arg3[%add3A] : memref<160000xi32, #tpu.memory_space<hbm>> -> memref<80xi32, #tpu.memory_space<hbm>>
          tpu.wait_dma2 semaphore(%run_scoped3A : memref<!tpu.dma_semaphore, #tpu.memory_space<semaphore_mem>>) src(%dma_wait3A_668 : memref<80xi32, #tpu.memory_space<hbm>>) dst(%arg8 : memref<80xi32, #tpu.memory_space<vmem>>)
          tpu.yield
        }) : () -> ()
      } else {
      }
      "tpu.region"() ({
        %run_scoped3A = tpu.sem_alloc : memref<!tpu.dma_semaphore, #tpu.memory_space<semaphore_mem>>
        %dma_start3A = arith.constant 0 : i32
        %dma_start3A_667 = arith.constant 0 : i32
        %dma_start3A_668 = tpu.memref_slice %arg7[%dma_start3A, %dma_start3A_667] : memref<10240x16xf32, #tpu.memory_space<vmem_shared>> -> memref<10240x16xf32, #tpu.memory_space<vmem_shared>>
        tpu.enqueue_indirect_dma source(%arg9 : memref<80x16xf32, #tpu.memory_space<vmem>>) target(%dma_start3A_668 : memref<10240x16xf32, #tpu.memory_space<vmem_shared>>) offsets(%arg8 : memref<80xi32, #tpu.memory_space<vmem>>) semaphore(%run_scoped3A : memref<!tpu.dma_semaphore, #tpu.memory_space<semaphore_mem>>) {add = true}
        %dma_wait3A = arith.constant 0 : i32
        %dma_wait3A_669 = arith.constant 0 : i32
        %dma_wait3A_670 = tpu.memref_slice %arg7[%dma_wait3A, %dma_wait3A_669] : memref<10240x16xf32, #tpu.memory_space<vmem_shared>> -> memref<10240x16xf32, #tpu.memory_space<vmem_shared>>
        tpu.wait_indirect_dma semaphore(%run_scoped3A : memref<!tpu.dma_semaphore, #tpu.memory_space<semaphore_mem>>) src(%arg9 : memref<80x16xf32, #tpu.memory_space<vmem>>) dst(%dma_wait3A_670 : memref<10240x16xf32, #tpu.memory_space<vmem_shared>>)
        tpu.yield
      }) : () -> ()
    }
    %scan3A_643 = arith.constant 125 : i32
    %barrier3A_644 = arith.constant 0 : index
    tpu.barrier barrier_id(%barrier3A_644)
    "tpu.region"() ({
      %run_scoped3A = tpu.sem_alloc : memref<!tpu.dma_semaphore, #tpu.memory_space<semaphore_mem>>
      %dma_start3A = arith.constant 0 : i32
      %dma_start3A_652 = tpu.memref_slice %arg7[%mul3A_0, %dma_start3A] : memref<10240x16xf32, #tpu.memory_space<vmem_shared>> -> memref<640x16xf32, #tpu.memory_space<vmem_shared>>
      %dma_start3A_653 = arith.constant 0 : i32
      %dma_start3A_654 = tpu.memref_slice %arg7[%mul3A_0, %dma_start3A_653] : memref<10240x16xf32, #tpu.memory_space<vmem_shared>> -> memref<640x16xf32, #tpu.memory_space<vmem_shared>>
      tpu.enqueue_dma source(%dma_start3A_654 : memref<640x16xf32, #tpu.memory_space<vmem_shared>>) target(%arg10 : memref<640x16xf32, #tpu.memory_space<vmem>>) target_semaphore(%run_scoped3A : memref<!tpu.dma_semaphore, #tpu.memory_space<semaphore_mem>>)
      %dma_wait3A = arith.constant 0 : i32
      %dma_wait3A_655 = tpu.memref_slice %arg7[%mul3A_0, %dma_wait3A] : memref<10240x16xf32, #tpu.memory_space<vmem_shared>> -> memref<640x16xf32, #tpu.memory_space<vmem_shared>>
      %dma_wait3A_656 = arith.constant 0 : i32
      %dma_wait3A_657 = tpu.memref_slice %arg7[%mul3A_0, %dma_wait3A_656] : memref<10240x16xf32, #tpu.memory_space<vmem_shared>> -> memref<640x16xf32, #tpu.memory_space<vmem_shared>>
      tpu.wait_dma2 semaphore(%run_scoped3A : memref<!tpu.dma_semaphore, #tpu.memory_space<semaphore_mem>>) src(%dma_wait3A_657 : memref<640x16xf32, #tpu.memory_space<vmem_shared>>) dst(%arg10 : memref<640x16xf32, #tpu.memory_space<vmem>>)
      tpu.yield
    }) : () -> ()
    %eq3A = arith.constant 0 : i32
    %eq3A_645 = arith.cmpi eq, %arg0, %eq3A : i32
    %convert_element_type3A = arith.extui %eq3A_645 : i1 to i32
    %cond3A = arith.constant 0 : i32
    %cond3A_646 = arith.cmpi ne, %convert_element_type3A, %cond3A : i32
    scf.if %cond3A_646 {
      "tpu.region"() ({
        %run_scoped3A = tpu.sem_alloc : memref<!tpu.dma_semaphore, #tpu.memory_space<semaphore_mem>>
        %dma_start3A = arith.constant 0 : i32
        %dma_start3A_652 = tpu.memref_slice %arg5[%mul3A_0, %dma_start3A] : memref<10240x16xf32, #tpu.memory_space<hbm>> -> memref<640x16xf32, #tpu.memory_space<hbm>>
        %dma_start3A_653 = arith.constant 0 : i32
        %dma_start3A_654 = tpu.memref_slice %arg5[%mul3A_0, %dma_start3A_653] : memref<10240x16xf32, #tpu.memory_space<hbm>> -> memref<640x16xf32, #tpu.memory_space<hbm>>
        tpu.enqueue_dma source(%arg10 : memref<640x16xf32, #tpu.memory_space<vmem>>) target(%dma_start3A_654 : memref<640x16xf32, #tpu.memory_space<hbm>>) target_semaphore(%run_scoped3A : memref<!tpu.dma_semaphore, #tpu.memory_space<semaphore_mem>>)
        %dma_wait3A = arith.constant 0 : i32
        %dma_wait3A_655 = tpu.memref_slice %arg5[%mul3A_0, %dma_wait3A] : memref<10240x16xf32, #tpu.memory_space<hbm>> -> memref<640x16xf32, #tpu.memory_space<hbm>>
        %dma_wait3A_656 = arith.constant 0 : i32
        %dma_wait3A_657 = tpu.memref_slice %arg5[%mul3A_0, %dma_wait3A_656] : memref<10240x16xf32, #tpu.memory_space<hbm>> -> memref<640x16xf32, #tpu.memory_space<hbm>>
        tpu.wait_dma2 semaphore(%run_scoped3A : memref<!tpu.dma_semaphore, #tpu.memory_space<semaphore_mem>>) src(%arg10 : memref<640x16xf32, #tpu.memory_space<vmem>>) dst(%dma_wait3A_657 : memref<640x16xf32, #tpu.memory_space<hbm>>)
        tpu.yield
      }) : () -> ()
    } else {
    }
    %eq3A_647 = arith.constant 1 : i32
    %eq3A_648 = arith.cmpi eq, %arg0, %eq3A_647 : i32
    %convert_element_type3A_649 = arith.extui %eq3A_648 : i1 to i32
    %cond3A_650 = arith.constant 0 : i32
    %cond3A_651 = arith.cmpi ne, %convert_element_type3A_649, %cond3A_650 : i32
    scf.if %cond3A_651 {
      "tpu.region"() ({
        %run_scoped3A = tpu.sem_alloc : memref<!tpu.dma_semaphore, #tpu.memory_space<semaphore_mem>>
        %dma_start3A = arith.constant 0 : i32
        %dma_start3A_652 = tpu.memref_slice %arg6[%mul3A_0, %dma_start3A] : memref<10240x16xf32, #tpu.memory_space<hbm>> -> memref<640x16xf32, #tpu.memory_space<hbm>>
        %dma_start3A_653 = arith.constant 0 : i32
        %dma_start3A_654 = tpu.memref_slice %arg6[%mul3A_0, %dma_start3A_653] : memref<10240x16xf32, #tpu.memory_space<hbm>> -> memref<640x16xf32, #tpu.memory_space<hbm>>
        tpu.enqueue_dma source(%arg10 : memref<640x16xf32, #tpu.memory_space<vmem>>) target(%dma_start3A_654 : memref<640x16xf32, #tpu.memory_space<hbm>>) target_semaphore(%run_scoped3A : memref<!tpu.dma_semaphore, #tpu.memory_space<semaphore_mem>>)
        %dma_wait3A = arith.constant 0 : i32
        %dma_wait3A_655 = tpu.memref_slice %arg6[%mul3A_0, %dma_wait3A] : memref<10240x16xf32, #tpu.memory_space<hbm>> -> memref<640x16xf32, #tpu.memory_space<hbm>>
        %dma_wait3A_656 = arith.constant 0 : i32
        %dma_wait3A_657 = tpu.memref_slice %arg6[%mul3A_0, %dma_wait3A_656] : memref<10240x16xf32, #tpu.memory_space<hbm>> -> memref<640x16xf32, #tpu.memory_space<hbm>>
        tpu.wait_dma2 semaphore(%run_scoped3A : memref<!tpu.dma_semaphore, #tpu.memory_space<semaphore_mem>>) src(%arg10 : memref<640x16xf32, #tpu.memory_space<vmem>>) dst(%dma_wait3A_657 : memref<640x16xf32, #tpu.memory_space<hbm>>)
        tpu.yield
      }) : () -> ()
    } else {
    }
    return
  }
}

#map = affine_map<(d0, d1) -> (0)>
#map1 = affine_map<(d0, d1) -> (0, 0)>
#map2 = affine_map<(d0, d1) -> (0, 0, 0)>
module attributes {stable_mosaic.version = 14 : i64} {
  func.func @_edge_agg_body(%arg0: i32, %arg1: i32, %arg2: memref<160000xi32, #tpu.memory_space<hbm>>, %arg3: memref<160000xi32, #tpu.memory_space<hbm>>, %arg4: memref<160000xi32, #tpu.memory_space<hbm>>, %arg5: memref<1024x128xf32, #tpu.memory_space<hbm>>, %arg6: memref<1024x128xf32, #tpu.memory_space<hbm>>, %arg7: memref<320x128xf32, #tpu.memory_space<hbm>>, %arg8: memref<2x10240x128xf32, #tpu.memory_space<hbm>>, %arg9: memref<5128x128xf32, #tpu.memory_space<vmem_shared>>, %arg10: memref<80xi32, #tpu.memory_space<vmem>>, %arg11: memref<80xi32, #tpu.memory_space<vmem>>, %arg12: memref<80xi32, #tpu.memory_space<vmem>>, %arg13: memref<80xi32, #tpu.memory_space<vmem>>, %arg14: memref<80xi32, #tpu.memory_space<vmem>>, %arg15: memref<80x128xf32, #tpu.memory_space<vmem>>, %arg16: memref<320x128xf32, #tpu.memory_space<vmem>>, %arg17: memref<!tpu.dma_semaphore, #tpu.memory_space<semaphore_mem>>) attributes {dimension_semantics = [#tpu.dimension_semantics<core_parallel>, #tpu.dimension_semantics<subcore_parallel>], iteration_bounds = array<i64: 2, 16>, scalar_prefetch = 0 : i64, scratch_operands = 9 : i64, tpu.core_type = #tpu.core_type<sc_vector_subcore>, window_params = [{transform_indices = #map}, {transform_indices = #map}, {transform_indices = #map}, {transform_indices = #map1}, {transform_indices = #map1}, {transform_indices = #map1}, {transform_indices = #map2}]} {
    "tpu.region"() ({
      %run_scoped3A = tpu.sem_alloc : memref<!tpu.dma_semaphore, #tpu.memory_space<semaphore_mem>>
      tpu.enqueue_dma source(%arg7 : memref<320x128xf32, #tpu.memory_space<hbm>>) target(%arg16 : memref<320x128xf32, #tpu.memory_space<vmem>>) target_semaphore(%run_scoped3A : memref<!tpu.dma_semaphore, #tpu.memory_space<semaphore_mem>>)
      tpu.wait_dma2 semaphore(%run_scoped3A : memref<!tpu.dma_semaphore, #tpu.memory_space<semaphore_mem>>) src(%arg7 : memref<320x128xf32, #tpu.memory_space<hbm>>) dst(%arg16 : memref<320x128xf32, #tpu.memory_space<vmem>>)
      tpu.yield
    }) : () -> ()
    %mul3A = arith.constant 320 : i32
    %mul3A_0 = arith.muli %arg1, %mul3A : i32
    "tpu.region"() ({
      %run_scoped3A = tpu.sem_alloc : memref<!tpu.dma_semaphore, #tpu.memory_space<semaphore_mem>>
      %dma_start3A = arith.constant 0 : i32
      %dma_start3A_35 = tpu.memref_slice %arg9[%mul3A_0, %dma_start3A] : memref<5128x128xf32, #tpu.memory_space<vmem_shared>> -> memref<320x128xf32, #tpu.memory_space<vmem_shared>>
      %dma_start3A_36 = arith.constant 0 : i32
      %dma_start3A_37 = tpu.memref_slice %arg9[%mul3A_0, %dma_start3A_36] : memref<5128x128xf32, #tpu.memory_space<vmem_shared>> -> memref<320x128xf32, #tpu.memory_space<vmem_shared>>
      tpu.enqueue_dma source(%arg16 : memref<320x128xf32, #tpu.memory_space<vmem>>) target(%dma_start3A_37 : memref<320x128xf32, #tpu.memory_space<vmem_shared>>) target_semaphore(%run_scoped3A : memref<!tpu.dma_semaphore, #tpu.memory_space<semaphore_mem>>)
      %dma_wait3A = arith.constant 0 : i32
      %dma_wait3A_38 = tpu.memref_slice %arg9[%mul3A_0, %dma_wait3A] : memref<5128x128xf32, #tpu.memory_space<vmem_shared>> -> memref<320x128xf32, #tpu.memory_space<vmem_shared>>
      %dma_wait3A_39 = arith.constant 0 : i32
      %dma_wait3A_40 = tpu.memref_slice %arg9[%mul3A_0, %dma_wait3A_39] : memref<5128x128xf32, #tpu.memory_space<vmem_shared>> -> memref<320x128xf32, #tpu.memory_space<vmem_shared>>
      tpu.wait_dma2 semaphore(%run_scoped3A : memref<!tpu.dma_semaphore, #tpu.memory_space<semaphore_mem>>) src(%arg16 : memref<320x128xf32, #tpu.memory_space<vmem>>) dst(%dma_wait3A_40 : memref<320x128xf32, #tpu.memory_space<vmem_shared>>)
      tpu.yield
    }) : () -> ()
    %eq3A = arith.constant 0 : i32
    %eq3A_1 = arith.cmpi eq, %arg1, %eq3A : i32
    %convert_element_type3A = arith.extui %eq3A_1 : i1 to i32
    %cond3A = arith.constant 0 : i32
    %cond3A_2 = arith.cmpi ne, %convert_element_type3A, %cond3A : i32
    scf.if %cond3A_2 {
      "tpu.region"() ({
        %run_scoped3A = tpu.sem_alloc : memref<!tpu.dma_semaphore, #tpu.memory_space<semaphore_mem>>
        %dma_start3A = arith.constant 5120 : i32
        %dma_start3A_35 = arith.constant 0 : i32
        %dma_start3A_36 = tpu.memref_slice %arg9[%dma_start3A, %dma_start3A_35] : memref<5128x128xf32, #tpu.memory_space<vmem_shared>> -> memref<8x128xf32, #tpu.memory_space<vmem_shared>>
        %dma_start3A_37 = arith.constant 0 : i32
        %dma_start3A_38 = arith.constant 0 : i32
        %dma_start3A_39 = tpu.memref_slice %arg7[%dma_start3A_37, %dma_start3A_38] : memref<320x128xf32, #tpu.memory_space<hbm>> -> memref<8x128xf32, #tpu.memory_space<hbm>>
        tpu.enqueue_dma source(%dma_start3A_39 : memref<8x128xf32, #tpu.memory_space<hbm>>) target(%dma_start3A_36 : memref<8x128xf32, #tpu.memory_space<vmem_shared>>) target_semaphore(%run_scoped3A : memref<!tpu.dma_semaphore, #tpu.memory_space<semaphore_mem>>)
        %dma_wait3A = arith.constant 5120 : i32
        %dma_wait3A_40 = arith.constant 0 : i32
        %dma_wait3A_41 = tpu.memref_slice %arg9[%dma_wait3A, %dma_wait3A_40] : memref<5128x128xf32, #tpu.memory_space<vmem_shared>> -> memref<8x128xf32, #tpu.memory_space<vmem_shared>>
        %dma_wait3A_42 = arith.constant 0 : i32
        %dma_wait3A_43 = arith.constant 0 : i32
        %dma_wait3A_44 = tpu.memref_slice %arg7[%dma_wait3A_42, %dma_wait3A_43] : memref<320x128xf32, #tpu.memory_space<hbm>> -> memref<8x128xf32, #tpu.memory_space<hbm>>
        tpu.wait_dma2 semaphore(%run_scoped3A : memref<!tpu.dma_semaphore, #tpu.memory_space<semaphore_mem>>) src(%dma_wait3A_44 : memref<8x128xf32, #tpu.memory_space<hbm>>) dst(%dma_wait3A_41 : memref<8x128xf32, #tpu.memory_space<vmem_shared>>)
        tpu.yield
      }) : () -> ()
    } else {
    }
    %barrier3A = arith.constant 0 : index
    tpu.barrier barrier_id(%barrier3A)
    %scan3A = arith.constant 0 : i32
    %scan3A_3 = arith.constant 0 : i32
    %scan3A_4 = arith.constant 125 : i32
    %scan3A_5 = arith.addi %scan3A_3, %scan3A_4 : i32
    %scan3A_6 = arith.constant 1 : i32
    scf.for %scan3A_35 = %scan3A_3 to %scan3A_5 step %scan3A_6  : i32 {
      %mul3A_36 = arith.constant 10000 : i32
      %mul3A_37 = arith.muli %arg1, %mul3A_36 : i32
      %mul3A_38 = arith.constant 80 : i32
      %mul3A_39 = arith.muli %scan3A_35, %mul3A_38 : i32
      %add3A_40 = arith.addi %mul3A_37, %mul3A_39 : i32
      "tpu.region"() ({
        %run_scoped3A = tpu.sem_alloc : memref<!tpu.dma_semaphore, #tpu.memory_space<semaphore_mem>>
        %dma_start3A = tpu.memref_slice %arg2[%add3A_40] : memref<160000xi32, #tpu.memory_space<hbm>> -> memref<80xi32, #tpu.memory_space<hbm>>
        %dma_start3A_212 = tpu.memref_slice %arg2[%add3A_40] : memref<160000xi32, #tpu.memory_space<hbm>> -> memref<80xi32, #tpu.memory_space<hbm>>
        tpu.enqueue_dma source(%dma_start3A_212 : memref<80xi32, #tpu.memory_space<hbm>>) target(%arg10 : memref<80xi32, #tpu.memory_space<vmem>>) target_semaphore(%run_scoped3A : memref<!tpu.dma_semaphore, #tpu.memory_space<semaphore_mem>>)
        %dma_wait3A = tpu.memref_slice %arg2[%add3A_40] : memref<160000xi32, #tpu.memory_space<hbm>> -> memref<80xi32, #tpu.memory_space<hbm>>
        %dma_wait3A_213 = tpu.memref_slice %arg2[%add3A_40] : memref<160000xi32, #tpu.memory_space<hbm>> -> memref<80xi32, #tpu.memory_space<hbm>>
        tpu.wait_dma2 semaphore(%run_scoped3A : memref<!tpu.dma_semaphore, #tpu.memory_space<semaphore_mem>>) src(%dma_wait3A_213 : memref<80xi32, #tpu.memory_space<hbm>>) dst(%arg10 : memref<80xi32, #tpu.memory_space<vmem>>)
        tpu.yield
      }) : () -> ()
      "tpu.region"() ({
        %run_scoped3A = tpu.sem_alloc : memref<!tpu.dma_semaphore, #tpu.memory_space<semaphore_mem>>
        %dma_start3A = tpu.memref_slice %arg3[%add3A_40] : memref<160000xi32, #tpu.memory_space<hbm>> -> memref<80xi32, #tpu.memory_space<hbm>>
        %dma_start3A_212 = tpu.memref_slice %arg3[%add3A_40] : memref<160000xi32, #tpu.memory_space<hbm>> -> memref<80xi32, #tpu.memory_space<hbm>>
        tpu.enqueue_dma source(%dma_start3A_212 : memref<80xi32, #tpu.memory_space<hbm>>) target(%arg11 : memref<80xi32, #tpu.memory_space<vmem>>) target_semaphore(%run_scoped3A : memref<!tpu.dma_semaphore, #tpu.memory_space<semaphore_mem>>)
        %dma_wait3A = tpu.memref_slice %arg3[%add3A_40] : memref<160000xi32, #tpu.memory_space<hbm>> -> memref<80xi32, #tpu.memory_space<hbm>>
        %dma_wait3A_213 = tpu.memref_slice %arg3[%add3A_40] : memref<160000xi32, #tpu.memory_space<hbm>> -> memref<80xi32, #tpu.memory_space<hbm>>
        tpu.wait_dma2 semaphore(%run_scoped3A : memref<!tpu.dma_semaphore, #tpu.memory_space<semaphore_mem>>) src(%dma_wait3A_213 : memref<80xi32, #tpu.memory_space<hbm>>) dst(%arg11 : memref<80xi32, #tpu.memory_space<vmem>>)
        tpu.yield
      }) : () -> ()
      "tpu.region"() ({
        %run_scoped3A = tpu.sem_alloc : memref<!tpu.dma_semaphore, #tpu.memory_space<semaphore_mem>>
        %dma_start3A = tpu.memref_slice %arg4[%add3A_40] : memref<160000xi32, #tpu.memory_space<hbm>> -> memref<80xi32, #tpu.memory_space<hbm>>
        %dma_start3A_212 = tpu.memref_slice %arg4[%add3A_40] : memref<160000xi32, #tpu.memory_space<hbm>> -> memref<80xi32, #tpu.memory_space<hbm>>
        tpu.enqueue_dma source(%dma_start3A_212 : memref<80xi32, #tpu.memory_space<hbm>>) target(%arg13 : memref<80xi32, #tpu.memory_space<vmem>>) target_semaphore(%run_scoped3A : memref<!tpu.dma_semaphore, #tpu.memory_space<semaphore_mem>>)
        %dma_wait3A = tpu.memref_slice %arg4[%add3A_40] : memref<160000xi32, #tpu.memory_space<hbm>> -> memref<80xi32, #tpu.memory_space<hbm>>
        %dma_wait3A_213 = tpu.memref_slice %arg4[%add3A_40] : memref<160000xi32, #tpu.memory_space<hbm>> -> memref<80xi32, #tpu.memory_space<hbm>>
        tpu.wait_dma2 semaphore(%run_scoped3A : memref<!tpu.dma_semaphore, #tpu.memory_space<semaphore_mem>>) src(%dma_wait3A_213 : memref<80xi32, #tpu.memory_space<hbm>>) dst(%arg13 : memref<80xi32, #tpu.memory_space<vmem>>)
        tpu.yield
      }) : () -> ()
      %get3A = arith.constant 0 : index
      %get3A_41 = tpu.vector_load %arg10[%get3A] {strides = array<i32>} : memref<80xi32, #tpu.memory_space<vmem>>, vector<16xi32>,
      %get3A_42 = vector.shape_cast %get3A_41 : vector<16xi32> to vector<16xi32>
      %get3A_43 = arith.constant 0 : index
      %get3A_44 = tpu.vector_load %arg11[%get3A_43] {strides = array<i32>} : memref<80xi32, #tpu.memory_space<vmem>>, vector<16xi32>,
      %get3A_45 = vector.shape_cast %get3A_44 : vector<16xi32> to vector<16xi32>
      %mul3A_46 = arith.constant 500 : i32
      %mul3A_47 = vector.broadcast %mul3A_46 : i32 to vector<16xi32>
      %mul3A_48 = arith.muli %mul3A_47, %get3A_45 : vector<16xi32>
      %add3A_49 = arith.addi %get3A_42, %mul3A_48 : vector<16xi32>
      %swap3A = arith.constant 0 : index
      %swap3A_50 = tpu.vector_load %arg12[%swap3A] {strides = array<i32>} : memref<80xi32, #tpu.memory_space<vmem>>, vector<16xi32>,
      %swap3A_51 = vector.shape_cast %swap3A_50 : vector<16xi32> to vector<16xi32>
      %swap3A_52 = vector.shape_cast %add3A_49 : vector<16xi32> to vector<16xi32>
      tpu.vector_store %arg12[%swap3A], %swap3A_52 {strides = array<i32>} : memref<80xi32, #tpu.memory_space<vmem>>, vector<16xi32>,
      %get3A_53 = arith.constant 0 : index
      %get3A_54 = tpu.vector_load %arg13[%get3A_53] {strides = array<i32>} : memref<80xi32, #tpu.memory_space<vmem>>, vector<16xi32>,
      %get3A_55 = vector.shape_cast %get3A_54 : vector<16xi32> to vector<16xi32>
      %sub3A = arith.constant 0 : i32
      %sub3A_56 = vector.broadcast %sub3A : i32 to vector<16xi32>
      %sub3A_57 = arith.subi %get3A_55, %sub3A_56 : vector<16xi32>
      %ge3A = arith.constant 0 : i32
      %ge3A_58 = vector.broadcast %ge3A : i32 to vector<16xi32>
      %ge3A_59 = arith.cmpi sge, %sub3A_57, %ge3A_58 : vector<16xi32>
      %lt3A = arith.constant 5120 : i32
      %lt3A_60 = vector.broadcast %lt3A : i32 to vector<16xi32>
      %lt3A_61 = arith.cmpi slt, %sub3A_57, %lt3A_60 : vector<16xi32>
      %and3A = arith.andi %ge3A_59, %lt3A_61 : vector<16xi1>
      %jit3A = arith.constant 5120 : i32
      %broadcast_in_dim3A = vector.broadcast %jit3A : i32 to vector<16xi32>
      %select_n3A = arith.select %and3A, %sub3A_57, %broadcast_in_dim3A : vector<16xi1>, vector<16xi32>
      %swap3A_62 = arith.constant 0 : index
      %swap3A_63 = tpu.vector_load %arg14[%swap3A_62] {strides = array<i32>} : memref<80xi32, #tpu.memory_space<vmem>>, vector<16xi32>,
      %swap3A_64 = vector.shape_cast %swap3A_63 : vector<16xi32> to vector<16xi32>
      %swap3A_65 = vector.shape_cast %select_n3A : vector<16xi32> to vector<16xi32>
      tpu.vector_store %arg14[%swap3A_62], %swap3A_65 {strides = array<i32>} : memref<80xi32, #tpu.memory_space<vmem>>, vector<16xi32>,
      %get3A_66 = arith.constant 16 : index
      %get3A_67 = tpu.vector_load %arg10[%get3A_66] {strides = array<i32>} : memref<80xi32, #tpu.memory_space<vmem>>, vector<16xi32>,
      %get3A_68 = vector.shape_cast %get3A_67 : vector<16xi32> to vector<16xi32>
      %get3A_69 = arith.constant 16 : index
      %get3A_70 = tpu.vector_load %arg11[%get3A_69] {strides = array<i32>} : memref<80xi32, #tpu.memory_space<vmem>>, vector<16xi32>,
      %get3A_71 = vector.shape_cast %get3A_70 : vector<16xi32> to vector<16xi32>
      %mul3A_72 = arith.constant 500 : i32
      %mul3A_73 = vector.broadcast %mul3A_72 : i32 to vector<16xi32>
      %mul3A_74 = arith.muli %mul3A_73, %get3A_71 : vector<16xi32>
      %add3A_75 = arith.addi %get3A_68, %mul3A_74 : vector<16xi32>
      %swap3A_76 = arith.constant 16 : index
      %swap3A_77 = tpu.vector_load %arg12[%swap3A_76] {strides = array<i32>} : memref<80xi32, #tpu.memory_space<vmem>>, vector<16xi32>,
      %swap3A_78 = vector.shape_cast %swap3A_77 : vector<16xi32> to vector<16xi32>
      %swap3A_79 = vector.shape_cast %add3A_75 : vector<16xi32> to vector<16xi32>
      tpu.vector_store %arg12[%swap3A_76], %swap3A_79 {strides = array<i32>} : memref<80xi32, #tpu.memory_space<vmem>>, vector<16xi32>,
      %get3A_80 = arith.constant 16 : index
      %get3A_81 = tpu.vector_load %arg13[%get3A_80] {strides = array<i32>} : memref<80xi32, #tpu.memory_space<vmem>>, vector<16xi32>,
      %get3A_82 = vector.shape_cast %get3A_81 : vector<16xi32> to vector<16xi32>
      %sub3A_83 = arith.constant 0 : i32
      %sub3A_84 = vector.broadcast %sub3A_83 : i32 to vector<16xi32>
      %sub3A_85 = arith.subi %get3A_82, %sub3A_84 : vector<16xi32>
      %ge3A_86 = arith.constant 0 : i32
      %ge3A_87 = vector.broadcast %ge3A_86 : i32 to vector<16xi32>
      %ge3A_88 = arith.cmpi sge, %sub3A_85, %ge3A_87 : vector<16xi32>
      %lt3A_89 = arith.constant 5120 : i32
      %lt3A_90 = vector.broadcast %lt3A_89 : i32 to vector<16xi32>
      %lt3A_91 = arith.cmpi slt, %sub3A_85, %lt3A_90 : vector<16xi32>
      %and3A_92 = arith.andi %ge3A_88, %lt3A_91 : vector<16xi1>
      %jit3A_93 = arith.constant 5120 : i32
      %broadcast_in_dim3A_94 = vector.broadcast %jit3A_93 : i32 to vector<16xi32>
      %select_n3A_95 = arith.select %and3A_92, %sub3A_85, %broadcast_in_dim3A_94 : vector<16xi1>, vector<16xi32>
      %swap3A_96 = arith.constant 16 : index
      %swap3A_97 = tpu.vector_load %arg14[%swap3A_96] {strides = array<i32>} : memref<80xi32, #tpu.memory_space<vmem>>, vector<16xi32>,
      %swap3A_98 = vector.shape_cast %swap3A_97 : vector<16xi32> to vector<16xi32>
      %swap3A_99 = vector.shape_cast %select_n3A_95 : vector<16xi32> to vector<16xi32>
      tpu.vector_store %arg14[%swap3A_96], %swap3A_99 {strides = array<i32>} : memref<80xi32, #tpu.memory_space<vmem>>, vector<16xi32>,
      %get3A_100 = arith.constant 32 : index
      %get3A_101 = tpu.vector_load %arg10[%get3A_100] {strides = array<i32>} : memref<80xi32, #tpu.memory_space<vmem>>, vector<16xi32>,
      %get3A_102 = vector.shape_cast %get3A_101 : vector<16xi32> to vector<16xi32>
      %get3A_103 = arith.constant 32 : index
      %get3A_104 = tpu.vector_load %arg11[%get3A_103] {strides = array<i32>} : memref<80xi32, #tpu.memory_space<vmem>>, vector<16xi32>,
      %get3A_105 = vector.shape_cast %get3A_104 : vector<16xi32> to vector<16xi32>
      %mul3A_106 = arith.constant 500 : i32
      %mul3A_107 = vector.broadcast %mul3A_106 : i32 to vector<16xi32>
      %mul3A_108 = arith.muli %mul3A_107, %get3A_105 : vector<16xi32>
      %add3A_109 = arith.addi %get3A_102, %mul3A_108 : vector<16xi32>
      %swap3A_110 = arith.constant 32 : index
      %swap3A_111 = tpu.vector_load %arg12[%swap3A_110] {strides = array<i32>} : memref<80xi32, #tpu.memory_space<vmem>>, vector<16xi32>,
      %swap3A_112 = vector.shape_cast %swap3A_111 : vector<16xi32> to vector<16xi32>
      %swap3A_113 = vector.shape_cast %add3A_109 : vector<16xi32> to vector<16xi32>
      tpu.vector_store %arg12[%swap3A_110], %swap3A_113 {strides = array<i32>} : memref<80xi32, #tpu.memory_space<vmem>>, vector<16xi32>,
      %get3A_114 = arith.constant 32 : index
      %get3A_115 = tpu.vector_load %arg13[%get3A_114] {strides = array<i32>} : memref<80xi32, #tpu.memory_space<vmem>>, vector<16xi32>,
      %get3A_116 = vector.shape_cast %get3A_115 : vector<16xi32> to vector<16xi32>
      %sub3A_117 = arith.constant 0 : i32
      %sub3A_118 = vector.broadcast %sub3A_117 : i32 to vector<16xi32>
      %sub3A_119 = arith.subi %get3A_116, %sub3A_118 : vector<16xi32>
      %ge3A_120 = arith.constant 0 : i32
      %ge3A_121 = vector.broadcast %ge3A_120 : i32 to vector<16xi32>
      %ge3A_122 = arith.cmpi sge, %sub3A_119, %ge3A_121 : vector<16xi32>
      %lt3A_123 = arith.constant 5120 : i32
      %lt3A_124 = vector.broadcast %lt3A_123 : i32 to vector<16xi32>
      %lt3A_125 = arith.cmpi slt, %sub3A_119, %lt3A_124 : vector<16xi32>
      %and3A_126 = arith.andi %ge3A_122, %lt3A_125 : vector<16xi1>
      %jit3A_127 = arith.constant 5120 : i32
      %broadcast_in_dim3A_128 = vector.broadcast %jit3A_127 : i32 to vector<16xi32>
      %select_n3A_129 = arith.select %and3A_126, %sub3A_119, %broadcast_in_dim3A_128 : vector<16xi1>, vector<16xi32>
      %swap3A_130 = arith.constant 32 : index
      %swap3A_131 = tpu.vector_load %arg14[%swap3A_130] {strides = array<i32>} : memref<80xi32, #tpu.memory_space<vmem>>, vector<16xi32>,
      %swap3A_132 = vector.shape_cast %swap3A_131 : vector<16xi32> to vector<16xi32>
      %swap3A_133 = vector.shape_cast %select_n3A_129 : vector<16xi32> to vector<16xi32>
      tpu.vector_store %arg14[%swap3A_130], %swap3A_133 {strides = array<i32>} : memref<80xi32, #tpu.memory_space<vmem>>, vector<16xi32>,
      %get3A_134 = arith.constant 48 : index
      %get3A_135 = tpu.vector_load %arg10[%get3A_134] {strides = array<i32>} : memref<80xi32, #tpu.memory_space<vmem>>, vector<16xi32>,
      %get3A_136 = vector.shape_cast %get3A_135 : vector<16xi32> to vector<16xi32>
      %get3A_137 = arith.constant 48 : index
      %get3A_138 = tpu.vector_load %arg11[%get3A_137] {strides = array<i32>} : memref<80xi32, #tpu.memory_space<vmem>>, vector<16xi32>,
      %get3A_139 = vector.shape_cast %get3A_138 : vector<16xi32> to vector<16xi32>
      %mul3A_140 = arith.constant 500 : i32
      %mul3A_141 = vector.broadcast %mul3A_140 : i32 to vector<16xi32>
      %mul3A_142 = arith.muli %mul3A_141, %get3A_139 : vector<16xi32>
      %add3A_143 = arith.addi %get3A_136, %mul3A_142 : vector<16xi32>
      %swap3A_144 = arith.constant 48 : index
      %swap3A_145 = tpu.vector_load %arg12[%swap3A_144] {strides = array<i32>} : memref<80xi32, #tpu.memory_space<vmem>>, vector<16xi32>,
      %swap3A_146 = vector.shape_cast %swap3A_145 : vector<16xi32> to vector<16xi32>
      %swap3A_147 = vector.shape_cast %add3A_143 : vector<16xi32> to vector<16xi32>
      tpu.vector_store %arg12[%swap3A_144], %swap3A_147 {strides = array<i32>} : memref<80xi32, #tpu.memory_space<vmem>>, vector<16xi32>,
      %get3A_148 = arith.constant 48 : index
      %get3A_149 = tpu.vector_load %arg13[%get3A_148] {strides = array<i32>} : memref<80xi32, #tpu.memory_space<vmem>>, vector<16xi32>,
      %get3A_150 = vector.shape_cast %get3A_149 : vector<16xi32> to vector<16xi32>
      %sub3A_151 = arith.constant 0 : i32
      %sub3A_152 = vector.broadcast %sub3A_151 : i32 to vector<16xi32>
      %sub3A_153 = arith.subi %get3A_150, %sub3A_152 : vector<16xi32>
      %ge3A_154 = arith.constant 0 : i32
      %ge3A_155 = vector.broadcast %ge3A_154 : i32 to vector<16xi32>
      %ge3A_156 = arith.cmpi sge, %sub3A_153, %ge3A_155 : vector<16xi32>
      %lt3A_157 = arith.constant 5120 : i32
      %lt3A_158 = vector.broadcast %lt3A_157 : i32 to vector<16xi32>
      %lt3A_159 = arith.cmpi slt, %sub3A_153, %lt3A_158 : vector<16xi32>
      %and3A_160 = arith.andi %ge3A_156, %lt3A_159 : vector<16xi1>
      %jit3A_161 = arith.constant 5120 : i32
      %broadcast_in_dim3A_162 = vector.broadcast %jit3A_161 : i32 to vector<16xi32>
      %select_n3A_163 = arith.select %and3A_160, %sub3A_153, %broadcast_in_dim3A_162 : vector<16xi1>, vector<16xi32>
      %swap3A_164 = arith.constant 48 : index
      %swap3A_165 = tpu.vector_load %arg14[%swap3A_164] {strides = array<i32>} : memref<80xi32, #tpu.memory_space<vmem>>, vector<16xi32>,
      %swap3A_166 = vector.shape_cast %swap3A_165 : vector<16xi32> to vector<16xi32>
      %swap3A_167 = vector.shape_cast %select_n3A_163 : vector<16xi32> to vector<16xi32>
      tpu.vector_store %arg14[%swap3A_164], %swap3A_167 {strides = array<i32>} : memref<80xi32, #tpu.memory_space<vmem>>, vector<16xi32>,
      %get3A_168 = arith.constant 64 : index
      %get3A_169 = tpu.vector_load %arg10[%get3A_168] {strides = array<i32>} : memref<80xi32, #tpu.memory_space<vmem>>, vector<16xi32>,
      %get3A_170 = vector.shape_cast %get3A_169 : vector<16xi32> to vector<16xi32>
      %get3A_171 = arith.constant 64 : index
      %get3A_172 = tpu.vector_load %arg11[%get3A_171] {strides = array<i32>} : memref<80xi32, #tpu.memory_space<vmem>>, vector<16xi32>,
      %get3A_173 = vector.shape_cast %get3A_172 : vector<16xi32> to vector<16xi32>
      %mul3A_174 = arith.constant 500 : i32
      %mul3A_175 = vector.broadcast %mul3A_174 : i32 to vector<16xi32>
      %mul3A_176 = arith.muli %mul3A_175, %get3A_173 : vector<16xi32>
      %add3A_177 = arith.addi %get3A_170, %mul3A_176 : vector<16xi32>
      %swap3A_178 = arith.constant 64 : index
      %swap3A_179 = tpu.vector_load %arg12[%swap3A_178] {strides = array<i32>} : memref<80xi32, #tpu.memory_space<vmem>>, vector<16xi32>,
      %swap3A_180 = vector.shape_cast %swap3A_179 : vector<16xi32> to vector<16xi32>
      %swap3A_181 = vector.shape_cast %add3A_177 : vector<16xi32> to vector<16xi32>
      tpu.vector_store %arg12[%swap3A_178], %swap3A_181 {strides = array<i32>} : memref<80xi32, #tpu.memory_space<vmem>>, vector<16xi32>,
      %get3A_182 = arith.constant 64 : index
      %get3A_183 = tpu.vector_load %arg13[%get3A_182] {strides = array<i32>} : memref<80xi32, #tpu.memory_space<vmem>>, vector<16xi32>,
      %get3A_184 = vector.shape_cast %get3A_183 : vector<16xi32> to vector<16xi32>
      %sub3A_185 = arith.constant 0 : i32
      %sub3A_186 = vector.broadcast %sub3A_185 : i32 to vector<16xi32>
      %sub3A_187 = arith.subi %get3A_184, %sub3A_186 : vector<16xi32>
      %ge3A_188 = arith.constant 0 : i32
      %ge3A_189 = vector.broadcast %ge3A_188 : i32 to vector<16xi32>
      %ge3A_190 = arith.cmpi sge, %sub3A_187, %ge3A_189 : vector<16xi32>
      %lt3A_191 = arith.constant 5120 : i32
      %lt3A_192 = vector.broadcast %lt3A_191 : i32 to vector<16xi32>
      %lt3A_193 = arith.cmpi slt, %sub3A_187, %lt3A_192 : vector<16xi32>
      %and3A_194 = arith.andi %ge3A_190, %lt3A_193 : vector<16xi1>
      %jit3A_195 = arith.constant 5120 : i32
      %broadcast_in_dim3A_196 = vector.broadcast %jit3A_195 : i32 to vector<16xi32>
      %select_n3A_197 = arith.select %and3A_194, %sub3A_187, %broadcast_in_dim3A_196 : vector<16xi1>, vector<16xi32>
      %swap3A_198 = arith.constant 64 : index
      %swap3A_199 = tpu.vector_load %arg14[%swap3A_198] {strides = array<i32>} : memref<80xi32, #tpu.memory_space<vmem>>, vector<16xi32>,
      %swap3A_200 = vector.shape_cast %swap3A_199 : vector<16xi32> to vector<16xi32>
      %swap3A_201 = vector.shape_cast %select_n3A_197 : vector<16xi32> to vector<16xi32>
      tpu.vector_store %arg14[%swap3A_198], %swap3A_201 {strides = array<i32>} : memref<80xi32, #tpu.memory_space<vmem>>, vector<16xi32>,
      %eq3A_202 = arith.constant 0 : i32
      %eq3A_203 = arith.cmpi eq, %arg0, %eq3A_202 : i32
      %convert_element_type3A_204 = arith.extui %eq3A_203 : i1 to i32
      %cond3A_205 = arith.constant 0 : i32
      %cond3A_206 = arith.cmpi ne, %convert_element_type3A_204, %cond3A_205 : i32
      scf.if %cond3A_206 {
        %dma_start3A = arith.constant 0 : i32
        %dma_start3A_212 = arith.constant 0 : i32
        %dma_start3A_213 = tpu.memref_slice %arg5[%dma_start3A, %dma_start3A_212] : memref<1024x128xf32, #tpu.memory_space<hbm>> -> memref<1024x128xf32, #tpu.memory_space<hbm>>
        tpu.enqueue_indirect_dma source(%dma_start3A_213 : memref<1024x128xf32, #tpu.memory_space<hbm>>) target(%arg15 : memref<80x128xf32, #tpu.memory_space<vmem>>) offsets(%arg12 : memref<80xi32, #tpu.memory_space<vmem>>) semaphore(%arg17 : memref<!tpu.dma_semaphore, #tpu.memory_space<semaphore_mem>>)
        %dma_wait3A = arith.constant 0 : i32
        %dma_wait3A_214 = arith.constant 0 : i32
        %dma_wait3A_215 = tpu.memref_slice %arg5[%dma_wait3A, %dma_wait3A_214] : memref<1024x128xf32, #tpu.memory_space<hbm>> -> memref<1024x128xf32, #tpu.memory_space<hbm>>
        tpu.wait_indirect_dma semaphore(%arg17 : memref<!tpu.dma_semaphore, #tpu.memory_space<semaphore_mem>>) src(%dma_wait3A_215 : memref<1024x128xf32, #tpu.memory_space<hbm>>) dst(%arg15 : memref<80x128xf32, #tpu.memory_space<vmem>>)
      } else {
      }
      %eq3A_207 = arith.constant 1 : i32
      %eq3A_208 = arith.cmpi eq, %arg0, %eq3A_207 : i32
      %convert_element_type3A_209 = arith.extui %eq3A_208 : i1 to i32
      %cond3A_210 = arith.constant 0 : i32
      %cond3A_211 = arith.cmpi ne, %convert_element_type3A_209, %cond3A_210 : i32
      scf.if %cond3A_211 {
        %dma_start3A = arith.constant 0 : i32
        %dma_start3A_212 = arith.constant 0 : i32
        %dma_start3A_213 = tpu.memref_slice %arg6[%dma_start3A, %dma_start3A_212] : memref<1024x128xf32, #tpu.memory_space<hbm>> -> memref<1024x128xf32, #tpu.memory_space<hbm>>
        tpu.enqueue_indirect_dma source(%dma_start3A_213 : memref<1024x128xf32, #tpu.memory_space<hbm>>) target(%arg15 : memref<80x128xf32, #tpu.memory_space<vmem>>) offsets(%arg12 : memref<80xi32, #tpu.memory_space<vmem>>) semaphore(%arg17 : memref<!tpu.dma_semaphore, #tpu.memory_space<semaphore_mem>>)
        %dma_wait3A = arith.constant 0 : i32
        %dma_wait3A_214 = arith.constant 0 : i32
        %dma_wait3A_215 = tpu.memref_slice %arg6[%dma_wait3A, %dma_wait3A_214] : memref<1024x128xf32, #tpu.memory_space<hbm>> -> memref<1024x128xf32, #tpu.memory_space<hbm>>
        tpu.wait_indirect_dma semaphore(%arg17 : memref<!tpu.dma_semaphore, #tpu.memory_space<semaphore_mem>>) src(%dma_wait3A_215 : memref<1024x128xf32, #tpu.memory_space<hbm>>) dst(%arg15 : memref<80x128xf32, #tpu.memory_space<vmem>>)
      } else {
      }
      "tpu.region"() ({
        %run_scoped3A = tpu.sem_alloc : memref<!tpu.dma_semaphore, #tpu.memory_space<semaphore_mem>>
        %dma_start3A = arith.constant 0 : i32
        %dma_start3A_212 = arith.constant 0 : i32
        %dma_start3A_213 = tpu.memref_slice %arg9[%dma_start3A, %dma_start3A_212] : memref<5128x128xf32, #tpu.memory_space<vmem_shared>> -> memref<5128x128xf32, #tpu.memory_space<vmem_shared>>
        tpu.enqueue_indirect_dma source(%arg15 : memref<80x128xf32, #tpu.memory_space<vmem>>) target(%dma_start3A_213 : memref<5128x128xf32, #tpu.memory_space<vmem_shared>>) offsets(%arg14 : memref<80xi32, #tpu.memory_space<vmem>>) semaphore(%run_scoped3A : memref<!tpu.dma_semaphore, #tpu.memory_space<semaphore_mem>>) {add = true}
        %dma_wait3A = arith.constant 0 : i32
        %dma_wait3A_214 = arith.constant 0 : i32
        %dma_wait3A_215 = tpu.memref_slice %arg9[%dma_wait3A, %dma_wait3A_214] : memref<5128x128xf32, #tpu.memory_space<vmem_shared>> -> memref<5128x128xf32, #tpu.memory_space<vmem_shared>>
        tpu.wait_indirect_dma semaphore(%run_scoped3A : memref<!tpu.dma_semaphore, #tpu.memory_space<semaphore_mem>>) src(%arg15 : memref<80x128xf32, #tpu.memory_space<vmem>>) dst(%dma_wait3A_215 : memref<5128x128xf32, #tpu.memory_space<vmem_shared>>)
        tpu.yield
      }) : () -> ()
    }
    %scan3A_7 = arith.constant 125 : i32
    %barrier3A_8 = arith.constant 0 : index
    tpu.barrier barrier_id(%barrier3A_8)
    %mul3A_9 = arith.constant 320 : i32
    %mul3A_10 = arith.muli %arg1, %mul3A_9 : i32
    "tpu.region"() ({
      %run_scoped3A = tpu.sem_alloc : memref<!tpu.dma_semaphore, #tpu.memory_space<semaphore_mem>>
      %dma_start3A = arith.constant 0 : i32
      %dma_start3A_35 = tpu.memref_slice %arg9[%mul3A_10, %dma_start3A] : memref<5128x128xf32, #tpu.memory_space<vmem_shared>> -> memref<320x128xf32, #tpu.memory_space<vmem_shared>>
      %dma_start3A_36 = arith.constant 0 : i32
      %dma_start3A_37 = tpu.memref_slice %arg9[%mul3A_10, %dma_start3A_36] : memref<5128x128xf32, #tpu.memory_space<vmem_shared>> -> memref<320x128xf32, #tpu.memory_space<vmem_shared>>
      tpu.enqueue_dma source(%dma_start3A_37 : memref<320x128xf32, #tpu.memory_space<vmem_shared>>) target(%arg16 : memref<320x128xf32, #tpu.memory_space<vmem>>) target_semaphore(%run_scoped3A : memref<!tpu.dma_semaphore, #tpu.memory_space<semaphore_mem>>)
      %dma_wait3A = arith.constant 0 : i32
      %dma_wait3A_38 = tpu.memref_slice %arg9[%mul3A_10, %dma_wait3A] : memref<5128x128xf32, #tpu.memory_space<vmem_shared>> -> memref<320x128xf32, #tpu.memory_space<vmem_shared>>
      %dma_wait3A_39 = arith.constant 0 : i32
      %dma_wait3A_40 = tpu.memref_slice %arg9[%mul3A_10, %dma_wait3A_39] : memref<5128x128xf32, #tpu.memory_space<vmem_shared>> -> memref<320x128xf32, #tpu.memory_space<vmem_shared>>
      tpu.wait_dma2 semaphore(%run_scoped3A : memref<!tpu.dma_semaphore, #tpu.memory_space<semaphore_mem>>) src(%dma_wait3A_40 : memref<320x128xf32, #tpu.memory_space<vmem_shared>>) dst(%arg16 : memref<320x128xf32, #tpu.memory_space<vmem>>)
      tpu.yield
    }) : () -> ()
    %mul3A_11 = arith.constant 320 : i32
    %mul3A_12 = arith.muli %arg1, %mul3A_11 : i32
    %add3A = arith.constant 0 : i32
    %add3A_13 = arith.addi %add3A, %mul3A_12 : i32
    "tpu.region"() ({
      %run_scoped3A = tpu.sem_alloc : memref<!tpu.dma_semaphore, #tpu.memory_space<semaphore_mem>>
      %dma_start3A = arith.constant 0 : i32
      %dma_start3A_35 = tpu.memref_slice %arg8[%arg0, %add3A_13, %dma_start3A] : memref<2x10240x128xf32, #tpu.memory_space<hbm>> -> memref<1x320x128xf32, #tpu.memory_space<hbm>>
      %dma_start3A_36 = tpu.memref_squeeze %dma_start3A_35 : memref<1x320x128xf32, #tpu.memory_space<hbm>> -> memref<320x128xf32, #tpu.memory_space<hbm>>
      %dma_start3A_37 = arith.constant 0 : i32
      %dma_start3A_38 = tpu.memref_slice %arg8[%arg0, %add3A_13, %dma_start3A_37] : memref<2x10240x128xf32, #tpu.memory_space<hbm>> -> memref<1x320x128xf32, #tpu.memory_space<hbm>>
      %dma_start3A_39 = tpu.memref_squeeze %dma_start3A_38 : memref<1x320x128xf32, #tpu.memory_space<hbm>> -> memref<320x128xf32, #tpu.memory_space<hbm>>
      tpu.enqueue_dma source(%arg16 : memref<320x128xf32, #tpu.memory_space<vmem>>) target(%dma_start3A_39 : memref<320x128xf32, #tpu.memory_space<hbm>>) target_semaphore(%run_scoped3A : memref<!tpu.dma_semaphore, #tpu.memory_space<semaphore_mem>>)
      %dma_wait3A = arith.constant 0 : i32
      %dma_wait3A_40 = tpu.memref_slice %arg8[%arg0, %add3A_13, %dma_wait3A] : memref<2x10240x128xf32, #tpu.memory_space<hbm>> -> memref<1x320x128xf32, #tpu.memory_space<hbm>>
      %dma_wait3A_41 = tpu.memref_squeeze %dma_wait3A_40 : memref<1x320x128xf32, #tpu.memory_space<hbm>> -> memref<320x128xf32, #tpu.memory_space<hbm>>
      %dma_wait3A_42 = arith.constant 0 : i32
      %dma_wait3A_43 = tpu.memref_slice %arg8[%arg0, %add3A_13, %dma_wait3A_42] : memref<2x10240x128xf32, #tpu.memory_space<hbm>> -> memref<1x320x128xf32, #tpu.memory_space<hbm>>
      %dma_wait3A_44 = tpu.memref_squeeze %dma_wait3A_43 : memref<1x320x128xf32, #tpu.memory_space<hbm>> -> memref<320x128xf32, #tpu.memory_space<hbm>>
      tpu.wait_dma2 semaphore(%run_scoped3A : memref<!tpu.dma_semaphore, #tpu.memory_space<semaphore_mem>>) src(%arg16 : memref<320x128xf32, #tpu.memory_space<vmem>>) dst(%dma_wait3A_44 : memref<320x128xf32, #tpu.memory_space<hbm>>)
      tpu.yield
    }) : () -> ()
    "tpu.region"() ({
      %run_scoped3A = tpu.sem_alloc : memref<!tpu.dma_semaphore, #tpu.memory_space<semaphore_mem>>
      tpu.enqueue_dma source(%arg7 : memref<320x128xf32, #tpu.memory_space<hbm>>) target(%arg16 : memref<320x128xf32, #tpu.memory_space<vmem>>) target_semaphore(%run_scoped3A : memref<!tpu.dma_semaphore, #tpu.memory_space<semaphore_mem>>)
      tpu.wait_dma2 semaphore(%run_scoped3A : memref<!tpu.dma_semaphore, #tpu.memory_space<semaphore_mem>>) src(%arg7 : memref<320x128xf32, #tpu.memory_space<hbm>>) dst(%arg16 : memref<320x128xf32, #tpu.memory_space<vmem>>)
      tpu.yield
    }) : () -> ()
    %mul3A_14 = arith.constant 320 : i32
    %mul3A_15 = arith.muli %arg1, %mul3A_14 : i32
    "tpu.region"() ({
      %run_scoped3A = tpu.sem_alloc : memref<!tpu.dma_semaphore, #tpu.memory_space<semaphore_mem>>
      %dma_start3A = arith.constant 0 : i32
      %dma_start3A_35 = tpu.memref_slice %arg9[%mul3A_15, %dma_start3A] : memref<5128x128xf32, #tpu.memory_space<vmem_shared>> -> memref<320x128xf32, #tpu.memory_space<vmem_shared>>
      %dma_start3A_36 = arith.constant 0 : i32
      %dma_start3A_37 = tpu.memref_slice %arg9[%mul3A_15, %dma_start3A_36] : memref<5128x128xf32, #tpu.memory_space<vmem_shared>> -> memref<320x128xf32, #tpu.memory_space<vmem_shared>>
      tpu.enqueue_dma source(%arg16 : memref<320x128xf32, #tpu.memory_space<vmem>>) target(%dma_start3A_37 : memref<320x128xf32, #tpu.memory_space<vmem_shared>>) target_semaphore(%run_scoped3A : memref<!tpu.dma_semaphore, #tpu.memory_space<semaphore_mem>>)
      %dma_wait3A = arith.constant 0 : i32
      %dma_wait3A_38 = tpu.memref_slice %arg9[%mul3A_15, %dma_wait3A] : memref<5128x128xf32, #tpu.memory_space<vmem_shared>> -> memref<320x128xf32, #tpu.memory_space<vmem_shared>>
      %dma_wait3A_39 = arith.constant 0 : i32
      %dma_wait3A_40 = tpu.memref_slice %arg9[%mul3A_15, %dma_wait3A_39] : memref<5128x128xf32, #tpu.memory_space<vmem_shared>> -> memref<320x128xf32, #tpu.memory_space<vmem_shared>>
      tpu.wait_dma2 semaphore(%run_scoped3A : memref<!tpu.dma_semaphore, #tpu.memory_space<semaphore_mem>>) src(%arg16 : memref<320x128xf32, #tpu.memory_space<vmem>>) dst(%dma_wait3A_40 : memref<320x128xf32, #tpu.memory_space<vmem_shared>>)
      tpu.yield
    }) : () -> ()
    %eq3A_16 = arith.constant 0 : i32
    %eq3A_17 = arith.cmpi eq, %arg1, %eq3A_16 : i32
    %convert_element_type3A_18 = arith.extui %eq3A_17 : i1 to i32
    %cond3A_19 = arith.constant 0 : i32
    %cond3A_20 = arith.cmpi ne, %convert_element_type3A_18, %cond3A_19 : i32
    scf.if %cond3A_20 {
      "tpu.region"() ({
        %run_scoped3A = tpu.sem_alloc : memref<!tpu.dma_semaphore, #tpu.memory_space<semaphore_mem>>
        %dma_start3A = arith.constant 5120 : i32
        %dma_start3A_35 = arith.constant 0 : i32
        %dma_start3A_36 = tpu.memref_slice %arg9[%dma_start3A, %dma_start3A_35] : memref<5128x128xf32, #tpu.memory_space<vmem_shared>> -> memref<8x128xf32, #tpu.memory_space<vmem_shared>>
        %dma_start3A_37 = arith.constant 0 : i32
        %dma_start3A_38 = arith.constant 0 : i32
        %dma_start3A_39 = tpu.memref_slice %arg7[%dma_start3A_37, %dma_start3A_38] : memref<320x128xf32, #tpu.memory_space<hbm>> -> memref<8x128xf32, #tpu.memory_space<hbm>>
        tpu.enqueue_dma source(%dma_start3A_39 : memref<8x128xf32, #tpu.memory_space<hbm>>) target(%dma_start3A_36 : memref<8x128xf32, #tpu.memory_space<vmem_shared>>) target_semaphore(%run_scoped3A : memref<!tpu.dma_semaphore, #tpu.memory_space<semaphore_mem>>)
        %dma_wait3A = arith.constant 5120 : i32
        %dma_wait3A_40 = arith.constant 0 : i32
        %dma_wait3A_41 = tpu.memref_slice %arg9[%dma_wait3A, %dma_wait3A_40] : memref<5128x128xf32, #tpu.memory_space<vmem_shared>> -> memref<8x128xf32, #tpu.memory_space<vmem_shared>>
        %dma_wait3A_42 = arith.constant 0 : i32
        %dma_wait3A_43 = arith.constant 0 : i32
        %dma_wait3A_44 = tpu.memref_slice %arg7[%dma_wait3A_42, %dma_wait3A_43] : memref<320x128xf32, #tpu.memory_space<hbm>> -> memref<8x128xf32, #tpu.memory_space<hbm>>
        tpu.wait_dma2 semaphore(%run_scoped3A : memref<!tpu.dma_semaphore, #tpu.memory_space<semaphore_mem>>) src(%dma_wait3A_44 : memref<8x128xf32, #tpu.memory_space<hbm>>) dst(%dma_wait3A_41 : memref<8x128xf32, #tpu.memory_space<vmem_shared>>)
        tpu.yield
      }) : () -> ()
    } else {
    }
    %barrier3A_21 = arith.constant 0 : index
    tpu.barrier barrier_id(%barrier3A_21)
    %scan3A_22 = arith.constant 0 : i32
    %scan3A_23 = arith.constant 0 : i32
    %scan3A_24 = arith.constant 125 : i32
    %scan3A_25 = arith.addi %scan3A_23, %scan3A_24 : i32
    %scan3A_26 = arith.constant 1 : i32
    scf.for %scan3A_35 = %scan3A_23 to %scan3A_25 step %scan3A_26  : i32 {
      %mul3A_36 = arith.constant 10000 : i32
      %mul3A_37 = arith.muli %arg1, %mul3A_36 : i32
      %mul3A_38 = arith.constant 80 : i32
      %mul3A_39 = arith.muli %scan3A_35, %mul3A_38 : i32
      %add3A_40 = arith.addi %mul3A_37, %mul3A_39 : i32
      "tpu.region"() ({
        %run_scoped3A = tpu.sem_alloc : memref<!tpu.dma_semaphore, #tpu.memory_space<semaphore_mem>>
        %dma_start3A = tpu.memref_slice %arg2[%add3A_40] : memref<160000xi32, #tpu.memory_space<hbm>> -> memref<80xi32, #tpu.memory_space<hbm>>
        %dma_start3A_212 = tpu.memref_slice %arg2[%add3A_40] : memref<160000xi32, #tpu.memory_space<hbm>> -> memref<80xi32, #tpu.memory_space<hbm>>
        tpu.enqueue_dma source(%dma_start3A_212 : memref<80xi32, #tpu.memory_space<hbm>>) target(%arg10 : memref<80xi32, #tpu.memory_space<vmem>>) target_semaphore(%run_scoped3A : memref<!tpu.dma_semaphore, #tpu.memory_space<semaphore_mem>>)
        %dma_wait3A = tpu.memref_slice %arg2[%add3A_40] : memref<160000xi32, #tpu.memory_space<hbm>> -> memref<80xi32, #tpu.memory_space<hbm>>
        %dma_wait3A_213 = tpu.memref_slice %arg2[%add3A_40] : memref<160000xi32, #tpu.memory_space<hbm>> -> memref<80xi32, #tpu.memory_space<hbm>>
        tpu.wait_dma2 semaphore(%run_scoped3A : memref<!tpu.dma_semaphore, #tpu.memory_space<semaphore_mem>>) src(%dma_wait3A_213 : memref<80xi32, #tpu.memory_space<hbm>>) dst(%arg10 : memref<80xi32, #tpu.memory_space<vmem>>)
        tpu.yield
      }) : () -> ()
      "tpu.region"() ({
        %run_scoped3A = tpu.sem_alloc : memref<!tpu.dma_semaphore, #tpu.memory_space<semaphore_mem>>
        %dma_start3A = tpu.memref_slice %arg3[%add3A_40] : memref<160000xi32, #tpu.memory_space<hbm>> -> memref<80xi32, #tpu.memory_space<hbm>>
        %dma_start3A_212 = tpu.memref_slice %arg3[%add3A_40] : memref<160000xi32, #tpu.memory_space<hbm>> -> memref<80xi32, #tpu.memory_space<hbm>>
        tpu.enqueue_dma source(%dma_start3A_212 : memref<80xi32, #tpu.memory_space<hbm>>) target(%arg11 : memref<80xi32, #tpu.memory_space<vmem>>) target_semaphore(%run_scoped3A : memref<!tpu.dma_semaphore, #tpu.memory_space<semaphore_mem>>)
        %dma_wait3A = tpu.memref_slice %arg3[%add3A_40] : memref<160000xi32, #tpu.memory_space<hbm>> -> memref<80xi32, #tpu.memory_space<hbm>>
        %dma_wait3A_213 = tpu.memref_slice %arg3[%add3A_40] : memref<160000xi32, #tpu.memory_space<hbm>> -> memref<80xi32, #tpu.memory_space<hbm>>
        tpu.wait_dma2 semaphore(%run_scoped3A : memref<!tpu.dma_semaphore, #tpu.memory_space<semaphore_mem>>) src(%dma_wait3A_213 : memref<80xi32, #tpu.memory_space<hbm>>) dst(%arg11 : memref<80xi32, #tpu.memory_space<vmem>>)
        tpu.yield
      }) : () -> ()
      "tpu.region"() ({
        %run_scoped3A = tpu.sem_alloc : memref<!tpu.dma_semaphore, #tpu.memory_space<semaphore_mem>>
        %dma_start3A = tpu.memref_slice %arg4[%add3A_40] : memref<160000xi32, #tpu.memory_space<hbm>> -> memref<80xi32, #tpu.memory_space<hbm>>
        %dma_start3A_212 = tpu.memref_slice %arg4[%add3A_40] : memref<160000xi32, #tpu.memory_space<hbm>> -> memref<80xi32, #tpu.memory_space<hbm>>
        tpu.enqueue_dma source(%dma_start3A_212 : memref<80xi32, #tpu.memory_space<hbm>>) target(%arg13 : memref<80xi32, #tpu.memory_space<vmem>>) target_semaphore(%run_scoped3A : memref<!tpu.dma_semaphore, #tpu.memory_space<semaphore_mem>>)
        %dma_wait3A = tpu.memref_slice %arg4[%add3A_40] : memref<160000xi32, #tpu.memory_space<hbm>> -> memref<80xi32, #tpu.memory_space<hbm>>
        %dma_wait3A_213 = tpu.memref_slice %arg4[%add3A_40] : memref<160000xi32, #tpu.memory_space<hbm>> -> memref<80xi32, #tpu.memory_space<hbm>>
        tpu.wait_dma2 semaphore(%run_scoped3A : memref<!tpu.dma_semaphore, #tpu.memory_space<semaphore_mem>>) src(%dma_wait3A_213 : memref<80xi32, #tpu.memory_space<hbm>>) dst(%arg13 : memref<80xi32, #tpu.memory_space<vmem>>)
        tpu.yield
      }) : () -> ()
      %get3A = arith.constant 0 : index
      %get3A_41 = tpu.vector_load %arg10[%get3A] {strides = array<i32>} : memref<80xi32, #tpu.memory_space<vmem>>, vector<16xi32>,
      %get3A_42 = vector.shape_cast %get3A_41 : vector<16xi32> to vector<16xi32>
      %get3A_43 = arith.constant 0 : index
      %get3A_44 = tpu.vector_load %arg11[%get3A_43] {strides = array<i32>} : memref<80xi32, #tpu.memory_space<vmem>>, vector<16xi32>,
      %get3A_45 = vector.shape_cast %get3A_44 : vector<16xi32> to vector<16xi32>
      %mul3A_46 = arith.constant 500 : i32
      %mul3A_47 = vector.broadcast %mul3A_46 : i32 to vector<16xi32>
      %mul3A_48 = arith.muli %mul3A_47, %get3A_45 : vector<16xi32>
      %add3A_49 = arith.addi %get3A_42, %mul3A_48 : vector<16xi32>
      %swap3A = arith.constant 0 : index
      %swap3A_50 = tpu.vector_load %arg12[%swap3A] {strides = array<i32>} : memref<80xi32, #tpu.memory_space<vmem>>, vector<16xi32>,
      %swap3A_51 = vector.shape_cast %swap3A_50 : vector<16xi32> to vector<16xi32>
      %swap3A_52 = vector.shape_cast %add3A_49 : vector<16xi32> to vector<16xi32>
      tpu.vector_store %arg12[%swap3A], %swap3A_52 {strides = array<i32>} : memref<80xi32, #tpu.memory_space<vmem>>, vector<16xi32>,
      %get3A_53 = arith.constant 0 : index
      %get3A_54 = tpu.vector_load %arg13[%get3A_53] {strides = array<i32>} : memref<80xi32, #tpu.memory_space<vmem>>, vector<16xi32>,
      %get3A_55 = vector.shape_cast %get3A_54 : vector<16xi32> to vector<16xi32>
      %sub3A = arith.constant 5120 : i32
      %sub3A_56 = vector.broadcast %sub3A : i32 to vector<16xi32>
      %sub3A_57 = arith.subi %get3A_55, %sub3A_56 : vector<16xi32>
      %ge3A = arith.constant 0 : i32
      %ge3A_58 = vector.broadcast %ge3A : i32 to vector<16xi32>
      %ge3A_59 = arith.cmpi sge, %sub3A_57, %ge3A_58 : vector<16xi32>
      %lt3A = arith.constant 5120 : i32
      %lt3A_60 = vector.broadcast %lt3A : i32 to vector<16xi32>
      %lt3A_61 = arith.cmpi slt, %sub3A_57, %lt3A_60 : vector<16xi32>
      %and3A = arith.andi %ge3A_59, %lt3A_61 : vector<16xi1>
      %jit3A = arith.constant 5120 : i32
      %broadcast_in_dim3A = vector.broadcast %jit3A : i32 to vector<16xi32>
      %select_n3A = arith.select %and3A, %sub3A_57, %broadcast_in_dim3A : vector<16xi1>, vector<16xi32>
      %swap3A_62 = arith.constant 0 : index
      %swap3A_63 = tpu.vector_load %arg14[%swap3A_62] {strides = array<i32>} : memref<80xi32, #tpu.memory_space<vmem>>, vector<16xi32>,
      %swap3A_64 = vector.shape_cast %swap3A_63 : vector<16xi32> to vector<16xi32>
      %swap3A_65 = vector.shape_cast %select_n3A : vector<16xi32> to vector<16xi32>
      tpu.vector_store %arg14[%swap3A_62], %swap3A_65 {strides = array<i32>} : memref<80xi32, #tpu.memory_space<vmem>>, vector<16xi32>,
      %get3A_66 = arith.constant 16 : index
      %get3A_67 = tpu.vector_load %arg10[%get3A_66] {strides = array<i32>} : memref<80xi32, #tpu.memory_space<vmem>>, vector<16xi32>,
      %get3A_68 = vector.shape_cast %get3A_67 : vector<16xi32> to vector<16xi32>
      %get3A_69 = arith.constant 16 : index
      %get3A_70 = tpu.vector_load %arg11[%get3A_69] {strides = array<i32>} : memref<80xi32, #tpu.memory_space<vmem>>, vector<16xi32>,
      %get3A_71 = vector.shape_cast %get3A_70 : vector<16xi32> to vector<16xi32>
      %mul3A_72 = arith.constant 500 : i32
      %mul3A_73 = vector.broadcast %mul3A_72 : i32 to vector<16xi32>
      %mul3A_74 = arith.muli %mul3A_73, %get3A_71 : vector<16xi32>
      %add3A_75 = arith.addi %get3A_68, %mul3A_74 : vector<16xi32>
      %swap3A_76 = arith.constant 16 : index
      %swap3A_77 = tpu.vector_load %arg12[%swap3A_76] {strides = array<i32>} : memref<80xi32, #tpu.memory_space<vmem>>, vector<16xi32>,
      %swap3A_78 = vector.shape_cast %swap3A_77 : vector<16xi32> to vector<16xi32>
      %swap3A_79 = vector.shape_cast %add3A_75 : vector<16xi32> to vector<16xi32>
      tpu.vector_store %arg12[%swap3A_76], %swap3A_79 {strides = array<i32>} : memref<80xi32, #tpu.memory_space<vmem>>, vector<16xi32>,
      %get3A_80 = arith.constant 16 : index
      %get3A_81 = tpu.vector_load %arg13[%get3A_80] {strides = array<i32>} : memref<80xi32, #tpu.memory_space<vmem>>, vector<16xi32>,
      %get3A_82 = vector.shape_cast %get3A_81 : vector<16xi32> to vector<16xi32>
      %sub3A_83 = arith.constant 5120 : i32
      %sub3A_84 = vector.broadcast %sub3A_83 : i32 to vector<16xi32>
      %sub3A_85 = arith.subi %get3A_82, %sub3A_84 : vector<16xi32>
      %ge3A_86 = arith.constant 0 : i32
      %ge3A_87 = vector.broadcast %ge3A_86 : i32 to vector<16xi32>
      %ge3A_88 = arith.cmpi sge, %sub3A_85, %ge3A_87 : vector<16xi32>
      %lt3A_89 = arith.constant 5120 : i32
      %lt3A_90 = vector.broadcast %lt3A_89 : i32 to vector<16xi32>
      %lt3A_91 = arith.cmpi slt, %sub3A_85, %lt3A_90 : vector<16xi32>
      %and3A_92 = arith.andi %ge3A_88, %lt3A_91 : vector<16xi1>
      %jit3A_93 = arith.constant 5120 : i32
      %broadcast_in_dim3A_94 = vector.broadcast %jit3A_93 : i32 to vector<16xi32>
      %select_n3A_95 = arith.select %and3A_92, %sub3A_85, %broadcast_in_dim3A_94 : vector<16xi1>, vector<16xi32>
      %swap3A_96 = arith.constant 16 : index
      %swap3A_97 = tpu.vector_load %arg14[%swap3A_96] {strides = array<i32>} : memref<80xi32, #tpu.memory_space<vmem>>, vector<16xi32>,
      %swap3A_98 = vector.shape_cast %swap3A_97 : vector<16xi32> to vector<16xi32>
      %swap3A_99 = vector.shape_cast %select_n3A_95 : vector<16xi32> to vector<16xi32>
      tpu.vector_store %arg14[%swap3A_96], %swap3A_99 {strides = array<i32>} : memref<80xi32, #tpu.memory_space<vmem>>, vector<16xi32>,
      %get3A_100 = arith.constant 32 : index
      %get3A_101 = tpu.vector_load %arg10[%get3A_100] {strides = array<i32>} : memref<80xi32, #tpu.memory_space<vmem>>, vector<16xi32>,
      %get3A_102 = vector.shape_cast %get3A_101 : vector<16xi32> to vector<16xi32>
      %get3A_103 = arith.constant 32 : index
      %get3A_104 = tpu.vector_load %arg11[%get3A_103] {strides = array<i32>} : memref<80xi32, #tpu.memory_space<vmem>>, vector<16xi32>,
      %get3A_105 = vector.shape_cast %get3A_104 : vector<16xi32> to vector<16xi32>
      %mul3A_106 = arith.constant 500 : i32
      %mul3A_107 = vector.broadcast %mul3A_106 : i32 to vector<16xi32>
      %mul3A_108 = arith.muli %mul3A_107, %get3A_105 : vector<16xi32>
      %add3A_109 = arith.addi %get3A_102, %mul3A_108 : vector<16xi32>
      %swap3A_110 = arith.constant 32 : index
      %swap3A_111 = tpu.vector_load %arg12[%swap3A_110] {strides = array<i32>} : memref<80xi32, #tpu.memory_space<vmem>>, vector<16xi32>,
      %swap3A_112 = vector.shape_cast %swap3A_111 : vector<16xi32> to vector<16xi32>
      %swap3A_113 = vector.shape_cast %add3A_109 : vector<16xi32> to vector<16xi32>
      tpu.vector_store %arg12[%swap3A_110], %swap3A_113 {strides = array<i32>} : memref<80xi32, #tpu.memory_space<vmem>>, vector<16xi32>,
      %get3A_114 = arith.constant 32 : index
      %get3A_115 = tpu.vector_load %arg13[%get3A_114] {strides = array<i32>} : memref<80xi32, #tpu.memory_space<vmem>>, vector<16xi32>,
      %get3A_116 = vector.shape_cast %get3A_115 : vector<16xi32> to vector<16xi32>
      %sub3A_117 = arith.constant 5120 : i32
      %sub3A_118 = vector.broadcast %sub3A_117 : i32 to vector<16xi32>
      %sub3A_119 = arith.subi %get3A_116, %sub3A_118 : vector<16xi32>
      %ge3A_120 = arith.constant 0 : i32
      %ge3A_121 = vector.broadcast %ge3A_120 : i32 to vector<16xi32>
      %ge3A_122 = arith.cmpi sge, %sub3A_119, %ge3A_121 : vector<16xi32>
      %lt3A_123 = arith.constant 5120 : i32
      %lt3A_124 = vector.broadcast %lt3A_123 : i32 to vector<16xi32>
      %lt3A_125 = arith.cmpi slt, %sub3A_119, %lt3A_124 : vector<16xi32>
      %and3A_126 = arith.andi %ge3A_122, %lt3A_125 : vector<16xi1>
      %jit3A_127 = arith.constant 5120 : i32
      %broadcast_in_dim3A_128 = vector.broadcast %jit3A_127 : i32 to vector<16xi32>
      %select_n3A_129 = arith.select %and3A_126, %sub3A_119, %broadcast_in_dim3A_128 : vector<16xi1>, vector<16xi32>
      %swap3A_130 = arith.constant 32 : index
      %swap3A_131 = tpu.vector_load %arg14[%swap3A_130] {strides = array<i32>} : memref<80xi32, #tpu.memory_space<vmem>>, vector<16xi32>,
      %swap3A_132 = vector.shape_cast %swap3A_131 : vector<16xi32> to vector<16xi32>
      %swap3A_133 = vector.shape_cast %select_n3A_129 : vector<16xi32> to vector<16xi32>
      tpu.vector_store %arg14[%swap3A_130], %swap3A_133 {strides = array<i32>} : memref<80xi32, #tpu.memory_space<vmem>>, vector<16xi32>,
      %get3A_134 = arith.constant 48 : index
      %get3A_135 = tpu.vector_load %arg10[%get3A_134] {strides = array<i32>} : memref<80xi32, #tpu.memory_space<vmem>>, vector<16xi32>,
      %get3A_136 = vector.shape_cast %get3A_135 : vector<16xi32> to vector<16xi32>
      %get3A_137 = arith.constant 48 : index
      %get3A_138 = tpu.vector_load %arg11[%get3A_137] {strides = array<i32>} : memref<80xi32, #tpu.memory_space<vmem>>, vector<16xi32>,
      %get3A_139 = vector.shape_cast %get3A_138 : vector<16xi32> to vector<16xi32>
      %mul3A_140 = arith.constant 500 : i32
      %mul3A_141 = vector.broadcast %mul3A_140 : i32 to vector<16xi32>
      %mul3A_142 = arith.muli %mul3A_141, %get3A_139 : vector<16xi32>
      %add3A_143 = arith.addi %get3A_136, %mul3A_142 : vector<16xi32>
      %swap3A_144 = arith.constant 48 : index
      %swap3A_145 = tpu.vector_load %arg12[%swap3A_144] {strides = array<i32>} : memref<80xi32, #tpu.memory_space<vmem>>, vector<16xi32>,
      %swap3A_146 = vector.shape_cast %swap3A_145 : vector<16xi32> to vector<16xi32>
      %swap3A_147 = vector.shape_cast %add3A_143 : vector<16xi32> to vector<16xi32>
      tpu.vector_store %arg12[%swap3A_144], %swap3A_147 {strides = array<i32>} : memref<80xi32, #tpu.memory_space<vmem>>, vector<16xi32>,
      %get3A_148 = arith.constant 48 : index
      %get3A_149 = tpu.vector_load %arg13[%get3A_148] {strides = array<i32>} : memref<80xi32, #tpu.memory_space<vmem>>, vector<16xi32>,
      %get3A_150 = vector.shape_cast %get3A_149 : vector<16xi32> to vector<16xi32>
      %sub3A_151 = arith.constant 5120 : i32
      %sub3A_152 = vector.broadcast %sub3A_151 : i32 to vector<16xi32>
      %sub3A_153 = arith.subi %get3A_150, %sub3A_152 : vector<16xi32>
      %ge3A_154 = arith.constant 0 : i32
      %ge3A_155 = vector.broadcast %ge3A_154 : i32 to vector<16xi32>
      %ge3A_156 = arith.cmpi sge, %sub3A_153, %ge3A_155 : vector<16xi32>
      %lt3A_157 = arith.constant 5120 : i32
      %lt3A_158 = vector.broadcast %lt3A_157 : i32 to vector<16xi32>
      %lt3A_159 = arith.cmpi slt, %sub3A_153, %lt3A_158 : vector<16xi32>
      %and3A_160 = arith.andi %ge3A_156, %lt3A_159 : vector<16xi1>
      %jit3A_161 = arith.constant 5120 : i32
      %broadcast_in_dim3A_162 = vector.broadcast %jit3A_161 : i32 to vector<16xi32>
      %select_n3A_163 = arith.select %and3A_160, %sub3A_153, %broadcast_in_dim3A_162 : vector<16xi1>, vector<16xi32>
      %swap3A_164 = arith.constant 48 : index
      %swap3A_165 = tpu.vector_load %arg14[%swap3A_164] {strides = array<i32>} : memref<80xi32, #tpu.memory_space<vmem>>, vector<16xi32>,
      %swap3A_166 = vector.shape_cast %swap3A_165 : vector<16xi32> to vector<16xi32>
      %swap3A_167 = vector.shape_cast %select_n3A_163 : vector<16xi32> to vector<16xi32>
      tpu.vector_store %arg14[%swap3A_164], %swap3A_167 {strides = array<i32>} : memref<80xi32, #tpu.memory_space<vmem>>, vector<16xi32>,
      %get3A_168 = arith.constant 64 : index
      %get3A_169 = tpu.vector_load %arg10[%get3A_168] {strides = array<i32>} : memref<80xi32, #tpu.memory_space<vmem>>, vector<16xi32>,
      %get3A_170 = vector.shape_cast %get3A_169 : vector<16xi32> to vector<16xi32>
      %get3A_171 = arith.constant 64 : index
      %get3A_172 = tpu.vector_load %arg11[%get3A_171] {strides = array<i32>} : memref<80xi32, #tpu.memory_space<vmem>>, vector<16xi32>,
      %get3A_173 = vector.shape_cast %get3A_172 : vector<16xi32> to vector<16xi32>
      %mul3A_174 = arith.constant 500 : i32
      %mul3A_175 = vector.broadcast %mul3A_174 : i32 to vector<16xi32>
      %mul3A_176 = arith.muli %mul3A_175, %get3A_173 : vector<16xi32>
      %add3A_177 = arith.addi %get3A_170, %mul3A_176 : vector<16xi32>
      %swap3A_178 = arith.constant 64 : index
      %swap3A_179 = tpu.vector_load %arg12[%swap3A_178] {strides = array<i32>} : memref<80xi32, #tpu.memory_space<vmem>>, vector<16xi32>,
      %swap3A_180 = vector.shape_cast %swap3A_179 : vector<16xi32> to vector<16xi32>
      %swap3A_181 = vector.shape_cast %add3A_177 : vector<16xi32> to vector<16xi32>
      tpu.vector_store %arg12[%swap3A_178], %swap3A_181 {strides = array<i32>} : memref<80xi32, #tpu.memory_space<vmem>>, vector<16xi32>,
      %get3A_182 = arith.constant 64 : index
      %get3A_183 = tpu.vector_load %arg13[%get3A_182] {strides = array<i32>} : memref<80xi32, #tpu.memory_space<vmem>>, vector<16xi32>,
      %get3A_184 = vector.shape_cast %get3A_183 : vector<16xi32> to vector<16xi32>
      %sub3A_185 = arith.constant 5120 : i32
      %sub3A_186 = vector.broadcast %sub3A_185 : i32 to vector<16xi32>
      %sub3A_187 = arith.subi %get3A_184, %sub3A_186 : vector<16xi32>
      %ge3A_188 = arith.constant 0 : i32
      %ge3A_189 = vector.broadcast %ge3A_188 : i32 to vector<16xi32>
      %ge3A_190 = arith.cmpi sge, %sub3A_187, %ge3A_189 : vector<16xi32>
      %lt3A_191 = arith.constant 5120 : i32
      %lt3A_192 = vector.broadcast %lt3A_191 : i32 to vector<16xi32>
      %lt3A_193 = arith.cmpi slt, %sub3A_187, %lt3A_192 : vector<16xi32>
      %and3A_194 = arith.andi %ge3A_190, %lt3A_193 : vector<16xi1>
      %jit3A_195 = arith.constant 5120 : i32
      %broadcast_in_dim3A_196 = vector.broadcast %jit3A_195 : i32 to vector<16xi32>
      %select_n3A_197 = arith.select %and3A_194, %sub3A_187, %broadcast_in_dim3A_196 : vector<16xi1>, vector<16xi32>
      %swap3A_198 = arith.constant 64 : index
      %swap3A_199 = tpu.vector_load %arg14[%swap3A_198] {strides = array<i32>} : memref<80xi32, #tpu.memory_space<vmem>>, vector<16xi32>,
      %swap3A_200 = vector.shape_cast %swap3A_199 : vector<16xi32> to vector<16xi32>
      %swap3A_201 = vector.shape_cast %select_n3A_197 : vector<16xi32> to vector<16xi32>
      tpu.vector_store %arg14[%swap3A_198], %swap3A_201 {strides = array<i32>} : memref<80xi32, #tpu.memory_space<vmem>>, vector<16xi32>,
      %eq3A_202 = arith.constant 0 : i32
      %eq3A_203 = arith.cmpi eq, %arg0, %eq3A_202 : i32
      %convert_element_type3A_204 = arith.extui %eq3A_203 : i1 to i32
      %cond3A_205 = arith.constant 0 : i32
      %cond3A_206 = arith.cmpi ne, %convert_element_type3A_204, %cond3A_205 : i32
      scf.if %cond3A_206 {
        %dma_start3A = arith.constant 0 : i32
        %dma_start3A_212 = arith.constant 0 : i32
        %dma_start3A_213 = tpu.memref_slice %arg5[%dma_start3A, %dma_start3A_212] : memref<1024x128xf32, #tpu.memory_space<hbm>> -> memref<1024x128xf32, #tpu.memory_space<hbm>>
        tpu.enqueue_indirect_dma source(%dma_start3A_213 : memref<1024x128xf32, #tpu.memory_space<hbm>>) target(%arg15 : memref<80x128xf32, #tpu.memory_space<vmem>>) offsets(%arg12 : memref<80xi32, #tpu.memory_space<vmem>>) semaphore(%arg17 : memref<!tpu.dma_semaphore, #tpu.memory_space<semaphore_mem>>)
        %dma_wait3A = arith.constant 0 : i32
        %dma_wait3A_214 = arith.constant 0 : i32
        %dma_wait3A_215 = tpu.memref_slice %arg5[%dma_wait3A, %dma_wait3A_214] : memref<1024x128xf32, #tpu.memory_space<hbm>> -> memref<1024x128xf32, #tpu.memory_space<hbm>>
        tpu.wait_indirect_dma semaphore(%arg17 : memref<!tpu.dma_semaphore, #tpu.memory_space<semaphore_mem>>) src(%dma_wait3A_215 : memref<1024x128xf32, #tpu.memory_space<hbm>>) dst(%arg15 : memref<80x128xf32, #tpu.memory_space<vmem>>)
      } else {
      }
      %eq3A_207 = arith.constant 1 : i32
      %eq3A_208 = arith.cmpi eq, %arg0, %eq3A_207 : i32
      %convert_element_type3A_209 = arith.extui %eq3A_208 : i1 to i32
      %cond3A_210 = arith.constant 0 : i32
      %cond3A_211 = arith.cmpi ne, %convert_element_type3A_209, %cond3A_210 : i32
      scf.if %cond3A_211 {
        %dma_start3A = arith.constant 0 : i32
        %dma_start3A_212 = arith.constant 0 : i32
        %dma_start3A_213 = tpu.memref_slice %arg6[%dma_start3A, %dma_start3A_212] : memref<1024x128xf32, #tpu.memory_space<hbm>> -> memref<1024x128xf32, #tpu.memory_space<hbm>>
        tpu.enqueue_indirect_dma source(%dma_start3A_213 : memref<1024x128xf32, #tpu.memory_space<hbm>>) target(%arg15 : memref<80x128xf32, #tpu.memory_space<vmem>>) offsets(%arg12 : memref<80xi32, #tpu.memory_space<vmem>>) semaphore(%arg17 : memref<!tpu.dma_semaphore, #tpu.memory_space<semaphore_mem>>)
        %dma_wait3A = arith.constant 0 : i32
        %dma_wait3A_214 = arith.constant 0 : i32
        %dma_wait3A_215 = tpu.memref_slice %arg6[%dma_wait3A, %dma_wait3A_214] : memref<1024x128xf32, #tpu.memory_space<hbm>> -> memref<1024x128xf32, #tpu.memory_space<hbm>>
        tpu.wait_indirect_dma semaphore(%arg17 : memref<!tpu.dma_semaphore, #tpu.memory_space<semaphore_mem>>) src(%dma_wait3A_215 : memref<1024x128xf32, #tpu.memory_space<hbm>>) dst(%arg15 : memref<80x128xf32, #tpu.memory_space<vmem>>)
      } else {
      }
      "tpu.region"() ({
        %run_scoped3A = tpu.sem_alloc : memref<!tpu.dma_semaphore, #tpu.memory_space<semaphore_mem>>
        %dma_start3A = arith.constant 0 : i32
        %dma_start3A_212 = arith.constant 0 : i32
        %dma_start3A_213 = tpu.memref_slice %arg9[%dma_start3A, %dma_start3A_212] : memref<5128x128xf32, #tpu.memory_space<vmem_shared>> -> memref<5128x128xf32, #tpu.memory_space<vmem_shared>>
        tpu.enqueue_indirect_dma source(%arg15 : memref<80x128xf32, #tpu.memory_space<vmem>>) target(%dma_start3A_213 : memref<5128x128xf32, #tpu.memory_space<vmem_shared>>) offsets(%arg14 : memref<80xi32, #tpu.memory_space<vmem>>) semaphore(%run_scoped3A : memref<!tpu.dma_semaphore, #tpu.memory_space<semaphore_mem>>) {add = true}
        %dma_wait3A = arith.constant 0 : i32
        %dma_wait3A_214 = arith.constant 0 : i32
        %dma_wait3A_215 = tpu.memref_slice %arg9[%dma_wait3A, %dma_wait3A_214] : memref<5128x128xf32, #tpu.memory_space<vmem_shared>> -> memref<5128x128xf32, #tpu.memory_space<vmem_shared>>
        tpu.wait_indirect_dma semaphore(%run_scoped3A : memref<!tpu.dma_semaphore, #tpu.memory_space<semaphore_mem>>) src(%arg15 : memref<80x128xf32, #tpu.memory_space<vmem>>) dst(%dma_wait3A_215 : memref<5128x128xf32, #tpu.memory_space<vmem_shared>>)
        tpu.yield
      }) : () -> ()
    }
    %scan3A_27 = arith.constant 125 : i32
    %barrier3A_28 = arith.constant 0 : index
    tpu.barrier barrier_id(%barrier3A_28)
    %mul3A_29 = arith.constant 320 : i32
    %mul3A_30 = arith.muli %arg1, %mul3A_29 : i32
    "tpu.region"() ({
      %run_scoped3A = tpu.sem_alloc : memref<!tpu.dma_semaphore, #tpu.memory_space<semaphore_mem>>
      %dma_start3A = arith.constant 0 : i32
      %dma_start3A_35 = tpu.memref_slice %arg9[%mul3A_30, %dma_start3A] : memref<5128x128xf32, #tpu.memory_space<vmem_shared>> -> memref<320x128xf32, #tpu.memory_space<vmem_shared>>
      %dma_start3A_36 = arith.constant 0 : i32
      %dma_start3A_37 = tpu.memref_slice %arg9[%mul3A_30, %dma_start3A_36] : memref<5128x128xf32, #tpu.memory_space<vmem_shared>> -> memref<320x128xf32, #tpu.memory_space<vmem_shared>>
      tpu.enqueue_dma source(%dma_start3A_37 : memref<320x128xf32, #tpu.memory_space<vmem_shared>>) target(%arg16 : memref<320x128xf32, #tpu.memory_space<vmem>>) target_semaphore(%run_scoped3A : memref<!tpu.dma_semaphore, #tpu.memory_space<semaphore_mem>>)
      %dma_wait3A = arith.constant 0 : i32
      %dma_wait3A_38 = tpu.memref_slice %arg9[%mul3A_30, %dma_wait3A] : memref<5128x128xf32, #tpu.memory_space<vmem_shared>> -> memref<320x128xf32, #tpu.memory_space<vmem_shared>>
      %dma_wait3A_39 = arith.constant 0 : i32
      %dma_wait3A_40 = tpu.memref_slice %arg9[%mul3A_30, %dma_wait3A_39] : memref<5128x128xf32, #tpu.memory_space<vmem_shared>> -> memref<320x128xf32, #tpu.memory_space<vmem_shared>>
      tpu.wait_dma2 semaphore(%run_scoped3A : memref<!tpu.dma_semaphore, #tpu.memory_space<semaphore_mem>>) src(%dma_wait3A_40 : memref<320x128xf32, #tpu.memory_space<vmem_shared>>) dst(%arg16 : memref<320x128xf32, #tpu.memory_space<vmem>>)
      tpu.yield
    }) : () -> ()
    %mul3A_31 = arith.constant 320 : i32
    %mul3A_32 = arith.muli %arg1, %mul3A_31 : i32
    %add3A_33 = arith.constant 5120 : i32
    %add3A_34 = arith.addi %add3A_33, %mul3A_32 : i32
    "tpu.region"() ({
      %run_scoped3A = tpu.sem_alloc : memref<!tpu.dma_semaphore, #tpu.memory_space<semaphore_mem>>
      %dma_start3A = arith.constant 0 : i32
      %dma_start3A_35 = tpu.memref_slice %arg8[%arg0, %add3A_34, %dma_start3A] : memref<2x10240x128xf32, #tpu.memory_space<hbm>> -> memref<1x320x128xf32, #tpu.memory_space<hbm>>
      %dma_start3A_36 = tpu.memref_squeeze %dma_start3A_35 : memref<1x320x128xf32, #tpu.memory_space<hbm>> -> memref<320x128xf32, #tpu.memory_space<hbm>>
      %dma_start3A_37 = arith.constant 0 : i32
      %dma_start3A_38 = tpu.memref_slice %arg8[%arg0, %add3A_34, %dma_start3A_37] : memref<2x10240x128xf32, #tpu.memory_space<hbm>> -> memref<1x320x128xf32, #tpu.memory_space<hbm>>
      %dma_start3A_39 = tpu.memref_squeeze %dma_start3A_38 : memref<1x320x128xf32, #tpu.memory_space<hbm>> -> memref<320x128xf32, #tpu.memory_space<hbm>>
      tpu.enqueue_dma source(%arg16 : memref<320x128xf32, #tpu.memory_space<vmem>>) target(%dma_start3A_39 : memref<320x128xf32, #tpu.memory_space<hbm>>) target_semaphore(%run_scoped3A : memref<!tpu.dma_semaphore, #tpu.memory_space<semaphore_mem>>)
      %dma_wait3A = arith.constant 0 : i32
      %dma_wait3A_40 = tpu.memref_slice %arg8[%arg0, %add3A_34, %dma_wait3A] : memref<2x10240x128xf32, #tpu.memory_space<hbm>> -> memref<1x320x128xf32, #tpu.memory_space<hbm>>
      %dma_wait3A_41 = tpu.memref_squeeze %dma_wait3A_40 : memref<1x320x128xf32, #tpu.memory_space<hbm>> -> memref<320x128xf32, #tpu.memory_space<hbm>>
      %dma_wait3A_42 = arith.constant 0 : i32
      %dma_wait3A_43 = tpu.memref_slice %arg8[%arg0, %add3A_34, %dma_wait3A_42] : memref<2x10240x128xf32, #tpu.memory_space<hbm>> -> memref<1x320x128xf32, #tpu.memory_space<hbm>>
      %dma_wait3A_44 = tpu.memref_squeeze %dma_wait3A_43 : memref<1x320x128xf32, #tpu.memory_space<hbm>> -> memref<320x128xf32, #tpu.memory_space<hbm>>
      tpu.wait_dma2 semaphore(%run_scoped3A : memref<!tpu.dma_semaphore, #tpu.memory_space<semaphore_mem>>) src(%arg16 : memref<320x128xf32, #tpu.memory_space<vmem>>) dst(%dma_wait3A_44 : memref<320x128xf32, #tpu.memory_space<hbm>>)
      tpu.yield
    }) : () -> ()
    return
  }
}

module attributes {stable_mosaic.version = 14 : i64} {
  func.func @_knn_body(%arg0: i32, %arg1: i32, %arg2: memref<2000x256xf32, #tpu.memory_space<vmem>>, %arg3: memref<896x256xf32, #tpu.memory_space<vmem>>, %arg4: memref<2000x5xi32, #tpu.memory_space<vmem>>, %arg5: memref<2000x5xf32, #tpu.memory_space<vmem>>, %arg6: memref<2000x5xf32, #tpu.memory_space<vmem>>, %arg7: memref<2000x5xi32, #tpu.memory_space<vmem>>) attributes {dimension_semantics = [#tpu.dimension_semantics<arbitrary>, #tpu.dimension_semantics<arbitrary>], iteration_bounds = array<i64: 5, 56>, scalar_prefetch = 0 : i64, scratch_operands = 2 : i64, tpu.core_type = #tpu.core_type<tc>, window_params = [{transform_indices = @transform_0, window_bounds = array<i64: 2000, 256>}, {transform_indices = @transform_1, window_bounds = array<i64: 896, 256>}, {transform_indices = @transform_2, window_bounds = array<i64: 2000, 5>}, {transform_indices = @transform_3, window_bounds = array<i64: 2000, 5>}]} {
    %get3A = arith.constant 0 : index
    %get3A_0 = arith.constant 0 : index
    %get3A_1 = vector.load %arg2[%get3A, %get3A_0] : memref<2000x256xf32, #tpu.memory_space<vmem>>, vector<2000x256xf32>
    %get3A_2 = arith.constant 0 : index
    %get3A_3 = arith.constant 0 : index
    %get3A_4 = vector.load %arg3[%get3A_2, %get3A_3] : memref<896x256xf32, #tpu.memory_space<vmem>>, vector<896x256xf32>
    %mul3A = arith.mulf %get3A_1, %get3A_1 : vector<2000x256xf32>
    %reduce_sum3A = arith.constant dense<0.000000e+00> : vector<2000xf32>
    %reduce_sum3A_5 = vector.multi_reduction <add>, %mul3A, %reduce_sum3A [1] : vector<2000x256xf32> to vector<2000xf32>
    %broadcast_in_dim3A = vector.shape_cast %reduce_sum3A_5 : vector<2000xf32> to vector<2000x1xf32>
    %sqrt3A = math.sqrt %broadcast_in_dim3A : vector<2000x1xf32>
    %max3A = arith.constant 9.99999996E-13 : f32
    %max3A_6 = vector.broadcast %max3A : f32 to vector<2000x1xf32>
    %max3A_7 = arith.maximumf %sqrt3A, %max3A_6 : vector<2000x1xf32>
    %div3A = vector.broadcast %max3A_7 : vector<2000x1xf32> to vector<2000x256xf32>
    %div3A_8 = arith.divf %get3A_1, %div3A : vector<2000x256xf32>
    %convert_element_type3A = arith.truncf %div3A_8 : vector<2000x256xf32> to vector<2000x256xbf16>
    %mul3A_9 = arith.mulf %get3A_4, %get3A_4 : vector<896x256xf32>
    %reduce_sum3A_10 = arith.constant dense<0.000000e+00> : vector<896xf32>
    %reduce_sum3A_11 = vector.multi_reduction <add>, %mul3A_9, %reduce_sum3A_10 [1] : vector<896x256xf32> to vector<896xf32>
    %broadcast_in_dim3A_12 = vector.shape_cast %reduce_sum3A_11 : vector<896xf32> to vector<896x1xf32>
    %sqrt3A_13 = math.sqrt %broadcast_in_dim3A_12 : vector<896x1xf32>
    %max3A_14 = arith.constant 9.99999996E-13 : f32
    %max3A_15 = vector.broadcast %max3A_14 : f32 to vector<896x1xf32>
    %max3A_16 = arith.maximumf %sqrt3A_13, %max3A_15 : vector<896x1xf32>
    %div3A_17 = vector.broadcast %max3A_16 : vector<896x1xf32> to vector<896x256xf32>
    %div3A_18 = arith.divf %get3A_4, %div3A_17 : vector<896x256xf32>
    %convert_element_type3A_19 = arith.truncf %div3A_18 : vector<896x256xf32> to vector<896x256xbf16>
    %dot_general3A = arith.constant dense<0.000000e+00> : vector<2000x896xf32>
    %dot_general3A_20 = tpu.matmul %convert_element_type3A, %convert_element_type3A_19, %dot_general3A {dimension_numbers = #tpu.dot_dimension_numbers<[1], [1], [0], [0], [0, 0, 1, 0], [], []>, transpose_lhs_hint = false} : vector<2000x256xbf16>, vector<896x256xbf16>, vector<2000x896xf32> -> vector<2000x896xf32>
    %mul3A_21 = arith.constant 896 : i32
    %mul3A_22 = arith.muli %arg1, %mul3A_21 : i32
    %iota3A = tpu.iota {dimensions = array<i32: 1>} : vector<2000x896xi32>
    %add3A = vector.broadcast %mul3A_22 : i32 to vector<2000x896xi32>
    %add3A_23 = arith.addi %add3A, %iota3A : vector<2000x896xi32>
    %lt3A = arith.constant 50000 : i32
    %lt3A_24 = vector.broadcast %lt3A : i32 to vector<2000x896xi32>
    %lt3A_25 = arith.cmpi slt, %add3A_23, %lt3A_24 : vector<2000x896xi32>
    %jit3A = arith.constant 0xFF800000 : f32
    %broadcast_in_dim3A_26 = vector.broadcast %jit3A : f32 to vector<2000x896xf32>
    %select_n3A = arith.select %lt3A_25, %dot_general3A_20, %broadcast_in_dim3A_26 : vector<2000x896xi1>, vector<2000x896xf32>
    %eq3A = arith.constant 0 : i32
    %eq3A_27 = arith.cmpi eq, %arg1, %eq3A : i32
    %convert_element_type3A_28 = arith.extui %eq3A_27 : i1 to i32
    %cond3A = arith.constant 0 : i32
    %cond3A_29 = arith.cmpi ne, %convert_element_type3A_28, %cond3A : i32
    scf.if %cond3A_29 {
      %broadcast_in_dim3A_217 = arith.constant 0xFF800000 : f32
      %broadcast_in_dim3A_218 = vector.broadcast %broadcast_in_dim3A_217 : f32 to vector<2000x5xf32>
      %swap3A_219 = arith.constant 0 : index
      %swap3A_220 = arith.constant 0 : index
      %swap3A_221 = vector.load %arg6[%swap3A_219, %swap3A_220] : memref<2000x5xf32, #tpu.memory_space<vmem>>, vector<2000x5xf32>
      tpu.vector_store %arg6[%swap3A_219, %swap3A_220], %broadcast_in_dim3A_218 {strides = array<i32>} : memref<2000x5xf32, #tpu.memory_space<vmem>>, vector<2000x5xf32>,
      %broadcast_in_dim3A_222 = arith.constant 0 : i32
      %broadcast_in_dim3A_223 = vector.broadcast %broadcast_in_dim3A_222 : i32 to vector<2000x5xi32>
      %swap3A_224 = arith.constant 0 : index
      %swap3A_225 = arith.constant 0 : index
      %swap3A_226 = vector.load %arg7[%swap3A_224, %swap3A_225] : memref<2000x5xi32, #tpu.memory_space<vmem>>, vector<2000x5xi32>
      tpu.vector_store %arg7[%swap3A_224, %swap3A_225], %broadcast_in_dim3A_223 {strides = array<i32>} : memref<2000x5xi32, #tpu.memory_space<vmem>>, vector<2000x5xi32>,
    } else {
    }
    %get3A_30 = arith.constant 0 : index
    %get3A_31 = arith.constant 0 : index
    %get3A_32 = vector.load %arg6[%get3A_30, %get3A_31] : memref<2000x5xf32, #tpu.memory_space<vmem>>, vector<2000x5xf32>
    %get3A_33 = arith.constant 0 : index
    %get3A_34 = arith.constant 0 : index
    %get3A_35 = vector.load %arg7[%get3A_33, %get3A_34] : memref<2000x5xi32, #tpu.memory_space<vmem>>, vector<2000x5xi32>
    %concatenate3A = tpu.concatenate %get3A_32, %select_n3A in 1 : vector<2000x5xf32>, vector<2000x896xf32> -> vector<2000x901xf32>
    %iota3A_36 = tpu.iota {dimensions = array<i32: 1>} : vector<2000x901xi32>
    %iota3A_37 = tpu.iota {dimensions = array<i32: 1>} : vector<2000x5xi32>
    %reduce_max3A = arith.constant dense<0xFF800000> : vector<2000xf32>
    %reduce_max3A_38 = vector.multi_reduction <maximumf>, %concatenate3A, %reduce_max3A [1] : vector<2000x901xf32> to vector<2000xf32>
    %broadcast_in_dim3A_39 = vector.shape_cast %reduce_max3A_38 : vector<2000xf32> to vector<2000x1xf32>
    %eq3A_40 = vector.broadcast %broadcast_in_dim3A_39 : vector<2000x1xf32> to vector<2000x901xf32>
    %eq3A_41 = arith.cmpf oeq, %concatenate3A, %eq3A_40 : vector<2000x901xf32>
    %jit3A_42 = arith.constant 901 : i32
    %broadcast_in_dim3A_43 = vector.broadcast %jit3A_42 : i32 to vector<2000x901xi32>
    %select_n3A_44 = arith.select %eq3A_41, %iota3A_36, %broadcast_in_dim3A_43 : vector<2000x901xi1>, vector<2000x901xi32>
    %reduce_min3A = arith.constant dense<2147483647> : vector<2000xi32>
    %reduce_min3A_45 = vector.multi_reduction <minsi>, %select_n3A_44, %reduce_min3A [1] : vector<2000x901xi32> to vector<2000xi32>
    %broadcast_in_dim3A_46 = vector.shape_cast %reduce_min3A_45 : vector<2000xi32> to vector<2000x1xi32>
    %eq3A_47 = vector.broadcast %broadcast_in_dim3A_46 : vector<2000x1xi32> to vector<2000x5xi32>
    %eq3A_48 = arith.cmpi eq, %iota3A_37, %eq3A_47 : vector<2000x5xi32>
    %jit3A_49 = arith.constant 0 : i32
    %broadcast_in_dim3A_50 = vector.broadcast %jit3A_49 : i32 to vector<2000x5xi32>
    %select_n3A_51 = arith.select %eq3A_48, %get3A_35, %broadcast_in_dim3A_50 : vector<2000x5xi1>, vector<2000x5xi32>
    %reduce_sum3A_52 = arith.constant dense<0> : vector<2000xi32>
    %reduce_sum3A_53 = vector.multi_reduction <add>, %select_n3A_51, %reduce_sum3A_52 [1] : vector<2000x5xi32> to vector<2000xi32>
    %broadcast_in_dim3A_54 = vector.shape_cast %reduce_sum3A_53 : vector<2000xi32> to vector<2000x1xi32>
    %lt3A_55 = arith.constant 5 : i32
    %lt3A_56 = vector.broadcast %lt3A_55 : i32 to vector<2000x1xi32>
    %lt3A_57 = arith.cmpi slt, %broadcast_in_dim3A_46, %lt3A_56 : vector<2000x1xi32>
    %mul3A_58 = arith.constant 896 : i32
    %mul3A_59 = arith.muli %arg1, %mul3A_58 : i32
    %sub3A = arith.constant 5 : i32
    %sub3A_60 = vector.broadcast %sub3A : i32 to vector<2000x1xi32>
    %sub3A_61 = arith.subi %broadcast_in_dim3A_46, %sub3A_60 : vector<2000x1xi32>
    %add3A_62 = vector.broadcast %mul3A_59 : i32 to vector<2000x1xi32>
    %add3A_63 = arith.addi %add3A_62, %sub3A_61 : vector<2000x1xi32>
    %select_n3A_64 = arith.select %lt3A_57, %broadcast_in_dim3A_54, %add3A_63 : vector<2000x1xi1>, vector<2000x1xi32>
    %eq3A_65 = vector.broadcast %broadcast_in_dim3A_46 : vector<2000x1xi32> to vector<2000x901xi32>
    %eq3A_66 = arith.cmpi eq, %iota3A_36, %eq3A_65 : vector<2000x901xi32>
    %jit3A_67 = arith.constant 0xFF800000 : f32
    %broadcast_in_dim3A_68 = vector.broadcast %jit3A_67 : f32 to vector<2000x901xf32>
    %select_n3A_69 = arith.select %eq3A_66, %broadcast_in_dim3A_68, %concatenate3A : vector<2000x901xi1>, vector<2000x901xf32>
    %reduce_max3A_70 = arith.constant dense<0xFF800000> : vector<2000xf32>
    %reduce_max3A_71 = vector.multi_reduction <maximumf>, %select_n3A_69, %reduce_max3A_70 [1] : vector<2000x901xf32> to vector<2000xf32>
    %broadcast_in_dim3A_72 = vector.shape_cast %reduce_max3A_71 : vector<2000xf32> to vector<2000x1xf32>
    %eq3A_73 = vector.broadcast %broadcast_in_dim3A_72 : vector<2000x1xf32> to vector<2000x901xf32>
    %eq3A_74 = arith.cmpf oeq, %select_n3A_69, %eq3A_73 : vector<2000x901xf32>
    %jit3A_75 = arith.constant 901 : i32
    %broadcast_in_dim3A_76 = vector.broadcast %jit3A_75 : i32 to vector<2000x901xi32>
    %select_n3A_77 = arith.select %eq3A_74, %iota3A_36, %broadcast_in_dim3A_76 : vector<2000x901xi1>, vector<2000x901xi32>
    %reduce_min3A_78 = arith.constant dense<2147483647> : vector<2000xi32>
    %reduce_min3A_79 = vector.multi_reduction <minsi>, %select_n3A_77, %reduce_min3A_78 [1] : vector<2000x901xi32> to vector<2000xi32>
    %broadcast_in_dim3A_80 = vector.shape_cast %reduce_min3A_79 : vector<2000xi32> to vector<2000x1xi32>
    %eq3A_81 = vector.broadcast %broadcast_in_dim3A_80 : vector<2000x1xi32> to vector<2000x5xi32>
    %eq3A_82 = arith.cmpi eq, %iota3A_37, %eq3A_81 : vector<2000x5xi32>
    %jit3A_83 = arith.constant 0 : i32
    %broadcast_in_dim3A_84 = vector.broadcast %jit3A_83 : i32 to vector<2000x5xi32>
    %select_n3A_85 = arith.select %eq3A_82, %get3A_35, %broadcast_in_dim3A_84 : vector<2000x5xi1>, vector<2000x5xi32>
    %reduce_sum3A_86 = arith.constant dense<0> : vector<2000xi32>
    %reduce_sum3A_87 = vector.multi_reduction <add>, %select_n3A_85, %reduce_sum3A_86 [1] : vector<2000x5xi32> to vector<2000xi32>
    %broadcast_in_dim3A_88 = vector.shape_cast %reduce_sum3A_87 : vector<2000xi32> to vector<2000x1xi32>
    %lt3A_89 = arith.constant 5 : i32
    %lt3A_90 = vector.broadcast %lt3A_89 : i32 to vector<2000x1xi32>
    %lt3A_91 = arith.cmpi slt, %broadcast_in_dim3A_80, %lt3A_90 : vector<2000x1xi32>
    %mul3A_92 = arith.constant 896 : i32
    %mul3A_93 = arith.muli %arg1, %mul3A_92 : i32
    %sub3A_94 = arith.constant 5 : i32
    %sub3A_95 = vector.broadcast %sub3A_94 : i32 to vector<2000x1xi32>
    %sub3A_96 = arith.subi %broadcast_in_dim3A_80, %sub3A_95 : vector<2000x1xi32>
    %add3A_97 = vector.broadcast %mul3A_93 : i32 to vector<2000x1xi32>
    %add3A_98 = arith.addi %add3A_97, %sub3A_96 : vector<2000x1xi32>
    %select_n3A_99 = arith.select %lt3A_91, %broadcast_in_dim3A_88, %add3A_98 : vector<2000x1xi1>, vector<2000x1xi32>
    %eq3A_100 = vector.broadcast %broadcast_in_dim3A_80 : vector<2000x1xi32> to vector<2000x901xi32>
    %eq3A_101 = arith.cmpi eq, %iota3A_36, %eq3A_100 : vector<2000x901xi32>
    %jit3A_102 = arith.constant 0xFF800000 : f32
    %broadcast_in_dim3A_103 = vector.broadcast %jit3A_102 : f32 to vector<2000x901xf32>
    %select_n3A_104 = arith.select %eq3A_101, %broadcast_in_dim3A_103, %select_n3A_69 : vector<2000x901xi1>, vector<2000x901xf32>
    %reduce_max3A_105 = arith.constant dense<0xFF800000> : vector<2000xf32>
    %reduce_max3A_106 = vector.multi_reduction <maximumf>, %select_n3A_104, %reduce_max3A_105 [1] : vector<2000x901xf32> to vector<2000xf32>
    %broadcast_in_dim3A_107 = vector.shape_cast %reduce_max3A_106 : vector<2000xf32> to vector<2000x1xf32>
    %eq3A_108 = vector.broadcast %broadcast_in_dim3A_107 : vector<2000x1xf32> to vector<2000x901xf32>
    %eq3A_109 = arith.cmpf oeq, %select_n3A_104, %eq3A_108 : vector<2000x901xf32>
    %jit3A_110 = arith.constant 901 : i32
    %broadcast_in_dim3A_111 = vector.broadcast %jit3A_110 : i32 to vector<2000x901xi32>
    %select_n3A_112 = arith.select %eq3A_109, %iota3A_36, %broadcast_in_dim3A_111 : vector<2000x901xi1>, vector<2000x901xi32>
    %reduce_min3A_113 = arith.constant dense<2147483647> : vector<2000xi32>
    %reduce_min3A_114 = vector.multi_reduction <minsi>, %select_n3A_112, %reduce_min3A_113 [1] : vector<2000x901xi32> to vector<2000xi32>
    %broadcast_in_dim3A_115 = vector.shape_cast %reduce_min3A_114 : vector<2000xi32> to vector<2000x1xi32>
    %eq3A_116 = vector.broadcast %broadcast_in_dim3A_115 : vector<2000x1xi32> to vector<2000x5xi32>
    %eq3A_117 = arith.cmpi eq, %iota3A_37, %eq3A_116 : vector<2000x5xi32>
    %jit3A_118 = arith.constant 0 : i32
    %broadcast_in_dim3A_119 = vector.broadcast %jit3A_118 : i32 to vector<2000x5xi32>
    %select_n3A_120 = arith.select %eq3A_117, %get3A_35, %broadcast_in_dim3A_119 : vector<2000x5xi1>, vector<2000x5xi32>
    %reduce_sum3A_121 = arith.constant dense<0> : vector<2000xi32>
    %reduce_sum3A_122 = vector.multi_reduction <add>, %select_n3A_120, %reduce_sum3A_121 [1] : vector<2000x5xi32> to vector<2000xi32>
    %broadcast_in_dim3A_123 = vector.shape_cast %reduce_sum3A_122 : vector<2000xi32> to vector<2000x1xi32>
    %lt3A_124 = arith.constant 5 : i32
    %lt3A_125 = vector.broadcast %lt3A_124 : i32 to vector<2000x1xi32>
    %lt3A_126 = arith.cmpi slt, %broadcast_in_dim3A_115, %lt3A_125 : vector<2000x1xi32>
    %mul3A_127 = arith.constant 896 : i32
    %mul3A_128 = arith.muli %arg1, %mul3A_127 : i32
    %sub3A_129 = arith.constant 5 : i32
    %sub3A_130 = vector.broadcast %sub3A_129 : i32 to vector<2000x1xi32>
    %sub3A_131 = arith.subi %broadcast_in_dim3A_115, %sub3A_130 : vector<2000x1xi32>
    %add3A_132 = vector.broadcast %mul3A_128 : i32 to vector<2000x1xi32>
    %add3A_133 = arith.addi %add3A_132, %sub3A_131 : vector<2000x1xi32>
    %select_n3A_134 = arith.select %lt3A_126, %broadcast_in_dim3A_123, %add3A_133 : vector<2000x1xi1>, vector<2000x1xi32>
    %eq3A_135 = vector.broadcast %broadcast_in_dim3A_115 : vector<2000x1xi32> to vector<2000x901xi32>
    %eq3A_136 = arith.cmpi eq, %iota3A_36, %eq3A_135 : vector<2000x901xi32>
    %jit3A_137 = arith.constant 0xFF800000 : f32
    %broadcast_in_dim3A_138 = vector.broadcast %jit3A_137 : f32 to vector<2000x901xf32>
    %select_n3A_139 = arith.select %eq3A_136, %broadcast_in_dim3A_138, %select_n3A_104 : vector<2000x901xi1>, vector<2000x901xf32>
    %reduce_max3A_140 = arith.constant dense<0xFF800000> : vector<2000xf32>
    %reduce_max3A_141 = vector.multi_reduction <maximumf>, %select_n3A_139, %reduce_max3A_140 [1] : vector<2000x901xf32> to vector<2000xf32>
    %broadcast_in_dim3A_142 = vector.shape_cast %reduce_max3A_141 : vector<2000xf32> to vector<2000x1xf32>
    %eq3A_143 = vector.broadcast %broadcast_in_dim3A_142 : vector<2000x1xf32> to vector<2000x901xf32>
    %eq3A_144 = arith.cmpf oeq, %select_n3A_139, %eq3A_143 : vector<2000x901xf32>
    %jit3A_145 = arith.constant 901 : i32
    %broadcast_in_dim3A_146 = vector.broadcast %jit3A_145 : i32 to vector<2000x901xi32>
    %select_n3A_147 = arith.select %eq3A_144, %iota3A_36, %broadcast_in_dim3A_146 : vector<2000x901xi1>, vector<2000x901xi32>
    %reduce_min3A_148 = arith.constant dense<2147483647> : vector<2000xi32>
    %reduce_min3A_149 = vector.multi_reduction <minsi>, %select_n3A_147, %reduce_min3A_148 [1] : vector<2000x901xi32> to vector<2000xi32>
    %broadcast_in_dim3A_150 = vector.shape_cast %reduce_min3A_149 : vector<2000xi32> to vector<2000x1xi32>
    %eq3A_151 = vector.broadcast %broadcast_in_dim3A_150 : vector<2000x1xi32> to vector<2000x5xi32>
    %eq3A_152 = arith.cmpi eq, %iota3A_37, %eq3A_151 : vector<2000x5xi32>
    %jit3A_153 = arith.constant 0 : i32
    %broadcast_in_dim3A_154 = vector.broadcast %jit3A_153 : i32 to vector<2000x5xi32>
    %select_n3A_155 = arith.select %eq3A_152, %get3A_35, %broadcast_in_dim3A_154 : vector<2000x5xi1>, vector<2000x5xi32>
    %reduce_sum3A_156 = arith.constant dense<0> : vector<2000xi32>
    %reduce_sum3A_157 = vector.multi_reduction <add>, %select_n3A_155, %reduce_sum3A_156 [1] : vector<2000x5xi32> to vector<2000xi32>
    %broadcast_in_dim3A_158 = vector.shape_cast %reduce_sum3A_157 : vector<2000xi32> to vector<2000x1xi32>
    %lt3A_159 = arith.constant 5 : i32
    %lt3A_160 = vector.broadcast %lt3A_159 : i32 to vector<2000x1xi32>
    %lt3A_161 = arith.cmpi slt, %broadcast_in_dim3A_150, %lt3A_160 : vector<2000x1xi32>
    %mul3A_162 = arith.constant 896 : i32
    %mul3A_163 = arith.muli %arg1, %mul3A_162 : i32
    %sub3A_164 = arith.constant 5 : i32
    %sub3A_165 = vector.broadcast %sub3A_164 : i32 to vector<2000x1xi32>
    %sub3A_166 = arith.subi %broadcast_in_dim3A_150, %sub3A_165 : vector<2000x1xi32>
    %add3A_167 = vector.broadcast %mul3A_163 : i32 to vector<2000x1xi32>
    %add3A_168 = arith.addi %add3A_167, %sub3A_166 : vector<2000x1xi32>
    %select_n3A_169 = arith.select %lt3A_161, %broadcast_in_dim3A_158, %add3A_168 : vector<2000x1xi1>, vector<2000x1xi32>
    %eq3A_170 = vector.broadcast %broadcast_in_dim3A_150 : vector<2000x1xi32> to vector<2000x901xi32>
    %eq3A_171 = arith.cmpi eq, %iota3A_36, %eq3A_170 : vector<2000x901xi32>
    %jit3A_172 = arith.constant 0xFF800000 : f32
    %broadcast_in_dim3A_173 = vector.broadcast %jit3A_172 : f32 to vector<2000x901xf32>
    %select_n3A_174 = arith.select %eq3A_171, %broadcast_in_dim3A_173, %select_n3A_139 : vector<2000x901xi1>, vector<2000x901xf32>
    %reduce_max3A_175 = arith.constant dense<0xFF800000> : vector<2000xf32>
    %reduce_max3A_176 = vector.multi_reduction <maximumf>, %select_n3A_174, %reduce_max3A_175 [1] : vector<2000x901xf32> to vector<2000xf32>
    %broadcast_in_dim3A_177 = vector.shape_cast %reduce_max3A_176 : vector<2000xf32> to vector<2000x1xf32>
    %eq3A_178 = vector.broadcast %broadcast_in_dim3A_177 : vector<2000x1xf32> to vector<2000x901xf32>
    %eq3A_179 = arith.cmpf oeq, %select_n3A_174, %eq3A_178 : vector<2000x901xf32>
    %jit3A_180 = arith.constant 901 : i32
    %broadcast_in_dim3A_181 = vector.broadcast %jit3A_180 : i32 to vector<2000x901xi32>
    %select_n3A_182 = arith.select %eq3A_179, %iota3A_36, %broadcast_in_dim3A_181 : vector<2000x901xi1>, vector<2000x901xi32>
    %reduce_min3A_183 = arith.constant dense<2147483647> : vector<2000xi32>
    %reduce_min3A_184 = vector.multi_reduction <minsi>, %select_n3A_182, %reduce_min3A_183 [1] : vector<2000x901xi32> to vector<2000xi32>
    %broadcast_in_dim3A_185 = vector.shape_cast %reduce_min3A_184 : vector<2000xi32> to vector<2000x1xi32>
    %eq3A_186 = vector.broadcast %broadcast_in_dim3A_185 : vector<2000x1xi32> to vector<2000x5xi32>
    %eq3A_187 = arith.cmpi eq, %iota3A_37, %eq3A_186 : vector<2000x5xi32>
    %jit3A_188 = arith.constant 0 : i32
    %broadcast_in_dim3A_189 = vector.broadcast %jit3A_188 : i32 to vector<2000x5xi32>
    %select_n3A_190 = arith.select %eq3A_187, %get3A_35, %broadcast_in_dim3A_189 : vector<2000x5xi1>, vector<2000x5xi32>
    %reduce_sum3A_191 = arith.constant dense<0> : vector<2000xi32>
    %reduce_sum3A_192 = vector.multi_reduction <add>, %select_n3A_190, %reduce_sum3A_191 [1] : vector<2000x5xi32> to vector<2000xi32>
    %broadcast_in_dim3A_193 = vector.shape_cast %reduce_sum3A_192 : vector<2000xi32> to vector<2000x1xi32>
    %lt3A_194 = arith.constant 5 : i32
    %lt3A_195 = vector.broadcast %lt3A_194 : i32 to vector<2000x1xi32>
    %lt3A_196 = arith.cmpi slt, %broadcast_in_dim3A_185, %lt3A_195 : vector<2000x1xi32>
    %mul3A_197 = arith.constant 896 : i32
    %mul3A_198 = arith.muli %arg1, %mul3A_197 : i32
    %sub3A_199 = arith.constant 5 : i32
    %sub3A_200 = vector.broadcast %sub3A_199 : i32 to vector<2000x1xi32>
    %sub3A_201 = arith.subi %broadcast_in_dim3A_185, %sub3A_200 : vector<2000x1xi32>
    %add3A_202 = vector.broadcast %mul3A_198 : i32 to vector<2000x1xi32>
    %add3A_203 = arith.addi %add3A_202, %sub3A_201 : vector<2000x1xi32>
    %select_n3A_204 = arith.select %lt3A_196, %broadcast_in_dim3A_193, %add3A_203 : vector<2000x1xi1>, vector<2000x1xi32>
    %concatenate3A_205 = tpu.concatenate %broadcast_in_dim3A_39, %broadcast_in_dim3A_72, %broadcast_in_dim3A_107, %broadcast_in_dim3A_142, %broadcast_in_dim3A_177 in 1 : vector<2000x1xf32>, vector<2000x1xf32>, vector<2000x1xf32>, vector<2000x1xf32>, vector<2000x1xf32> -> vector<2000x5xf32>
    %concatenate3A_206 = tpu.concatenate %select_n3A_64, %select_n3A_99, %select_n3A_134, %select_n3A_169, %select_n3A_204 in 1 : vector<2000x1xi32>, vector<2000x1xi32>, vector<2000x1xi32>, vector<2000x1xi32>, vector<2000x1xi32> -> vector<2000x5xi32>
    %swap3A = arith.constant 0 : index
    %swap3A_207 = arith.constant 0 : index
    %swap3A_208 = vector.load %arg6[%swap3A, %swap3A_207] : memref<2000x5xf32, #tpu.memory_space<vmem>>, vector<2000x5xf32>
    tpu.vector_store %arg6[%swap3A, %swap3A_207], %concatenate3A_205 {strides = array<i32>} : memref<2000x5xf32, #tpu.memory_space<vmem>>, vector<2000x5xf32>,
    %swap3A_209 = arith.constant 0 : index
    %swap3A_210 = arith.constant 0 : index
    %swap3A_211 = vector.load %arg7[%swap3A_209, %swap3A_210] : memref<2000x5xi32, #tpu.memory_space<vmem>>, vector<2000x5xi32>
    tpu.vector_store %arg7[%swap3A_209, %swap3A_210], %concatenate3A_206 {strides = array<i32>} : memref<2000x5xi32, #tpu.memory_space<vmem>>, vector<2000x5xi32>,
    %eq3A_212 = arith.constant 55 : i32
    %eq3A_213 = arith.cmpi eq, %arg1, %eq3A_212 : i32
    %convert_element_type3A_214 = arith.extui %eq3A_213 : i1 to i32
    %cond3A_215 = arith.constant 0 : i32
    %cond3A_216 = arith.cmpi ne, %convert_element_type3A_214, %cond3A_215 : i32
    scf.if %cond3A_216 {
      %div3A_217 = arith.constant 2.000000e-01 : f32
      %div3A_218 = vector.broadcast %div3A_217 : f32 to vector<2000x5xf32>
      %div3A_219 = arith.divf %concatenate3A_205, %div3A_218 : vector<2000x5xf32>
      %reduce_max3A_220 = arith.constant dense<0xFF800000> : vector<2000xf32>
      %reduce_max3A_221 = vector.multi_reduction <maximumf>, %div3A_219, %reduce_max3A_220 [1] : vector<2000x5xf32> to vector<2000xf32>
      %broadcast_in_dim3A_222 = vector.shape_cast %reduce_max3A_221 : vector<2000xf32> to vector<2000x1xf32>
      %sub3A_223 = vector.broadcast %broadcast_in_dim3A_222 : vector<2000x1xf32> to vector<2000x5xf32>
      %sub3A_224 = arith.subf %div3A_219, %sub3A_223 : vector<2000x5xf32>
      %exp3A = math.exp %sub3A_224 : vector<2000x5xf32>
      %reduce_sum3A_225 = arith.constant dense<0.000000e+00> : vector<2000xf32>
      %reduce_sum3A_226 = vector.multi_reduction <add>, %exp3A, %reduce_sum3A_225 [1] : vector<2000x5xf32> to vector<2000xf32>
      %broadcast_in_dim3A_227 = vector.shape_cast %reduce_sum3A_226 : vector<2000xf32> to vector<2000x1xf32>
      %div3A_228 = vector.broadcast %broadcast_in_dim3A_227 : vector<2000x1xf32> to vector<2000x5xf32>
      %div3A_229 = arith.divf %exp3A, %div3A_228 : vector<2000x5xf32>
      %swap3A_230 = arith.constant 0 : index
      %swap3A_231 = arith.constant 0 : index
      %swap3A_232 = vector.load %arg5[%swap3A_230, %swap3A_231] : memref<2000x5xf32, #tpu.memory_space<vmem>>, vector<2000x5xf32>
      tpu.vector_store %arg5[%swap3A_230, %swap3A_231], %div3A_229 {strides = array<i32>} : memref<2000x5xf32, #tpu.memory_space<vmem>>, vector<2000x5xf32>,
      %swap3A_233 = arith.constant 0 : index
      %swap3A_234 = arith.constant 0 : index
      %swap3A_235 = vector.load %arg4[%swap3A_233, %swap3A_234] : memref<2000x5xi32, #tpu.memory_space<vmem>>, vector<2000x5xi32>
      tpu.vector_store %arg4[%swap3A_233, %swap3A_234], %concatenate3A_206 {strides = array<i32>} : memref<2000x5xi32, #tpu.memory_space<vmem>>, vector<2000x5xi32>,
    } else {
    }
    return
  }
  func.func @transform_0(%arg0: i32, %arg1: i32) -> (i32, i32) {
    %c0_i32 = arith.constant 0 : i32
    %c0_i32_0 = arith.constant 0 : i32
    return %arg0, %c0_i32 : i32, i32
  }
  func.func @transform_1(%arg0: i32, %arg1: i32) -> (i32, i32) {
    %c0_i32 = arith.constant 0 : i32
    %c0_i32_0 = arith.constant 0 : i32
    return %arg1, %c0_i32 : i32, i32
  }
  func.func @transform_2(%arg0: i32, %arg1: i32) -> (i32, i32) {
    %c0_i32 = arith.constant 0 : i32
    %c0_i32_0 = arith.constant 0 : i32
    return %arg0, %c0_i32 : i32, i32
  }
  func.func @transform_3(%arg0: i32, %arg1: i32) -> (i32, i32) {
    %c0_i32 = arith.constant 0 : i32
    %c0_i32_0 = arith.constant 0 : i32
    return %arg0, %c0_i32 : i32, i32
  }
}

module attributes {stable_mosaic.version = 14 : i64} {
  func.func @_knn_body(%arg0: i32, %arg1: i32, %arg2: memref<2048x256xf32, #tpu.memory_space<vmem>>, %arg3: memref<896x256xf32, #tpu.memory_space<vmem>>, %arg4: memref<2048x5xi32, #tpu.memory_space<vmem>>, %arg5: memref<2048x5xf32, #tpu.memory_space<vmem>>, %arg6: memref<2048x5xf32, #tpu.memory_space<vmem>>, %arg7: memref<2048x5xi32, #tpu.memory_space<vmem>>) attributes {dimension_semantics = [#tpu.dimension_semantics<arbitrary>, #tpu.dimension_semantics<arbitrary>], iteration_bounds = array<i64: 1, 56>, scalar_prefetch = 0 : i64, scratch_operands = 2 : i64, tpu.core_type = #tpu.core_type<tc>, window_params = [{transform_indices = @transform_0, window_bounds = array<i64: 2048, 256>}, {transform_indices = @transform_1, window_bounds = array<i64: 896, 256>}, {transform_indices = @transform_2, window_bounds = array<i64: 2048, 5>}, {transform_indices = @transform_3, window_bounds = array<i64: 2048, 5>}]} {
    %get3A = arith.constant 0 : index
    %get3A_0 = arith.constant 0 : index
    %get3A_1 = vector.load %arg2[%get3A, %get3A_0] : memref<2048x256xf32, #tpu.memory_space<vmem>>, vector<2048x256xf32>
    %get3A_2 = arith.constant 0 : index
    %get3A_3 = arith.constant 0 : index
    %get3A_4 = vector.load %arg3[%get3A_2, %get3A_3] : memref<896x256xf32, #tpu.memory_space<vmem>>, vector<896x256xf32>
    %mul3A = arith.mulf %get3A_1, %get3A_1 : vector<2048x256xf32>
    %reduce_sum3A = arith.constant dense<0.000000e+00> : vector<2048xf32>
    %reduce_sum3A_5 = vector.multi_reduction <add>, %mul3A, %reduce_sum3A [1] : vector<2048x256xf32> to vector<2048xf32>
    %broadcast_in_dim3A = vector.shape_cast %reduce_sum3A_5 : vector<2048xf32> to vector<2048x1xf32>
    %sqrt3A = math.sqrt %broadcast_in_dim3A : vector<2048x1xf32>
    %max3A = arith.constant 9.99999996E-13 : f32
    %max3A_6 = vector.broadcast %max3A : f32 to vector<2048x1xf32>
    %max3A_7 = arith.maximumf %sqrt3A, %max3A_6 : vector<2048x1xf32>
    %div3A = vector.broadcast %max3A_7 : vector<2048x1xf32> to vector<2048x256xf32>
    %div3A_8 = arith.divf %get3A_1, %div3A : vector<2048x256xf32>
    %convert_element_type3A = arith.truncf %div3A_8 : vector<2048x256xf32> to vector<2048x256xbf16>
    %mul3A_9 = arith.mulf %get3A_4, %get3A_4 : vector<896x256xf32>
    %reduce_sum3A_10 = arith.constant dense<0.000000e+00> : vector<896xf32>
    %reduce_sum3A_11 = vector.multi_reduction <add>, %mul3A_9, %reduce_sum3A_10 [1] : vector<896x256xf32> to vector<896xf32>
    %broadcast_in_dim3A_12 = vector.shape_cast %reduce_sum3A_11 : vector<896xf32> to vector<896x1xf32>
    %sqrt3A_13 = math.sqrt %broadcast_in_dim3A_12 : vector<896x1xf32>
    %max3A_14 = arith.constant 9.99999996E-13 : f32
    %max3A_15 = vector.broadcast %max3A_14 : f32 to vector<896x1xf32>
    %max3A_16 = arith.maximumf %sqrt3A_13, %max3A_15 : vector<896x1xf32>
    %div3A_17 = vector.broadcast %max3A_16 : vector<896x1xf32> to vector<896x256xf32>
    %div3A_18 = arith.divf %get3A_4, %div3A_17 : vector<896x256xf32>
    %convert_element_type3A_19 = arith.truncf %div3A_18 : vector<896x256xf32> to vector<896x256xbf16>
    %dot_general3A = arith.constant dense<0.000000e+00> : vector<2048x896xf32>
    %dot_general3A_20 = tpu.matmul %convert_element_type3A, %convert_element_type3A_19, %dot_general3A {dimension_numbers = #tpu.dot_dimension_numbers<[1], [1], [0], [0], [0, 0, 1, 0], [], []>, transpose_lhs_hint = false} : vector<2048x256xbf16>, vector<896x256xbf16>, vector<2048x896xf32> -> vector<2048x896xf32>
    %mul3A_21 = arith.constant 896 : i32
    %mul3A_22 = arith.muli %arg1, %mul3A_21 : i32
    %iota3A = tpu.iota {dimensions = array<i32: 1>} : vector<2048x896xi32>
    %add3A = vector.broadcast %mul3A_22 : i32 to vector<2048x896xi32>
    %add3A_23 = arith.addi %add3A, %iota3A : vector<2048x896xi32>
    %lt3A = arith.constant 50000 : i32
    %lt3A_24 = vector.broadcast %lt3A : i32 to vector<2048x896xi32>
    %lt3A_25 = arith.cmpi slt, %add3A_23, %lt3A_24 : vector<2048x896xi32>
    %jit3A = arith.constant 0xFF800000 : f32
    %broadcast_in_dim3A_26 = vector.broadcast %jit3A : f32 to vector<2048x896xf32>
    %select_n3A = arith.select %lt3A_25, %dot_general3A_20, %broadcast_in_dim3A_26 : vector<2048x896xi1>, vector<2048x896xf32>
    %eq3A = arith.constant 0 : i32
    %eq3A_27 = arith.cmpi eq, %arg1, %eq3A : i32
    %convert_element_type3A_28 = arith.extui %eq3A_27 : i1 to i32
    %cond3A = arith.constant 0 : i32
    %cond3A_29 = arith.cmpi ne, %convert_element_type3A_28, %cond3A : i32
    scf.if %cond3A_29 {
      %broadcast_in_dim3A_217 = arith.constant 0xFF800000 : f32
      %broadcast_in_dim3A_218 = vector.broadcast %broadcast_in_dim3A_217 : f32 to vector<2048x5xf32>
      %swap3A_219 = arith.constant 0 : index
      %swap3A_220 = arith.constant 0 : index
      %swap3A_221 = vector.load %arg6[%swap3A_219, %swap3A_220] : memref<2048x5xf32, #tpu.memory_space<vmem>>, vector<2048x5xf32>
      tpu.vector_store %arg6[%swap3A_219, %swap3A_220], %broadcast_in_dim3A_218 {strides = array<i32>} : memref<2048x5xf32, #tpu.memory_space<vmem>>, vector<2048x5xf32>,
      %broadcast_in_dim3A_222 = arith.constant 0 : i32
      %broadcast_in_dim3A_223 = vector.broadcast %broadcast_in_dim3A_222 : i32 to vector<2048x5xi32>
      %swap3A_224 = arith.constant 0 : index
      %swap3A_225 = arith.constant 0 : index
      %swap3A_226 = vector.load %arg7[%swap3A_224, %swap3A_225] : memref<2048x5xi32, #tpu.memory_space<vmem>>, vector<2048x5xi32>
      tpu.vector_store %arg7[%swap3A_224, %swap3A_225], %broadcast_in_dim3A_223 {strides = array<i32>} : memref<2048x5xi32, #tpu.memory_space<vmem>>, vector<2048x5xi32>,
    } else {
    }
    %get3A_30 = arith.constant 0 : index
    %get3A_31 = arith.constant 0 : index
    %get3A_32 = vector.load %arg6[%get3A_30, %get3A_31] : memref<2048x5xf32, #tpu.memory_space<vmem>>, vector<2048x5xf32>
    %get3A_33 = arith.constant 0 : index
    %get3A_34 = arith.constant 0 : index
    %get3A_35 = vector.load %arg7[%get3A_33, %get3A_34] : memref<2048x5xi32, #tpu.memory_space<vmem>>, vector<2048x5xi32>
    %concatenate3A = tpu.concatenate %get3A_32, %select_n3A in 1 : vector<2048x5xf32>, vector<2048x896xf32> -> vector<2048x901xf32>
    %iota3A_36 = tpu.iota {dimensions = array<i32: 1>} : vector<2048x901xi32>
    %iota3A_37 = tpu.iota {dimensions = array<i32: 1>} : vector<2048x5xi32>
    %reduce_max3A = arith.constant dense<0xFF800000> : vector<2048xf32>
    %reduce_max3A_38 = vector.multi_reduction <maximumf>, %concatenate3A, %reduce_max3A [1] : vector<2048x901xf32> to vector<2048xf32>
    %broadcast_in_dim3A_39 = vector.shape_cast %reduce_max3A_38 : vector<2048xf32> to vector<2048x1xf32>
    %eq3A_40 = vector.broadcast %broadcast_in_dim3A_39 : vector<2048x1xf32> to vector<2048x901xf32>
    %eq3A_41 = arith.cmpf oeq, %concatenate3A, %eq3A_40 : vector<2048x901xf32>
    %jit3A_42 = arith.constant 901 : i32
    %broadcast_in_dim3A_43 = vector.broadcast %jit3A_42 : i32 to vector<2048x901xi32>
    %select_n3A_44 = arith.select %eq3A_41, %iota3A_36, %broadcast_in_dim3A_43 : vector<2048x901xi1>, vector<2048x901xi32>
    %reduce_min3A = arith.constant dense<2147483647> : vector<2048xi32>
    %reduce_min3A_45 = vector.multi_reduction <minsi>, %select_n3A_44, %reduce_min3A [1] : vector<2048x901xi32> to vector<2048xi32>
    %broadcast_in_dim3A_46 = vector.shape_cast %reduce_min3A_45 : vector<2048xi32> to vector<2048x1xi32>
    %eq3A_47 = vector.broadcast %broadcast_in_dim3A_46 : vector<2048x1xi32> to vector<2048x5xi32>
    %eq3A_48 = arith.cmpi eq, %iota3A_37, %eq3A_47 : vector<2048x5xi32>
    %jit3A_49 = arith.constant 0 : i32
    %broadcast_in_dim3A_50 = vector.broadcast %jit3A_49 : i32 to vector<2048x5xi32>
    %select_n3A_51 = arith.select %eq3A_48, %get3A_35, %broadcast_in_dim3A_50 : vector<2048x5xi1>, vector<2048x5xi32>
    %reduce_sum3A_52 = arith.constant dense<0> : vector<2048xi32>
    %reduce_sum3A_53 = vector.multi_reduction <add>, %select_n3A_51, %reduce_sum3A_52 [1] : vector<2048x5xi32> to vector<2048xi32>
    %broadcast_in_dim3A_54 = vector.shape_cast %reduce_sum3A_53 : vector<2048xi32> to vector<2048x1xi32>
    %lt3A_55 = arith.constant 5 : i32
    %lt3A_56 = vector.broadcast %lt3A_55 : i32 to vector<2048x1xi32>
    %lt3A_57 = arith.cmpi slt, %broadcast_in_dim3A_46, %lt3A_56 : vector<2048x1xi32>
    %mul3A_58 = arith.constant 896 : i32
    %mul3A_59 = arith.muli %arg1, %mul3A_58 : i32
    %sub3A = arith.constant 5 : i32
    %sub3A_60 = vector.broadcast %sub3A : i32 to vector<2048x1xi32>
    %sub3A_61 = arith.subi %broadcast_in_dim3A_46, %sub3A_60 : vector<2048x1xi32>
    %add3A_62 = vector.broadcast %mul3A_59 : i32 to vector<2048x1xi32>
    %add3A_63 = arith.addi %add3A_62, %sub3A_61 : vector<2048x1xi32>
    %select_n3A_64 = arith.select %lt3A_57, %broadcast_in_dim3A_54, %add3A_63 : vector<2048x1xi1>, vector<2048x1xi32>
    %eq3A_65 = vector.broadcast %broadcast_in_dim3A_46 : vector<2048x1xi32> to vector<2048x901xi32>
    %eq3A_66 = arith.cmpi eq, %iota3A_36, %eq3A_65 : vector<2048x901xi32>
    %jit3A_67 = arith.constant 0xFF800000 : f32
    %broadcast_in_dim3A_68 = vector.broadcast %jit3A_67 : f32 to vector<2048x901xf32>
    %select_n3A_69 = arith.select %eq3A_66, %broadcast_in_dim3A_68, %concatenate3A : vector<2048x901xi1>, vector<2048x901xf32>
    %reduce_max3A_70 = arith.constant dense<0xFF800000> : vector<2048xf32>
    %reduce_max3A_71 = vector.multi_reduction <maximumf>, %select_n3A_69, %reduce_max3A_70 [1] : vector<2048x901xf32> to vector<2048xf32>
    %broadcast_in_dim3A_72 = vector.shape_cast %reduce_max3A_71 : vector<2048xf32> to vector<2048x1xf32>
    %eq3A_73 = vector.broadcast %broadcast_in_dim3A_72 : vector<2048x1xf32> to vector<2048x901xf32>
    %eq3A_74 = arith.cmpf oeq, %select_n3A_69, %eq3A_73 : vector<2048x901xf32>
    %jit3A_75 = arith.constant 901 : i32
    %broadcast_in_dim3A_76 = vector.broadcast %jit3A_75 : i32 to vector<2048x901xi32>
    %select_n3A_77 = arith.select %eq3A_74, %iota3A_36, %broadcast_in_dim3A_76 : vector<2048x901xi1>, vector<2048x901xi32>
    %reduce_min3A_78 = arith.constant dense<2147483647> : vector<2048xi32>
    %reduce_min3A_79 = vector.multi_reduction <minsi>, %select_n3A_77, %reduce_min3A_78 [1] : vector<2048x901xi32> to vector<2048xi32>
    %broadcast_in_dim3A_80 = vector.shape_cast %reduce_min3A_79 : vector<2048xi32> to vector<2048x1xi32>
    %eq3A_81 = vector.broadcast %broadcast_in_dim3A_80 : vector<2048x1xi32> to vector<2048x5xi32>
    %eq3A_82 = arith.cmpi eq, %iota3A_37, %eq3A_81 : vector<2048x5xi32>
    %jit3A_83 = arith.constant 0 : i32
    %broadcast_in_dim3A_84 = vector.broadcast %jit3A_83 : i32 to vector<2048x5xi32>
    %select_n3A_85 = arith.select %eq3A_82, %get3A_35, %broadcast_in_dim3A_84 : vector<2048x5xi1>, vector<2048x5xi32>
    %reduce_sum3A_86 = arith.constant dense<0> : vector<2048xi32>
    %reduce_sum3A_87 = vector.multi_reduction <add>, %select_n3A_85, %reduce_sum3A_86 [1] : vector<2048x5xi32> to vector<2048xi32>
    %broadcast_in_dim3A_88 = vector.shape_cast %reduce_sum3A_87 : vector<2048xi32> to vector<2048x1xi32>
    %lt3A_89 = arith.constant 5 : i32
    %lt3A_90 = vector.broadcast %lt3A_89 : i32 to vector<2048x1xi32>
    %lt3A_91 = arith.cmpi slt, %broadcast_in_dim3A_80, %lt3A_90 : vector<2048x1xi32>
    %mul3A_92 = arith.constant 896 : i32
    %mul3A_93 = arith.muli %arg1, %mul3A_92 : i32
    %sub3A_94 = arith.constant 5 : i32
    %sub3A_95 = vector.broadcast %sub3A_94 : i32 to vector<2048x1xi32>
    %sub3A_96 = arith.subi %broadcast_in_dim3A_80, %sub3A_95 : vector<2048x1xi32>
    %add3A_97 = vector.broadcast %mul3A_93 : i32 to vector<2048x1xi32>
    %add3A_98 = arith.addi %add3A_97, %sub3A_96 : vector<2048x1xi32>
    %select_n3A_99 = arith.select %lt3A_91, %broadcast_in_dim3A_88, %add3A_98 : vector<2048x1xi1>, vector<2048x1xi32>
    %eq3A_100 = vector.broadcast %broadcast_in_dim3A_80 : vector<2048x1xi32> to vector<2048x901xi32>
    %eq3A_101 = arith.cmpi eq, %iota3A_36, %eq3A_100 : vector<2048x901xi32>
    %jit3A_102 = arith.constant 0xFF800000 : f32
    %broadcast_in_dim3A_103 = vector.broadcast %jit3A_102 : f32 to vector<2048x901xf32>
    %select_n3A_104 = arith.select %eq3A_101, %broadcast_in_dim3A_103, %select_n3A_69 : vector<2048x901xi1>, vector<2048x901xf32>
    %reduce_max3A_105 = arith.constant dense<0xFF800000> : vector<2048xf32>
    %reduce_max3A_106 = vector.multi_reduction <maximumf>, %select_n3A_104, %reduce_max3A_105 [1] : vector<2048x901xf32> to vector<2048xf32>
    %broadcast_in_dim3A_107 = vector.shape_cast %reduce_max3A_106 : vector<2048xf32> to vector<2048x1xf32>
    %eq3A_108 = vector.broadcast %broadcast_in_dim3A_107 : vector<2048x1xf32> to vector<2048x901xf32>
    %eq3A_109 = arith.cmpf oeq, %select_n3A_104, %eq3A_108 : vector<2048x901xf32>
    %jit3A_110 = arith.constant 901 : i32
    %broadcast_in_dim3A_111 = vector.broadcast %jit3A_110 : i32 to vector<2048x901xi32>
    %select_n3A_112 = arith.select %eq3A_109, %iota3A_36, %broadcast_in_dim3A_111 : vector<2048x901xi1>, vector<2048x901xi32>
    %reduce_min3A_113 = arith.constant dense<2147483647> : vector<2048xi32>
    %reduce_min3A_114 = vector.multi_reduction <minsi>, %select_n3A_112, %reduce_min3A_113 [1] : vector<2048x901xi32> to vector<2048xi32>
    %broadcast_in_dim3A_115 = vector.shape_cast %reduce_min3A_114 : vector<2048xi32> to vector<2048x1xi32>
    %eq3A_116 = vector.broadcast %broadcast_in_dim3A_115 : vector<2048x1xi32> to vector<2048x5xi32>
    %eq3A_117 = arith.cmpi eq, %iota3A_37, %eq3A_116 : vector<2048x5xi32>
    %jit3A_118 = arith.constant 0 : i32
    %broadcast_in_dim3A_119 = vector.broadcast %jit3A_118 : i32 to vector<2048x5xi32>
    %select_n3A_120 = arith.select %eq3A_117, %get3A_35, %broadcast_in_dim3A_119 : vector<2048x5xi1>, vector<2048x5xi32>
    %reduce_sum3A_121 = arith.constant dense<0> : vector<2048xi32>
    %reduce_sum3A_122 = vector.multi_reduction <add>, %select_n3A_120, %reduce_sum3A_121 [1] : vector<2048x5xi32> to vector<2048xi32>
    %broadcast_in_dim3A_123 = vector.shape_cast %reduce_sum3A_122 : vector<2048xi32> to vector<2048x1xi32>
    %lt3A_124 = arith.constant 5 : i32
    %lt3A_125 = vector.broadcast %lt3A_124 : i32 to vector<2048x1xi32>
    %lt3A_126 = arith.cmpi slt, %broadcast_in_dim3A_115, %lt3A_125 : vector<2048x1xi32>
    %mul3A_127 = arith.constant 896 : i32
    %mul3A_128 = arith.muli %arg1, %mul3A_127 : i32
    %sub3A_129 = arith.constant 5 : i32
    %sub3A_130 = vector.broadcast %sub3A_129 : i32 to vector<2048x1xi32>
    %sub3A_131 = arith.subi %broadcast_in_dim3A_115, %sub3A_130 : vector<2048x1xi32>
    %add3A_132 = vector.broadcast %mul3A_128 : i32 to vector<2048x1xi32>
    %add3A_133 = arith.addi %add3A_132, %sub3A_131 : vector<2048x1xi32>
    %select_n3A_134 = arith.select %lt3A_126, %broadcast_in_dim3A_123, %add3A_133 : vector<2048x1xi1>, vector<2048x1xi32>
    %eq3A_135 = vector.broadcast %broadcast_in_dim3A_115 : vector<2048x1xi32> to vector<2048x901xi32>
    %eq3A_136 = arith.cmpi eq, %iota3A_36, %eq3A_135 : vector<2048x901xi32>
    %jit3A_137 = arith.constant 0xFF800000 : f32
    %broadcast_in_dim3A_138 = vector.broadcast %jit3A_137 : f32 to vector<2048x901xf32>
    %select_n3A_139 = arith.select %eq3A_136, %broadcast_in_dim3A_138, %select_n3A_104 : vector<2048x901xi1>, vector<2048x901xf32>
    %reduce_max3A_140 = arith.constant dense<0xFF800000> : vector<2048xf32>
    %reduce_max3A_141 = vector.multi_reduction <maximumf>, %select_n3A_139, %reduce_max3A_140 [1] : vector<2048x901xf32> to vector<2048xf32>
    %broadcast_in_dim3A_142 = vector.shape_cast %reduce_max3A_141 : vector<2048xf32> to vector<2048x1xf32>
    %eq3A_143 = vector.broadcast %broadcast_in_dim3A_142 : vector<2048x1xf32> to vector<2048x901xf32>
    %eq3A_144 = arith.cmpf oeq, %select_n3A_139, %eq3A_143 : vector<2048x901xf32>
    %jit3A_145 = arith.constant 901 : i32
    %broadcast_in_dim3A_146 = vector.broadcast %jit3A_145 : i32 to vector<2048x901xi32>
    %select_n3A_147 = arith.select %eq3A_144, %iota3A_36, %broadcast_in_dim3A_146 : vector<2048x901xi1>, vector<2048x901xi32>
    %reduce_min3A_148 = arith.constant dense<2147483647> : vector<2048xi32>
    %reduce_min3A_149 = vector.multi_reduction <minsi>, %select_n3A_147, %reduce_min3A_148 [1] : vector<2048x901xi32> to vector<2048xi32>
    %broadcast_in_dim3A_150 = vector.shape_cast %reduce_min3A_149 : vector<2048xi32> to vector<2048x1xi32>
    %eq3A_151 = vector.broadcast %broadcast_in_dim3A_150 : vector<2048x1xi32> to vector<2048x5xi32>
    %eq3A_152 = arith.cmpi eq, %iota3A_37, %eq3A_151 : vector<2048x5xi32>
    %jit3A_153 = arith.constant 0 : i32
    %broadcast_in_dim3A_154 = vector.broadcast %jit3A_153 : i32 to vector<2048x5xi32>
    %select_n3A_155 = arith.select %eq3A_152, %get3A_35, %broadcast_in_dim3A_154 : vector<2048x5xi1>, vector<2048x5xi32>
    %reduce_sum3A_156 = arith.constant dense<0> : vector<2048xi32>
    %reduce_sum3A_157 = vector.multi_reduction <add>, %select_n3A_155, %reduce_sum3A_156 [1] : vector<2048x5xi32> to vector<2048xi32>
    %broadcast_in_dim3A_158 = vector.shape_cast %reduce_sum3A_157 : vector<2048xi32> to vector<2048x1xi32>
    %lt3A_159 = arith.constant 5 : i32
    %lt3A_160 = vector.broadcast %lt3A_159 : i32 to vector<2048x1xi32>
    %lt3A_161 = arith.cmpi slt, %broadcast_in_dim3A_150, %lt3A_160 : vector<2048x1xi32>
    %mul3A_162 = arith.constant 896 : i32
    %mul3A_163 = arith.muli %arg1, %mul3A_162 : i32
    %sub3A_164 = arith.constant 5 : i32
    %sub3A_165 = vector.broadcast %sub3A_164 : i32 to vector<2048x1xi32>
    %sub3A_166 = arith.subi %broadcast_in_dim3A_150, %sub3A_165 : vector<2048x1xi32>
    %add3A_167 = vector.broadcast %mul3A_163 : i32 to vector<2048x1xi32>
    %add3A_168 = arith.addi %add3A_167, %sub3A_166 : vector<2048x1xi32>
    %select_n3A_169 = arith.select %lt3A_161, %broadcast_in_dim3A_158, %add3A_168 : vector<2048x1xi1>, vector<2048x1xi32>
    %eq3A_170 = vector.broadcast %broadcast_in_dim3A_150 : vector<2048x1xi32> to vector<2048x901xi32>
    %eq3A_171 = arith.cmpi eq, %iota3A_36, %eq3A_170 : vector<2048x901xi32>
    %jit3A_172 = arith.constant 0xFF800000 : f32
    %broadcast_in_dim3A_173 = vector.broadcast %jit3A_172 : f32 to vector<2048x901xf32>
    %select_n3A_174 = arith.select %eq3A_171, %broadcast_in_dim3A_173, %select_n3A_139 : vector<2048x901xi1>, vector<2048x901xf32>
    %reduce_max3A_175 = arith.constant dense<0xFF800000> : vector<2048xf32>
    %reduce_max3A_176 = vector.multi_reduction <maximumf>, %select_n3A_174, %reduce_max3A_175 [1] : vector<2048x901xf32> to vector<2048xf32>
    %broadcast_in_dim3A_177 = vector.shape_cast %reduce_max3A_176 : vector<2048xf32> to vector<2048x1xf32>
    %eq3A_178 = vector.broadcast %broadcast_in_dim3A_177 : vector<2048x1xf32> to vector<2048x901xf32>
    %eq3A_179 = arith.cmpf oeq, %select_n3A_174, %eq3A_178 : vector<2048x901xf32>
    %jit3A_180 = arith.constant 901 : i32
    %broadcast_in_dim3A_181 = vector.broadcast %jit3A_180 : i32 to vector<2048x901xi32>
    %select_n3A_182 = arith.select %eq3A_179, %iota3A_36, %broadcast_in_dim3A_181 : vector<2048x901xi1>, vector<2048x901xi32>
    %reduce_min3A_183 = arith.constant dense<2147483647> : vector<2048xi32>
    %reduce_min3A_184 = vector.multi_reduction <minsi>, %select_n3A_182, %reduce_min3A_183 [1] : vector<2048x901xi32> to vector<2048xi32>
    %broadcast_in_dim3A_185 = vector.shape_cast %reduce_min3A_184 : vector<2048xi32> to vector<2048x1xi32>
    %eq3A_186 = vector.broadcast %broadcast_in_dim3A_185 : vector<2048x1xi32> to vector<2048x5xi32>
    %eq3A_187 = arith.cmpi eq, %iota3A_37, %eq3A_186 : vector<2048x5xi32>
    %jit3A_188 = arith.constant 0 : i32
    %broadcast_in_dim3A_189 = vector.broadcast %jit3A_188 : i32 to vector<2048x5xi32>
    %select_n3A_190 = arith.select %eq3A_187, %get3A_35, %broadcast_in_dim3A_189 : vector<2048x5xi1>, vector<2048x5xi32>
    %reduce_sum3A_191 = arith.constant dense<0> : vector<2048xi32>
    %reduce_sum3A_192 = vector.multi_reduction <add>, %select_n3A_190, %reduce_sum3A_191 [1] : vector<2048x5xi32> to vector<2048xi32>
    %broadcast_in_dim3A_193 = vector.shape_cast %reduce_sum3A_192 : vector<2048xi32> to vector<2048x1xi32>
    %lt3A_194 = arith.constant 5 : i32
    %lt3A_195 = vector.broadcast %lt3A_194 : i32 to vector<2048x1xi32>
    %lt3A_196 = arith.cmpi slt, %broadcast_in_dim3A_185, %lt3A_195 : vector<2048x1xi32>
    %mul3A_197 = arith.constant 896 : i32
    %mul3A_198 = arith.muli %arg1, %mul3A_197 : i32
    %sub3A_199 = arith.constant 5 : i32
    %sub3A_200 = vector.broadcast %sub3A_199 : i32 to vector<2048x1xi32>
    %sub3A_201 = arith.subi %broadcast_in_dim3A_185, %sub3A_200 : vector<2048x1xi32>
    %add3A_202 = vector.broadcast %mul3A_198 : i32 to vector<2048x1xi32>
    %add3A_203 = arith.addi %add3A_202, %sub3A_201 : vector<2048x1xi32>
    %select_n3A_204 = arith.select %lt3A_196, %broadcast_in_dim3A_193, %add3A_203 : vector<2048x1xi1>, vector<2048x1xi32>
    %concatenate3A_205 = tpu.concatenate %broadcast_in_dim3A_39, %broadcast_in_dim3A_72, %broadcast_in_dim3A_107, %broadcast_in_dim3A_142, %broadcast_in_dim3A_177 in 1 : vector<2048x1xf32>, vector<2048x1xf32>, vector<2048x1xf32>, vector<2048x1xf32>, vector<2048x1xf32> -> vector<2048x5xf32>
    %concatenate3A_206 = tpu.concatenate %select_n3A_64, %select_n3A_99, %select_n3A_134, %select_n3A_169, %select_n3A_204 in 1 : vector<2048x1xi32>, vector<2048x1xi32>, vector<2048x1xi32>, vector<2048x1xi32>, vector<2048x1xi32> -> vector<2048x5xi32>
    %swap3A = arith.constant 0 : index
    %swap3A_207 = arith.constant 0 : index
    %swap3A_208 = vector.load %arg6[%swap3A, %swap3A_207] : memref<2048x5xf32, #tpu.memory_space<vmem>>, vector<2048x5xf32>
    tpu.vector_store %arg6[%swap3A, %swap3A_207], %concatenate3A_205 {strides = array<i32>} : memref<2048x5xf32, #tpu.memory_space<vmem>>, vector<2048x5xf32>,
    %swap3A_209 = arith.constant 0 : index
    %swap3A_210 = arith.constant 0 : index
    %swap3A_211 = vector.load %arg7[%swap3A_209, %swap3A_210] : memref<2048x5xi32, #tpu.memory_space<vmem>>, vector<2048x5xi32>
    tpu.vector_store %arg7[%swap3A_209, %swap3A_210], %concatenate3A_206 {strides = array<i32>} : memref<2048x5xi32, #tpu.memory_space<vmem>>, vector<2048x5xi32>,
    %eq3A_212 = arith.constant 55 : i32
    %eq3A_213 = arith.cmpi eq, %arg1, %eq3A_212 : i32
    %convert_element_type3A_214 = arith.extui %eq3A_213 : i1 to i32
    %cond3A_215 = arith.constant 0 : i32
    %cond3A_216 = arith.cmpi ne, %convert_element_type3A_214, %cond3A_215 : i32
    scf.if %cond3A_216 {
      %div3A_217 = arith.constant 2.000000e-01 : f32
      %div3A_218 = vector.broadcast %div3A_217 : f32 to vector<2048x5xf32>
      %div3A_219 = arith.divf %concatenate3A_205, %div3A_218 : vector<2048x5xf32>
      %reduce_max3A_220 = arith.constant dense<0xFF800000> : vector<2048xf32>
      %reduce_max3A_221 = vector.multi_reduction <maximumf>, %div3A_219, %reduce_max3A_220 [1] : vector<2048x5xf32> to vector<2048xf32>
      %broadcast_in_dim3A_222 = vector.shape_cast %reduce_max3A_221 : vector<2048xf32> to vector<2048x1xf32>
      %sub3A_223 = vector.broadcast %broadcast_in_dim3A_222 : vector<2048x1xf32> to vector<2048x5xf32>
      %sub3A_224 = arith.subf %div3A_219, %sub3A_223 : vector<2048x5xf32>
      %exp3A = math.exp %sub3A_224 : vector<2048x5xf32>
      %reduce_sum3A_225 = arith.constant dense<0.000000e+00> : vector<2048xf32>
      %reduce_sum3A_226 = vector.multi_reduction <add>, %exp3A, %reduce_sum3A_225 [1] : vector<2048x5xf32> to vector<2048xf32>
      %broadcast_in_dim3A_227 = vector.shape_cast %reduce_sum3A_226 : vector<2048xf32> to vector<2048x1xf32>
      %div3A_228 = vector.broadcast %broadcast_in_dim3A_227 : vector<2048x1xf32> to vector<2048x5xf32>
      %div3A_229 = arith.divf %exp3A, %div3A_228 : vector<2048x5xf32>
      %swap3A_230 = arith.constant 0 : index
      %swap3A_231 = arith.constant 0 : index
      %swap3A_232 = vector.load %arg5[%swap3A_230, %swap3A_231] : memref<2048x5xf32, #tpu.memory_space<vmem>>, vector<2048x5xf32>
      tpu.vector_store %arg5[%swap3A_230, %swap3A_231], %div3A_229 {strides = array<i32>} : memref<2048x5xf32, #tpu.memory_space<vmem>>, vector<2048x5xf32>,
      %swap3A_233 = arith.constant 0 : index
      %swap3A_234 = arith.constant 0 : index
      %swap3A_235 = vector.load %arg4[%swap3A_233, %swap3A_234] : memref<2048x5xi32, #tpu.memory_space<vmem>>, vector<2048x5xi32>
      tpu.vector_store %arg4[%swap3A_233, %swap3A_234], %concatenate3A_206 {strides = array<i32>} : memref<2048x5xi32, #tpu.memory_space<vmem>>, vector<2048x5xi32>,
    } else {
    }
    return
  }
  func.func @transform_0(%arg0: i32, %arg1: i32) -> (i32, i32) {
    %c0_i32 = arith.constant 0 : i32
    %c0_i32_0 = arith.constant 0 : i32
    return %arg0, %c0_i32 : i32, i32
  }
  func.func @transform_1(%arg0: i32, %arg1: i32) -> (i32, i32) {
    %c0_i32 = arith.constant 0 : i32
    %c0_i32_0 = arith.constant 0 : i32
    return %arg1, %c0_i32 : i32, i32
  }
  func.func @transform_2(%arg0: i32, %arg1: i32) -> (i32, i32) {
    %c0_i32 = arith.constant 0 : i32
    %c0_i32_0 = arith.constant 0 : i32
    return %arg0, %c0_i32 : i32, i32
  }
  func.func @transform_3(%arg0: i32, %arg1: i32) -> (i32, i32) {
    %c0_i32 = arith.constant 0 : i32
    %c0_i32_0 = arith.constant 0 : i32
    return %arg0, %c0_i32 : i32, i32
  }
}

module attributes {stable_mosaic.version = 14 : i64} {
  func.func @_final_body(%arg0: i32, %arg1: memref<2000x128xf32, #tpu.memory_space<vmem>>, %arg2: memref<2000x128xf32, #tpu.memory_space<vmem>>, %arg3: memref<2000x16xf32, #tpu.memory_space<vmem>>, %arg4: memref<2000x16xf32, #tpu.memory_space<vmem>>, %arg5: memref<2000x1280xf32, #tpu.memory_space<vmem>>, %arg6: memref<2000x16xf32, #tpu.memory_space<vmem>>, %arg7: memref<256x256xf32, #tpu.memory_space<vmem>>, %arg8: memref<1x256xf32, #tpu.memory_space<vmem>>, %arg9: memref<256x256xf32, #tpu.memory_space<vmem>>, %arg10: memref<1x256xf32, #tpu.memory_space<vmem>>, %arg11: memref<2000x256xf32, #tpu.memory_space<vmem>>) attributes {dimension_semantics = [#tpu.dimension_semantics<arbitrary>], iteration_bounds = array<i64: 5>, scalar_prefetch = 0 : i64, scratch_operands = 0 : i64, tpu.core_type = #tpu.core_type<tc>, window_params = [{transform_indices = @transform_0, window_bounds = array<i64: 2000, 128>}, {transform_indices = @transform_1, window_bounds = array<i64: 2000, 128>}, {transform_indices = @transform_2, window_bounds = array<i64: 2000, 16>}, {transform_indices = @transform_3, window_bounds = array<i64: 2000, 16>}, {transform_indices = @transform_4, window_bounds = array<i64: 2000, 1280>}, {transform_indices = @transform_5, window_bounds = array<i64: 2000, 16>}, {pipeline_mode = #tpu.pipeline_mode<synchronous>, transform_indices = @transform_6, window_bounds = array<i64: 256, 256>}, {pipeline_mode = #tpu.pipeline_mode<synchronous>, transform_indices = @transform_7, window_bounds = array<i64: 1, 256>}, {pipeline_mode = #tpu.pipeline_mode<synchronous>, transform_indices = @transform_8, window_bounds = array<i64: 256, 256>}, {pipeline_mode = #tpu.pipeline_mode<synchronous>, transform_indices = @transform_9, window_bounds = array<i64: 1, 256>}, {transform_indices = @transform_10, window_bounds = array<i64: 2000, 256>}]} {
    %get3A = arith.constant 0 : index
    %get3A_0 = arith.constant 0 : index
    %get3A_1 = vector.load %arg3[%get3A, %get3A_0] : memref<2000x16xf32, #tpu.memory_space<vmem>>, vector<2000x16xf32>
    %slice3A = vector.extract_strided_slice %get3A_1 {offsets = [0, 0], sizes = [2000, 1], strides = [1, 1]} : vector<2000x16xf32> to vector<2000x1xf32>
    %get3A_2 = arith.constant 0 : index
    %get3A_3 = arith.constant 0 : index
    %get3A_4 = vector.load %arg4[%get3A_2, %get3A_3] : memref<2000x16xf32, #tpu.memory_space<vmem>>, vector<2000x16xf32>
    %slice3A_5 = vector.extract_strided_slice %get3A_4 {offsets = [0, 0], sizes = [2000, 1], strides = [1, 1]} : vector<2000x16xf32> to vector<2000x1xf32>
    %get3A_6 = arith.constant 0 : index
    %get3A_7 = arith.constant 0 : index
    %get3A_8 = vector.load %arg1[%get3A_6, %get3A_7] : memref<2000x128xf32, #tpu.memory_space<vmem>>, vector<2000x128xf32>
    %get3A_9 = arith.constant 0 : index
    %get3A_10 = arith.constant 0 : index
    %get3A_11 = vector.load %arg2[%get3A_9, %get3A_10] : memref<2000x128xf32, #tpu.memory_space<vmem>>, vector<2000x128xf32>
    %concatenate3A = tpu.concatenate %get3A_8, %get3A_11 in 1 : vector<2000x128xf32>, vector<2000x128xf32> -> vector<2000x256xf32>
    %max3A = arith.constant 1.000000e+00 : f32
    %max3A_12 = vector.broadcast %max3A : f32 to vector<2000x1xf32>
    %max3A_13 = arith.maximumf %slice3A, %max3A_12 : vector<2000x1xf32>
    %div3A = vector.broadcast %max3A_13 : vector<2000x1xf32> to vector<2000x256xf32>
    %div3A_14 = arith.divf %concatenate3A, %div3A : vector<2000x256xf32>
    %get3A_15 = arith.constant 0 : index
    %get3A_16 = arith.constant 0 : index
    %get3A_17 = vector.load %arg6[%get3A_15, %get3A_16] : memref<2000x16xf32, #tpu.memory_space<vmem>>, vector<2000x16xf32>
    %get3A_18 = arith.constant 0 : index
    %get3A_19 = arith.constant 0 : index
    %get3A_20 = vector.load %arg5[%get3A_18, %get3A_19] : memref<2000x1280xf32, #tpu.memory_space<vmem>>, vector<2000x1280xf32>
    %slice3A_21 = vector.extract_strided_slice %get3A_17 {offsets = [0, 0], sizes = [2000, 1], strides = [1, 1]} : vector<2000x16xf32> to vector<2000x1xf32>
    %slice3A_22 = vector.extract_strided_slice %get3A_20 {offsets = [0, 0], sizes = [2000, 256], strides = [1, 1]} : vector<2000x1280xf32> to vector<2000x256xf32>
    %mul3A = vector.broadcast %slice3A_21 : vector<2000x1xf32> to vector<2000x256xf32>
    %mul3A_23 = arith.mulf %mul3A, %slice3A_22 : vector<2000x256xf32>
    %slice3A_24 = vector.extract_strided_slice %get3A_17 {offsets = [0, 1], sizes = [2000, 1], strides = [1, 1]} : vector<2000x16xf32> to vector<2000x1xf32>
    %slice3A_25 = vector.extract_strided_slice %get3A_20 {offsets = [0, 256], sizes = [2000, 256], strides = [1, 1]} : vector<2000x1280xf32> to vector<2000x256xf32>
    %mul3A_26 = vector.broadcast %slice3A_24 : vector<2000x1xf32> to vector<2000x256xf32>
    %mul3A_27 = arith.mulf %mul3A_26, %slice3A_25 : vector<2000x256xf32>
    %add3A = arith.addf %mul3A_23, %mul3A_27 : vector<2000x256xf32>
    %slice3A_28 = vector.extract_strided_slice %get3A_17 {offsets = [0, 2], sizes = [2000, 1], strides = [1, 1]} : vector<2000x16xf32> to vector<2000x1xf32>
    %slice3A_29 = vector.extract_strided_slice %get3A_20 {offsets = [0, 512], sizes = [2000, 256], strides = [1, 1]} : vector<2000x1280xf32> to vector<2000x256xf32>
    %mul3A_30 = vector.broadcast %slice3A_28 : vector<2000x1xf32> to vector<2000x256xf32>
    %mul3A_31 = arith.mulf %mul3A_30, %slice3A_29 : vector<2000x256xf32>
    %add3A_32 = arith.addf %add3A, %mul3A_31 : vector<2000x256xf32>
    %slice3A_33 = vector.extract_strided_slice %get3A_17 {offsets = [0, 3], sizes = [2000, 1], strides = [1, 1]} : vector<2000x16xf32> to vector<2000x1xf32>
    %slice3A_34 = vector.extract_strided_slice %get3A_20 {offsets = [0, 768], sizes = [2000, 256], strides = [1, 1]} : vector<2000x1280xf32> to vector<2000x256xf32>
    %mul3A_35 = vector.broadcast %slice3A_33 : vector<2000x1xf32> to vector<2000x256xf32>
    %mul3A_36 = arith.mulf %mul3A_35, %slice3A_34 : vector<2000x256xf32>
    %add3A_37 = arith.addf %add3A_32, %mul3A_36 : vector<2000x256xf32>
    %slice3A_38 = vector.extract_strided_slice %get3A_17 {offsets = [0, 4], sizes = [2000, 1], strides = [1, 1]} : vector<2000x16xf32> to vector<2000x1xf32>
    %slice3A_39 = vector.extract_strided_slice %get3A_20 {offsets = [0, 1024], sizes = [2000, 256], strides = [1, 1]} : vector<2000x1280xf32> to vector<2000x256xf32>
    %mul3A_40 = vector.broadcast %slice3A_38 : vector<2000x1xf32> to vector<2000x256xf32>
    %mul3A_41 = arith.mulf %mul3A_40, %slice3A_39 : vector<2000x256xf32>
    %add3A_42 = arith.addf %add3A_37, %mul3A_41 : vector<2000x256xf32>
    %add3A_43 = arith.addf %slice3A, %slice3A_5 : vector<2000x1xf32>
    %eq3A = arith.constant 0.000000e+00 : f32
    %eq3A_44 = vector.broadcast %eq3A : f32 to vector<2000x1xf32>
    %eq3A_45 = arith.cmpf oeq, %add3A_43, %eq3A_44 : vector<2000x1xf32>
    %broadcast_in_dim3A = vector.shape_cast %eq3A_45 : vector<2000x1xi1> to vector<2000x1xi1>
    %broadcast_in_dim3A_46 = vector.broadcast %broadcast_in_dim3A : vector<2000x1xi1> to vector<2000x256xi1>
    %select_n3A = arith.select %broadcast_in_dim3A_46, %add3A_42, %div3A_14 : vector<2000x256xi1>, vector<2000x256xf32>
    %convert_element_type3A = arith.truncf %select_n3A : vector<2000x256xf32> to vector<2000x256xbf16>
    %get3A_47 = arith.constant 0 : index
    %get3A_48 = arith.constant 0 : index
    %get3A_49 = vector.load %arg7[%get3A_47, %get3A_48] : memref<256x256xf32, #tpu.memory_space<vmem>>, vector<256x256xf32>
    %convert_element_type3A_50 = arith.truncf %get3A_49 : vector<256x256xf32> to vector<256x256xbf16>
    %dot_general3A = arith.constant dense<0.000000e+00> : vector<2000x256xf32>
    %dot_general3A_51 = tpu.matmul %convert_element_type3A, %convert_element_type3A_50, %dot_general3A {dimension_numbers = #tpu.dot_dimension_numbers<[1], [1], [0], [0], [0, 0, 1, 0], [], []>, transpose_lhs_hint = false} : vector<2000x256xbf16>, vector<256x256xbf16>, vector<2000x256xf32> -> vector<2000x256xf32>
    %get3A_52 = arith.constant 0 : index
    %get3A_53 = arith.constant 0 : index
    %get3A_54 = vector.load %arg8[%get3A_52, %get3A_53] : memref<1x256xf32, #tpu.memory_space<vmem>>, vector<1x256xf32>
    %add3A_55 = vector.broadcast %get3A_54 : vector<1x256xf32> to vector<2000x256xf32>
    %add3A_56 = arith.addf %dot_general3A_51, %add3A_55 : vector<2000x256xf32>
    %max3A_57 = arith.constant 0.000000e+00 : f32
    %max3A_58 = vector.broadcast %max3A_57 : f32 to vector<2000x256xf32>
    %max3A_59 = arith.maximumf %add3A_56, %max3A_58 : vector<2000x256xf32>
    %convert_element_type3A_60 = arith.truncf %max3A_59 : vector<2000x256xf32> to vector<2000x256xbf16>
    %get3A_61 = arith.constant 0 : index
    %get3A_62 = arith.constant 0 : index
    %get3A_63 = vector.load %arg9[%get3A_61, %get3A_62] : memref<256x256xf32, #tpu.memory_space<vmem>>, vector<256x256xf32>
    %convert_element_type3A_64 = arith.truncf %get3A_63 : vector<256x256xf32> to vector<256x256xbf16>
    %dot_general3A_65 = arith.constant dense<0.000000e+00> : vector<2000x256xf32>
    %dot_general3A_66 = tpu.matmul %convert_element_type3A_60, %convert_element_type3A_64, %dot_general3A_65 {dimension_numbers = #tpu.dot_dimension_numbers<[1], [1], [0], [0], [0, 0, 1, 0], [], []>, transpose_lhs_hint = false} : vector<2000x256xbf16>, vector<256x256xbf16>, vector<2000x256xf32> -> vector<2000x256xf32>
    %get3A_67 = arith.constant 0 : index
    %get3A_68 = arith.constant 0 : index
    %get3A_69 = vector.load %arg10[%get3A_67, %get3A_68] : memref<1x256xf32, #tpu.memory_space<vmem>>, vector<1x256xf32>
    %add3A_70 = vector.broadcast %get3A_69 : vector<1x256xf32> to vector<2000x256xf32>
    %add3A_71 = arith.addf %dot_general3A_66, %add3A_70 : vector<2000x256xf32>
    %swap3A = arith.constant 0 : index
    %swap3A_72 = arith.constant 0 : index
    %swap3A_73 = vector.load %arg11[%swap3A, %swap3A_72] : memref<2000x256xf32, #tpu.memory_space<vmem>>, vector<2000x256xf32>
    tpu.vector_store %arg11[%swap3A, %swap3A_72], %add3A_71 {strides = array<i32>} : memref<2000x256xf32, #tpu.memory_space<vmem>>, vector<2000x256xf32>,
    return
  }
  func.func @transform_0(%arg0: i32) -> (i32, i32) {
    %c0_i32 = arith.constant 0 : i32
    %c0_i32_0 = arith.constant 0 : i32
    return %arg0, %c0_i32 : i32, i32
  }
  func.func @transform_1(%arg0: i32) -> (i32, i32) {
    %c0_i32 = arith.constant 0 : i32
    %c0_i32_0 = arith.constant 0 : i32
    return %arg0, %c0_i32 : i32, i32
  }
  func.func @transform_2(%arg0: i32) -> (i32, i32) {
    %c0_i32 = arith.constant 0 : i32
    %c0_i32_0 = arith.constant 0 : i32
    return %arg0, %c0_i32 : i32, i32
  }
  func.func @transform_3(%arg0: i32) -> (i32, i32) {
    %c0_i32 = arith.constant 0 : i32
    %c0_i32_0 = arith.constant 0 : i32
    return %arg0, %c0_i32 : i32, i32
  }
  func.func @transform_4(%arg0: i32) -> (i32, i32) {
    %c0_i32 = arith.constant 0 : i32
    %c0_i32_0 = arith.constant 0 : i32
    return %arg0, %c0_i32 : i32, i32
  }
  func.func @transform_5(%arg0: i32) -> (i32, i32) {
    %c0_i32 = arith.constant 0 : i32
    %c0_i32_0 = arith.constant 0 : i32
    return %arg0, %c0_i32 : i32, i32
  }
  func.func @transform_6(%arg0: i32) -> (i32, i32) {
    %c0_i32 = arith.constant 0 : i32
    %c0_i32_0 = arith.constant 0 : i32
    %c0_i32_1 = arith.constant 0 : i32
    return %c0_i32, %c0_i32_0 : i32, i32
  }
  func.func @transform_7(%arg0: i32) -> (i32, i32) {
    %c0_i32 = arith.constant 0 : i32
    %c0_i32_0 = arith.constant 0 : i32
    %c0_i32_1 = arith.constant 0 : i32
    return %c0_i32, %c0_i32_0 : i32, i32
  }
  func.func @transform_8(%arg0: i32) -> (i32, i32) {
    %c0_i32 = arith.constant 0 : i32
    %c0_i32_0 = arith.constant 0 : i32
    %c0_i32_1 = arith.constant 0 : i32
    return %c0_i32, %c0_i32_0 : i32, i32
  }
  func.func @transform_9(%arg0: i32) -> (i32, i32) {
    %c0_i32 = arith.constant 0 : i32
    %c0_i32_0 = arith.constant 0 : i32
    %c0_i32_1 = arith.constant 0 : i32
    return %c0_i32, %c0_i32_0 : i32, i32
  }
  func.func @transform_10(%arg0: i32) -> (i32, i32) {
    %c0_i32 = arith.constant 0 : i32
    %c0_i32_0 = arith.constant 0 : i32
    return %arg0, %c0_i32 : i32, i32
  }
}

</mosaic_0001>

<sc_bundles>
// kernel: branch_0_fun.4.cloned.1.call-start
scs
__scs_entry_jumppad:
0x0: {  	(pc) =	sbr.rel $0x88, $3  }
0x1: {  	(tag) =	ssettag $0x0;
	lr =	simm.s32 $0x1  }
0x2: {  	[smem:$0x3F96] =	sst lr;
	_ =	strace $0xD0000000  }
0x3: {  	_ = 	snop  }
0x4: {  	_ = 	snop  }
0x5: {  	_ = 	snop  }
0x6: {  	_ = 	snop  }
0x7: {  	_ = 	snop  }
__scs_overlays_trampoline_lowered:
0x8: {  	[smem:$0x3FA5] =	sst s0  }
0x9: {  	[smem:$0x3FA6] =	sst s1  }
0xa: {  	[smem:$0x3FA7] =	sst s2  }
0xb: {  	[smem:$0x3FA8] =	sst s3  }
0xc: {  	[smem:$0x3FA9] =	sst s4  }
0xd: {  	[smem:$0x3FAA] =	sst s5  }
0xe: {  	[smem:$0x3FAB] =	sst s6  }
0xf: {  	[smem:$0x3FAC] =	sst s7  }
0x10: {  	[smem:$0x3FAD] =	sst s8  }
0x11: {  	[smem:$0x3FAE] =	sst s9;
	s0 =	simm.s32 @!p0 $0x0  }
0x12: {  	s1 =	sld [smem:$0x3F94];
	s0 =	simm.s32 @p0 $0x1  }
0x13: {  	[smem:$0x3FAF] =	sst s0;
	s0 =	simm.s32 @!p1 $0x0  }
0x14: {  	s2 =	sld [smem:$0x3F93];
	s0 =	simm.s32 @p1 $0x1  }
0x15: {  	[smem:$0x3FB0] =	sst s0;
	s0 =	simm.s32 @!p2 $0x0  }
0x16: {  	s3 =	sld [smem:$0x3FDB];
	s0 =	simm.s32 @p2 $0x1  }
0x17: {  	s4 =	simm.s32 $0x1BF5;
	[smem:$0x3FB2] =	sst s0  }
0x18: {  	s0 =	sld [smem:$0x3F95];
	_ =	swait.ge [sflag:s4], $0x0  }
0x19: {  	s7 =	sld [smem:$0x3F96]  }
0x1a: {  	s8 =	sadd.s32 $0xFFFFE003, lr  }
0x1b: {  	s9 =	sadd.s32 $0xFFFFFEF7, lr;
	s5 =	simm.s32 $0xFFFFFFFF;
	p2 =	slt.u32 s8, $0xFFFFF086  }
0x1c: {  	p1 =	slt.u32 s9, $0xF7A;
	s5 =	simm.s32 @!p2 $0x0  }
0x1d: {  	s5 =	simm.s32 @p1 $0x1;
	p0 =	seq.s32 s7, s2  }
0x1e: {  	s7 =	smul.u32 @!p0 $0xF7A, s2;
	p2 =	seq.s32 @!p0 s5, $0x0  }
0x1f: {  	s9 =	smul.u32 $0xF7A, s1;
	s8 =	simm.s32 @!p0 $0x1BF5;
	p2 =	por !p2, p0  }
0x20: {  	[sflag:s8] =	ssyncset.s32 @!p0 $0xFFFFF086;
	s6 =	sadd.s32 @!p0 s3, s7;
	s7 =	simm.s32 @!p0 $0x108  }
0x21: {  	s3 =	sadd.s32 s3, s9;
	s6 =	sadd.s32 @!p0 $0x88, s6;
	s7 =	simm.s32 @p2 $0x1082  }
0x22: {  	[simem:s7], [sflag:s8] =	dma.local @!p0 [hbm:s6], $0xF7A  }
0x23: {  	s9 =	sor.u32 $0xD0000000, s2;
	s6 =	simm.s32 $0x108;
	_ =	swait.ge @!p0 [sflag:s8], $0x0  }
0x24: {  	s3 =	sadd.s32 $0x88, s3;
	s6 =	simm.s32 @!p1 $0x1082;
	[sflag:s4] =	ssyncset.s32 $0xFFFFF086  }
0x25: {  	[simem:s6], [sflag:s4] =	dma.local [hbm:s3], $0xF7A  }
0x26: {  	[smem:$0x3F96] =	sst s1;
	(tag) =	ssettag s2;
	_ =	strace s9  }
0x27: {  	s1 =	sld [smem:$0x3FA6]  }
0x28: {  	s2 =	sld [smem:$0x3FA7]  }
0x29: {  	s4 =	sld [smem:$0x3FA9]  }
0x2a: {  	p0 =	seq.s32 s5, $0x0;
	s5 =	sld [smem:$0x3FAA]  }
0x2b: {  	s6 =	sld [smem:$0x3FAB]  }
0x2c: {  	s7 =	sld [smem:$0x3FAC]  }
0x2d: {  	s3 =	simm.s32 $0x108;
	s8 =	sld [smem:$0x3FAD]  }
0x2e: {  	s3 =	simm.s32 @!p0 $0x1082;
	s9 =	sld [smem:$0x3FAE]  }
0x2f: {  	lr =	sadd.s32 s0, s3;
	s0 =	sld [smem:$0x3FA5]  }
0x30: {  	s3 =	sld [smem:$0x3FA8]  }
0x31: {  	[smem:$0x3FB1] =	sst s10  }
0x32: {  	s10 =	sld [smem:$0x3FAF];
	_ =	sdelay $0x3  }
0x33: {  	p0 =	seq.s32 s10, $0x1;
	s10 =	sld [smem:$0x3FB1];
	_ =	sdelay $0x3  }
0x34: {  	[smem:$0x3FB1] =	sst s10  }
0x35: {  	s10 =	sld [smem:$0x3FB0];
	_ =	sdelay $0x3  }
0x36: {  	p1 =	seq.s32 s10, $0x1;
	s10 =	sld [smem:$0x3FB1];
	_ =	sdelay $0x3  }
0x37: {  	[smem:$0x3FB1] =	sst s10  }
0x38: {  	s10 =	sld [smem:$0x3FB2]  }
0x39: {  	_ = 	snop;
	(pc) =	sbr.ind lr, $3  }
0x3a: {  	_ = 	snop  }
0x3b: {  	_ = 	snop  }
0x3c: {  	p2 =	seq.s32 s10, $0x1;
	s10 =	sld [smem:$0x3FB1]  }
0x3d: {  	_ =	shalt  }
0x3e: {  	_ =	shalt  }
0x3f: {  	_ =	shalt  }
0x40: {  	_ =	shalt  }
0x41: {  	_ =	shalt  }
0x42: {  	_ =	shalt  }
0x43: {  	_ =	shalt  }
0x44: {  	_ =	shalt  }
0x45: {  	_ =	shalt  }
0x46: {  	_ =	shalt  }
0x47: {  	_ =	shalt  }
0x48: {  	_ =	shalt  }
0x49: {  	_ =	shalt  }
0x4a: {  	_ =	shalt  }
0x4b: {  	_ =	shalt  }
0x4c: {  	_ =	shalt  }
0x4d: {  	_ =	shalt  }
0x4e: {  	_ =	shalt  }
0x4f: {  	_ =	shalt  }
0x50: {  	_ =	shalt  }
0x51: {  	_ =	shalt  }
0x52: {  	_ =	shalt  }
0x53: {  	_ =	shalt  }
0x54: {  	_ =	shalt  }
0x55: {  	_ =	shalt  }
0x56: {  	_ =	shalt  }
0x57: {  	_ =	shalt  }
0x58: {  	_ =	shalt  }
0x59: {  	_ =	shalt  }
0x5a: {  	_ =	shalt  }
0x5b: {  	_ =	shalt  }
0x5c: {  	_ =	shalt  }
0x5d: {  	_ =	shalt  }
0x5e: {  	_ =	shalt  }
0x5f: {  	_ =	shalt  }
0x60: {  	_ =	shalt  }
0x61: {  	_ =	shalt  }
0x62: {  	_ =	shalt  }
0x63: {  	_ =	shalt  }
0x64: {  	_ =	shalt  }
0x65: {  	_ =	shalt  }
0x66: {  	_ =	shalt  }
0x67: {  	_ =	shalt  }
0x68: {  	_ =	shalt  }
0x69: {  	_ =	shalt  }
0x6a: {  	_ =	shalt  }
0x6b: {  	_ =	shalt  }
0x6c: {  	_ =	shalt  }
0x6d: {  	_ =	shalt  }
0x6e: {  	_ =	shalt  }
0x6f: {  	_ =	shalt  }
0x70: {  	_ =	shalt  }
0x71: {  	_ =	shalt  }
0x72: {  	_ =	shalt  }
0x73: {  	_ =	shalt  }
0x74: {  	_ =	shalt  }
0x75: {  	_ =	shalt  }
0x76: {  	_ =	shalt  }
0x77: {  	_ =	shalt  }
0x78: {  	_ =	shalt  }
0x79: {  	_ =	shalt  }
0x7a: {  	_ =	shalt  }
0x7b: {  	_ =	shalt  }
0x7c: {  	_ =	shalt  }
0x7d: {  	_ =	shalt  }
0x7e: {  	_ =	shalt  }
0x7f: {  	_ =	shalt  }
0x80: {  	_ =	shalt  }
0x81: {  	_ =	shalt  }
0x82: {  	_ =	shalt  }
0x83: {  	_ =	shalt  }
0x84: {  	_ =	shalt  }
0x85: {  	_ =	shalt  }
0x86: {  	_ =	shalt  }
0x87: {  	_ =	shalt  }
.Lfunc_end0:
.L_simem_size_0:
called_computation.2_lowered:
.L_overlay_start_0:
0x88: {  	s2 =	sld [smem:$0x3FD9]  }
0x89: {  	s3 =	sld [smem:$0x3FFE];
	_ =	sdelay $0x1  }
0x8a: {  	s1 =	srdreg.scid  }
0x8b: {  	s0 =	sand.u32 $0x1, s1  }
0x8c: {  	s16 =	sshll.u32 s0, $0xA;
	s2 =	sadd.s32 s3, s2  }
0x8d: {  	s2 =	sadd.s32 s2, s16  }
0x8e: {  	[smem:$0x3FBD] =	sst s2  }
0x8f: {  	_ = 	snop  }
0x90: {  	(tm) =	ssettm $0x1  }
0x91: {  	s17 =	sld [smem:$0x3FFB];
	_ =	sdelay $0x3  }
0x92: {  	_ =	strace s17  }
0x93: {  	s2 =	sld [smem:$0x3FFC];
	_ =	sdelay $0x3  }
0x94: {  	_ =	strace s2  }
0x95: {  	s2 =	sld [smem:$0x3FFD];
	_ =	sdelay $0x3  }
0x96: {  	_ =	strace s2  }
0x97: {  	_ =	strace $0x8FFFFFFF  }
0x98: {  	s18 =	sld [smem:$0x3FDB];
	_ =	sdelay $0x1  }
0x99: {  	s19 =	simm.s32 $_scs_section_size  }
0x9a: {  	s4 =	simm.s32 $_size__tile_overlayer_lowered;
	s5 =	simm.s32 $_tile_overlayer_lowered  }
0x9b: {  	s22 =	simm.s32 $0x1BFF;
	s21 =	sshll.u32 s5, $0x1;
	s2 =	sadd.s32 s19, s18  }
0x9c: {  	s6 =	simm.s32 $0x0;
	s20 =	sshll.u32 s4, $0x1;
	s4 =	sadd.s32 s21, s2  }
0x9d: {  	[timem:s6], [sflag:s22] =	dma.local [hbm:s4], s20  }
0x9e: {  	_ =	swait.ge [sflag:s22], s20  }
0x9f: {  	s3 =	ssub.s32 $0x0, s20;
	[sflag:s22] =	ssyncset.done $0x0  }
0xa0: {  	[sflag:s22] =	ssyncadd.s32 s3;
	_ =	sdelay $0x1  }
0xa1: {  	s23 =	simm.s32 $0x1B8B  }
0xa2: {  	_ =	swait.ge [sflag:s23], $0x1  }
0xa3: {  	[sflag:s23] =	ssyncset.done $0x0  }
0xa4: {  	s25 =	simm.s32 $0x1B8E;
	s24 =	sld [smem:$0x3FFE];
	[sflag:s23] =	ssyncadd.s32 $0xFFFFFFFF  }
0xa5: {  	s26 =	simm.s32 $execute0_lowered;
	[smem:$0x3FD2] =	sst s25  }
0xa6: {  	s4 =	sshll.u32 s26, $0x1;
	_ =	strace $0x80000049;
	[dreg:$0x1] =	wrdreg $0xFFFFFFFF  }
0xa7: {  	s28 =	simm.s32 $_size_execute0_lowered;
	s2 =	sadd.s32 s2, s4;
	[dreg:$0x0] =	wrdreg $0x0  }
0xa8: {  	s4 =	sshll.u32 s28, $0x1;
	[dreg:$0x2] =	wrdreg s2  }
0xa9: {  	[dreg:$0x3] =	wrdreg s4  }
0xaa: {  	[dreg:$0x4] =	wrdreg $0xC0  }
0xab: {  	_ =	task [dreg:s6], $0x5FFFF  }
0xac: {  	[dreg:$0x1] =	wrdreg $0xFFFFFFFF  }
0xad: {  	[dreg:$0x0] =	wrdreg $0x60  }
0xae: {  	[dreg:$0x2] =	wrdreg s24  }
0xaf: {  	[dreg:$0x3] =	wrdreg $0x9  }
0xb0: {  	_ =	task.clear_ibuf [dreg:s6], $0x4FFFF;
	_ =	strace $0x90000049  }
0xb1: {  	s29 =	simm.s32 $0x9;
	_ =	strace $0x8000004B  }
0xb2: {  	_ =	swait.ge [sflag:s29], $0x1  }
0xb3: {  	[sflag:s29] =	ssyncadd.s32 $0xFFFFFFFF  }
0xb4: {  	_ =	strace $0x9000004B  }
0xb5: {  	_ =	sfence  }
0xb6: {  	s30 =	sld [smem:$0x0];
	_ =	sdelay $0x2  }
0xb7: {  	s31 =	sshll.u32 s1, $0xD;
	s1 =	sshrl.u32 s1, $0x2  }
0xb8: {  	s3 =	sand.u32 $0x4000, s31;
	s1 =	sadd.s32 s1, s30  }
0xb9: {  	s0 =	sor.u32 s3, s0;
	s1 =	sshll.u32 s1, $0x11  }
0xba: {  	s0 =	sor.u32 s1, s0  }
0xbb: {  	s0 =	sadd.s32 $0x8F2B, s0  }
0xbc: {  	[sflag:s0] =	ssyncadd.remote.s32 $0x1  }
0xbd: {  	_ =	sfence.sel $0xFFFF  }
0xbe: {  	[dreg:$0x0] =	wrdreg $0xFFFFFFFF;
	(pc) =	sbr.abs _section_cstart, $3  }
0xbf: {  	[dreg:$0x1] =	wrdreg $0xFFFFFFFF  }
0xc0: {  	_ =	task.clear_ibuf [dreg:s6], $0x2FFFF;
	_ =	strace $0x9FFFFFFF  }
0xc1: {  	(tm) =	ssettm $0x7FFFFFFF  }
tec
execute0_lowered:
.L_overlay_start_1:
0x0: {  	(tag) =	ssettag $0x1  }
0x1: {  	s4 =	rddreg [dreg:$0x0]  }
0x2: {  	s0 =	rddreg [dreg:$0x1];
	s2 =	simm.s32 $0x0;
	s1 =	stileid.u32  }
0x3: {  	s3 =	srdreg.scid;
	s10 =	simm.s32 $0x0;
	s6 =	smul.u32 $0xC80, s1  }
0x4: {  	[smem:$0x7FF] =	sst s2;
	s5 =	sand.u32 $0x1, s3;
	s8 =	smul.u32 $0x19000, s1  }
0x5: {  	s3 =	sadd.s32 $0x10B400, s4;
	s7 =	smul.u32 $0x640, s5;
	s9 =	ssub.s32 $0x2, s5  }
0x6: {  	_ =	strace $0x8000004A;
	s5 =	smul.u32 $0xC800, s5;
	s31 =	sshrl.u32 s9, $0x1  }
0x7: {  	s8 =	sadd.s32 s8, s4;
	s6 =	sadd.s32 s7, s6;
	s7 =	ssub.s32 s9, s31  }
0x8: {  	s5 =	sadd.s32 s5, s8;
	s8 =	simm.s32 $0x50;
	s6 =	sshrl.u32 s6, $0x3  }
0x9: {  	s9 =	simm.s32 $0x1;
	s5 =	sadd.s32 $0x291E00, s5;
	s6 =	sadd.s32 s6, s4  }
0xa: {  	s4 =	smax.u32 s7, $0x1;
	s7 =	simm.s32 $0x2;
	s6 =	sadd.s32 $0x2C00, s6  }
.LBB2_1:
0xb: {  	s11 =	sadd.s32 $0x0, s6  }
0xc: {  	[tilespmem:s2], [sflag:$0x2] =	stream.linear.gather [hbm4b:s11+s2], $0x50, $0x38;
	[tilespmem:$0x5050] =	vst v63  }
0xd: {  	_ =	swait.ge [sflag:s7], $0x50  }
0xe: {  	[sflag:s7] =	ssyncset.done $0x0  }
0xf: {  	[sflag:s7] =	ssyncadd.s32 $0xFFFFFFB0  }
0x10: {  	[tilespmem:s8], [sflag:$0x1] =	stream.indirect.gather [hbm4b:s3+s8], $0x100, s2, s8, $0xb8;
	[tilespmem:$0x5050] =	vst v63  }
0x11: {  	_ =	swait.ge [sflag:s9], $0x5000  }
0x12: {  	[sflag:s9] =	ssyncset.done $0x0  }
0x13: {  	[sflag:s9] =	ssyncadd.s32 $0xFFFFB000  }
0x14: {  	[hbm4b:s5+s2] =	stream.linear.scatter [tilespmem:s8], [sflag:$0x2], $0x5000, $0x38;
	[tilespmem:$0x5050] =	vst v63  }
0x15: {  	s12 =	simm.s32 $0xA;
	_ =	swait.ge [sflag:s7], $0x5000  }
0x16: {  	s13 =	simm.s32 $0x14;
	s11 =	sadd.s32 $0xA00, s5;
	[sflag:s7] =	ssyncset.done $0x0  }
.LBB2_2:
0x17: {  	s14 =	sadd.s32 s12, s6  }
0x18: {  	[sflag:s7] =	ssyncadd.s32 $0xFFFFB000;
	s12 =	smov.u32 s13;
	s15 =	sadd.s32 $0xA, s13  }
0x19: {  	[tilespmem:s2], [sflag:$0x2] =	stream.linear.gather [hbm4b:s14+s2], $0x50, $0x38;
	[tilespmem:$0x5050] =	vst v63  }
0x1a: {  	p0 =	sne.s32 s13, $0xBE;
	_ =	swait.ge [sflag:s7], $0x50  }
0x1b: {  	[sflag:s7] =	ssyncset.done $0x0  }
0x1c: {  	[sflag:s7] =	ssyncadd.s32 $0xFFFFFFB0  }
0x1d: {  	[tilespmem:s8], [sflag:$0x1] =	stream.indirect.gather [hbm4b:s3+s8], $0x100, s2, s8, $0xb8;
	[tilespmem:$0x5050] =	vst v63  }
0x1e: {  	_ =	swait.ge [sflag:s9], $0x5000  }
.Ltmp0:
0x1f: {  	[sflag:s9] =	ssyncset.done $0x0;
	(pc) =	sbr.rel @p0 .LBB2_2-.Ltmp0, $4  }
0x20: {  	[sflag:s9] =	ssyncadd.s32 $0xFFFFB000  }
0x21: {  	[hbm4b:s11+s2] =	stream.linear.scatter [tilespmem:s8], [sflag:$0x2], $0x5000, $0x38;
	[tilespmem:$0x5050] =	vst v63  }
0x22: {  	_ =	swait.ge [sflag:s7], $0x5000  }
0x23: {  	s13 =	smov.u32 s15;
	s11 =	sadd.s32 $0xA00, s11;
	[sflag:s7] =	ssyncset.done $0x0  }
0x24: {  	s12 =	sadd.s32 s12, s6;
	[sflag:s7] =	ssyncadd.s32 $0xFFFFB000  }
0x25: {  	[tilespmem:s2], [sflag:$0x2] =	stream.linear.gather [hbm4b:s12+s2], $0x50, $0x38;
	[tilespmem:$0x5050] =	vst v63  }
0x26: {  	_ =	swait.ge [sflag:s7], $0x50  }
0x27: {  	[sflag:s7] =	ssyncset.done $0x0  }
0x28: {  	[sflag:s7] =	ssyncadd.s32 $0xFFFFFFB0  }
0x29: {  	[tilespmem:s8], [sflag:$0x1] =	stream.indirect.gather [hbm4b:s3+s8], $0x100, s2, s8, $0xb8;
	[tilespmem:$0x5050] =	vst v63  }
0x2a: {  	s10 =	sadd.s32 $0x1, s10;
	_ =	swait.ge [sflag:s9], $0x5000  }
0x2b: {  	p0 =	sne.s32 s10, s4;
	[sflag:s9] =	ssyncset.done $0x0  }
.Ltmp1:
0x2c: {  	[sflag:s9] =	ssyncadd.s32 $0xFFFFB000;
	(pc) =	sbr.rel @p0 .LBB2_1-.Ltmp1, $4  }
0x2d: {  	[hbm4b:s11+s2] =	stream.linear.scatter [tilespmem:s8], [sflag:$0x2], $0x5000, $0x38;
	[tilespmem:$0x5050] =	vst v63  }
0x2e: {  	_ =	swait.ge [sflag:s7], $0x5000  }
0x2f: {  	[sflag:s7] =	ssyncset.done $0x0  }
0x30: {  	[sflag:s7] =	ssyncadd.s32 $0xFFFFB000  }
0x31: {  	_ =	sfence.sel $0x180000  }
0x32: {  	[bflag:$0x0] =	sbarrier.arrive $0xFFFF  }
0x33: {  	p0 =	sne.s32 s1, $0x0;
	_ =	strace $0x9000004A  }
0x34: {  	s0 =	sadd.s32 @!p0 $0x100000, s0;
	[bflag:$0x2] =	sbarrier.arrive $0xFFFF  }
0x35: {  	[sflag:s0] =	ssyncadd.tile.s32 @!p0 $0x1;
	_ =	shalt  }
.Lfunc_end2:
_tile_overlayer_lowered:
.L_overlay_start_2:
0x36: {  	(tag) =	ssettag $0x2  }
0x37: {  	s0 =	rddreg [dreg:$0x0];
	s2 =	stileid.u32  }
0x38: {  	s1 =	rddreg [dreg:$0x1];
	p0 =	sne.s32 s2, $0x0  }
0x39: {  	s3 =	rddreg [dreg:$0x2];
	[bflag:$0x3] =	sbarrier.arrive $0xFFFF;
	s2 =	simm.s32 @!p0 $0x1C02  }
0x3a: {  	[timem:s3], [sflag:s2] =	dma.local @!p0 [hbm:s0], s1  }
0x3b: {  	s0 =	simm.s32 @!p0 $0x2  }
0x3c: {  	_ =	swait.ge @!p0 [sflag:s0], s1  }
0x3d: {  	s1 =	ssub.s32 @!p0 $0x0, s1;
	[sflag:s0] =	ssyncset.done @!p0 $0x0  }
0x3e: {  	[sflag:s0] =	ssyncadd.s32 @!p0 s1  }
0x3f: {  	[bflag:$0x3] =	sbarrier.arrive $0xFFFF  }
0x40: {  	_ =	shalt  }

// kernel: branch_1_fun.5.cloned.1.call-start
scs
__scs_entry_jumppad:
0x0: {  	(pc) =	sbr.rel $0x88, $3  }
0x1: {  	(tag) =	ssettag $0x0;
	lr =	simm.s32 $0x1  }
0x2: {  	[smem:$0x3F96] =	sst lr;
	_ =	strace $0xD0000000  }
0x3: {  	_ = 	snop  }
0x4: {  	_ = 	snop  }
0x5: {  	_ = 	snop  }
0x6: {  	_ = 	snop  }
0x7: {  	_ = 	snop  }
__scs_overlays_trampoline_lowered:
0x8: {  	[smem:$0x3FA5] =	sst s0  }
0x9: {  	[smem:$0x3FA6] =	sst s1  }
0xa: {  	[smem:$0x3FA7] =	sst s2  }
0xb: {  	[smem:$0x3FA8] =	sst s3  }
0xc: {  	[smem:$0x3FA9] =	sst s4  }
0xd: {  	[smem:$0x3FAA] =	sst s5  }
0xe: {  	[smem:$0x3FAB] =	sst s6  }
0xf: {  	[smem:$0x3FAC] =	sst s7  }
0x10: {  	[smem:$0x3FAD] =	sst s8  }
0x11: {  	[smem:$0x3FAE] =	sst s9;
	s0 =	simm.s32 @!p0 $0x0  }
0x12: {  	s1 =	sld [smem:$0x3F94];
	s0 =	simm.s32 @p0 $0x1  }
0x13: {  	[smem:$0x3FAF] =	sst s0;
	s0 =	simm.s32 @!p1 $0x0  }
0x14: {  	s2 =	sld [smem:$0x3F93];
	s0 =	simm.s32 @p1 $0x1  }
0x15: {  	[smem:$0x3FB0] =	sst s0;
	s0 =	simm.s32 @!p2 $0x0  }
0x16: {  	s3 =	sld [smem:$0x3FDB];
	s0 =	simm.s32 @p2 $0x1  }
0x17: {  	s4 =	simm.s32 $0x1BF5;
	[smem:$0x3FB2] =	sst s0  }
0x18: {  	s0 =	sld [smem:$0x3F95];
	_ =	swait.ge [sflag:s4], $0x0  }
0x19: {  	s7 =	sld [smem:$0x3F96]  }
0x1a: {  	s8 =	sadd.s32 $0xFFFFE003, lr  }
0x1b: {  	s9 =	sadd.s32 $0xFFFFFEF7, lr;
	s5 =	simm.s32 $0xFFFFFFFF;
	p2 =	slt.u32 s8, $0xFFFFF086  }
0x1c: {  	p1 =	slt.u32 s9, $0xF7A;
	s5 =	simm.s32 @!p2 $0x0  }
0x1d: {  	s5 =	simm.s32 @p1 $0x1;
	p0 =	seq.s32 s7, s2  }
0x1e: {  	s7 =	smul.u32 @!p0 $0xF7A, s2;
	p2 =	seq.s32 @!p0 s5, $0x0  }
0x1f: {  	s9 =	smul.u32 $0xF7A, s1;
	s8 =	simm.s32 @!p0 $0x1BF5;
	p2 =	por !p2, p0  }
0x20: {  	[sflag:s8] =	ssyncset.s32 @!p0 $0xFFFFF086;
	s6 =	sadd.s32 @!p0 s3, s7;
	s7 =	simm.s32 @!p0 $0x108  }
0x21: {  	s3 =	sadd.s32 s3, s9;
	s6 =	sadd.s32 @!p0 $0x88, s6;
	s7 =	simm.s32 @p2 $0x1082  }
0x22: {  	[simem:s7], [sflag:s8] =	dma.local @!p0 [hbm:s6], $0xF7A  }
0x23: {  	s9 =	sor.u32 $0xD0000000, s2;
	s6 =	simm.s32 $0x108;
	_ =	swait.ge @!p0 [sflag:s8], $0x0  }
0x24: {  	s3 =	sadd.s32 $0x88, s3;
	s6 =	simm.s32 @!p1 $0x1082;
	[sflag:s4] =	ssyncset.s32 $0xFFFFF086  }
0x25: {  	[simem:s6], [sflag:s4] =	dma.local [hbm:s3], $0xF7A  }
0x26: {  	[smem:$0x3F96] =	sst s1;
	(tag) =	ssettag s2;
	_ =	strace s9  }
0x27: {  	s1 =	sld [smem:$0x3FA6]  }
0x28: {  	s2 =	sld [smem:$0x3FA7]  }
0x29: {  	s4 =	sld [smem:$0x3FA9]  }
0x2a: {  	p0 =	seq.s32 s5, $0x0;
	s5 =	sld [smem:$0x3FAA]  }
0x2b: {  	s6 =	sld [smem:$0x3FAB]  }
0x2c: {  	s7 =	sld [smem:$0x3FAC]  }
0x2d: {  	s3 =	simm.s32 $0x108;
	s8 =	sld [smem:$0x3FAD]  }
0x2e: {  	s3 =	simm.s32 @!p0 $0x1082;
	s9 =	sld [smem:$0x3FAE]  }
0x2f: {  	lr =	sadd.s32 s0, s3;
	s0 =	sld [smem:$0x3FA5]  }
0x30: {  	s3 =	sld [smem:$0x3FA8]  }
0x31: {  	[smem:$0x3FB1] =	sst s10  }
0x32: {  	s10 =	sld [smem:$0x3FAF];
	_ =	sdelay $0x3  }
0x33: {  	p0 =	seq.s32 s10, $0x1;
	s10 =	sld [smem:$0x3FB1];
	_ =	sdelay $0x3  }
0x34: {  	[smem:$0x3FB1] =	sst s10  }
0x35: {  	s10 =	sld [smem:$0x3FB0];
	_ =	sdelay $0x3  }
0x36: {  	p1 =	seq.s32 s10, $0x1;
	s10 =	sld [smem:$0x3FB1];
	_ =	sdelay $0x3  }
0x37: {  	[smem:$0x3FB1] =	sst s10  }
0x38: {  	s10 =	sld [smem:$0x3FB2]  }
0x39: {  	_ = 	snop;
	(pc) =	sbr.ind lr, $3  }
0x3a: {  	_ = 	snop  }
0x3b: {  	_ = 	snop  }
0x3c: {  	p2 =	seq.s32 s10, $0x1;
	s10 =	sld [smem:$0x3FB1]  }
0x3d: {  	_ =	shalt  }
0x3e: {  	_ =	shalt  }
0x3f: {  	_ =	shalt  }
0x40: {  	_ =	shalt  }
0x41: {  	_ =	shalt  }
0x42: {  	_ =	shalt  }
0x43: {  	_ =	shalt  }
0x44: {  	_ =	shalt  }
0x45: {  	_ =	shalt  }
0x46: {  	_ =	shalt  }
0x47: {  	_ =	shalt  }
0x48: {  	_ =	shalt  }
0x49: {  	_ =	shalt  }
0x4a: {  	_ =	shalt  }
0x4b: {  	_ =	shalt  }
0x4c: {  	_ =	shalt  }
0x4d: {  	_ =	shalt  }
0x4e: {  	_ =	shalt  }
0x4f: {  	_ =	shalt  }
0x50: {  	_ =	shalt  }
0x51: {  	_ =	shalt  }
0x52: {  	_ =	shalt  }
0x53: {  	_ =	shalt  }
0x54: {  	_ =	shalt  }
0x55: {  	_ =	shalt  }
0x56: {  	_ =	shalt  }
0x57: {  	_ =	shalt  }
0x58: {  	_ =	shalt  }
0x59: {  	_ =	shalt  }
0x5a: {  	_ =	shalt  }
0x5b: {  	_ =	shalt  }
0x5c: {  	_ =	shalt  }
0x5d: {  	_ =	shalt  }
0x5e: {  	_ =	shalt  }
0x5f: {  	_ =	shalt  }
0x60: {  	_ =	shalt  }
0x61: {  	_ =	shalt  }
0x62: {  	_ =	shalt  }
0x63: {  	_ =	shalt  }
0x64: {  	_ =	shalt  }
0x65: {  	_ =	shalt  }
0x66: {  	_ =	shalt  }
0x67: {  	_ =	shalt  }
0x68: {  	_ =	shalt  }
0x69: {  	_ =	shalt  }
0x6a: {  	_ =	shalt  }
0x6b: {  	_ =	shalt  }
0x6c: {  	_ =	shalt  }
0x6d: {  	_ =	shalt  }
0x6e: {  	_ =	shalt  }
0x6f: {  	_ =	shalt  }
0x70: {  	_ =	shalt  }
0x71: {  	_ =	shalt  }
0x72: {  	_ =	shalt  }
0x73: {  	_ =	shalt  }
0x74: {  	_ =	shalt  }
0x75: {  	_ =	shalt  }
0x76: {  	_ =	shalt  }
0x77: {  	_ =	shalt  }
0x78: {  	_ =	shalt  }
0x79: {  	_ =	shalt  }
0x7a: {  	_ =	shalt  }
0x7b: {  	_ =	shalt  }
0x7c: {  	_ =	shalt  }
0x7d: {  	_ =	shalt  }
0x7e: {  	_ =	shalt  }
0x7f: {  	_ =	shalt  }
0x80: {  	_ =	shalt  }
0x81: {  	_ =	shalt  }
0x82: {  	_ =	shalt  }
0x83: {  	_ =	shalt  }
0x84: {  	_ =	shalt  }
0x85: {  	_ =	shalt  }
0x86: {  	_ =	shalt  }
0x87: {  	_ =	shalt  }
.Lfunc_end0:
.L_simem_size_0:
called_computation.3_lowered:
.L_overlay_start_0:
0x88: {  	s2 =	sld [smem:$0x3FD9]  }
0x89: {  	s3 =	sld [smem:$0x3FFE];
	_ =	sdelay $0x1  }
0x8a: {  	s1 =	srdreg.scid  }
0x8b: {  	s0 =	sand.u32 $0x1, s1  }
0x8c: {  	s17 =	sshll.u32 s0, $0xA;
	s2 =	sadd.s32 s3, s2  }
0x8d: {  	s2 =	sadd.s32 s2, s17  }
0x8e: {  	[smem:$0x3FBD] =	sst s2  }
0x8f: {  	_ = 	snop  }
0x90: {  	s2 =	sld [smem:$0x3FD0];
	(tm) =	ssettm $0x1  }
0x91: {  	s18 =	sld [smem:$0x3FFB];
	_ =	sdelay $0x3  }
0x92: {  	_ =	strace s18  }
0x93: {  	s3 =	sld [smem:$0x3FFC];
	_ =	sdelay $0x3  }
0x94: {  	_ =	strace s3  }
0x95: {  	s3 =	sld [smem:$0x3FFD];
	_ =	sdelay $0x3  }
0x96: {  	_ =	strace s3  }
0x97: {  	_ =	strace $0x8FFFFFFF  }
0x98: {  	s19 =	sld [smem:$0x3FDB];
	_ =	sdelay $0x1  }
0x99: {  	s4 =	simm.s32 $_scs_section_size  }
0x9a: {  	s5 =	simm.s32 $_size__tile_overlayer_lowered;
	s6 =	simm.s32 $_tile_overlayer_lowered  }
0x9b: {  	s22 =	simm.s32 $0x1BFF;
	s21 =	sshll.u32 s6, $0x1;
	s3 =	sadd.s32 s4, s19  }
0x9c: {  	s7 =	simm.s32 $0x0;
	s20 =	sshll.u32 s5, $0x1;
	s5 =	sadd.s32 s21, s3  }
0x9d: {  	[timem:s7], [sflag:s22] =	dma.local [hbm:s5], s20  }
0x9e: {  	_ =	swait.ge [sflag:s22], s20  }
0x9f: {  	s4 =	ssub.s32 $0x0, s20;
	[sflag:s22] =	ssyncset.done $0x0  }
0xa0: {  	[sflag:s22] =	ssyncadd.s32 s4;
	_ =	sdelay $0x1  }
0xa1: {  	s23 =	simm.s32 $0x1B8B  }
0xa2: {  	_ =	swait.ge [sflag:s23], $0x1  }
0xa3: {  	[sflag:s23] =	ssyncset.done $0x0  }
0xa4: {  	s25 =	simm.s32 $0x1B8E;
	s24 =	sld [smem:$0x3FFE];
	[sflag:s23] =	ssyncadd.s32 $0xFFFFFFFF  }
0xa5: {  	s26 =	simm.s32 $execute0_lowered;
	[smem:$0x3FD2] =	sst s25  }
0xa6: {  	s5 =	sshll.u32 s26, $0x1;
	_ =	strace $0x8000004C;
	[dreg:$0x1] =	wrdreg $0xFFFFFFFF  }
0xa7: {  	s28 =	simm.s32 $_size_execute0_lowered;
	s3 =	sadd.s32 s3, s5;
	[dreg:$0x0] =	wrdreg $0x0  }
0xa8: {  	s5 =	sshll.u32 s28, $0x1;
	[dreg:$0x2] =	wrdreg s3  }
0xa9: {  	[dreg:$0x3] =	wrdreg s5  }
0xaa: {  	[dreg:$0x4] =	wrdreg $0xC0  }
0xab: {  	_ =	task [dreg:s7], $0x5FFFF  }
0xac: {  	[dreg:$0x1] =	wrdreg $0xFFFFFFFF  }
0xad: {  	[dreg:$0x0] =	wrdreg $0x60  }
0xae: {  	[dreg:$0x2] =	wrdreg s2  }
0xaf: {  	[dreg:$0x3] =	wrdreg s24  }
0xb0: {  	[dreg:$0x4] =	wrdreg $0xA  }
0xb1: {  	_ =	task.clear_ibuf [dreg:s7], $0x5FFFF;
	_ =	strace $0x9000004C  }
0xb2: {  	s29 =	simm.s32 $0xA;
	_ =	strace $0x8000004E  }
0xb3: {  	_ =	swait.ge [sflag:s29], $0x1  }
0xb4: {  	[sflag:s29] =	ssyncadd.s32 $0xFFFFFFFF  }
0xb5: {  	_ =	strace $0x9000004E  }
0xb6: {  	_ =	sfence  }
0xb7: {  	s30 =	sld [smem:$0x0];
	_ =	sdelay $0x2  }
0xb8: {  	s31 =	sshll.u32 s1, $0xD;
	s1 =	sshrl.u32 s1, $0x2  }
0xb9: {  	s3 =	sand.u32 $0x4000, s31;
	s1 =	sadd.s32 s1, s30  }
0xba: {  	s0 =	sor.u32 s3, s0;
	s1 =	sshll.u32 s1, $0x11  }
0xbb: {  	s0 =	sor.u32 s1, s0  }
0xbc: {  	s0 =	sadd.s32 $0x8F2B, s0  }
0xbd: {  	[sflag:s0] =	ssyncadd.remote.s32 $0x1  }
0xbe: {  	_ =	sfence.sel $0xFFFF  }
0xbf: {  	[dreg:$0x0] =	wrdreg $0xFFFFFFFF;
	(pc) =	sbr.abs _section_cstart, $3  }
0xc0: {  	[dreg:$0x1] =	wrdreg $0xFFFFFFFF  }
0xc1: {  	_ =	task.clear_ibuf [dreg:s7], $0x2FFFF;
	_ =	strace $0x9FFFFFFF  }
0xc2: {  	(tm) =	ssettm $0x7FFFFFFF  }
0xc3: {  	_ =	shalt  }
tec
execute0_lowered:
.L_overlay_start_1:
0x0: {  	(tag) =	ssettag $0x1  }
0x1: {  	s1 =	srdreg.scid  }
0x2: {  	s0 =	stileid.u32;
	s6 =	sand.u32 $0x1, s1  }
0x3: {  	s2 =	rddreg [dreg:$0x0];
	s30 =	sshll.u32 s0, $0x7;
	s3 =	sshll.u32 s6, $0x6  }
0x4: {  	s8 =	rddreg [dreg:$0x1];
	s7 =	simm.s32 $0x1;
	s9 =	sor.u32 s3, s30  }
0x5: {  	s1 =	rddreg [dreg:$0x2];
	s3 =	simm.s32 $0x0;
	s4 =	sshrl.u32 s9, $0x3  }
0x6: {  	s10 =	ssub.s32 $0x2, s6;
	[smem:$0x7FF] =	sst s3;
	s4 =	sadd.s32 s4, s8  }
0x7: {  	_ =	strace $0x8000004D;
	s5 =	sadd.s32 $0x2C00, s4;
	s4 =	simm.s32 $0x2  }
0x8: {  	[tilespmem:s3], [sflag:$0x2] =	stream.linear.gather [hbm4b:s5+s3], $0x40, $0x38;
	[tilespmem:$0x4040] =	vst v63  }
0x9: {  	s6 =	simm.s32 $0x40;
	s11 =	sshrl.u32 s10, $0x1;
	_ =	swait.ge [sflag:s4], $0x40  }
0xa: {  	s9 =	sshll.u32 s9, $0x5;
	s31 =	ssub.s32 s10, s11;
	[sflag:s4] =	ssyncset.done $0x0  }
0xb: {  	s8 =	sadd.s32 s9, s8;
	s9 =	smax.u32 s31, $0x1;
	[sflag:s4] =	ssyncadd.s32 $0xFFFFFFC0  }
0xc: {  	[tilespmem:s6], [sflag:$0x1] =	stream.indirect.gather [hbm4b:s2+s6], $0x100, s3, s6, $0xb8;
	[tilespmem:$0x4040] =	vst v63  }
0xd: {  	p0 =	sne.s32 s9, $0x1;
	_ =	swait.ge [sflag:s7], $0x4000  }
.Ltmp0:
0xe: {  	[sflag:s7] =	ssyncset.done $0x0;
	(pc) =	sbr.rel @!p0 .LBB2_2-.Ltmp0, $4  }
0xf: {  	s8 =	sadd.s32 $0x2E00, s8;
	[sflag:s7] =	ssyncadd.s32 $0xFFFFC000  }
0x10: {  	[hbm4b:s8+s3] =	stream.linear.scatter [tilespmem:s6], [sflag:$0x2], $0x4000, $0x38;
	[tilespmem:$0x4040] =	vst v63  }
0x11: {  	_ =	swait.ge [sflag:s4], $0x4000  }
0x12: {  	s9 =	sadd.s32 $0xFFFFFFFF, s9;
	[sflag:s4] =	ssyncset.done $0x0  }
.LBB2_1:
0x13: {  	p0 =	sne.s32 s9, $0x1;
	s9 =	sadd.s32 $0xFFFFFFFF, s9;
	[sflag:s4] =	ssyncadd.s32 $0xFFFFC000  }
0x14: {  	[tilespmem:s3], [sflag:$0x2] =	stream.linear.gather [hbm4b:s5+s3], $0x40, $0x38;
	[tilespmem:$0x4040] =	vst v63  }
0x15: {  	_ =	swait.ge [sflag:s4], $0x40  }
0x16: {  	[sflag:s4] =	ssyncset.done $0x0  }
0x17: {  	[sflag:s4] =	ssyncadd.s32 $0xFFFFFFC0  }
0x18: {  	[tilespmem:s6], [sflag:$0x1] =	stream.indirect.gather [hbm4b:s2+s6], $0x100, s3, s6, $0xb8;
	[tilespmem:$0x4040] =	vst v63  }
0x19: {  	_ =	swait.ge [sflag:s7], $0x4000  }
.Ltmp1:
0x1a: {  	[sflag:s7] =	ssyncset.done $0x0;
	(pc) =	sbr.rel @p0 .LBB2_1-.Ltmp1, $4  }
0x1b: {  	[sflag:s7] =	ssyncadd.s32 $0xFFFFC000  }
0x1c: {  	[hbm4b:s8+s3] =	stream.linear.scatter [tilespmem:s6], [sflag:$0x2], $0x4000, $0x38;
	[tilespmem:$0x4040] =	vst v63  }
0x1d: {  	_ =	swait.ge [sflag:s4], $0x4000  }
0x1e: {  	[sflag:s4] =	ssyncset.done $0x0  }
.LBB2_2:
0x1f: {  	[sflag:s4] =	ssyncadd.s32 $0xFFFFC000  }
0x20: {  	_ =	sfence.sel $0x180000  }
0x21: {  	[bflag:$0x0] =	sbarrier.arrive $0xFFFF  }
0x22: {  	p0 =	sne.s32 s0, $0x0;
	_ =	strace $0x9000004D  }
0x23: {  	s0 =	sadd.s32 @!p0 $0x100000, s1;
	[bflag:$0x2] =	sbarrier.arrive $0xFFFF  }
0x24: {  	[sflag:s0] =	ssyncadd.tile.s32 @!p0 $0x1;
	_ =	shalt  }
.Lfunc_end2:
_tile_overlayer_lowered:
.L_overlay_start_2:
0x25: {  	(tag) =	ssettag $0x2  }
0x26: {  	s0 =	rddreg [dreg:$0x0];
	s2 =	stileid.u32  }
0x27: {  	s1 =	rddreg [dreg:$0x1];
	p0 =	sne.s32 s2, $0x0  }
0x28: {  	s3 =	rddreg [dreg:$0x2];
	[bflag:$0x3] =	sbarrier.arrive $0xFFFF;
	s2 =	simm.s32 @!p0 $0x1C02  }
0x29: {  	[timem:s3], [sflag:s2] =	dma.local @!p0 [hbm:s0], s1  }
0x2a: {  	s0 =	simm.s32 @!p0 $0x2  }
0x2b: {  	_ =	swait.ge @!p0 [sflag:s0], s1  }
0x2c: {  	s1 =	ssub.s32 @!p0 $0x0, s1;
	[sflag:s0] =	ssyncset.done @!p0 $0x0  }
0x2d: {  	[sflag:s0] =	ssyncadd.s32 @!p0 s1  }
0x2e: {  	[bflag:$0x3] =	sbarrier.arrive $0xFFFF  }
0x2f: {  	_ =	shalt  }

// kernel: branch_1_fun.8.cloned.1.call-start
scs
__scs_entry_jumppad:
0x0: {  	(pc) =	sbr.rel $0x88, $3  }
0x1: {  	(tag) =	ssettag $0x0;
	lr =	simm.s32 $0x1  }
0x2: {  	[smem:$0x3F96] =	sst lr;
	_ =	strace $0xD0000000  }
0x3: {  	_ = 	snop  }
0x4: {  	_ = 	snop  }
0x5: {  	_ = 	snop  }
0x6: {  	_ = 	snop  }
0x7: {  	_ = 	snop  }
__scs_overlays_trampoline_lowered:
0x8: {  	[smem:$0x3FA5] =	sst s0  }
0x9: {  	[smem:$0x3FA6] =	sst s1  }
0xa: {  	[smem:$0x3FA7] =	sst s2  }
0xb: {  	[smem:$0x3FA8] =	sst s3  }
0xc: {  	[smem:$0x3FA9] =	sst s4  }
0xd: {  	[smem:$0x3FAA] =	sst s5  }
0xe: {  	[smem:$0x3FAB] =	sst s6  }
0xf: {  	[smem:$0x3FAC] =	sst s7  }
0x10: {  	[smem:$0x3FAD] =	sst s8  }
0x11: {  	[smem:$0x3FAE] =	sst s9;
	s0 =	simm.s32 @!p0 $0x0  }
0x12: {  	s1 =	sld [smem:$0x3F94];
	s0 =	simm.s32 @p0 $0x1  }
0x13: {  	[smem:$0x3FAF] =	sst s0;
	s0 =	simm.s32 @!p1 $0x0  }
0x14: {  	s2 =	sld [smem:$0x3F93];
	s0 =	simm.s32 @p1 $0x1  }
0x15: {  	[smem:$0x3FB0] =	sst s0;
	s0 =	simm.s32 @!p2 $0x0  }
0x16: {  	s3 =	sld [smem:$0x3FDB];
	s0 =	simm.s32 @p2 $0x1  }
0x17: {  	s4 =	simm.s32 $0x1BF5;
	[smem:$0x3FB2] =	sst s0  }
0x18: {  	s0 =	sld [smem:$0x3F95];
	_ =	swait.ge [sflag:s4], $0x0  }
0x19: {  	s7 =	sld [smem:$0x3F96]  }
0x1a: {  	s8 =	sadd.s32 $0xFFFFE003, lr  }
0x1b: {  	s9 =	sadd.s32 $0xFFFFFEF7, lr;
	s5 =	simm.s32 $0xFFFFFFFF;
	p2 =	slt.u32 s8, $0xFFFFF086  }
0x1c: {  	p1 =	slt.u32 s9, $0xF7A;
	s5 =	simm.s32 @!p2 $0x0  }
0x1d: {  	s5 =	simm.s32 @p1 $0x1;
	p0 =	seq.s32 s7, s2  }
0x1e: {  	s7 =	smul.u32 @!p0 $0xF7A, s2;
	p2 =	seq.s32 @!p0 s5, $0x0  }
0x1f: {  	s9 =	smul.u32 $0xF7A, s1;
	s8 =	simm.s32 @!p0 $0x1BF5;
	p2 =	por !p2, p0  }
0x20: {  	[sflag:s8] =	ssyncset.s32 @!p0 $0xFFFFF086;
	s6 =	sadd.s32 @!p0 s3, s7;
	s7 =	simm.s32 @!p0 $0x108  }
0x21: {  	s3 =	sadd.s32 s3, s9;
	s6 =	sadd.s32 @!p0 $0x88, s6;
	s7 =	simm.s32 @p2 $0x1082  }
0x22: {  	[simem:s7], [sflag:s8] =	dma.local @!p0 [hbm:s6], $0xF7A  }
0x23: {  	s9 =	sor.u32 $0xD0000000, s2;
	s6 =	simm.s32 $0x108;
	_ =	swait.ge @!p0 [sflag:s8], $0x0  }
0x24: {  	s3 =	sadd.s32 $0x88, s3;
	s6 =	simm.s32 @!p1 $0x1082;
	[sflag:s4] =	ssyncset.s32 $0xFFFFF086  }
0x25: {  	[simem:s6], [sflag:s4] =	dma.local [hbm:s3], $0xF7A  }
0x26: {  	[smem:$0x3F96] =	sst s1;
	(tag) =	ssettag s2;
	_ =	strace s9  }
0x27: {  	s1 =	sld [smem:$0x3FA6]  }
0x28: {  	s2 =	sld [smem:$0x3FA7]  }
0x29: {  	s4 =	sld [smem:$0x3FA9]  }
0x2a: {  	p0 =	seq.s32 s5, $0x0;
	s5 =	sld [smem:$0x3FAA]  }
0x2b: {  	s6 =	sld [smem:$0x3FAB]  }
0x2c: {  	s7 =	sld [smem:$0x3FAC]  }
0x2d: {  	s3 =	simm.s32 $0x108;
	s8 =	sld [smem:$0x3FAD]  }
0x2e: {  	s3 =	simm.s32 @!p0 $0x1082;
	s9 =	sld [smem:$0x3FAE]  }
0x2f: {  	lr =	sadd.s32 s0, s3;
	s0 =	sld [smem:$0x3FA5]  }
0x30: {  	s3 =	sld [smem:$0x3FA8]  }
0x31: {  	[smem:$0x3FB1] =	sst s10  }
0x32: {  	s10 =	sld [smem:$0x3FAF];
	_ =	sdelay $0x3  }
0x33: {  	p0 =	seq.s32 s10, $0x1;
	s10 =	sld [smem:$0x3FB1];
	_ =	sdelay $0x3  }
0x34: {  	[smem:$0x3FB1] =	sst s10  }
0x35: {  	s10 =	sld [smem:$0x3FB0];
	_ =	sdelay $0x3  }
0x36: {  	p1 =	seq.s32 s10, $0x1;
	s10 =	sld [smem:$0x3FB1];
	_ =	sdelay $0x3  }
0x37: {  	[smem:$0x3FB1] =	sst s10  }
0x38: {  	s10 =	sld [smem:$0x3FB2]  }
0x39: {  	_ = 	snop;
	(pc) =	sbr.ind lr, $3  }
0x3a: {  	_ = 	snop  }
0x3b: {  	_ = 	snop  }
0x3c: {  	p2 =	seq.s32 s10, $0x1;
	s10 =	sld [smem:$0x3FB1]  }
0x3d: {  	_ =	shalt  }
0x3e: {  	_ =	shalt  }
0x3f: {  	_ =	shalt  }
0x40: {  	_ =	shalt  }
0x41: {  	_ =	shalt  }
0x42: {  	_ =	shalt  }
0x43: {  	_ =	shalt  }
0x44: {  	_ =	shalt  }
0x45: {  	_ =	shalt  }
0x46: {  	_ =	shalt  }
0x47: {  	_ =	shalt  }
0x48: {  	_ =	shalt  }
0x49: {  	_ =	shalt  }
0x4a: {  	_ =	shalt  }
0x4b: {  	_ =	shalt  }
0x4c: {  	_ =	shalt  }
0x4d: {  	_ =	shalt  }
0x4e: {  	_ =	shalt  }
0x4f: {  	_ =	shalt  }
0x50: {  	_ =	shalt  }
0x51: {  	_ =	shalt  }
0x52: {  	_ =	shalt  }
0x53: {  	_ =	shalt  }
0x54: {  	_ =	shalt  }
0x55: {  	_ =	shalt  }
0x56: {  	_ =	shalt  }
0x57: {  	_ =	shalt  }
0x58: {  	_ =	shalt  }
0x59: {  	_ =	shalt  }
0x5a: {  	_ =	shalt  }
0x5b: {  	_ =	shalt  }
0x5c: {  	_ =	shalt  }
0x5d: {  	_ =	shalt  }
0x5e: {  	_ =	shalt  }
0x5f: {  	_ =	shalt  }
0x60: {  	_ =	shalt  }
0x61: {  	_ =	shalt  }
0x62: {  	_ =	shalt  }
0x63: {  	_ =	shalt  }
0x64: {  	_ =	shalt  }
0x65: {  	_ =	shalt  }
0x66: {  	_ =	shalt  }
0x67: {  	_ =	shalt  }
0x68: {  	_ =	shalt  }
0x69: {  	_ =	shalt  }
0x6a: {  	_ =	shalt  }
0x6b: {  	_ =	shalt  }
0x6c: {  	_ =	shalt  }
0x6d: {  	_ =	shalt  }
0x6e: {  	_ =	shalt  }
0x6f: {  	_ =	shalt  }
0x70: {  	_ =	shalt  }
0x71: {  	_ =	shalt  }
0x72: {  	_ =	shalt  }
0x73: {  	_ =	shalt  }
0x74: {  	_ =	shalt  }
0x75: {  	_ =	shalt  }
0x76: {  	_ =	shalt  }
0x77: {  	_ =	shalt  }
0x78: {  	_ =	shalt  }
0x79: {  	_ =	shalt  }
0x7a: {  	_ =	shalt  }
0x7b: {  	_ =	shalt  }
0x7c: {  	_ =	shalt  }
0x7d: {  	_ =	shalt  }
0x7e: {  	_ =	shalt  }
0x7f: {  	_ =	shalt  }
0x80: {  	_ =	shalt  }
0x81: {  	_ =	shalt  }
0x82: {  	_ =	shalt  }
0x83: {  	_ =	shalt  }
0x84: {  	_ =	shalt  }
0x85: {  	_ =	shalt  }
0x86: {  	_ =	shalt  }
0x87: {  	_ =	shalt  }
.Lfunc_end0:
.L_simem_size_0:
called_computation.4_lowered:
.L_overlay_start_0:
0x88: {  	s2 =	sld [smem:$0x3FD9]  }
0x89: {  	s3 =	sld [smem:$0x3FFE];
	_ =	sdelay $0x1  }
0x8a: {  	s1 =	srdreg.scid  }
0x8b: {  	s0 =	sand.u32 $0x1, s1  }
0x8c: {  	s17 =	sshll.u32 s0, $0xA;
	s2 =	sadd.s32 s3, s2  }
0x8d: {  	s2 =	sadd.s32 s2, s17  }
0x8e: {  	[smem:$0x3FBD] =	sst s2  }
0x8f: {  	_ = 	snop  }
0x90: {  	s2 =	sld [smem:$0x3FD0];
	(tm) =	ssettm $0x1  }
0x91: {  	s18 =	sld [smem:$0x3FFB];
	_ =	sdelay $0x3  }
0x92: {  	_ =	strace s18  }
0x93: {  	s3 =	sld [smem:$0x3FFC];
	_ =	sdelay $0x3  }
0x94: {  	_ =	strace s3  }
0x95: {  	s3 =	sld [smem:$0x3FFD];
	_ =	sdelay $0x3  }
0x96: {  	_ =	strace s3  }
0x97: {  	_ =	strace $0x8FFFFFFF  }
0x98: {  	s19 =	sld [smem:$0x3FDB];
	_ =	sdelay $0x1  }
0x99: {  	s4 =	simm.s32 $_scs_section_size  }
0x9a: {  	s5 =	simm.s32 $_size__tile_overlayer_lowered;
	s6 =	simm.s32 $_tile_overlayer_lowered  }
0x9b: {  	s22 =	simm.s32 $0x1BFF;
	s21 =	sshll.u32 s6, $0x1;
	s3 =	sadd.s32 s4, s19  }
0x9c: {  	s7 =	simm.s32 $0x0;
	s20 =	sshll.u32 s5, $0x1;
	s5 =	sadd.s32 s21, s3  }
0x9d: {  	[timem:s7], [sflag:s22] =	dma.local [hbm:s5], s20  }
0x9e: {  	_ =	swait.ge [sflag:s22], s20  }
0x9f: {  	s4 =	ssub.s32 $0x0, s20;
	[sflag:s22] =	ssyncset.done $0x0  }
0xa0: {  	[sflag:s22] =	ssyncadd.s32 s4;
	_ =	sdelay $0x1  }
0xa1: {  	s23 =	simm.s32 $0x1B8B  }
0xa2: {  	_ =	swait.ge [sflag:s23], $0x1  }
0xa3: {  	[sflag:s23] =	ssyncset.done $0x0  }
0xa4: {  	s25 =	simm.s32 $0x1B8E;
	s24 =	sld [smem:$0x3FFE];
	[sflag:s23] =	ssyncadd.s32 $0xFFFFFFFF  }
0xa5: {  	s26 =	simm.s32 $execute0_lowered;
	[smem:$0x3FD2] =	sst s25  }
0xa6: {  	s5 =	sshll.u32 s26, $0x1;
	_ =	strace $0x80000052;
	[dreg:$0x1] =	wrdreg $0xFFFFFFFF  }
0xa7: {  	s28 =	simm.s32 $_size_execute0_lowered;
	s3 =	sadd.s32 s3, s5;
	[dreg:$0x0] =	wrdreg $0x0  }
0xa8: {  	s5 =	sshll.u32 s28, $0x1;
	[dreg:$0x2] =	wrdreg s3  }
0xa9: {  	[dreg:$0x3] =	wrdreg s5  }
0xaa: {  	[dreg:$0x4] =	wrdreg $0xC0  }
0xab: {  	_ =	task [dreg:s7], $0x5FFFF  }
0xac: {  	[dreg:$0x1] =	wrdreg $0xFFFFFFFF  }
0xad: {  	[dreg:$0x0] =	wrdreg $0x60  }
0xae: {  	[dreg:$0x2] =	wrdreg s24  }
0xaf: {  	[dreg:$0x3] =	wrdreg s2  }
0xb0: {  	[dreg:$0x4] =	wrdreg $0x9  }
0xb1: {  	_ =	task.clear_ibuf [dreg:s7], $0x5FFFF;
	_ =	strace $0x90000052  }
0xb2: {  	s29 =	simm.s32 $0x9;
	_ =	strace $0x80000054  }
0xb3: {  	_ =	swait.ge [sflag:s29], $0x1  }
0xb4: {  	[sflag:s29] =	ssyncadd.s32 $0xFFFFFFFF  }
0xb5: {  	_ =	strace $0x90000054  }
0xb6: {  	_ =	sfence  }
0xb7: {  	s30 =	sld [smem:$0x0];
	_ =	sdelay $0x2  }
0xb8: {  	s31 =	sshll.u32 s1, $0xD;
	s1 =	sshrl.u32 s1, $0x2  }
0xb9: {  	s3 =	sand.u32 $0x4000, s31;
	s1 =	sadd.s32 s1, s30  }
0xba: {  	s0 =	sor.u32 s3, s0;
	s1 =	sshll.u32 s1, $0x11  }
0xbb: {  	s0 =	sor.u32 s1, s0  }
0xbc: {  	s0 =	sadd.s32 $0x8F2B, s0  }
0xbd: {  	[sflag:s0] =	ssyncadd.remote.s32 $0x1  }
0xbe: {  	_ =	sfence.sel $0xFFFF  }
0xbf: {  	[dreg:$0x0] =	wrdreg $0xFFFFFFFF;
	(pc) =	sbr.abs _section_cstart, $3  }
0xc0: {  	[dreg:$0x1] =	wrdreg $0xFFFFFFFF  }
0xc1: {  	_ =	task.clear_ibuf [dreg:s7], $0x2FFFF;
	_ =	strace $0x9FFFFFFF  }
0xc2: {  	(tm) =	ssettm $0x7FFFFFFF  }
0xc3: {  	_ =	shalt  }
tec
execute0_lowered:
.L_overlay_start_1:
0x0: {  	(tag) =	ssettag $0x1  }
0x1: {  	s5 =	rddreg [dreg:$0x0];
	s1 =	srdreg.scid  }
0x2: {  	s0 =	stileid.u32;
	s2 =	rddreg [dreg:$0x1]  }
0x3: {  	s3 =	simm.s32 $0x0;
	s12 =	simm.s32 $0x50;
	s13 =	simm.s32 $0xA0  }
0x4: {  	s14 =	simm.s32 $0x50B0;
	s15 =	simm.s32 $0xB0;
	s16 =	simm.s32 $0x1  }
0x5: {  	s17 =	simm.s32 $0x2;
	s18 =	simm.s32 $0x10;
	s19 =	simm.s32 $0x3  }
0x6: {  	s20 =	simm.s32 $0x0;
	s6 =	sand.u32 $0x1, s1;
	s1 =	rddreg [dreg:$0x2]  }
0x7: {  	s7 =	smul.u32 $0x280, s0;
	[smem:$0x7FF] =	sst s3;
	s4 =	sadd.s32 $0x10B400, s5  }
0x8: {  	s29 =	sshll.u32 s0, $0x7;
	s30 =	sshll.u32 s0, $0x8;
	s8 =	smul.u32 $0x140, s6  }
0x9: {  	_ =	strace $0x80000053;
	s9 =	sshll.u32 s6, $0x6;
	s31 =	ssub.s32 $0x2, s6  }
0xa: {  	s6 =	sshll.u32 s6, $0x7;
	s11 =	sshrl.u32 s31, $0x1;
	s7 =	sadd.s32 s8, s7  }
0xb: {  	s8 =	sor.u32 s9, s29;
	s9 =	ssub.s32 s31, s11;
	s7 =	sshrl.u32 s7, $0x3  }
0xc: {  	s11 =	simm.s32 $0x4;
	s8 =	sshrl.u32 s8, $0x3;
	s10 =	sadd.s32 s7, s5  }
0xd: {  	s7 =	sadd.s32 s30, s5;
	s8 =	sadd.s32 s8, s5;
	s5 =	sadd.s32 $0x291E00, s5  }
0xe: {  	s7 =	sadd.s32 s6, s7;
	s6 =	smax.u32 s9, $0x1;
	s8 =	sadd.s32 $0x2C00, s8  }
0xf: {  	s9 =	sadd.s32 $0x12E00, s10;
	s10 =	sadd.s32 $0x3E00, s10;
	s7 =	sadd.s32 $0x2E00, s7  }
.LBB2_1:
0x10: {  	s21 =	sadd.s32 $0x0, s10  }
0x11: {  	[tilespmem:s3], [sflag:$0x4] =	stream.linear.gather [hbm4b:s21+s3], $0x50, $0x38;
	[tilespmem:$0x51B0] =	vst v63  }
0x12: {  	_ =	swait.ge [sflag:s11], $0x50  }
0x13: {  	[sflag:s11] =	ssyncset.done $0x0  }
0x14: {  	s31 =	sadd.s32 $0x0, s9;
	[sflag:s11] =	ssyncadd.s32 $0xFFFFFFB0  }
0x15: {  	[tilespmem:s12], [sflag:$0x4] =	stream.linear.gather [hbm4b:s31+s3], $0x50, $0x38;
	[tilespmem:$0x51B0] =	vst v63  }
0x16: {  	_ =	swait.ge [sflag:s11], $0x50  }
0x17: {  	[sflag:s11] =	ssyncset.done $0x0  }
0x18: {  	[sflag:s11] =	ssyncadd.s32 $0xFFFFFFB0  }
0x19: {  	[tilespmem:s13], [sflag:$0x4] =	stream.linear.gather [hbm4b:s8+s3], $0x10, $0x38;
	[tilespmem:$0x51B0] =	vst v63  }
0x1a: {  	_ =	swait.ge [sflag:s11], $0x10  }
0x1b: {  	[sflag:s11] =	ssyncset.done $0x0  }
0x1c: {  	[sflag:s11] =	ssyncadd.s32 $0xFFFFFFF0  }
0x1d: {  	[tilespmem:s14], [sflag:$0x4] =	stream.linear.gather [hbm4b:s7+s3], $0x100, $0x38;
	[tilespmem:$0x51B0] =	vst v63  }
0x1e: {  	_ =	swait.ge [sflag:s11], $0x100  }
0x1f: {  	[sflag:s11] =	ssyncset.done $0x0  }
0x20: {  	[sflag:s11] =	ssyncadd.s32 $0xFFFFFF00  }
0x21: {  	[tilespmem:s15], [sflag:$0x1] =	stream.indirect.gather [hbm4b:s4+s12], $0x100, s3, s12, $0xb8;
	[tilespmem:$0x51B0] =	vst v63  }
0x22: {  	_ =	swait.ge [sflag:s16], $0x5000  }
0x23: {  	[sflag:s16] =	ssyncset.done $0x0  }
0x24: {  	[sflag:s16] =	ssyncadd.s32 $0xFFFFB000  }
0x25: {  	[hbm4b:s5+s12] =	stream.indirect.scatter [tilespmem:s15], [sflag:$0x2], $0x100, s12, s12, $0xb8;
	[tilespmem:$0x51B0] =	vst v63  }
0x26: {  	_ =	swait.ge [sflag:s17], $0x5000  }
0x27: {  	[sflag:s17] =	ssyncset.done $0x0  }
0x28: {  	[sflag:s17] =	ssyncadd.s32 $0xFFFFB000  }
0x29: {  	[hbm4b:s2+s18] =	stream.indirect.scatter [tilespmem:s14], [sflag:$0x3], $0x10, s13, s18, $0xb8;
	[tilespmem:$0x51B0] =	vst v63  }
0x2a: {  	s23 =	simm.s32 $0xA;
	s24 =	simm.s32 $0x14;
	_ =	swait.ge [sflag:s19], $0x100  }
0x2b: {  	s22 =	sadd.s32 $0x2, s8;
	s21 =	sadd.s32 $0x20, s7;
	[sflag:s19] =	ssyncset.done $0x0  }
.LBB2_2:
0x2c: {  	s25 =	sadd.s32 s23, s10  }
0x2d: {  	[sflag:s19] =	ssyncadd.s32 $0xFFFFFF00;
	s26 =	smov.u32 s24;
	s28 =	sadd.s32 $0xA, s24  }
0x2e: {  	[tilespmem:s3], [sflag:$0x4] =	stream.linear.gather [hbm4b:s25+s3], $0x50, $0x38;
	[tilespmem:$0x51B0] =	vst v63  }
0x2f: {  	p0 =	sne.s32 s24, $0x1E;
	_ =	swait.ge [sflag:s11], $0x50  }
0x30: {  	[sflag:s11] =	ssyncset.done $0x0  }
0x31: {  	s24 =	sadd.s32 s23, s9;
	s23 =	smov.u32 s26;
	[sflag:s11] =	ssyncadd.s32 $0xFFFFFFB0  }
0x32: {  	[tilespmem:s12], [sflag:$0x4] =	stream.linear.gather [hbm4b:s24+s3], $0x50, $0x38;
	[tilespmem:$0x51B0] =	vst v63  }
0x33: {  	_ =	swait.ge [sflag:s11], $0x50  }
0x34: {  	[sflag:s11] =	ssyncset.done $0x0  }
0x35: {  	[sflag:s11] =	ssyncadd.s32 $0xFFFFFFB0  }
0x36: {  	[tilespmem:s13], [sflag:$0x4] =	stream.linear.gather [hbm4b:s22+s3], $0x10, $0x38;
	[tilespmem:$0x51B0] =	vst v63  }
0x37: {  	_ =	swait.ge [sflag:s11], $0x10  }
0x38: {  	[sflag:s11] =	ssyncset.done $0x0  }
0x39: {  	[sflag:s11] =	ssyncadd.s32 $0xFFFFFFF0  }
0x3a: {  	[tilespmem:s14], [sflag:$0x4] =	stream.linear.gather [hbm4b:s21+s3], $0x100, $0x38;
	[tilespmem:$0x51B0] =	vst v63  }
0x3b: {  	_ =	swait.ge [sflag:s11], $0x100  }
0x3c: {  	[sflag:s11] =	ssyncset.done $0x0  }
0x3d: {  	[sflag:s11] =	ssyncadd.s32 $0xFFFFFF00  }
0x3e: {  	[tilespmem:s15], [sflag:$0x1] =	stream.indirect.gather [hbm4b:s4+s12], $0x100, s3, s12, $0xb8;
	[tilespmem:$0x51B0] =	vst v63  }
0x3f: {  	_ =	swait.ge [sflag:s16], $0x5000  }
0x40: {  	[sflag:s16] =	ssyncset.done $0x0  }
0x41: {  	[sflag:s16] =	ssyncadd.s32 $0xFFFFB000  }
0x42: {  	[hbm4b:s5+s12] =	stream.indirect.scatter [tilespmem:s15], [sflag:$0x2], $0x100, s12, s12, $0xb8;
	[tilespmem:$0x51B0] =	vst v63  }
0x43: {  	_ =	swait.ge [sflag:s17], $0x5000  }
.Ltmp0:
0x44: {  	[sflag:s17] =	ssyncset.done $0x0;
	(pc) =	sbr.rel @p0 .LBB2_2-.Ltmp0, $4  }
0x45: {  	[sflag:s17] =	ssyncadd.s32 $0xFFFFB000  }
0x46: {  	[hbm4b:s2+s18] =	stream.indirect.scatter [tilespmem:s14], [sflag:$0x3], $0x10, s13, s18, $0xb8;
	[tilespmem:$0x51B0] =	vst v63  }
0x47: {  	s24 =	smov.u32 s28;
	_ =	swait.ge [sflag:s19], $0x100  }
0x48: {  	s22 =	sadd.s32 $0x2, s22;
	s21 =	sadd.s32 $0x20, s21;
	[sflag:s19] =	ssyncset.done $0x0  }
0x49: {  	s24 =	sadd.s32 s23, s10;
	[sflag:s19] =	ssyncadd.s32 $0xFFFFFF00  }
0x4a: {  	[tilespmem:s3], [sflag:$0x4] =	stream.linear.gather [hbm4b:s24+s3], $0x50, $0x38;
	[tilespmem:$0x51B0] =	vst v63  }
0x4b: {  	_ =	swait.ge [sflag:s11], $0x50  }
0x4c: {  	[sflag:s11] =	ssyncset.done $0x0  }
0x4d: {  	s31 =	sadd.s32 s23, s9;
	[sflag:s11] =	ssyncadd.s32 $0xFFFFFFB0  }
0x4e: {  	[tilespmem:s12], [sflag:$0x4] =	stream.linear.gather [hbm4b:s31+s3], $0x50, $0x38;
	[tilespmem:$0x51B0] =	vst v63  }
0x4f: {  	_ =	swait.ge [sflag:s11], $0x50  }
0x50: {  	[sflag:s11] =	ssyncset.done $0x0  }
0x51: {  	[sflag:s11] =	ssyncadd.s32 $0xFFFFFFB0  }
0x52: {  	[tilespmem:s13], [sflag:$0x4] =	stream.linear.gather [hbm4b:s22+s3], $0x10, $0x38;
	[tilespmem:$0x51B0] =	vst v63  }
0x53: {  	_ =	swait.ge [sflag:s11], $0x10  }
0x54: {  	[sflag:s11] =	ssyncset.done $0x0  }
0x55: {  	[sflag:s11] =	ssyncadd.s32 $0xFFFFFFF0  }
0x56: {  	[tilespmem:s14], [sflag:$0x4] =	stream.linear.gather [hbm4b:s21+s3], $0x100, $0x38;
	[tilespmem:$0x51B0] =	vst v63  }
0x57: {  	_ =	swait.ge [sflag:s11], $0x100  }
0x58: {  	[sflag:s11] =	ssyncset.done $0x0  }
0x59: {  	[sflag:s11] =	ssyncadd.s32 $0xFFFFFF00  }
0x5a: {  	[tilespmem:s15], [sflag:$0x1] =	stream.indirect.gather [hbm4b:s4+s12], $0x100, s3, s12, $0xb8;
	[tilespmem:$0x51B0] =	vst v63  }
0x5b: {  	_ =	swait.ge [sflag:s16], $0x5000  }
0x5c: {  	[sflag:s16] =	ssyncset.done $0x0  }
0x5d: {  	[sflag:s16] =	ssyncadd.s32 $0xFFFFB000  }
0x5e: {  	[hbm4b:s5+s12] =	stream.indirect.scatter [tilespmem:s15], [sflag:$0x2], $0x100, s12, s12, $0xb8;
	[tilespmem:$0x51B0] =	vst v63  }
0x5f: {  	s20 =	sadd.s32 $0x1, s20;
	_ =	swait.ge [sflag:s17], $0x5000  }
0x60: {  	p0 =	sne.s32 s20, s6;
	[sflag:s17] =	ssyncset.done $0x0  }
.Ltmp1:
0x61: {  	[sflag:s17] =	ssyncadd.s32 $0xFFFFB000;
	(pc) =	sbr.rel @p0 .LBB2_1-.Ltmp1, $4  }
0x62: {  	[hbm4b:s2+s18] =	stream.indirect.scatter [tilespmem:s14], [sflag:$0x3], $0x10, s13, s18, $0xb8;
	[tilespmem:$0x51B0] =	vst v63  }
0x63: {  	_ =	swait.ge [sflag:s19], $0x100  }
0x64: {  	[sflag:s19] =	ssyncset.done $0x0  }
0x65: {  	[sflag:s19] =	ssyncadd.s32 $0xFFFFFF00  }
0x66: {  	_ =	sfence.sel $0x180000  }
0x67: {  	[bflag:$0x0] =	sbarrier.arrive $0xFFFF  }
0x68: {  	p0 =	sne.s32 s0, $0x0;
	_ =	strace $0x90000053  }
0x69: {  	s0 =	sadd.s32 @!p0 $0x100000, s1;
	[bflag:$0x2] =	sbarrier.arrive $0xFFFF  }
0x6a: {  	[sflag:s0] =	ssyncadd.tile.s32 @!p0 $0x1;
	_ =	shalt  }
.Lfunc_end2:
_tile_overlayer_lowered:
.L_overlay_start_2:
0x6b: {  	(tag) =	ssettag $0x2  }
0x6c: {  	s0 =	rddreg [dreg:$0x0];
	s2 =	stileid.u32  }
0x6d: {  	s1 =	rddreg [dreg:$0x1];
	p0 =	sne.s32 s2, $0x0  }
0x6e: {  	s3 =	rddreg [dreg:$0x2];
	[bflag:$0x3] =	sbarrier.arrive $0xFFFF;
	s2 =	simm.s32 @!p0 $0x1C04  }
0x6f: {  	[timem:s3], [sflag:s2] =	dma.local @!p0 [hbm:s0], s1  }
0x70: {  	s0 =	simm.s32 @!p0 $0x4  }
0x71: {  	_ =	swait.ge @!p0 [sflag:s0], s1  }
0x72: {  	s1 =	ssub.s32 @!p0 $0x0, s1;
	[sflag:s0] =	ssyncset.done @!p0 $0x0  }
0x73: {  	[sflag:s0] =	ssyncadd.s32 @!p0 s1  }
0x74: {  	[bflag:$0x3] =	sbarrier.arrive $0xFFFF  }
0x75: {  	_ =	shalt  }

// kernel: kernel.5.cloned.1.call-start
scs
__scs_entry_jumppad:
0x0: {  	(pc) =	sbr.rel $0x88, $3  }
0x1: {  	(tag) =	ssettag $0x0;
	lr =	simm.s32 $0x1  }
0x2: {  	[smem:$0x3F96] =	sst lr;
	_ =	strace $0xD0000000  }
0x3: {  	_ = 	snop  }
0x4: {  	_ = 	snop  }
0x5: {  	_ = 	snop  }
0x6: {  	_ = 	snop  }
0x7: {  	_ = 	snop  }
__scs_overlays_trampoline_lowered:
0x8: {  	[smem:$0x3FA5] =	sst s0  }
0x9: {  	[smem:$0x3FA6] =	sst s1  }
0xa: {  	[smem:$0x3FA7] =	sst s2  }
0xb: {  	[smem:$0x3FA8] =	sst s3  }
0xc: {  	[smem:$0x3FA9] =	sst s4  }
0xd: {  	[smem:$0x3FAA] =	sst s5  }
0xe: {  	[smem:$0x3FAB] =	sst s6  }
0xf: {  	[smem:$0x3FAC] =	sst s7  }
0x10: {  	[smem:$0x3FAD] =	sst s8  }
0x11: {  	[smem:$0x3FAE] =	sst s9;
	s0 =	simm.s32 @!p0 $0x0  }
0x12: {  	s1 =	sld [smem:$0x3F94];
	s0 =	simm.s32 @p0 $0x1  }
0x13: {  	[smem:$0x3FAF] =	sst s0;
	s0 =	simm.s32 @!p1 $0x0  }
0x14: {  	s2 =	sld [smem:$0x3F93];
	s0 =	simm.s32 @p1 $0x1  }
0x15: {  	[smem:$0x3FB0] =	sst s0;
	s0 =	simm.s32 @!p2 $0x0  }
0x16: {  	s3 =	sld [smem:$0x3FDB];
	s0 =	simm.s32 @p2 $0x1  }
0x17: {  	s4 =	simm.s32 $0x1BF5;
	[smem:$0x3FB2] =	sst s0  }
0x18: {  	s0 =	sld [smem:$0x3F95];
	_ =	swait.ge [sflag:s4], $0x0  }
0x19: {  	s7 =	sld [smem:$0x3F96]  }
0x1a: {  	s8 =	sadd.s32 $0xFFFFE003, lr  }
0x1b: {  	s9 =	sadd.s32 $0xFFFFFEF7, lr;
	s5 =	simm.s32 $0xFFFFFFFF;
	p2 =	slt.u32 s8, $0xFFFFF086  }
0x1c: {  	p1 =	slt.u32 s9, $0xF7A;
	s5 =	simm.s32 @!p2 $0x0  }
0x1d: {  	s5 =	simm.s32 @p1 $0x1;
	p0 =	seq.s32 s7, s2  }
0x1e: {  	s7 =	smul.u32 @!p0 $0xF7A, s2;
	p2 =	seq.s32 @!p0 s5, $0x0  }
0x1f: {  	s9 =	smul.u32 $0xF7A, s1;
	s8 =	simm.s32 @!p0 $0x1BF5;
	p2 =	por !p2, p0  }
0x20: {  	[sflag:s8] =	ssyncset.s32 @!p0 $0xFFFFF086;
	s6 =	sadd.s32 @!p0 s3, s7;
	s7 =	simm.s32 @!p0 $0x108  }
0x21: {  	s3 =	sadd.s32 s3, s9;
	s6 =	sadd.s32 @!p0 $0x88, s6;
	s7 =	simm.s32 @p2 $0x1082  }
0x22: {  	[simem:s7], [sflag:s8] =	dma.local @!p0 [hbm:s6], $0xF7A  }
0x23: {  	s9 =	sor.u32 $0xD0000000, s2;
	s6 =	simm.s32 $0x108;
	_ =	swait.ge @!p0 [sflag:s8], $0x0  }
0x24: {  	s3 =	sadd.s32 $0x88, s3;
	s6 =	simm.s32 @!p1 $0x1082;
	[sflag:s4] =	ssyncset.s32 $0xFFFFF086  }
0x25: {  	[simem:s6], [sflag:s4] =	dma.local [hbm:s3], $0xF7A  }
0x26: {  	[smem:$0x3F96] =	sst s1;
	(tag) =	ssettag s2;
	_ =	strace s9  }
0x27: {  	s1 =	sld [smem:$0x3FA6]  }
0x28: {  	s2 =	sld [smem:$0x3FA7]  }
0x29: {  	s4 =	sld [smem:$0x3FA9]  }
0x2a: {  	p0 =	seq.s32 s5, $0x0;
	s5 =	sld [smem:$0x3FAA]  }
0x2b: {  	s6 =	sld [smem:$0x3FAB]  }
0x2c: {  	s7 =	sld [smem:$0x3FAC]  }
0x2d: {  	s3 =	simm.s32 $0x108;
	s8 =	sld [smem:$0x3FAD]  }
0x2e: {  	s3 =	simm.s32 @!p0 $0x1082;
	s9 =	sld [smem:$0x3FAE]  }
0x2f: {  	lr =	sadd.s32 s0, s3;
	s0 =	sld [smem:$0x3FA5]  }
0x30: {  	s3 =	sld [smem:$0x3FA8]  }
0x31: {  	[smem:$0x3FB1] =	sst s10  }
0x32: {  	s10 =	sld [smem:$0x3FAF];
	_ =	sdelay $0x3  }
0x33: {  	p0 =	seq.s32 s10, $0x1;
	s10 =	sld [smem:$0x3FB1];
	_ =	sdelay $0x3  }
0x34: {  	[smem:$0x3FB1] =	sst s10  }
0x35: {  	s10 =	sld [smem:$0x3FB0];
	_ =	sdelay $0x3  }
0x36: {  	p1 =	seq.s32 s10, $0x1;
	s10 =	sld [smem:$0x3FB1];
	_ =	sdelay $0x3  }
0x37: {  	[smem:$0x3FB1] =	sst s10  }
0x38: {  	s10 =	sld [smem:$0x3FB2]  }
0x39: {  	_ = 	snop;
	(pc) =	sbr.ind lr, $3  }
0x3a: {  	_ = 	snop  }
0x3b: {  	_ = 	snop  }
0x3c: {  	p2 =	seq.s32 s10, $0x1;
	s10 =	sld [smem:$0x3FB1]  }
0x3d: {  	_ =	shalt  }
0x3e: {  	_ =	shalt  }
0x3f: {  	_ =	shalt  }
0x40: {  	_ =	shalt  }
0x41: {  	_ =	shalt  }
0x42: {  	_ =	shalt  }
0x43: {  	_ =	shalt  }
0x44: {  	_ =	shalt  }
0x45: {  	_ =	shalt  }
0x46: {  	_ =	shalt  }
0x47: {  	_ =	shalt  }
0x48: {  	_ =	shalt  }
0x49: {  	_ =	shalt  }
0x4a: {  	_ =	shalt  }
0x4b: {  	_ =	shalt  }
0x4c: {  	_ =	shalt  }
0x4d: {  	_ =	shalt  }
0x4e: {  	_ =	shalt  }
0x4f: {  	_ =	shalt  }
0x50: {  	_ =	shalt  }
0x51: {  	_ =	shalt  }
0x52: {  	_ =	shalt  }
0x53: {  	_ =	shalt  }
0x54: {  	_ =	shalt  }
0x55: {  	_ =	shalt  }
0x56: {  	_ =	shalt  }
0x57: {  	_ =	shalt  }
0x58: {  	_ =	shalt  }
0x59: {  	_ =	shalt  }
0x5a: {  	_ =	shalt  }
0x5b: {  	_ =	shalt  }
0x5c: {  	_ =	shalt  }
0x5d: {  	_ =	shalt  }
0x5e: {  	_ =	shalt  }
0x5f: {  	_ =	shalt  }
0x60: {  	_ =	shalt  }
0x61: {  	_ =	shalt  }
0x62: {  	_ =	shalt  }
0x63: {  	_ =	shalt  }
0x64: {  	_ =	shalt  }
0x65: {  	_ =	shalt  }
0x66: {  	_ =	shalt  }
0x67: {  	_ =	shalt  }
0x68: {  	_ =	shalt  }
0x69: {  	_ =	shalt  }
0x6a: {  	_ =	shalt  }
0x6b: {  	_ =	shalt  }
0x6c: {  	_ =	shalt  }
0x6d: {  	_ =	shalt  }
0x6e: {  	_ =	shalt  }
0x6f: {  	_ =	shalt  }
0x70: {  	_ =	shalt  }
0x71: {  	_ =	shalt  }
0x72: {  	_ =	shalt  }
0x73: {  	_ =	shalt  }
0x74: {  	_ =	shalt  }
0x75: {  	_ =	shalt  }
0x76: {  	_ =	shalt  }
0x77: {  	_ =	shalt  }
0x78: {  	_ =	shalt  }
0x79: {  	_ =	shalt  }
0x7a: {  	_ =	shalt  }
0x7b: {  	_ =	shalt  }
0x7c: {  	_ =	shalt  }
0x7d: {  	_ =	shalt  }
0x7e: {  	_ =	shalt  }
0x7f: {  	_ =	shalt  }
0x80: {  	_ =	shalt  }
0x81: {  	_ =	shalt  }
0x82: {  	_ =	shalt  }
0x83: {  	_ =	shalt  }
0x84: {  	_ =	shalt  }
0x85: {  	_ =	shalt  }
0x86: {  	_ =	shalt  }
0x87: {  	_ =	shalt  }
.Lfunc_end0:
.L_simem_size_0:
called_computation.5_lowered:
.L_overlay_start_0:
0x88: {  	s2 =	sld [smem:$0x3FD9]  }
0x89: {  	s3 =	sld [smem:$0x3FFE];
	_ =	sdelay $0x1  }
0x8a: {  	s1 =	srdreg.scid  }
0x8b: {  	s0 =	sand.u32 $0x1, s1  }
0x8c: {  	s17 =	sshll.u32 s0, $0xA;
	s2 =	sadd.s32 s3, s2  }
0x8d: {  	s2 =	sadd.s32 s2, s17  }
0x8e: {  	[smem:$0x3FBD] =	sst s2  }
0x8f: {  	_ = 	snop  }
0x90: {  	s2 =	sld [smem:$0x3FD0];
	(tm) =	ssettm $0x1  }
0x91: {  	s18 =	sld [smem:$0x3FFB];
	_ =	sdelay $0x3  }
0x92: {  	_ =	strace s18  }
0x93: {  	s3 =	sld [smem:$0x3FFC];
	_ =	sdelay $0x3  }
0x94: {  	_ =	strace s3  }
0x95: {  	s3 =	sld [smem:$0x3FFD];
	_ =	sdelay $0x3  }
0x96: {  	_ =	strace s3  }
0x97: {  	_ =	strace $0x8FFFFFFF  }
0x98: {  	s19 =	sld [smem:$0x3FDB];
	_ =	sdelay $0x1  }
0x99: {  	s4 =	simm.s32 $_scs_section_size  }
0x9a: {  	s5 =	simm.s32 $_size__tile_overlayer_lowered;
	s6 =	simm.s32 $_tile_overlayer_lowered  }
0x9b: {  	s22 =	simm.s32 $0x1BFF;
	s21 =	sshll.u32 s6, $0x1;
	s3 =	sadd.s32 s4, s19  }
0x9c: {  	s7 =	simm.s32 $0x0;
	s20 =	sshll.u32 s5, $0x1;
	s5 =	sadd.s32 s21, s3  }
0x9d: {  	[timem:s7], [sflag:s22] =	dma.local [hbm:s5], s20  }
0x9e: {  	_ =	swait.ge [sflag:s22], s20  }
0x9f: {  	s4 =	ssub.s32 $0x0, s20;
	[sflag:s22] =	ssyncset.done $0x0  }
0xa0: {  	[sflag:s22] =	ssyncadd.s32 s4;
	_ =	sdelay $0x1  }
0xa1: {  	s23 =	simm.s32 $0x1B8B  }
0xa2: {  	_ =	swait.ge [sflag:s23], $0x1  }
0xa3: {  	[sflag:s23] =	ssyncset.done $0x0  }
0xa4: {  	s25 =	simm.s32 $0x1B8E;
	s24 =	sld [smem:$0x3FFE];
	[sflag:s23] =	ssyncadd.s32 $0xFFFFFFFF  }
0xa5: {  	s26 =	simm.s32 $execute0_lowered;
	[smem:$0x3FD2] =	sst s25  }
0xa6: {  	s5 =	sshll.u32 s26, $0x1;
	_ =	strace $0x80000055;
	[dreg:$0x1] =	wrdreg $0xFFFFFFFF  }
0xa7: {  	s28 =	simm.s32 $_size_execute0_lowered;
	s3 =	sadd.s32 s3, s5;
	[dreg:$0x0] =	wrdreg $0x0  }
0xa8: {  	s5 =	sshll.u32 s28, $0x1;
	[dreg:$0x2] =	wrdreg s3  }
0xa9: {  	[dreg:$0x3] =	wrdreg s5  }
0xaa: {  	[dreg:$0x4] =	wrdreg $0xC0  }
0xab: {  	_ =	task [dreg:s7], $0x5FFFF  }
0xac: {  	[dreg:$0x1] =	wrdreg $0xFFFFFFFF  }
0xad: {  	[dreg:$0x0] =	wrdreg $0x60  }
0xae: {  	[dreg:$0x2] =	wrdreg s24  }
0xaf: {  	[dreg:$0x3] =	wrdreg s2  }
0xb0: {  	[dreg:$0x4] =	wrdreg $0x0  }
0xb1: {  	[dreg:$0x5] =	wrdreg $0x9  }
0xb2: {  	_ =	task.clear_ibuf [dreg:s7], $0x6FFFF;
	_ =	strace $0x90000055  }
0xb3: {  	s29 =	simm.s32 $0x9;
	_ =	strace $0x80000057  }
0xb4: {  	_ =	swait.ge [sflag:s29], $0x1  }
0xb5: {  	[sflag:s29] =	ssyncadd.s32 $0xFFFFFFFF  }
0xb6: {  	_ =	strace $0x90000057  }
0xb7: {  	_ =	sfence  }
0xb8: {  	s30 =	sld [smem:$0x0];
	_ =	sdelay $0x2  }
0xb9: {  	s31 =	sshll.u32 s1, $0xD;
	s1 =	sshrl.u32 s1, $0x2  }
0xba: {  	s3 =	sand.u32 $0x4000, s31;
	s1 =	sadd.s32 s1, s30  }
0xbb: {  	s0 =	sor.u32 s3, s0;
	s1 =	sshll.u32 s1, $0x11  }
0xbc: {  	s0 =	sor.u32 s1, s0  }
0xbd: {  	s0 =	sadd.s32 $0x8F2B, s0  }
0xbe: {  	[sflag:s0] =	ssyncadd.remote.s32 $0x1  }
0xbf: {  	_ =	sfence.sel $0xFFFF  }
0xc0: {  	[dreg:$0x0] =	wrdreg $0xFFFFFFFF;
	(pc) =	sbr.abs _section_cstart, $3  }
0xc1: {  	[dreg:$0x1] =	wrdreg $0xFFFFFFFF  }
0xc2: {  	_ =	task.clear_ibuf [dreg:s7], $0x2FFFF;
	_ =	strace $0x9FFFFFFF  }
0xc3: {  	(tm) =	ssettm $0x7FFFFFFF  }
tec
execute0_lowered:
.L_overlay_start_1:
0x0: {  	(tag) =	ssettag $0x1  }
0x1: {  	s5 =	rddreg [dreg:$0x0]  }
0x2: {  	s7 =	rddreg [dreg:$0x1]  }
0x3: {  	s1 =	rddreg [dreg:$0x2]  }
0x4: {  	s0 =	rddreg [dreg:$0x3];
	s2 =	simm.s32 $0x0;
	s3 =	srdreg.scid  }
0x5: {  	s14 =	simm.s32 $0x0;
	[smem:$0x7FF] =	sst s2;
	s6 =	sand.u32 $0x1, s3  }
0x6: {  	s8 =	sadd.s32 $0x7A00, s5;
	s3 =	stileid.u32;
	s10 =	sadd.s32 $0x2A00, s5  }
0x7: {  	s4 =	sadd.s32 $0xCA00, s5;
	s13 =	sadd.s32 $0xD000, s5;
	_ =	strace $0x80000056  }
0x8: {  	s9 =	ssub.s32 $0x2, s6;
	s12 =	smul.u32 $0x2800, s3;
	p0 =	seq.s32 s6, $0x1  }
0x9: {  	s31 =	smul.u32 $0x4E2, s3;
	s11 =	sshrl.u32 s9, $0x1;
	s8 =	smov.u32 @p0 s10  }
0xa: {  	s7 =	smov.u32 @p0 s13;
	s10 =	simm.s32 $0x1;
	s13 =	simm.s32 $0x2850  }
0xb: {  	s9 =	ssub.s32 s9, s11;
	s5 =	sadd.s32 s12, s1;
	s12 =	sshrl.u32 s12, $0x3  }
0xc: {  	s8 =	sadd.s32 s31, s8;
	s11 =	simm.s32 $0x2800;
	s6 =	smax.u32 s9, $0x1  }
0xd: {  	v0 =	vimm.f32 $1.000000000e+00;
	s7 =	sadd.s32 s7, s12;
	s9 =	simm.s32 $0x2D50;
	s12 =	simm.s32 $0x50  }
.LBB2_1:
0xe: {  	[tilespmem:$0x2850] =	vst v0  }
0xf: {  	[tilespmem:$0x2860] =	vst v0  }
0x10: {  	[tilespmem:$0x2870] =	vst v0  }
0x11: {  	[tilespmem:$0x2880] =	vst v0  }
0x12: {  	[tilespmem:$0x2890] =	vst v0  }
0x13: {  	[tilespmem:$0x28A0] =	vst v0  }
0x14: {  	[tilespmem:$0x28B0] =	vst v0  }
0x15: {  	[tilespmem:$0x28C0] =	vst v0  }
0x16: {  	[tilespmem:$0x28D0] =	vst v0  }
0x17: {  	[tilespmem:$0x28E0] =	vst v0  }
0x18: {  	[tilespmem:$0x28F0] =	vst v0  }
0x19: {  	[tilespmem:$0x2900] =	vst v0  }
0x1a: {  	[tilespmem:$0x2910] =	vst v0  }
0x1b: {  	[tilespmem:$0x2920] =	vst v0  }
0x1c: {  	[tilespmem:$0x2930] =	vst v0  }
0x1d: {  	[tilespmem:$0x2940] =	vst v0  }
0x1e: {  	[tilespmem:$0x2950] =	vst v0  }
0x1f: {  	[tilespmem:$0x2960] =	vst v0  }
0x20: {  	[tilespmem:$0x2970] =	vst v0  }
0x21: {  	[tilespmem:$0x2980] =	vst v0  }
0x22: {  	[tilespmem:$0x2990] =	vst v0  }
0x23: {  	[tilespmem:$0x29A0] =	vst v0  }
0x24: {  	[tilespmem:$0x29B0] =	vst v0  }
0x25: {  	[tilespmem:$0x29C0] =	vst v0  }
0x26: {  	[tilespmem:$0x29D0] =	vst v0  }
0x27: {  	[tilespmem:$0x29E0] =	vst v0  }
0x28: {  	[tilespmem:$0x29F0] =	vst v0  }
0x29: {  	[tilespmem:$0x2A00] =	vst v0  }
0x2a: {  	[tilespmem:$0x2A10] =	vst v0  }
0x2b: {  	[tilespmem:$0x2A20] =	vst v0  }
0x2c: {  	[tilespmem:$0x2A30] =	vst v0  }
0x2d: {  	[tilespmem:$0x2A40] =	vst v0  }
0x2e: {  	[tilespmem:$0x2A50] =	vst v0  }
0x2f: {  	[tilespmem:$0x2A60] =	vst v0  }
0x30: {  	[tilespmem:$0x2A70] =	vst v0  }
0x31: {  	[tilespmem:$0x2A80] =	vst v0  }
0x32: {  	[tilespmem:$0x2A90] =	vst v0  }
0x33: {  	[tilespmem:$0x2AA0] =	vst v0  }
0x34: {  	[tilespmem:$0x2AB0] =	vst v0  }
0x35: {  	[tilespmem:$0x2AC0] =	vst v0  }
0x36: {  	[tilespmem:$0x2AD0] =	vst v0  }
0x37: {  	[tilespmem:$0x2AE0] =	vst v0  }
0x38: {  	[tilespmem:$0x2AF0] =	vst v0  }
0x39: {  	[tilespmem:$0x2B00] =	vst v0  }
0x3a: {  	[tilespmem:$0x2B10] =	vst v0  }
0x3b: {  	[tilespmem:$0x2B20] =	vst v0  }
0x3c: {  	[tilespmem:$0x2B30] =	vst v0  }
0x3d: {  	[tilespmem:$0x2B40] =	vst v0  }
0x3e: {  	[tilespmem:$0x2B50] =	vst v0  }
0x3f: {  	[tilespmem:$0x2B60] =	vst v0  }
0x40: {  	[tilespmem:$0x2B70] =	vst v0  }
0x41: {  	[tilespmem:$0x2B80] =	vst v0  }
0x42: {  	[tilespmem:$0x2B90] =	vst v0  }
0x43: {  	[tilespmem:$0x2BA0] =	vst v0  }
0x44: {  	[tilespmem:$0x2BB0] =	vst v0  }
0x45: {  	[tilespmem:$0x2BC0] =	vst v0  }
0x46: {  	[tilespmem:$0x2BD0] =	vst v0  }
0x47: {  	[tilespmem:$0x2BE0] =	vst v0  }
0x48: {  	[tilespmem:$0x2BF0] =	vst v0  }
0x49: {  	[tilespmem:$0x2C00] =	vst v0  }
0x4a: {  	[tilespmem:$0x2C10] =	vst v0  }
0x4b: {  	[tilespmem:$0x2C20] =	vst v0  }
0x4c: {  	[tilespmem:$0x2C30] =	vst v0  }
0x4d: {  	[tilespmem:$0x2C40] =	vst v0  }
0x4e: {  	[tilespmem:$0x2C50] =	vst v0  }
0x4f: {  	[tilespmem:$0x2C60] =	vst v0  }
0x50: {  	[tilespmem:$0x2C70] =	vst v0  }
0x51: {  	[tilespmem:$0x2C80] =	vst v0  }
0x52: {  	[tilespmem:$0x2C90] =	vst v0  }
0x53: {  	[tilespmem:$0x2CA0] =	vst v0  }
0x54: {  	[tilespmem:$0x2CB0] =	vst v0  }
0x55: {  	[tilespmem:$0x2CC0] =	vst v0  }
0x56: {  	[tilespmem:$0x2CD0] =	vst v0  }
0x57: {  	[tilespmem:$0x2CE0] =	vst v0  }
0x58: {  	[tilespmem:$0x2CF0] =	vst v0  }
0x59: {  	[tilespmem:$0x2D00] =	vst v0  }
0x5a: {  	[tilespmem:$0x2D10] =	vst v0  }
0x5b: {  	[tilespmem:$0x2D20] =	vst v0  }
0x5c: {  	[tilespmem:$0x2D30] =	vst v0  }
0x5d: {  	[tilespmem:$0x2D40] =	vst v0  }
0x5e: {  	[tilespmem:s9], [sflag:$0x1] =	stream.linear.gather [hbm4b:s4+s2], $0x2800, $0x38;
	[tilespmem:$0x5550] =	vst v63  }
0x5f: {  	_ =	swait.ge [sflag:s10], $0x2800  }
0x60: {  	[sflag:s10] =	ssyncset.done $0x0  }
0x61: {  	[sflag:s10] =	ssyncadd.s32 $0xFFFFD800  }
0x62: {  	[spmem:s5] =	stream.linear.scatter [tilespmem:s9], [sflag:$0x1], $0x2800, $0x38;
	[tilespmem:$0x5550] =	vst v63  }
0x63: {  	_ =	swait.ge [sflag:s10], $0x2800  }
0x64: {  	[sflag:s10] =	ssyncset.done $0x0  }
0x65: {  	[sflag:s10] =	ssyncadd.s32 $0xFFFFD800  }
0x66: {  	s15 =	sadd.s32 $0x0, s8;
	[bflag:$0x0] =	sbarrier.arrive $0xFFFF  }
0x67: {  	[tilespmem:s11], [sflag:$0x1] =	stream.linear.gather [hbm4b:s15+s2], $0x50, $0x38;
	[tilespmem:$0x5550] =	vst v63  }
0x68: {  	_ =	swait.ge [sflag:s10], $0x50  }
0x69: {  	[sflag:s10] =	ssyncset.done $0x0  }
0x6a: {  	[sflag:s10] =	ssyncadd.s32 $0xFFFFFFB0  }
0x6b: {  	[spmem:s1] =	stream.indirect.scatter.add.f32 [tilespmem:s13], [sflag:$0x1], $0x10, s11, s12, $0xb8;
	[tilespmem:$0x5550] =	vst v63  }
0x6c: {  	_ =	swait.ge [sflag:s10], $0x500  }
0x6d: {  	s16 =	simm.s32 $0x14;
	s15 =	simm.s32 $0xA;
	[sflag:s10] =	ssyncset.done $0x0  }
.LBB2_2:
0x6e: {  	s17 =	sadd.s32 s15, s8  }
0x6f: {  	[sflag:s10] =	ssyncadd.s32 $0xFFFFFB00;
	s15 =	smov.u32 s16;
	s18 =	sadd.s32 $0xA, s16  }
0x70: {  	[tilespmem:s11], [sflag:$0x1] =	stream.linear.gather [hbm4b:s17+s2], $0x50, $0x38;
	[tilespmem:$0x5550] =	vst v63  }
0x71: {  	p0 =	sne.s32 s16, $0x4D8;
	_ =	swait.ge [sflag:s10], $0x50  }
.Ltmp0:
0x72: {  	[sflag:s10] =	ssyncset.done $0x0;
	(pc) =	sbr.rel @p0 .LBB2_2-.Ltmp0, $4  }
0x73: {  	[sflag:s10] =	ssyncadd.s32 $0xFFFFFFB0  }
0x74: {  	[spmem:s1] =	stream.indirect.scatter.add.f32 [tilespmem:s13], [sflag:$0x1], $0x10, s11, s12, $0xb8;
	[tilespmem:$0x5550] =	vst v63  }
0x75: {  	_ =	swait.ge [sflag:s10], $0x500  }
0x76: {  	s16 =	smov.u32 s18;
	[sflag:s10] =	ssyncset.done $0x0  }
0x77: {  	s15 =	sadd.s32 s15, s8;
	[sflag:s10] =	ssyncadd.s32 $0xFFFFFB00  }
0x78: {  	[tilespmem:s11], [sflag:$0x1] =	stream.linear.gather [hbm4b:s15+s2], $0x50, $0x38;
	[tilespmem:$0x5550] =	vst v63  }
0x79: {  	_ =	swait.ge [sflag:s10], $0x50  }
0x7a: {  	[sflag:s10] =	ssyncset.done $0x0  }
0x7b: {  	[sflag:s10] =	ssyncadd.s32 $0xFFFFFFB0  }
0x7c: {  	[spmem:s1] =	stream.indirect.scatter.add.f32 [tilespmem:s13], [sflag:$0x1], $0x10, s11, s12, $0xb8;
	[tilespmem:$0x5550] =	vst v63  }
0x7d: {  	_ =	swait.ge [sflag:s10], $0x500  }
0x7e: {  	[sflag:s10] =	ssyncset.done $0x0  }
0x7f: {  	[sflag:s10] =	ssyncadd.s32 $0xFFFFFB00  }
0x80: {  	[bflag:$0x0] =	sbarrier.arrive $0xFFFF  }
0x81: {  	[tilespmem:s9], [sflag:$0x1] =	stream.linear.gather [spmem:s5], $0x2800, $0x38;
	[tilespmem:$0x5550] =	vst v63  }
0x82: {  	s14 =	sadd.s32 $0x1, s14;
	_ =	swait.ge [sflag:s10], $0x2800  }
0x83: {  	p0 =	sne.s32 s14, s6;
	[sflag:s10] =	ssyncset.done $0x0  }
.Ltmp1:
0x84: {  	[sflag:s10] =	ssyncadd.s32 $0xFFFFD800;
	(pc) =	sbr.rel @p0 .LBB2_1-.Ltmp1, $4  }
0x85: {  	[hbm4b:s7+s2] =	stream.linear.scatter [tilespmem:s9], [sflag:$0x1], $0x2800, $0x38;
	[tilespmem:$0x5550] =	vst v63  }
0x86: {  	_ =	swait.ge [sflag:s10], $0x2800  }
0x87: {  	[sflag:s10] =	ssyncset.done $0x0  }
0x88: {  	[sflag:s10] =	ssyncadd.s32 $0xFFFFD800  }
0x89: {  	_ =	sfence.sel $0x180000  }
0x8a: {  	[bflag:$0x0] =	sbarrier.arrive $0xFFFF  }
0x8b: {  	p0 =	sne.s32 s3, $0x0;
	_ =	strace $0x90000056  }
0x8c: {  	s0 =	sadd.s32 @!p0 $0x100000, s0;
	[bflag:$0x2] =	sbarrier.arrive $0xFFFF  }
0x8d: {  	[sflag:s0] =	ssyncadd.tile.s32 @!p0 $0x1;
	_ =	shalt  }
.Lfunc_end2:
_tile_overlayer_lowered:
.L_overlay_start_2:
0x8e: {  	(tag) =	ssettag $0x2  }
0x8f: {  	s0 =	rddreg [dreg:$0x0];
	s2 =	stileid.u32  }
0x90: {  	s1 =	rddreg [dreg:$0x1];
	p0 =	sne.s32 s2, $0x0  }
0x91: {  	s3 =	rddreg [dreg:$0x2];
	[bflag:$0x3] =	sbarrier.arrive $0xFFFF;
	s2 =	simm.s32 @!p0 $0x1C01  }
0x92: {  	[timem:s3], [sflag:s2] =	dma.local @!p0 [hbm:s0], s1  }
0x93: {  	s0 =	simm.s32 @!p0 $0x1  }
0x94: {  	_ =	swait.ge @!p0 [sflag:s0], s1  }
0x95: {  	s1 =	ssub.s32 @!p0 $0x0, s1;
	[sflag:s0] =	ssyncset.done @!p0 $0x0  }
0x96: {  	[sflag:s0] =	ssyncadd.s32 @!p0 s1  }
0x97: {  	[bflag:$0x3] =	sbarrier.arrive $0xFFFF  }
0x98: {  	_ =	shalt  }

// kernel: kernel.8.cloned.1.call-start
scs
__scs_entry_jumppad:
0x0: {  	(pc) =	sbr.rel $0x88, $3  }
0x1: {  	(tag) =	ssettag $0x0;
	lr =	simm.s32 $0x1  }
0x2: {  	[smem:$0x3F96] =	sst lr;
	_ =	strace $0xD0000000  }
0x3: {  	_ = 	snop  }
0x4: {  	_ = 	snop  }
0x5: {  	_ = 	snop  }
0x6: {  	_ = 	snop  }
0x7: {  	_ = 	snop  }
__scs_overlays_trampoline_lowered:
0x8: {  	[smem:$0x3FA5] =	sst s0  }
0x9: {  	[smem:$0x3FA6] =	sst s1  }
0xa: {  	[smem:$0x3FA7] =	sst s2  }
0xb: {  	[smem:$0x3FA8] =	sst s3  }
0xc: {  	[smem:$0x3FA9] =	sst s4  }
0xd: {  	[smem:$0x3FAA] =	sst s5  }
0xe: {  	[smem:$0x3FAB] =	sst s6  }
0xf: {  	[smem:$0x3FAC] =	sst s7  }
0x10: {  	[smem:$0x3FAD] =	sst s8  }
0x11: {  	[smem:$0x3FAE] =	sst s9;
	s0 =	simm.s32 @!p0 $0x0  }
0x12: {  	s1 =	sld [smem:$0x3F94];
	s0 =	simm.s32 @p0 $0x1  }
0x13: {  	[smem:$0x3FAF] =	sst s0;
	s0 =	simm.s32 @!p1 $0x0  }
0x14: {  	s2 =	sld [smem:$0x3F93];
	s0 =	simm.s32 @p1 $0x1  }
0x15: {  	[smem:$0x3FB0] =	sst s0;
	s0 =	simm.s32 @!p2 $0x0  }
0x16: {  	s3 =	sld [smem:$0x3FDB];
	s0 =	simm.s32 @p2 $0x1  }
0x17: {  	s4 =	simm.s32 $0x1BF5;
	[smem:$0x3FB2] =	sst s0  }
0x18: {  	s0 =	sld [smem:$0x3F95];
	_ =	swait.ge [sflag:s4], $0x0  }
0x19: {  	s7 =	sld [smem:$0x3F96]  }
0x1a: {  	s8 =	sadd.s32 $0xFFFFE003, lr  }
0x1b: {  	s9 =	sadd.s32 $0xFFFFFEF7, lr;
	s5 =	simm.s32 $0xFFFFFFFF;
	p2 =	slt.u32 s8, $0xFFFFF086  }
0x1c: {  	p1 =	slt.u32 s9, $0xF7A;
	s5 =	simm.s32 @!p2 $0x0  }
0x1d: {  	s5 =	simm.s32 @p1 $0x1;
	p0 =	seq.s32 s7, s2  }
0x1e: {  	s7 =	smul.u32 @!p0 $0xF7A, s2;
	p2 =	seq.s32 @!p0 s5, $0x0  }
0x1f: {  	s9 =	smul.u32 $0xF7A, s1;
	s8 =	simm.s32 @!p0 $0x1BF5;
	p2 =	por !p2, p0  }
0x20: {  	[sflag:s8] =	ssyncset.s32 @!p0 $0xFFFFF086;
	s6 =	sadd.s32 @!p0 s3, s7;
	s7 =	simm.s32 @!p0 $0x108  }
0x21: {  	s3 =	sadd.s32 s3, s9;
	s6 =	sadd.s32 @!p0 $0x88, s6;
	s7 =	simm.s32 @p2 $0x1082  }
0x22: {  	[simem:s7], [sflag:s8] =	dma.local @!p0 [hbm:s6], $0xF7A  }
0x23: {  	s9 =	sor.u32 $0xD0000000, s2;
	s6 =	simm.s32 $0x108;
	_ =	swait.ge @!p0 [sflag:s8], $0x0  }
0x24: {  	s3 =	sadd.s32 $0x88, s3;
	s6 =	simm.s32 @!p1 $0x1082;
	[sflag:s4] =	ssyncset.s32 $0xFFFFF086  }
0x25: {  	[simem:s6], [sflag:s4] =	dma.local [hbm:s3], $0xF7A  }
0x26: {  	[smem:$0x3F96] =	sst s1;
	(tag) =	ssettag s2;
	_ =	strace s9  }
0x27: {  	s1 =	sld [smem:$0x3FA6]  }
0x28: {  	s2 =	sld [smem:$0x3FA7]  }
0x29: {  	s4 =	sld [smem:$0x3FA9]  }
0x2a: {  	p0 =	seq.s32 s5, $0x0;
	s5 =	sld [smem:$0x3FAA]  }
0x2b: {  	s6 =	sld [smem:$0x3FAB]  }
0x2c: {  	s7 =	sld [smem:$0x3FAC]  }
0x2d: {  	s3 =	simm.s32 $0x108;
	s8 =	sld [smem:$0x3FAD]  }
0x2e: {  	s3 =	simm.s32 @!p0 $0x1082;
	s9 =	sld [smem:$0x3FAE]  }
0x2f: {  	lr =	sadd.s32 s0, s3;
	s0 =	sld [smem:$0x3FA5]  }
0x30: {  	s3 =	sld [smem:$0x3FA8]  }
0x31: {  	[smem:$0x3FB1] =	sst s10  }
0x32: {  	s10 =	sld [smem:$0x3FAF];
	_ =	sdelay $0x3  }
0x33: {  	p0 =	seq.s32 s10, $0x1;
	s10 =	sld [smem:$0x3FB1];
	_ =	sdelay $0x3  }
0x34: {  	[smem:$0x3FB1] =	sst s10  }
0x35: {  	s10 =	sld [smem:$0x3FB0];
	_ =	sdelay $0x3  }
0x36: {  	p1 =	seq.s32 s10, $0x1;
	s10 =	sld [smem:$0x3FB1];
	_ =	sdelay $0x3  }
0x37: {  	[smem:$0x3FB1] =	sst s10  }
0x38: {  	s10 =	sld [smem:$0x3FB2]  }
0x39: {  	_ = 	snop;
	(pc) =	sbr.ind lr, $3  }
0x3a: {  	_ = 	snop  }
0x3b: {  	_ = 	snop  }
0x3c: {  	p2 =	seq.s32 s10, $0x1;
	s10 =	sld [smem:$0x3FB1]  }
0x3d: {  	_ =	shalt  }
0x3e: {  	_ =	shalt  }
0x3f: {  	_ =	shalt  }
0x40: {  	_ =	shalt  }
0x41: {  	_ =	shalt  }
0x42: {  	_ =	shalt  }
0x43: {  	_ =	shalt  }
0x44: {  	_ =	shalt  }
0x45: {  	_ =	shalt  }
0x46: {  	_ =	shalt  }
0x47: {  	_ =	shalt  }
0x48: {  	_ =	shalt  }
0x49: {  	_ =	shalt  }
0x4a: {  	_ =	shalt  }
0x4b: {  	_ =	shalt  }
0x4c: {  	_ =	shalt  }
0x4d: {  	_ =	shalt  }
0x4e: {  	_ =	shalt  }
0x4f: {  	_ =	shalt  }
0x50: {  	_ =	shalt  }
0x51: {  	_ =	shalt  }
0x52: {  	_ =	shalt  }
0x53: {  	_ =	shalt  }
0x54: {  	_ =	shalt  }
0x55: {  	_ =	shalt  }
0x56: {  	_ =	shalt  }
0x57: {  	_ =	shalt  }
0x58: {  	_ =	shalt  }
0x59: {  	_ =	shalt  }
0x5a: {  	_ =	shalt  }
0x5b: {  	_ =	shalt  }
0x5c: {  	_ =	shalt  }
0x5d: {  	_ =	shalt  }
0x5e: {  	_ =	shalt  }
0x5f: {  	_ =	shalt  }
0x60: {  	_ =	shalt  }
0x61: {  	_ =	shalt  }
0x62: {  	_ =	shalt  }
0x63: {  	_ =	shalt  }
0x64: {  	_ =	shalt  }
0x65: {  	_ =	shalt  }
0x66: {  	_ =	shalt  }
0x67: {  	_ =	shalt  }
0x68: {  	_ =	shalt  }
0x69: {  	_ =	shalt  }
0x6a: {  	_ =	shalt  }
0x6b: {  	_ =	shalt  }
0x6c: {  	_ =	shalt  }
0x6d: {  	_ =	shalt  }
0x6e: {  	_ =	shalt  }
0x6f: {  	_ =	shalt  }
0x70: {  	_ =	shalt  }
0x71: {  	_ =	shalt  }
0x72: {  	_ =	shalt  }
0x73: {  	_ =	shalt  }
0x74: {  	_ =	shalt  }
0x75: {  	_ =	shalt  }
0x76: {  	_ =	shalt  }
0x77: {  	_ =	shalt  }
0x78: {  	_ =	shalt  }
0x79: {  	_ =	shalt  }
0x7a: {  	_ =	shalt  }
0x7b: {  	_ =	shalt  }
0x7c: {  	_ =	shalt  }
0x7d: {  	_ =	shalt  }
0x7e: {  	_ =	shalt  }
0x7f: {  	_ =	shalt  }
0x80: {  	_ =	shalt  }
0x81: {  	_ =	shalt  }
0x82: {  	_ =	shalt  }
0x83: {  	_ =	shalt  }
0x84: {  	_ =	shalt  }
0x85: {  	_ =	shalt  }
0x86: {  	_ =	shalt  }
0x87: {  	_ =	shalt  }
.Lfunc_end0:
.L_simem_size_0:
called_computation.6_lowered:
.L_overlay_start_0:
0x88: {  	s2 =	sld [smem:$0x3FD9]  }
0x89: {  	s3 =	sld [smem:$0x3FFE];
	_ =	sdelay $0x1  }
0x8a: {  	s1 =	srdreg.scid  }
0x8b: {  	s0 =	sand.u32 $0x1, s1  }
0x8c: {  	s17 =	sshll.u32 s0, $0xA;
	s2 =	sadd.s32 s3, s2  }
0x8d: {  	s2 =	sadd.s32 s2, s17  }
0x8e: {  	[smem:$0x3FBD] =	sst s2  }
0x8f: {  	_ = 	snop  }
0x90: {  	s18 =	sld [smem:$0x3FC8]  }
0x91: {  	s4 =	sld [smem:$0x3FC7];
	(tm) =	ssettm $0x1  }
0x92: {  	s19 =	sld [smem:$0x3FFB];
	_ =	sdelay $0x3  }
0x93: {  	_ =	strace s19  }
0x94: {  	s2 =	sld [smem:$0x3FFC];
	_ =	sdelay $0x3  }
0x95: {  	_ =	strace s2  }
0x96: {  	s2 =	sld [smem:$0x3FFD];
	_ =	sdelay $0x3  }
0x97: {  	_ =	strace s2  }
0x98: {  	_ =	strace $0x8FFFFFFF  }
0x99: {  	s20 =	sld [smem:$0x3FDB];
	_ =	sdelay $0x1  }
0x9a: {  	s5 =	simm.s32 $_scs_section_size  }
0x9b: {  	s6 =	simm.s32 $_size__tile_overlayer_lowered;
	s7 =	simm.s32 $_tile_overlayer_lowered  }
0x9c: {  	s8 =	simm.s32 $0x1BFF;
	s21 =	sshll.u32 s7, $0x1;
	s5 =	sadd.s32 s5, s20  }
0x9d: {  	s22 =	simm.s32 $0x0;
	s6 =	sshll.u32 s6, $0x1;
	s7 =	sadd.s32 s21, s5  }
0x9e: {  	[timem:s22], [sflag:s8] =	dma.local [hbm:s7], s6  }
0x9f: {  	_ =	swait.ge [sflag:s8], s6  }
0xa0: {  	s6 =	ssub.s32 $0x0, s6;
	[sflag:s8] =	ssyncset.done $0x0  }
0xa1: {  	[sflag:s8] =	ssyncadd.s32 s6;
	_ =	sdelay $0x1  }
0xa2: {  	s23 =	simm.s32 $0x1B8B  }
0xa3: {  	_ =	swait.ge [sflag:s23], $0x1  }
0xa4: {  	[sflag:s23] =	ssyncset.done $0x0  }
0xa5: {  	[sflag:s23] =	ssyncadd.s32 $0xFFFFFFFF  }
0xa6: {  	s6 =	sld [smem:$0x0]  }
0xa7: {  	s7 =	sand.u32 $0xFFFFFFFE, s1  }
0xa8: {  	p0 =	sne.s32 s1, s7  }
0xa9: {  	s7 =	sshll.u32 @p0 s7, $0xE  }
0xaa: {  	s7 =	sadd.s32 @p0 $0x11B8D, s7;
	s8 =	sshll.u32 @p0 s6, $0x11  }
0xab: {  	s7 =	sor.u32 @p0 s8, s7  }
0xac: {  	[sflag:s7] =	ssyncadd.remote.s32 @p0 $0x1;
	_ =	sdelay $0x1  }
0xad: {  	s7 =	simm.s32 @p0 $0x1B8D  }
0xae: {  	_ =	swait.eq @p0 [sflag:s7], $0x1  }
0xaf: {  	[sflag:s7] =	ssyncadd.s32 @p0 $0xFFFFFFFF  }
0xb0: {  	s8 =	sshll.u32 @!p0 s1, $0xE  }
0xb1: {  	s8 =	sor.u32 @!p0 $0x4000, s8;
	s7 =	simm.s32 @!p0 $0x1B8D  }
0xb2: {  	s6 =	sshll.u32 @!p0 s6, $0x11;
	s8 =	sadd.s32 @!p0 $0x11B8D, s8;
	_ =	swait.eq @!p0 [sflag:s7], $0x1  }
0xb3: {  	s6 =	sor.u32 @!p0 s6, s8;
	[sflag:s7] =	ssyncadd.s32 @!p0 $0xFFFFFFFF  }
0xb4: {  	s25 =	simm.s32 $0x1B8E;
	s24 =	sld [smem:$0x3FFE];
	[sflag:s6] =	ssyncadd.remote.s32 @!p0 $0x1  }
0xb5: {  	s26 =	simm.s32 $execute0_lowered;
	[smem:$0x3FD2] =	sst s25  }
0xb6: {  	s7 =	sshll.u32 s26, $0x1;
	_ =	strace $0x80000058;
	[dreg:$0x1] =	wrdreg $0xFFFFFFFF  }
0xb7: {  	s28 =	simm.s32 $_size_execute0_lowered;
	s5 =	sadd.s32 s5, s7;
	[dreg:$0x0] =	wrdreg $0x0  }
0xb8: {  	s7 =	sshll.u32 s28, $0x1;
	[dreg:$0x2] =	wrdreg s5  }
0xb9: {  	[dreg:$0x3] =	wrdreg s7  }
0xba: {  	[dreg:$0x4] =	wrdreg $0xC0  }
0xbb: {  	_ =	task [dreg:s22], $0x5FFFF  }
0xbc: {  	[dreg:$0x1] =	wrdreg $0xFFFFFFFF  }
0xbd: {  	[dreg:$0x0] =	wrdreg $0x60  }
0xbe: {  	[dreg:$0x2] =	wrdreg s18  }
0xbf: {  	[dreg:$0x3] =	wrdreg s4  }
0xc0: {  	[dreg:$0x4] =	wrdreg s24  }
0xc1: {  	[dreg:$0x5] =	wrdreg $0x0  }
0xc2: {  	[dreg:$0x6] =	wrdreg $0xA  }
0xc3: {  	_ =	task.clear_ibuf [dreg:s22], $0x7FFFF;
	_ =	strace $0x90000058  }
0xc4: {  	s29 =	simm.s32 $0xA;
	_ =	strace $0x8000005A  }
0xc5: {  	_ =	swait.ge [sflag:s29], $0x1  }
0xc6: {  	[sflag:s29] =	ssyncadd.s32 $0xFFFFFFFF  }
0xc7: {  	_ =	strace $0x9000005A  }
0xc8: {  	_ =	sfence  }
0xc9: {  	s30 =	sld [smem:$0x0];
	_ =	sdelay $0x2  }
0xca: {  	s31 =	sshll.u32 s1, $0xD;
	s1 =	sshrl.u32 s1, $0x2  }
0xcb: {  	s4 =	sand.u32 $0x4000, s31;
	s1 =	sadd.s32 s1, s30  }
0xcc: {  	s0 =	sor.u32 s4, s0;
	s1 =	sshll.u32 s1, $0x11  }
0xcd: {  	s0 =	sor.u32 s1, s0  }
0xce: {  	s0 =	sadd.s32 $0x8F2B, s0  }
0xcf: {  	[sflag:s0] =	ssyncadd.remote.s32 $0x1  }
0xd0: {  	_ =	sfence.sel $0xFFFF  }
0xd1: {  	[dreg:$0x0] =	wrdreg $0xFFFFFFFF;
	(pc) =	sbr.abs _section_cstart, $3  }
0xd2: {  	[dreg:$0x1] =	wrdreg $0xFFFFFFFF  }
0xd3: {  	_ =	task.clear_ibuf [dreg:s22], $0x2FFFF;
	_ =	strace $0x9FFFFFFF  }
0xd4: {  	(tm) =	ssettm $0x7FFFFFFF  }
0xd5: {  	_ =	shalt  }
tec
execute0_lowered:
.L_overlay_start_1:
0x0: {  	(tag) =	ssettag $0x1  }
0x1: {  	s11 =	rddreg [dreg:$0x0]  }
0x2: {  	s10 =	rddreg [dreg:$0x1]  }
0x3: {  	s8 =	rddreg [dreg:$0x2]  }
0x4: {  	s1 =	rddreg [dreg:$0x3]  }
0x5: {  	s0 =	rddreg [dreg:$0x4]  }
0x6: {  	s12 =	stileid.u32;
	s3 =	srdreg.scid;
	s2 =	simm.s32 $0x0  }
0x7: {  	s15 =	simm.s32 $0x12000;
	s16 =	simm.s32 $0xA090;
	s17 =	simm.s32 $0xA130  }
0x8: {  	s18 =	simm.s32 $0x50;
	s19 =	simm.s32 $0xA0E0;
	s20 =	simm.s32 $0xA1D0  }
0x9: {  	s21 =	simm.s32 $0x1;
	s22 =	simm.s32 $0xA180;
	s13 =	smul.u32 $0x4E2, s12  }
0xa: {  	s5 =	sand.u32 $0x1, s3;
	s4 =	smul.u32 $0xA000, s12;
	[smem:$0x7FF] =	sst s2  }
0xb: {  	s23 =	simm.s32 $0x0;
	s3 =	smul.u32 $0x140000, s5;
	_ =	strace $0x80000059  }
0xc: {  	s7 =	ssub.s32 $0x2, s5;
	p0 =	seq.s32 s5, $0x1;
	s9 =	sadd.s32 s13, s8  }
0xd: {  	s14 =	sshrl.u32 s7, $0x1;
	s15 =	simm.s32 @!p0 $0x16000;
	s10 =	sadd.s32 s13, s10  }
0xe: {  	s11 =	sadd.s32 s13, s11;
	p0 =	sne.s32 s12, $0x0;
	s12 =	simm.s32 $0xC9D0  }
0xf: {  	s13 =	simm.s32 $0x2;
	s6 =	sadd.s32 s4, s3;
	s3 =	sadd.s32 $0x1A000, s8  }
0x10: {  	s7 =	ssub.s32 s7, s14;
	s4 =	sadd.s32 s4, s1;
	s14 =	sadd.s32 $0xA0000, s1  }
0x11: {  	s9 =	sadd.s32 $0x7A00, s9;
	s6 =	sshrl.u32 s6, $0x3;
	s7 =	smax.u32 s7, $0x1  }
0x12: {  	s14 =	sshrl.u32 @!p0 s14, $0x3;
	s6 =	sadd.s32 s6, s8;
	s8 =	sadd.s32 s15, s8  }
0x13: {  	s15 =	simm.s32 $0xA040;
	s5 =	sadd.s32 $0x1B400, s6;
	s6 =	sadd.s32 $0x2F400, s6  }
.LBB2_1:
0x14: {  	[tilespmem:s12], [sflag:$0x2] =	stream.linear.gather [hbm4b:s3+s2], $0xA000, $0x38;
	[tilespmem:$0x169D0] =	vst v63  }
0x15: {  	_ =	swait.ge [sflag:s13], $0xA000  }
0x16: {  	[sflag:s13] =	ssyncset.done $0x0  }
0x17: {  	[sflag:s13] =	ssyncadd.s32 $0xFFFF6000  }
0x18: {  	[spmem:s4] =	stream.linear.scatter [tilespmem:s12], [sflag:$0x2], $0xA000, $0x38;
	[tilespmem:$0x169D0] =	vst v63  }
0x19: {  	_ =	swait.ge [sflag:s13], $0xA000  }
0x1a: {  	[sflag:s13] =	ssyncset.done $0x0  }
0x1b: {  	s24 =	simm.s32 @!p0 $0x1C02;
	[sflag:s13] =	ssyncadd.s32 $0xFFFF6000  }
0x1c: {  	[spmem:s14], [sflag:s24] =	dma.local @!p0 [hbm:s3], $0x80  }
0x1d: {  	s24 =	simm.s32 @!p0 $0x2  }
0x1e: {  	_ =	swait.ge @!p0 [sflag:s24], $0x80  }
0x1f: {  	[sflag:s24] =	ssyncset.done @!p0 $0x0  }
0x20: {  	[sflag:s24] =	ssyncadd.s32 @!p0 $0xFFFFFF80  }
0x21: {  	s29 =	sadd.s32 $0x0, s11;
	[bflag:$0x0] =	sbarrier.arrive $0xFFFF  }
0x22: {  	[tilespmem:s15], [sflag:$0x2] =	stream.linear.gather [hbm4b:s29+s2], $0x50, $0x38;
	[tilespmem:$0x169D0] =	vst v63  }
0x23: {  	_ =	swait.ge [sflag:s13], $0x50  }
0x24: {  	[sflag:s13] =	ssyncset.done $0x0  }
0x25: {  	s30 =	sadd.s32 $0x0, s10;
	[sflag:s13] =	ssyncadd.s32 $0xFFFFFFB0  }
0x26: {  	[tilespmem:s16], [sflag:$0x2] =	stream.linear.gather [hbm4b:s30+s2], $0x50, $0x38;
	[tilespmem:$0x169D0] =	vst v63  }
0x27: {  	_ =	swait.ge [sflag:s13], $0x50  }
0x28: {  	[sflag:s13] =	ssyncset.done $0x0  }
0x29: {  	s31 =	sadd.s32 $0x0, s9;
	[sflag:s13] =	ssyncadd.s32 $0xFFFFFFB0  }
0x2a: {  	[tilespmem:s17], [sflag:$0x2] =	stream.linear.gather [hbm4b:s31+s2], $0x50, $0x38;
	[tilespmem:$0x169D0] =	vst v63  }
0x2b: {  	_ =	swait.ge [sflag:s13], $0x50  }
0x2c: {  	[sflag:s13] =	ssyncset.done $0x0  }
0x2d: {  	[sflag:s13] =	ssyncadd.s32 $0xFFFFFFB0  }
0x2e: {  	v1 =	vld [tilespmem:$0xA070]  }
0x2f: {  	v0 =	vld [tilespmem:$0xA060]  }
0x30: {  	s25 =	simm.s32 $0x14;
	s24 =	simm.s32 $0xA;
	v2 =	vld [tilespmem:$0xA0D0]  }
.LBB2_2:
0x31: {  	p1 =	sne.s32 s25, $0x4D8;
	v3 =	vld [tilespmem:$0xA130];
	s26 =	smov.u32 s25;
	s25 =	sadd.s32 $0xA, s25  }
0x32: {  	v4 =	vld [tilespmem:$0xA0C0]  }
0x33: {  	v5 =	vld [tilespmem:$0xA0B0]  }
0x34: {  	v6 =	vld [tilespmem:$0xA090]  }
0x35: {  	v7 =	vld [tilespmem:$0xA080]  }
0x36: {  	v8 =	vld [tilespmem:$0xA040]  }
0x37: {  	v3 =	vmin.u32 v3, $0x1400;
	v9 =	vld [tilespmem:$0xA0A0];
	v4 =	vmul.u32 $0x1F4, v4  }
0x38: {  	v2 =	vmul.u32 $0x1F4, v2;
	[tilespmem:$0xA180] =	vst v3;
	v3 =	vld [tilespmem:$0xA140];
	v5 =	vmul.u32 $0x1F4, v5  }
0x39: {  	v6 =	vmul.u32 $0x1F4, v6;
	v10 =	vld [tilespmem:$0xA050];
	v1 =	vadd.s32 v1, v4  }
0x3a: {  	v0 =	vadd.s32 v0, v5;
	v4 =	vld [tilespmem:$0xA150];
	[tilespmem:$0xA110] =	vst v1;
	v1 =	vadd.s32 v7, v2  }
0x3b: {  	v2 =	vadd.s32 v8, v6;
	v5 =	vld [tilespmem:$0xA160];
	[tilespmem:$0xA120] =	vst v1  }
0x3c: {  	[tilespmem:$0xA0E0] =	vst v2;
	v1 =	vmul.u32 $0x1F4, v9;
	v2 =	vld [tilespmem:$0xA170]  }
0x3d: {  	v3 =	vmin.u32 v3, $0x1400;
	[tilespmem:$0xA100] =	vst v0  }
0x3e: {  	v0 =	vadd.s32 v10, v1;
	[tilespmem:$0xA190] =	vst v3  }
0x3f: {  	[tilespmem:$0xA0F0] =	vst v0;
	v0 =	vmin.u32 v4, $0x1400  }
0x40: {  	[tilespmem:$0xA1A0] =	vst v0;
	v0 =	vmin.u32 v5, $0x1400  }
0x41: {  	[tilespmem:$0xA1B0] =	vst v0;
	v0 =	vmin.u32 v2, $0x1400  }
0x42: {  	[tilespmem:$0xA1C0] =	vst v0  }
0x43: {  	[tilespmem:s20], [sflag:$0x1] =	stream.indirect.gather [hbm4b:s8+s18], $0x80, s19, s18, $0xb8;
	[tilespmem:$0x169D0] =	vst v63  }
0x44: {  	_ =	swait.ge [sflag:s21], $0x2800  }
0x45: {  	[sflag:s21] =	ssyncset.done $0x0  }
0x46: {  	[sflag:s21] =	ssyncadd.s32 $0xFFFFD800  }
0x47: {  	[spmem:s1] =	stream.indirect.scatter.add.f32 [tilespmem:s20], [sflag:$0x2], $0x80, s22, s18, $0xb8;
	[tilespmem:$0x169D0] =	vst v63  }
0x48: {  	_ =	swait.ge [sflag:s13], $0x2800  }
0x49: {  	[sflag:s13] =	ssyncset.done $0x0  }
0x4a: {  	s28 =	sadd.s32 s24, s11;
	[sflag:s13] =	ssyncadd.s32 $0xFFFFD800  }
0x4b: {  	[tilespmem:s15], [sflag:$0x2] =	stream.linear.gather [hbm4b:s28+s2], $0x50, $0x38;
	[tilespmem:$0x169D0] =	vst v63  }
0x4c: {  	_ =	swait.ge [sflag:s13], $0x50  }
0x4d: {  	[sflag:s13] =	ssyncset.done $0x0  }
0x4e: {  	s28 =	sadd.s32 s24, s10;
	[sflag:s13] =	ssyncadd.s32 $0xFFFFFFB0  }
0x4f: {  	[tilespmem:s16], [sflag:$0x2] =	stream.linear.gather [hbm4b:s28+s2], $0x50, $0x38;
	[tilespmem:$0x169D0] =	vst v63  }
0x50: {  	_ =	swait.ge [sflag:s13], $0x50  }
0x51: {  	[sflag:s13] =	ssyncset.done $0x0  }
0x52: {  	s28 =	sadd.s32 s24, s9;
	s24 =	smov.u32 s26;
	[sflag:s13] =	ssyncadd.s32 $0xFFFFFFB0  }
0x53: {  	[tilespmem:s17], [sflag:$0x2] =	stream.linear.gather [hbm4b:s28+s2], $0x50, $0x38;
	[tilespmem:$0x169D0] =	vst v63  }
0x54: {  	_ =	swait.ge [sflag:s13], $0x50  }
.Ltmp0:
0x55: {  	[sflag:s13] =	ssyncset.done $0x0;
	(pc) =	sbr.rel @p1 .LBB2_2-.Ltmp0, $4  }
0x56: {  	[sflag:s13] =	ssyncadd.s32 $0xFFFFFFB0  }
0x57: {  	v1 =	vld [tilespmem:$0xA070]  }
0x58: {  	v0 =	vld [tilespmem:$0xA060]  }
0x59: {  	v2 =	vld [tilespmem:$0xA0D0]  }
0x5a: {  	v3 =	vld [tilespmem:$0xA130]  }
0x5b: {  	v4 =	vld [tilespmem:$0xA0C0]  }
0x5c: {  	v5 =	vld [tilespmem:$0xA0B0]  }
0x5d: {  	v6 =	vld [tilespmem:$0xA090]  }
0x5e: {  	v7 =	vld [tilespmem:$0xA080]  }
0x5f: {  	v8 =	vld [tilespmem:$0xA040]  }
0x60: {  	v9 =	vld [tilespmem:$0xA0A0];
	v4 =	vmul.u32 $0x1F4, v4  }
0x61: {  	v10 =	vld [tilespmem:$0xA140];
	v2 =	vmul.u32 $0x1F4, v2;
	v3 =	vmin.u32 v3, $0x1400  }
0x62: {  	v57 =	vld [tilespmem:$0xA050];
	[tilespmem:$0xA180] =	vst v3;
	v3 =	vmul.u32 $0x1F4, v6;
	v1 =	vadd.s32 v1, v4  }
0x63: {  	v4 =	vmul.u32 $0x1F4, v5;
	v5 =	vld [tilespmem:$0xA150];
	[tilespmem:$0xA110] =	vst v1;
	v1 =	vadd.s32 v7, v2  }
0x64: {  	v2 =	vadd.s32 v8, v3;
	v3 =	vld [tilespmem:$0xA160];
	[tilespmem:$0xA120] =	vst v1  }
0x65: {  	v0 =	vadd.s32 v0, v4;
	[tilespmem:$0xA0E0] =	vst v2;
	v1 =	vmul.u32 $0x1F4, v9;
	v2 =	vld [tilespmem:$0xA170]  }
0x66: {  	v4 =	vmin.u32 v10, $0x1400;
	[tilespmem:$0xA100] =	vst v0  }
0x67: {  	[tilespmem:$0xA190] =	vst v4;
	v0 =	vadd.s32 v57, v1  }
0x68: {  	[tilespmem:$0xA0F0] =	vst v0;
	v0 =	vmin.u32 v5, $0x1400  }
0x69: {  	[tilespmem:$0xA1A0] =	vst v0;
	v0 =	vmin.u32 v3, $0x1400  }
0x6a: {  	[tilespmem:$0xA1B0] =	vst v0;
	v0 =	vmin.u32 v2, $0x1400  }
0x6b: {  	[tilespmem:$0xA1C0] =	vst v0  }
0x6c: {  	[tilespmem:s20], [sflag:$0x1] =	stream.indirect.gather [hbm4b:s8+s18], $0x80, s19, s18, $0xb8;
	[tilespmem:$0x169D0] =	vst v63  }
0x6d: {  	_ =	swait.ge [sflag:s21], $0x2800  }
0x6e: {  	[sflag:s21] =	ssyncset.done $0x0  }
0x6f: {  	[sflag:s21] =	ssyncadd.s32 $0xFFFFD800  }
0x70: {  	[spmem:s1] =	stream.indirect.scatter.add.f32 [tilespmem:s20], [sflag:$0x2], $0x80, s22, s18, $0xb8;
	[tilespmem:$0x169D0] =	vst v63  }
0x71: {  	_ =	swait.ge [sflag:s13], $0x2800  }
0x72: {  	[sflag:s13] =	ssyncset.done $0x0  }
0x73: {  	s25 =	sadd.s32 s24, s11;
	[sflag:s13] =	ssyncadd.s32 $0xFFFFD800  }
0x74: {  	[tilespmem:s15], [sflag:$0x2] =	stream.linear.gather [hbm4b:s25+s2], $0x50, $0x38;
	[tilespmem:$0x169D0] =	vst v63  }
0x75: {  	_ =	swait.ge [sflag:s13], $0x50  }
0x76: {  	[sflag:s13] =	ssyncset.done $0x0  }
0x77: {  	s26 =	sadd.s32 s24, s10;
	[sflag:s13] =	ssyncadd.s32 $0xFFFFFFB0  }
0x78: {  	[tilespmem:s16], [sflag:$0x2] =	stream.linear.gather [hbm4b:s26+s2], $0x50, $0x38;
	[tilespmem:$0x169D0] =	vst v63  }
0x79: {  	_ =	swait.ge [sflag:s13], $0x50  }
0x7a: {  	[sflag:s13] =	ssyncset.done $0x0  }
0x7b: {  	s28 =	sadd.s32 s24, s9;
	[sflag:s13] =	ssyncadd.s32 $0xFFFFFFB0  }
0x7c: {  	[tilespmem:s17], [sflag:$0x2] =	stream.linear.gather [hbm4b:s28+s2], $0x50, $0x38;
	[tilespmem:$0x169D0] =	vst v63  }
0x7d: {  	_ =	swait.ge [sflag:s13], $0x50  }
0x7e: {  	[sflag:s13] =	ssyncset.done $0x0  }
0x7f: {  	[sflag:s13] =	ssyncadd.s32 $0xFFFFFFB0  }
0x80: {  	v0 =	vld [tilespmem:$0xA070]  }
0x81: {  	v1 =	vld [tilespmem:$0xA060]  }
0x82: {  	v2 =	vld [tilespmem:$0xA0D0]  }
0x83: {  	v3 =	vld [tilespmem:$0xA130]  }
0x84: {  	v4 =	vld [tilespmem:$0xA0C0]  }
0x85: {  	v5 =	vld [tilespmem:$0xA0B0]  }
0x86: {  	v58 =	vld [tilespmem:$0xA090]  }
0x87: {  	v59 =	vld [tilespmem:$0xA080]  }
0x88: {  	v60 =	vld [tilespmem:$0xA040]  }
0x89: {  	v61 =	vld [tilespmem:$0xA0A0];
	v4 =	vmul.u32 $0x1F4, v4  }
0x8a: {  	v62 =	vld [tilespmem:$0xA140];
	v3 =	vmin.u32 v3, $0x1400;
	v2 =	vmul.u32 $0x1F4, v2  }
0x8b: {  	v63 =	vld [tilespmem:$0xA050];
	[tilespmem:$0xA180] =	vst v3;
	v3 =	vmul.u32 $0x1F4, v58;
	v0 =	vadd.s32 v0, v4  }
0x8c: {  	v4 =	vmul.u32 $0x1F4, v5;
	v5 =	vld [tilespmem:$0xA150];
	[tilespmem:$0xA110] =	vst v0;
	v0 =	vadd.s32 v59, v2  }
0x8d: {  	v2 =	vadd.s32 v60, v3;
	v3 =	vld [tilespmem:$0xA160];
	[tilespmem:$0xA120] =	vst v0  }
0x8e: {  	v0 =	vadd.s32 v1, v4;
	[tilespmem:$0xA0E0] =	vst v2;
	v1 =	vmul.u32 $0x1F4, v61;
	v2 =	vld [tilespmem:$0xA170]  }
0x8f: {  	v4 =	vmin.u32 v62, $0x1400;
	[tilespmem:$0xA100] =	vst v0  }
0x90: {  	[tilespmem:$0xA190] =	vst v4;
	v0 =	vadd.s32 v63, v1  }
0x91: {  	[tilespmem:$0xA0F0] =	vst v0;
	v0 =	vmin.u32 v5, $0x1400  }
0x92: {  	[tilespmem:$0xA1A0] =	vst v0;
	v0 =	vmin.u32 v3, $0x1400  }
0x93: {  	[tilespmem:$0xA1B0] =	vst v0;
	v0 =	vmin.u32 v2, $0x1400  }
0x94: {  	[tilespmem:$0xA1C0] =	vst v0  }
0x95: {  	[tilespmem:s20], [sflag:$0x1] =	stream.indirect.gather [hbm4b:s8+s18], $0x80, s19, s18, $0xb8;
	[tilespmem:$0x169D0] =	vst v63  }
0x96: {  	_ =	swait.ge [sflag:s21], $0x2800  }
0x97: {  	[sflag:s21] =	ssyncset.done $0x0  }
0x98: {  	[sflag:s21] =	ssyncadd.s32 $0xFFFFD800  }
0x99: {  	[spmem:s1] =	stream.indirect.scatter.add.f32 [tilespmem:s20], [sflag:$0x2], $0x80, s22, s18, $0xb8;
	[tilespmem:$0x169D0] =	vst v63  }
0x9a: {  	_ =	swait.ge [sflag:s13], $0x2800  }
0x9b: {  	[sflag:s13] =	ssyncset.done $0x0  }
0x9c: {  	[sflag:s13] =	ssyncadd.s32 $0xFFFFD800  }
0x9d: {  	[bflag:$0x0] =	sbarrier.arrive $0xFFFF  }
0x9e: {  	[tilespmem:s12], [sflag:$0x2] =	stream.linear.gather [spmem:s4], $0xA000, $0x38;
	[tilespmem:$0x169D0] =	vst v63  }
0x9f: {  	_ =	swait.ge [sflag:s13], $0xA000  }
0xa0: {  	[sflag:s13] =	ssyncset.done $0x0  }
0xa1: {  	[sflag:s13] =	ssyncadd.s32 $0xFFFF6000  }
0xa2: {  	[hbm4b:s5+s2] =	stream.linear.scatter [tilespmem:s12], [sflag:$0x2], $0xA000, $0x38;
	[tilespmem:$0x169D0] =	vst v63  }
0xa3: {  	_ =	swait.ge [sflag:s13], $0xA000  }
0xa4: {  	[sflag:s13] =	ssyncset.done $0x0  }
0xa5: {  	[sflag:s13] =	ssyncadd.s32 $0xFFFF6000  }
0xa6: {  	[tilespmem:s12], [sflag:$0x2] =	stream.linear.gather [hbm4b:s3+s2], $0xA000, $0x38;
	[tilespmem:$0x169D0] =	vst v63  }
0xa7: {  	_ =	swait.ge [sflag:s13], $0xA000  }
0xa8: {  	[sflag:s13] =	ssyncset.done $0x0  }
0xa9: {  	[sflag:s13] =	ssyncadd.s32 $0xFFFF6000  }
0xaa: {  	[spmem:s4] =	stream.linear.scatter [tilespmem:s12], [sflag:$0x2], $0xA000, $0x38;
	[tilespmem:$0x169D0] =	vst v63  }
0xab: {  	_ =	swait.ge [sflag:s13], $0xA000  }
0xac: {  	[sflag:s13] =	ssyncset.done $0x0  }
0xad: {  	s24 =	simm.s32 @!p0 $0x1C02;
	[sflag:s13] =	ssyncadd.s32 $0xFFFF6000  }
0xae: {  	[spmem:s14], [sflag:s24] =	dma.local @!p0 [hbm:s3], $0x80  }
0xaf: {  	s24 =	simm.s32 @!p0 $0x2  }
0xb0: {  	_ =	swait.ge @!p0 [sflag:s24], $0x80  }
0xb1: {  	[sflag:s24] =	ssyncset.done @!p0 $0x0  }
0xb2: {  	[sflag:s24] =	ssyncadd.s32 @!p0 $0xFFFFFF80  }
0xb3: {  	s29 =	sadd.s32 $0x0, s11;
	[bflag:$0x0] =	sbarrier.arrive $0xFFFF  }
0xb4: {  	[tilespmem:s15], [sflag:$0x2] =	stream.linear.gather [hbm4b:s29+s2], $0x50, $0x38;
	[tilespmem:$0x169D0] =	vst v63  }
0xb5: {  	_ =	swait.ge [sflag:s13], $0x50  }
0xb6: {  	[sflag:s13] =	ssyncset.done $0x0  }
0xb7: {  	s30 =	sadd.s32 $0x0, s10;
	[sflag:s13] =	ssyncadd.s32 $0xFFFFFFB0  }
0xb8: {  	[tilespmem:s16], [sflag:$0x2] =	stream.linear.gather [hbm4b:s30+s2], $0x50, $0x38;
	[tilespmem:$0x169D0] =	vst v63  }
0xb9: {  	_ =	swait.ge [sflag:s13], $0x50  }
0xba: {  	[sflag:s13] =	ssyncset.done $0x0  }
0xbb: {  	s31 =	sadd.s32 $0x0, s9;
	[sflag:s13] =	ssyncadd.s32 $0xFFFFFFB0  }
0xbc: {  	[tilespmem:s17], [sflag:$0x2] =	stream.linear.gather [hbm4b:s31+s2], $0x50, $0x38;
	[tilespmem:$0x169D0] =	vst v63  }
0xbd: {  	_ =	swait.ge [sflag:s13], $0x50  }
0xbe: {  	[sflag:s13] =	ssyncset.done $0x0  }
0xbf: {  	[sflag:s13] =	ssyncadd.s32 $0xFFFFFFB0  }
0xc0: {  	v1 =	vld [tilespmem:$0xA080]  }
0xc1: {  	v0 =	vld [tilespmem:$0xA070]  }
0xc2: {  	v2 =	vld [tilespmem:$0xA050]  }
0xc3: {  	s24 =	simm.s32 $0xA;
	v3 =	vld [tilespmem:$0xA130]  }
.LBB2_4:
0xc4: {  	p1 =	sne.s32 s24, $0x4D8;
	v4 =	vld [tilespmem:$0xA170];
	s25 =	smov.u32 s24;
	s24 =	sadd.s32 $0xA, s24  }
0xc5: {  	v5 =	vld [tilespmem:$0xA140]  }
0xc6: {  	v6 =	vld [tilespmem:$0xA160]  }
0xc7: {  	v7 =	vld [tilespmem:$0xA150]  }
0xc8: {  	v8 =	vld [tilespmem:$0xA0D0]  }
0xc9: {  	v9 =	vld [tilespmem:$0xA0A0];
	v4 =	vadd.s32 $0xFFFFEC00, v4  }
0xca: {  	v5 =	vadd.s32 $0xFFFFEC00, v5;
	v10 =	vld [tilespmem:$0xA0C0];
	v4 =	vmin.u32 v4, $0x1400  }
0xcb: {  	v5 =	vmin.u32 v5, $0x1400;
	v11 =	vld [tilespmem:$0xA0B0];
	v6 =	vadd.s32 $0xFFFFEC00, v6;
	[tilespmem:$0xA1C0] =	vst v4  }
0xcc: {  	v3 =	vadd.s32 $0xFFFFEC00, v3;
	v4 =	vld [tilespmem:$0xA090];
	[tilespmem:$0xA190] =	vst v5;
	v5 =	vadd.s32 $0xFFFFEC00, v7;
	v6 =	vmin.u32 v6, $0x1400  }
0xcd: {  	v3 =	vmin.u32 v3, $0x1400;
	v7 =	vld [tilespmem:$0xA060];
	v5 =	vmin.u32 v5, $0x1400;
	[tilespmem:$0xA1B0] =	vst v6;
	v6 =	vmul.u32 $0x1F4, v8  }
0xce: {  	v8 =	vld [tilespmem:$0xA040];
	[tilespmem:$0xA180] =	vst v3;
	v3 =	vmul.u32 $0x1F4, v9  }
0xcf: {  	[tilespmem:$0xA1A0] =	vst v5;
	v5 =	vmul.u32 $0x1F4, v10;
	v1 =	vadd.s32 v1, v6  }
0xd0: {  	v2 =	vadd.s32 v2, v3;
	v3 =	vmul.u32 $0x1F4, v11;
	[tilespmem:$0xA120] =	vst v1  }
0xd1: {  	v1 =	vmul.u32 $0x1F4, v4;
	[tilespmem:$0xA0F0] =	vst v2;
	v0 =	vadd.s32 v0, v5  }
0xd2: {  	v2 =	vadd.s32 v7, v3;
	[tilespmem:$0xA110] =	vst v0  }
0xd3: {  	v0 =	vadd.s32 v8, v1  }
0xd4: {  	[tilespmem:$0xA100] =	vst v2  }
0xd5: {  	[tilespmem:$0xA0E0] =	vst v0  }
0xd6: {  	[tilespmem:s20], [sflag:$0x1] =	stream.indirect.gather [hbm4b:s8+s18], $0x80, s19, s18, $0xb8;
	[tilespmem:$0x169D0] =	vst v63  }
0xd7: {  	_ =	swait.ge [sflag:s21], $0x2800  }
0xd8: {  	[sflag:s21] =	ssyncset.done $0x0  }
0xd9: {  	[sflag:s21] =	ssyncadd.s32 $0xFFFFD800  }
0xda: {  	[spmem:s1] =	stream.indirect.scatter.add.f32 [tilespmem:s20], [sflag:$0x2], $0x80, s22, s18, $0xb8;
	[tilespmem:$0x169D0] =	vst v63  }
0xdb: {  	_ =	swait.ge [sflag:s13], $0x2800  }
0xdc: {  	[sflag:s13] =	ssyncset.done $0x0  }
0xdd: {  	s26 =	sadd.s32 s25, s11;
	[sflag:s13] =	ssyncadd.s32 $0xFFFFD800  }
0xde: {  	[tilespmem:s15], [sflag:$0x2] =	stream.linear.gather [hbm4b:s26+s2], $0x50, $0x38;
	[tilespmem:$0x169D0] =	vst v63  }
0xdf: {  	_ =	swait.ge [sflag:s13], $0x50  }
0xe0: {  	[sflag:s13] =	ssyncset.done $0x0  }
0xe1: {  	s26 =	sadd.s32 s25, s10;
	[sflag:s13] =	ssyncadd.s32 $0xFFFFFFB0  }
0xe2: {  	[tilespmem:s16], [sflag:$0x2] =	stream.linear.gather [hbm4b:s26+s2], $0x50, $0x38;
	[tilespmem:$0x169D0] =	vst v63  }
0xe3: {  	_ =	swait.ge [sflag:s13], $0x50  }
0xe4: {  	[sflag:s13] =	ssyncset.done $0x0  }
0xe5: {  	s25 =	sadd.s32 s25, s9;
	[sflag:s13] =	ssyncadd.s32 $0xFFFFFFB0  }
0xe6: {  	[tilespmem:s17], [sflag:$0x2] =	stream.linear.gather [hbm4b:s25+s2], $0x50, $0x38;
	[tilespmem:$0x169D0] =	vst v63  }
0xe7: {  	_ =	swait.ge [sflag:s13], $0x50  }
0xe8: {  	[sflag:s13] =	ssyncset.done $0x0  }
.Ltmp1:
0xe9: {  	[sflag:s13] =	ssyncadd.s32 $0xFFFFFFB0;
	(pc) =	sbr.rel @p1 .LBB2_4-.Ltmp1, $4  }
0xea: {  	v1 =	vld [tilespmem:$0xA080]  }
0xeb: {  	v0 =	vld [tilespmem:$0xA070]  }
0xec: {  	v2 =	vld [tilespmem:$0xA050]  }
0xed: {  	v3 =	vld [tilespmem:$0xA130]  }
0xee: {  	v4 =	vld [tilespmem:$0xA170]  }
0xef: {  	v5 =	vld [tilespmem:$0xA140]  }
0xf0: {  	v6 =	vld [tilespmem:$0xA160]  }
0xf1: {  	v7 =	vld [tilespmem:$0xA150]  }
0xf2: {  	v8 =	vld [tilespmem:$0xA0D0]  }
0xf3: {  	v9 =	vld [tilespmem:$0xA0A0];
	v3 =	vadd.s32 $0xFFFFEC00, v3  }
0xf4: {  	v10 =	vld [tilespmem:$0xA0C0];
	v4 =	vadd.s32 $0xFFFFEC00, v4;
	v3 =	vmin.u32 v3, $0x1400  }
0xf5: {  	v11 =	vld [tilespmem:$0xA0B0];
	v5 =	vadd.s32 $0xFFFFEC00, v5;
	v4 =	vmin.u32 v4, $0x1400;
	[tilespmem:$0xA180] =	vst v3  }
0xf6: {  	v52 =	vld [tilespmem:$0xA090];
	v6 =	vadd.s32 $0xFFFFEC00, v6;
	v5 =	vmin.u32 v5, $0x1400;
	[tilespmem:$0xA1C0] =	vst v4  }
0xf7: {  	v55 =	vld [tilespmem:$0xA060];
	v54 =	vadd.s32 $0xFFFFEC00, v7;
	v56 =	vmul.u32 $0x1F4, v8;
	v53 =	vmin.u32 v6, $0x1400;
	[tilespmem:$0xA190] =	vst v5  }
0xf8: {  	v57 =	vld [tilespmem:$0xA040];
	v58 =	vmul.u32 $0x1F4, v9;
	v6 =	vmin.u32 v54, $0x1400;
	[tilespmem:$0xA1B0] =	vst v53  }
0xf9: {  	v59 =	vmul.u32 $0x1F4, v10;
	[tilespmem:$0xA1A0] =	vst v6;
	v1 =	vadd.s32 v1, v56  }
0xfa: {  	v60 =	vmul.u32 $0x1F4, v11;
	v2 =	vadd.s32 v2, v58;
	[tilespmem:$0xA120] =	vst v1  }
0xfb: {  	v61 =	vmul.u32 $0x1F4, v52;
	v0 =	vadd.s32 v0, v59;
	[tilespmem:$0xA0F0] =	vst v2  }
0xfc: {  	v62 =	vadd.s32 v55, v60;
	[tilespmem:$0xA110] =	vst v0  }
0xfd: {  	v63 =	vadd.s32 v57, v61;
	[tilespmem:$0xA100] =	vst v62  }
0xfe: {  	[tilespmem:$0xA0E0] =	vst v63  }
0xff: {  	[tilespmem:s20], [sflag:$0x1] =	stream.indirect.gather [hbm4b:s8+s18], $0x80, s19, s18, $0xb8;
	[tilespmem:$0x169D0] =	vst v63  }
0x100: {  	_ =	swait.ge [sflag:s21], $0x2800  }
0x101: {  	[sflag:s21] =	ssyncset.done $0x0  }
0x102: {  	[sflag:s21] =	ssyncadd.s32 $0xFFFFD800  }
0x103: {  	[spmem:s1] =	stream.indirect.scatter.add.f32 [tilespmem:s20], [sflag:$0x2], $0x80, s22, s18, $0xb8;
	[tilespmem:$0x169D0] =	vst v63  }
0x104: {  	_ =	swait.ge [sflag:s13], $0x2800  }
0x105: {  	[sflag:s13] =	ssyncset.done $0x0  }
0x106: {  	[sflag:s13] =	ssyncadd.s32 $0xFFFFD800  }
0x107: {  	[bflag:$0x0] =	sbarrier.arrive $0xFFFF  }
0x108: {  	[tilespmem:s12], [sflag:$0x2] =	stream.linear.gather [spmem:s4], $0xA000, $0x38;
	[tilespmem:$0x169D0] =	vst v63  }
0x109: {  	s23 =	sadd.s32 $0x1, s23;
	_ =	swait.ge [sflag:s13], $0xA000  }
0x10a: {  	p1 =	sne.s32 s23, s7;
	[sflag:s13] =	ssyncset.done $0x0  }
.Ltmp2:
0x10b: {  	[sflag:s13] =	ssyncadd.s32 $0xFFFF6000;
	(pc) =	sbr.rel @p1 .LBB2_1-.Ltmp2, $4  }
0x10c: {  	[hbm4b:s6+s2] =	stream.linear.scatter [tilespmem:s12], [sflag:$0x2], $0xA000, $0x38;
	[tilespmem:$0x169D0] =	vst v63  }
0x10d: {  	_ =	swait.ge [sflag:s13], $0xA000  }
0x10e: {  	[sflag:s13] =	ssyncset.done $0x0  }
0x10f: {  	[sflag:s13] =	ssyncadd.s32 $0xFFFF6000  }
0x110: {  	_ =	sfence.sel $0x180000  }
0x111: {  	[bflag:$0x0] =	sbarrier.arrive $0xFFFF  }
0x112: {  	_ =	strace $0x90000059  }
0x113: {  	s0 =	sadd.s32 @!p0 $0x100000, s0;
	[bflag:$0x2] =	sbarrier.arrive $0xFFFF  }
0x114: {  	[sflag:s0] =	ssyncadd.tile.s32 @!p0 $0x1;
	_ =	shalt  }
.Lfunc_end2:
_tile_overlayer_lowered:
.L_overlay_start_2:
0x115: {  	(tag) =	ssettag $0x2  }
0x116: {  	s0 =	rddreg [dreg:$0x0];
	s2 =	stileid.u32  }
0x117: {  	s1 =	rddreg [dreg:$0x1];
	p0 =	sne.s32 s2, $0x0  }
0x118: {  	s3 =	rddreg [dreg:$0x2];
	[bflag:$0x3] =	sbarrier.arrive $0xFFFF;
	s2 =	simm.s32 @!p0 $0x1C02  }
0x119: {  	[timem:s3], [sflag:s2] =	dma.local @!p0 [hbm:s0], s1  }
0x11a: {  	s0 =	simm.s32 @!p0 $0x2  }
0x11b: {  	_ =	swait.ge @!p0 [sflag:s0], s1  }
0x11c: {  	s1 =	ssub.s32 @!p0 $0x0, s1;
	[sflag:s0] =	ssyncset.done @!p0 $0x0  }
0x11d: {  	[sflag:s0] =	ssyncadd.s32 @!p0 s1  }
0x11e: {  	[bflag:$0x3] =	sbarrier.arrive $0xFFFF  }
0x11f: {  	_ =	shalt  }

// kernel: sparse-core-data-format-call.1.cloned.1.call-start
scs
called_computation.1_lowered:
.L_overlay_start_0:
0x0: {  	s2 =	sld [smem:$0x3FD9]  }
0x1: {  	s3 =	sld [smem:$0x3FFE];
	_ =	sdelay $0x1  }
0x2: {  	s1 =	srdreg.scid  }
0x3: {  	s0 =	sand.u32 $0x1, s1  }
0x4: {  	s18 =	sshll.u32 s0, $0xA;
	s2 =	sadd.s32 s3, s2  }
0x5: {  	s2 =	sadd.s32 s2, s18  }
0x6: {  	[smem:$0x3FBD] =	sst s2  }
0x7: {  	_ = 	snop  }
0x8: {  	s19 =	sld [smem:$0x3FC3];
	(tm) =	ssettm $0x1  }
0x9: {  	s20 =	sld [smem:$0x3FFB];
	_ =	sdelay $0x3  }
0xa: {  	_ =	strace s20  }
0xb: {  	s2 =	sld [smem:$0x3FFC];
	_ =	sdelay $0x3  }
0xc: {  	_ =	strace s2  }
0xd: {  	s2 =	sld [smem:$0x3FFD];
	_ =	sdelay $0x3  }
0xe: {  	_ =	strace s2  }
0xf: {  	_ =	strace $0x8FFFFFFF  }
0x10: {  	s21 =	sld [smem:$0x3FDB];
	_ =	sdelay $0x1  }
0x11: {  	s4 =	simm.s32 $_scs_section_size  }
0x12: {  	s5 =	simm.s32 $_size__tile_overlayer_lowered;
	s6 =	simm.s32 $_tile_overlayer_lowered  }
0x13: {  	s7 =	simm.s32 $0x1BFF;
	s22 =	sshll.u32 s6, $0x1;
	s4 =	sadd.s32 s4, s21  }
0x14: {  	s23 =	simm.s32 $0x0;
	s5 =	sshll.u32 s5, $0x1;
	s6 =	sadd.s32 s22, s4  }
0x15: {  	[timem:s23], [sflag:s7] =	dma.local [hbm:s6], s5  }
0x16: {  	_ =	swait.ge [sflag:s7], s5  }
0x17: {  	s5 =	ssub.s32 $0x0, s5;
	[sflag:s7] =	ssyncset.done $0x0  }
0x18: {  	[sflag:s7] =	ssyncadd.s32 s5;
	_ =	sdelay $0x1  }
0x19: {  	s24 =	simm.s32 $0x1B8B  }
0x1a: {  	_ =	swait.ge [sflag:s24], $0x1  }
0x1b: {  	[sflag:s24] =	ssyncset.done $0x0  }
0x1c: {  	[sflag:s24] =	ssyncadd.s32 $0xFFFFFFFF  }
0x1d: {  	s5 =	sld [smem:$0x0]  }
0x1e: {  	s6 =	sand.u32 $0xFFFFFFFE, s1  }
0x1f: {  	p0 =	sne.s32 s1, s6  }
0x20: {  	s6 =	sshll.u32 @p0 s6, $0xE  }
0x21: {  	s6 =	sadd.s32 @p0 $0x11B8D, s6;
	s7 =	sshll.u32 @p0 s5, $0x11  }
0x22: {  	s6 =	sor.u32 @p0 s7, s6  }
0x23: {  	[sflag:s6] =	ssyncadd.remote.s32 @p0 $0x1;
	_ =	sdelay $0x1  }
0x24: {  	s6 =	simm.s32 @p0 $0x1B8D  }
0x25: {  	_ =	swait.eq @p0 [sflag:s6], $0x1  }
0x26: {  	[sflag:s6] =	ssyncadd.s32 @p0 $0xFFFFFFFF  }
0x27: {  	s7 =	sshll.u32 @!p0 s1, $0xE  }
0x28: {  	s7 =	sor.u32 @!p0 $0x4000, s7;
	s6 =	simm.s32 @!p0 $0x1B8D  }
0x29: {  	s5 =	sshll.u32 @!p0 s5, $0x11;
	s7 =	sadd.s32 @!p0 $0x11B8D, s7;
	_ =	swait.eq @!p0 [sflag:s6], $0x1  }
0x2a: {  	s5 =	sor.u32 @!p0 s5, s7;
	[sflag:s6] =	ssyncadd.s32 @!p0 $0xFFFFFFFF  }
0x2b: {  	s26 =	simm.s32 $0x1B8E;
	s25 =	sld [smem:$0x3FFE];
	[sflag:s5] =	ssyncadd.remote.s32 @!p0 $0x1  }
0x2c: {  	s27 =	simm.s32 $execute0_lowered;
	[smem:$0x3FD2] =	sst s26  }
0x2d: {  	s6 =	sshll.u32 s27, $0x1;
	_ =	strace $0x8000004F;
	[dreg:$0x1] =	wrdreg $0xFFFFFFFF  }
0x2e: {  	s28 =	simm.s32 $_size_execute0_lowered;
	s4 =	sadd.s32 s4, s6;
	[dreg:$0x0] =	wrdreg $0x0  }
0x2f: {  	s6 =	sshll.u32 s28, $0x1;
	[dreg:$0x2] =	wrdreg s4  }
0x30: {  	[dreg:$0x3] =	wrdreg s6  }
0x31: {  	[dreg:$0x4] =	wrdreg $0xC0  }
0x32: {  	_ =	task [dreg:s23], $0x5FFFF  }
0x33: {  	[dreg:$0x1] =	wrdreg $0xFFFFFFFF  }
0x34: {  	[dreg:$0x0] =	wrdreg $0x60  }
0x35: {  	[dreg:$0x2] =	wrdreg s19  }
0x36: {  	[dreg:$0x3] =	wrdreg s25  }
0x37: {  	[dreg:$0x4] =	wrdreg $0x9  }
0x38: {  	_ =	task.clear_ibuf [dreg:s23], $0x5FFFF;
	_ =	strace $0x9000004F  }
0x39: {  	s29 =	simm.s32 $0x9;
	_ =	strace $0x80000051  }
0x3a: {  	_ =	swait.ge [sflag:s29], $0x1  }
0x3b: {  	[sflag:s29] =	ssyncadd.s32 $0xFFFFFFFF  }
0x3c: {  	_ =	strace $0x90000051  }
0x3d: {  	_ =	sfence  }
0x3e: {  	s30 =	sld [smem:$0x0];
	_ =	sdelay $0x2  }
0x3f: {  	s31 =	sshll.u32 s1, $0xD;
	s1 =	sshrl.u32 s1, $0x2  }
0x40: {  	s4 =	sand.u32 $0x4000, s31;
	s1 =	sadd.s32 s1, s30  }
0x41: {  	s0 =	sor.u32 s4, s0;
	s1 =	sshll.u32 s1, $0x11  }
0x42: {  	s0 =	sor.u32 s1, s0  }
0x43: {  	s0 =	sadd.s32 $0x8F2B, s0  }
0x44: {  	[sflag:s0] =	ssyncadd.remote.s32 $0x1  }
0x45: {  	_ =	sfence.sel $0xFFFF  }
0x46: {  	[dreg:$0x0] =	wrdreg $0xFFFFFFFF;
	(pc) =	sbr.abs _section_cstart, $3  }
0x47: {  	[dreg:$0x1] =	wrdreg $0xFFFFFFFF  }
0x48: {  	_ =	task.clear_ibuf [dreg:s23], $0x2FFFF;
	_ =	strace $0x9FFFFFFF  }
0x49: {  	(tm) =	ssettm $0x7FFFFFFF  }
tec
execute0_lowered:
.L_overlay_start_1:
0x0: {  	(tag) =	ssettag $0x1  }
0x1: {  	s0 =	srdreg.scid;
	s2 =	rddreg [dreg:$0x0]  }
0x2: {  	s5 =	rddreg [dreg:$0x1];
	s1 =	stileid.u32  }
0x3: {  	s4 =	simm.s32 $0x1;
	s6 =	simm.s32 $0x2;
	s0 =	sshll.u32 s0, $0x4  }
0x4: {  	s8 =	simm.s32 $0x0;
	s9 =	simm.s32 $0x0;
	s3 =	sand.u32 $0x10, s0  }
.Ltmp0:
0x5: {  	s13 =	simm.s32 $0x0;
	s3 =	sor.u32 s1, s3;
	(pc) =	sbr.rel .LBB1_1-.Ltmp0, $4  }
0x6: {  	s0 =	rddreg [dreg:$0x2];
	_ =	strace $0x80000050;
	s3 =	sshll.u32 s3, $0x3  }
0x7: {  	s10 =	simm.s32 $0x0;
	[sflag:s4] =	ssyncpa.u1 $0x0;
	s7 =	ssub.s32 $0x1868, s3  }
0x8: {  	s12 =	simm.s32 $0x0;
	[sflag:s6] =	ssyncpa.u1 $0x0;
	s6 =	sshrl.u32 s7, $0x8  }
0x9: {  	s5 =	sadd.s32 $0x10B400, s5;
	s11 =	smov.u32 s3;
	s7 =	sadd.s32 $0x2, s6  }
.LBB1_9:
0xa: {  	s15 =	sshll.u32 s12, $0xE  }
0xb: {  	s16 =	sshll.u32 s10, $0x8;
	s15 =	sand.u32 $0x4000, s15  }
0xc: {  	s16 =	sadd.s32 s5, s16;
	s15 =	sor.u32 $0x8000, s15  }
0xd: {  	[hbm4b:s16+s8] =	stream.linear.scatter [tilespmem:s15], [sflag:$0x2], s14, $0x38;
	[tilespmem:$0x10000] =	vst v63  }
.LBB1_10:
0xe: {  	p0 =	slt.u32 s12, $0x2  }
0xf: {  	p1 =	sgt.s32 @!p0 s13, $0x1862  }
0x10: {  	s14 =	smov.u32 s13;
	s15 =	sshra.s32 @!p0 s13, $0x1F;
	p1 =	por !p1, p0  }
0x11: {  	s13 =	sand.u32 @!p0 s15, s13;
	s14 =	simm.s32 @p1 $0x1862  }
0x12: {  	s13 =	ssub.s32 @!p0 s14, s13  }
0x13: {  	s13 =	sadd.s32 @!p0 $0xFFFFE79E, s13  }
0x14: {  	s14 =	sshll.u32 @!p0 s13, $0xD  }
0x15: {  	p1 =	sgt.s32 @!p0 s13, $0x7;
	s13 =	ssub.s32 @!p0 $0x10000, s14  }
0x16: {  	s15 =	sadd.s32 $0x100, s11;
	p1 =	por !p1, p0;
	s13 =	sshrl.u32 @!p0 s13, $0x2  }
0x17: {  	s13 =	simm.s32 @!p1 $0x0;
	p1 =	sgt.s32 s15, $0x1869  }
0x18: {  	s15 =	smov.u32 @p1 s3;
	p1 =	sne.s32 s12, s7  }
.Ltmp1:
0x19: {  	_ = 	snop;
	(pc) =	sbr.rel @!p1 .LBB1_11-.Ltmp1, $4  }
0x1a: {  	s14 =	simm.s32 @!p0 $0x2  }
0x1b: {  	s9 =	sadd.s32 $0x4000, s9;
	_ =	swait.ge @!p0 [sflag:s14], s13;
	s16 =	ssub.s32 @!p0 $0x0, s13  }
0x1c: {  	s13 =	smov.u32 s10;
	s12 =	sadd.s32 $0x1, s12;
	[sflag:s14] =	ssyncset.done @!p0 $0x0  }
0x1d: {  	s10 =	smov.u32 s11;
	s11 =	smov.u32 s15;
	[sflag:s14] =	ssyncadd.s32 @!p0 s16  }
.LBB1_1:
0x1e: {  	p0 =	sgt.u32 s12, s6  }
0x1f: {  	p1 =	sgt.s32 @!p0 s11, $0x1862  }
0x20: {  	s14 =	smov.u32 s11;
	s15 =	sshra.s32 @!p0 s11, $0x1F;
	p1 =	por !p1, p0  }
0x21: {  	s15 =	sand.u32 @!p0 s15, s11;
	s14 =	simm.s32 @p1 $0x1862  }
0x22: {  	s14 =	ssub.s32 @!p0 s14, s15  }
0x23: {  	s14 =	sadd.s32 @!p0 $0xFFFFE79E, s14  }
0x24: {  	s17 =	simm.s32 @!p0 $0x0;
	s15 =	sxor.u32 @!p0 $0xFFFFFFFF, s12;
	s16 =	sshll.u32 @!p0 s14, $0xD  }
0x25: {  	s15 =	sshll.u32 @!p0 s15, $0xE;
	p1 =	sgt.s32 @!p0 s14, $0x7;
	s14 =	ssub.s32 @!p0 $0x10000, s16  }
0x26: {  	p1 =	por !p1, p0;
	s16 =	sshll.u32 @!p0 s11, $0x8;
	s14 =	sshrl.u32 @!p0 s14, $0x2  }
0x27: {  	s15 =	sand.u32 @!p0 $0x4000, s15;
	s16 =	sadd.s32 @!p0 s2, s16;
	s14 =	simm.s32 @!p1 $0x0  }
0x28: {  	[tilespmem:s15], [sflag:$0x1] =	stream.linear.gather @!p0 [hbm4b:s16+s17], s14, $0x38;
	[tilespmem:$0x10000] =	vst v63  }
0x29: {  	p0 =	seq.s32 s12, $0x0  }
0x2a: {  	p1 =	sge.u32 @!p0 s12, s7  }
0x2b: {  	p0 =	por p0, p1  }
.Ltmp2:
0x2c: {  	_ = 	snop;
	(pc) =	sbr.rel @p0 .LBB1_10-.Ltmp2, $1  }
0x2d: {  	_ =	sdelay $0x3  }
0x2e: {  	p0 =	sgt.s32 s10, $0x1862;
	s14 =	smov.u32 s10;
	s15 =	sshra.s32 s10, $0x1F  }
0x2f: {  	s14 =	simm.s32 @!p0 $0x1862;
	s15 =	sand.u32 s15, s10  }
0x30: {  	s14 =	ssub.s32 s14, s15  }
0x31: {  	s16 =	sadd.s32 $0x8, s10;
	s14 =	sadd.s32 $0xFFFFE79E, s14  }
0x32: {  	p1 =	slt.s32 s16, $0x186A;
	s30 =	sshll.u32 s14, $0xD  }
0x33: {  	s16 =	simm.s32 @!p1 $0x186A;
	s15 =	ssub.s32 $0x10000, s30  }
0x34: {  	p0 =	sgt.s32 s14, $0x7;
	s14 =	sshrl.u32 s15, $0x2;
	s15 =	ssub.s32 s16, s10  }
0x35: {  	s14 =	simm.s32 @p0 $0x0;
	p0 =	slt.s32 s15, $0x1  }
.Ltmp3:
0x36: {  	_ = 	snop;
	(pc) =	sbr.rel @p0 .LBB1_9-.Ltmp3, $4  }
0x37: {  	_ = 	snop  }
0x38: {  	_ =	swait.ge [sflag:s4], s14  }
0x39: {  	s31 =	ssub.s32 $0x0, s14;
	[sflag:s4] =	ssyncset.done $0x0  }
0x3a: {  	[sflag:s4] =	ssyncadd.s32 s31  }
0x3b: {  	s16 =	sshll.u32 s9, $0x2  }
0x3c: {  	s16 =	sand.u32 $0x10000, s16  }
0x3d: {  	s16 =	sshrl.u32 s16, $0x2  }
0x3e: {  	s18 =	simm.s32 $0x0;
	s19 =	simm.s32 $0x0;
	s17 =	sor.u32 $0x8000, s16  }
.LBB1_4:
0x3f: {  	s20 =	sshra.s32 s18, $0x2  }
0x40: {  	v0 =	vmov s20;
	_ =	sdelay $0x3  }
0x41: {  	p1 =	por $0x1, $0x1;
	s20 =	simm.s32 $0x0  }
.LBB1_5:
0x42: {  	_ = 	snop  }
0x43: {  	s21 =	sshll.u32 s20, $0xA  }
0x44: {  	s21 =	sand.u32 $0x3FFFFC00, s21  }
0x45: {  	s21 =	sadd.s32 s21, s16  }
0x46: {  	v5 =	vld.idx.msk [tilespmem:v0+s21+$0x70 ss:$0x1], $0xffff  }
0x47: {  	v6 =	vld.idx.msk [tilespmem:v0+s21+$0x10 ss:$0x1], $0xffff  }
0x48: {  	v7 =	vld.idx.msk [tilespmem:v0+s21+$0x20 ss:$0x1], $0xffff  }
0x49: {  	s31 =	sshll.u32 s20, $0x7;
	v1 =	vld.idx.msk [tilespmem:v0+s21+$0x30 ss:$0x1], $0xffff  }
0x4a: {  	s20 =	sand.u32 $0x3FFFFF80, s31;
	v2 =	vld.idx.msk [tilespmem:v0+s21+$0x40 ss:$0x1], $0xffff  }
0x4b: {  	s20 =	sadd.s32 s20, s17;
	v3 =	vld.idx.msk [tilespmem:v0+s21+$0x50 ss:$0x1], $0xffff  }
0x4c: {  	v4 =	vld.idx.msk [tilespmem:v0+s21+$0x60 ss:$0x1], $0xffff;
	[tilespmem:v0+s20+$0x70 ss:$0x1] =	vst.idx.msk $0xffff, v5  }
0x4d: {  	v5 =	vld.idx.msk [tilespmem:v0+s21+$0x0 ss:$0x1], $0xffff;
	[tilespmem:v0+s20+$0x10 ss:$0x1] =	vst.idx.msk $0xffff, v6;
	s21 =	sadd.s32 $0x80, s21  }
0x4e: {  	p0 =	por p1, p1;
	s22 =	simm.s32 $0x6;
	[tilespmem:v0+s20+$0x20 ss:$0x1] =	vst.idx.msk $0xffff, v7;
	v6 =	vld.idx.msk [tilespmem:v0+s21+$0x70 ss:$0x1], $0xffff  }
.LBB1_6:
0x4f: {  	p1 =	sne.s32 s22, $0x1;
	v7 =	vld.idx.msk [tilespmem:v0+s21+$0x10 ss:$0x1], $0xffff;
	[tilespmem:v0+s20+$0x30 ss:$0x1] =	vst.idx.msk $0xffff, v1  }
0x50: {  	v8 =	vld.idx.msk [tilespmem:v0+s21+$0x20 ss:$0x1], $0xffff;
	[tilespmem:v0+s20+$0x40 ss:$0x1] =	vst.idx.msk $0xffff, v2  }
0x51: {  	v1 =	vld.idx.msk [tilespmem:v0+s21+$0x30 ss:$0x1], $0xffff;
	[tilespmem:v0+s20+$0x50 ss:$0x1] =	vst.idx.msk $0xffff, v3  }
.Ltmp4:
0x52: {  	v2 =	vld.idx.msk [tilespmem:v0+s21+$0x40 ss:$0x1], $0xffff;
	[tilespmem:v0+s20+$0x60 ss:$0x1] =	vst.idx.msk $0xffff, v4;
	(pc) =	sbr.rel @p1 .LBB1_6-.Ltmp4, $4  }
0x53: {  	v3 =	vld.idx.msk [tilespmem:v0+s21+$0x50 ss:$0x1], $0xffff;
	[tilespmem:v0+s20+$0x0 ss:$0x1] =	vst.idx.msk $0xffff, v5;
	s20 =	sadd.s32 $0x100, s20  }
0x54: {  	v4 =	vld.idx.msk [tilespmem:v0+s21+$0x60 ss:$0x1], $0xffff;
	[tilespmem:v0+s20+$0x70 ss:$0x1] =	vst.idx.msk $0xffff, v6  }
0x55: {  	v5 =	vld.idx.msk [tilespmem:v0+s21+$0x0 ss:$0x1], $0xffff;
	[tilespmem:v0+s20+$0x10 ss:$0x1] =	vst.idx.msk $0xffff, v7;
	s21 =	sadd.s32 $0x80, s21  }
0x56: {  	s22 =	sadd.s32 $0xFFFFFFFF, s22;
	v6 =	vld.idx.msk [tilespmem:v0+s21+$0x70 ss:$0x1], $0xffff;
	[tilespmem:v0+s20+$0x20 ss:$0x1] =	vst.idx.msk $0xffff, v8  }
0x57: {  	_ =	sdelay $0x3  }
0x58: {  	[tilespmem:v0+s20+$0x30 ss:$0x1] =	vst.idx.msk $0xffff, v1  }
0x59: {  	v1 =	vld.idx.msk [tilespmem:v0+s21+$0x10 ss:$0x1], $0xffff;
	[tilespmem:v0+s20+$0x40 ss:$0x1] =	vst.idx.msk $0xffff, v2  }
0x5a: {  	v2 =	vld.idx.msk [tilespmem:v0+s21+$0x20 ss:$0x1], $0xffff;
	[tilespmem:v0+s20+$0x50 ss:$0x1] =	vst.idx.msk $0xffff, v3  }
0x5b: {  	v61 =	vld.idx.msk [tilespmem:v0+s21+$0x40 ss:$0x1], $0xffff;
	[tilespmem:v0+s20+$0x60 ss:$0x1] =	vst.idx.msk $0xffff, v4  }
0x5c: {  	s31 =	sadd.s32 $0x100, s20;
	v62 =	vld.idx.msk [tilespmem:v0+s21+$0x50 ss:$0x1], $0xffff;
	[tilespmem:v0+s20+$0x0 ss:$0x1] =	vst.idx.msk $0xffff, v5  }
0x5d: {  	v63 =	vld.idx.msk [tilespmem:v0+s21+$0x60 ss:$0x1], $0xffff;
	[tilespmem:v0+s31+$0x70 ss:$0x1] =	vst.idx.msk $0xffff, v6  }
0x5e: {  	v3 =	vld.idx.msk [tilespmem:v0+s21+$0x30 ss:$0x1], $0xffff;
	[tilespmem:v0+s31+$0x10 ss:$0x1] =	vst.idx.msk $0xffff, v1  }
0x5f: {  	v1 =	vld.idx.msk [tilespmem:v0+s21+$0x0 ss:$0x1], $0xffff;
	[tilespmem:v0+s31+$0x20 ss:$0x1] =	vst.idx.msk $0xffff, v2  }
.Ltmp5:
0x60: {  	[tilespmem:v0+s31+$0x40 ss:$0x1] =	vst.idx.msk $0xffff, v61;
	(pc) =	sbr.rel @p0 .LBB1_5-.Ltmp5, $4  }
0x61: {  	[tilespmem:v0+s31+$0x50 ss:$0x1] =	vst.idx.msk $0xffff, v62  }
0x62: {  	[tilespmem:v0+s31+$0x60 ss:$0x1] =	vst.idx.msk $0xffff, v63  }
0x63: {  	[tilespmem:v0+s31+$0x30 ss:$0x1] =	vst.idx.msk $0xffff, v3  }
0x64: {  	p1 =	por $0x0, $0x0;
	s20 =	simm.s32 $0x1;
	[tilespmem:v0+s31+$0x0 ss:$0x1] =	vst.idx.msk $0xffff, v1  }
0x65: {  	s19 =	sadd.s32 $0x1, s19  }
0x66: {  	p0 =	sne.s32 s19, s15  }
.Ltmp6:
0x67: {  	_ = 	snop;
	(pc) =	sbr.rel @p0 .LBB1_4-.Ltmp6, $4  }
.Ltmp7:
0x68: {  	_ = 	snop;
	(pc) =	sbr.rel @!p0 .LBB1_9-.Ltmp7, $4  }
0x69: {  	_ = 	snop  }
0x6a: {  	_ = 	snop  }
0x6b: {  	s18 =	sadd.s32 $0x2000, s18  }
0x6c: {  	_ = 	snop  }
.LBB1_11:
0x6d: {  	_ =	sfence.sel $0x180000  }
0x6e: {  	s2 =	simm.s32 $0x1;
	[bflag:$0x0] =	sbarrier.arrive $0xFFFF  }
0x6f: {  	s31 =	simm.s32 $0x2;
	[sflag:s2] =	ssyncpa.u1 $0x1  }
0x70: {  	[sflag:s31] =	ssyncpa.u1 $0x1  }
0x71: {  	p0 =	sne.s32 s1, $0x0;
	_ =	strace $0x90000050  }
0x72: {  	s0 =	sadd.s32 @!p0 $0x100000, s0;
	[bflag:$0x2] =	sbarrier.arrive $0xFFFF  }
0x73: {  	[sflag:s0] =	ssyncadd.tile.s32 @!p0 $0x1;
	_ =	shalt  }
.Lfunc_end1:
_tile_overlayer_lowered:
.L_overlay_start_2:
0x74: {  	(tag) =	ssettag $0x2  }
0x75: {  	s0 =	rddreg [dreg:$0x0];
	s2 =	stileid.u32  }
0x76: {  	s1 =	rddreg [dreg:$0x1];
	p0 =	sne.s32 s2, $0x0  }
0x77: {  	s3 =	rddreg [dreg:$0x2];
	[bflag:$0x3] =	sbarrier.arrive $0xFFFF;
	s2 =	simm.s32 @!p0 $0x1C01  }
0x78: {  	[timem:s3], [sflag:s2] =	dma.local @!p0 [hbm:s0], s1  }
0x79: {  	s0 =	simm.s32 @!p0 $0x1  }
0x7a: {  	_ =	swait.ge @!p0 [sflag:s0], s1  }
0x7b: {  	s1 =	ssub.s32 @!p0 $0x0, s1;
	[sflag:s0] =	ssyncset.done @!p0 $0x0  }
0x7c: {  	[sflag:s0] =	ssyncadd.s32 @!p0 s1  }
0x7d: {  	[bflag:$0x3] =	sbarrier.arrive $0xFFFF  }
0x7e: {  	_ =	shalt  }

// kernel: sparse-core-data-format-call.cloned.1.call-start
scs
called_computation_lowered:
.L_overlay_start_0:
0x0: {  	s2 =	sld [smem:$0x3FD9]  }
0x1: {  	s3 =	sld [smem:$0x3FFE];
	_ =	sdelay $0x1  }
0x2: {  	s1 =	srdreg.scid  }
0x3: {  	s0 =	sand.u32 $0x1, s1  }
0x4: {  	s18 =	sshll.u32 s0, $0xA;
	s2 =	sadd.s32 s3, s2  }
0x5: {  	s2 =	sadd.s32 s2, s18  }
0x6: {  	[smem:$0x3FBD] =	sst s2  }
0x7: {  	_ = 	snop  }
0x8: {  	s2 =	sld [smem:$0x3FC3];
	(tm) =	ssettm $0x1  }
0x9: {  	s19 =	sld [smem:$0x3FFB];
	_ =	sdelay $0x3  }
0xa: {  	_ =	strace s19  }
0xb: {  	s3 =	sld [smem:$0x3FFC];
	_ =	sdelay $0x3  }
0xc: {  	_ =	strace s3  }
0xd: {  	s3 =	sld [smem:$0x3FFD];
	_ =	sdelay $0x3  }
0xe: {  	_ =	strace s3  }
0xf: {  	_ =	strace $0x8FFFFFFF  }
0x10: {  	s20 =	sld [smem:$0x3FDB];
	_ =	sdelay $0x1  }
0x11: {  	s4 =	simm.s32 $_scs_section_size  }
0x12: {  	s5 =	simm.s32 $_size__tile_overlayer_lowered;
	s6 =	simm.s32 $_tile_overlayer_lowered  }
0x13: {  	s23 =	simm.s32 $0x1BFF;
	s22 =	sshll.u32 s6, $0x1;
	s3 =	sadd.s32 s4, s20  }
0x14: {  	s7 =	simm.s32 $0x0;
	s21 =	sshll.u32 s5, $0x1;
	s5 =	sadd.s32 s22, s3  }
0x15: {  	[timem:s7], [sflag:s23] =	dma.local [hbm:s5], s21  }
0x16: {  	_ =	swait.ge [sflag:s23], s21  }
0x17: {  	s4 =	ssub.s32 $0x0, s21;
	[sflag:s23] =	ssyncset.done $0x0  }
0x18: {  	[sflag:s23] =	ssyncadd.s32 s4;
	_ =	sdelay $0x1  }
0x19: {  	s24 =	simm.s32 $0x1B8B  }
0x1a: {  	_ =	swait.ge [sflag:s24], $0x1  }
0x1b: {  	[sflag:s24] =	ssyncset.done $0x0  }
0x1c: {  	s26 =	simm.s32 $0x1B8E;
	s25 =	sld [smem:$0x3FFE];
	[sflag:s24] =	ssyncadd.s32 $0xFFFFFFFF  }
0x1d: {  	s27 =	simm.s32 $execute0_lowered;
	[smem:$0x3FD2] =	sst s26  }
0x1e: {  	s5 =	sshll.u32 s27, $0x1;
	_ =	strace $0x80000046;
	[dreg:$0x1] =	wrdreg $0xFFFFFFFF  }
0x1f: {  	s28 =	simm.s32 $_size_execute0_lowered;
	s3 =	sadd.s32 s3, s5;
	[dreg:$0x0] =	wrdreg $0x0  }
0x20: {  	s5 =	sshll.u32 s28, $0x1;
	[dreg:$0x2] =	wrdreg s3  }
0x21: {  	[dreg:$0x3] =	wrdreg s5  }
0x22: {  	[dreg:$0x4] =	wrdreg $0xC0  }
0x23: {  	_ =	task [dreg:s7], $0x5FFFF  }
0x24: {  	[dreg:$0x1] =	wrdreg $0xFFFFFFFF  }
0x25: {  	[dreg:$0x0] =	wrdreg $0x60  }
0x26: {  	[dreg:$0x2] =	wrdreg s2  }
0x27: {  	[dreg:$0x3] =	wrdreg s25  }
0x28: {  	[dreg:$0x4] =	wrdreg $0x9  }
0x29: {  	_ =	task.clear_ibuf [dreg:s7], $0x5FFFF;
	_ =	strace $0x90000046  }
0x2a: {  	s29 =	simm.s32 $0x9;
	_ =	strace $0x80000048  }
0x2b: {  	_ =	swait.ge [sflag:s29], $0x1  }
0x2c: {  	[sflag:s29] =	ssyncadd.s32 $0xFFFFFFFF  }
0x2d: {  	_ =	strace $0x90000048  }
0x2e: {  	_ =	sfence  }
0x2f: {  	s30 =	sld [smem:$0x0];
	_ =	sdelay $0x2  }
0x30: {  	s31 =	sshll.u32 s1, $0xD;
	s1 =	sshrl.u32 s1, $0x2  }
0x31: {  	s3 =	sand.u32 $0x4000, s31;
	s1 =	sadd.s32 s1, s30  }
0x32: {  	s0 =	sor.u32 s3, s0;
	s1 =	sshll.u32 s1, $0x11  }
0x33: {  	s0 =	sor.u32 s1, s0  }
0x34: {  	s0 =	sadd.s32 $0x8F2B, s0  }
0x35: {  	[sflag:s0] =	ssyncadd.remote.s32 $0x1  }
0x36: {  	_ =	sfence.sel $0xFFFF  }
0x37: {  	[dreg:$0x0] =	wrdreg $0xFFFFFFFF;
	(pc) =	sbr.abs _section_cstart, $3  }
0x38: {  	[dreg:$0x1] =	wrdreg $0xFFFFFFFF  }
0x39: {  	_ =	task.clear_ibuf [dreg:s7], $0x2FFFF;
	_ =	strace $0x9FFFFFFF  }
0x3a: {  	(tm) =	ssettm $0x7FFFFFFF  }
0x3b: {  	_ =	shalt  }
tec
execute0_lowered:
.L_overlay_start_1:
0x0: {  	(tag) =	ssettag $0x1  }
0x1: {  	s0 =	srdreg.scid;
	s2 =	rddreg [dreg:$0x0]  }
0x2: {  	s5 =	rddreg [dreg:$0x1];
	s1 =	stileid.u32  }
0x3: {  	s4 =	simm.s32 $0x1;
	s6 =	simm.s32 $0x2;
	s0 =	sshll.u32 s0, $0x4  }
0x4: {  	s8 =	simm.s32 $0x0;
	s9 =	simm.s32 $0x0;
	s3 =	sand.u32 $0x10, s0  }
.Ltmp0:
0x5: {  	s13 =	simm.s32 $0x0;
	s3 =	sor.u32 s1, s3;
	(pc) =	sbr.rel .LBB1_1-.Ltmp0, $4  }
0x6: {  	s0 =	rddreg [dreg:$0x2];
	_ =	strace $0x80000047;
	s3 =	sshll.u32 s3, $0x3  }
0x7: {  	s10 =	simm.s32 $0x0;
	[sflag:s4] =	ssyncpa.u1 $0x0;
	s7 =	ssub.s32 $0x1868, s3  }
0x8: {  	s12 =	simm.s32 $0x0;
	[sflag:s6] =	ssyncpa.u1 $0x0;
	s6 =	sshrl.u32 s7, $0x8  }
0x9: {  	s5 =	sadd.s32 $0x10B400, s5;
	s11 =	smov.u32 s3;
	s7 =	sadd.s32 $0x2, s6  }
.LBB1_9:
0xa: {  	s15 =	sshll.u32 s12, $0xE  }
0xb: {  	s16 =	sshll.u32 s10, $0x8;
	s15 =	sand.u32 $0x4000, s15  }
0xc: {  	s16 =	sadd.s32 s5, s16;
	s15 =	sor.u32 $0x8000, s15  }
0xd: {  	[hbm4b:s16+s8] =	stream.linear.scatter [tilespmem:s15], [sflag:$0x2], s14, $0x38;
	[tilespmem:$0x10000] =	vst v63  }
.LBB1_10:
0xe: {  	p0 =	slt.u32 s12, $0x2  }
0xf: {  	p1 =	sgt.s32 @!p0 s13, $0x1862  }
0x10: {  	s14 =	smov.u32 s13;
	s15 =	sshra.s32 @!p0 s13, $0x1F;
	p1 =	por !p1, p0  }
0x11: {  	s13 =	sand.u32 @!p0 s15, s13;
	s14 =	simm.s32 @p1 $0x1862  }
0x12: {  	s13 =	ssub.s32 @!p0 s14, s13  }
0x13: {  	s13 =	sadd.s32 @!p0 $0xFFFFE79E, s13  }
0x14: {  	s14 =	sshll.u32 @!p0 s13, $0xD  }
0x15: {  	p1 =	sgt.s32 @!p0 s13, $0x7;
	s13 =	ssub.s32 @!p0 $0x10000, s14  }
0x16: {  	s15 =	sadd.s32 $0x100, s11;
	p1 =	por !p1, p0;
	s13 =	sshrl.u32 @!p0 s13, $0x2  }
0x17: {  	s13 =	simm.s32 @!p1 $0x0;
	p1 =	sgt.s32 s15, $0x1869  }
0x18: {  	s15 =	smov.u32 @p1 s3;
	p1 =	sne.s32 s12, s7  }
.Ltmp1:
0x19: {  	_ = 	snop;
	(pc) =	sbr.rel @!p1 .LBB1_11-.Ltmp1, $4  }
0x1a: {  	s14 =	simm.s32 @!p0 $0x2  }
0x1b: {  	s9 =	sadd.s32 $0x4000, s9;
	_ =	swait.ge @!p0 [sflag:s14], s13;
	s16 =	ssub.s32 @!p0 $0x0, s13  }
0x1c: {  	s13 =	smov.u32 s10;
	s12 =	sadd.s32 $0x1, s12;
	[sflag:s14] =	ssyncset.done @!p0 $0x0  }
0x1d: {  	s10 =	smov.u32 s11;
	s11 =	smov.u32 s15;
	[sflag:s14] =	ssyncadd.s32 @!p0 s16  }
.LBB1_1:
0x1e: {  	p0 =	sgt.u32 s12, s6  }
0x1f: {  	p1 =	sgt.s32 @!p0 s11, $0x1862  }
0x20: {  	s14 =	smov.u32 s11;
	s15 =	sshra.s32 @!p0 s11, $0x1F;
	p1 =	por !p1, p0  }
0x21: {  	s15 =	sand.u32 @!p0 s15, s11;
	s14 =	simm.s32 @p1 $0x1862  }
0x22: {  	s14 =	ssub.s32 @!p0 s14, s15  }
0x23: {  	s14 =	sadd.s32 @!p0 $0xFFFFE79E, s14  }
0x24: {  	s17 =	simm.s32 @!p0 $0x0;
	s15 =	sxor.u32 @!p0 $0xFFFFFFFF, s12;
	s16 =	sshll.u32 @!p0 s14, $0xD  }
0x25: {  	s15 =	sshll.u32 @!p0 s15, $0xE;
	p1 =	sgt.s32 @!p0 s14, $0x7;
	s14 =	ssub.s32 @!p0 $0x10000, s16  }
0x26: {  	p1 =	por !p1, p0;
	s16 =	sshll.u32 @!p0 s11, $0x8;
	s14 =	sshrl.u32 @!p0 s14, $0x2  }
0x27: {  	s15 =	sand.u32 @!p0 $0x4000, s15;
	s16 =	sadd.s32 @!p0 s2, s16;
	s14 =	simm.s32 @!p1 $0x0  }
0x28: {  	[tilespmem:s15], [sflag:$0x1] =	stream.linear.gather @!p0 [hbm4b:s16+s17], s14, $0x38;
	[tilespmem:$0x10000] =	vst v63  }
0x29: {  	p0 =	seq.s32 s12, $0x0  }
0x2a: {  	p1 =	sge.u32 @!p0 s12, s7  }
0x2b: {  	p0 =	por p0, p1  }
.Ltmp2:
0x2c: {  	_ = 	snop;
	(pc) =	sbr.rel @p0 .LBB1_10-.Ltmp2, $1  }
0x2d: {  	_ =	sdelay $0x3  }
0x2e: {  	p0 =	sgt.s32 s10, $0x1862;
	s14 =	smov.u32 s10;
	s15 =	sshra.s32 s10, $0x1F  }
0x2f: {  	s14 =	simm.s32 @!p0 $0x1862;
	s15 =	sand.u32 s15, s10  }
0x30: {  	s14 =	ssub.s32 s14, s15  }
0x31: {  	s16 =	sadd.s32 $0x8, s10;
	s14 =	sadd.s32 $0xFFFFE79E, s14  }
0x32: {  	p1 =	slt.s32 s16, $0x186A;
	s30 =	sshll.u32 s14, $0xD  }
0x33: {  	s16 =	simm.s32 @!p1 $0x186A;
	s15 =	ssub.s32 $0x10000, s30  }
0x34: {  	p0 =	sgt.s32 s14, $0x7;
	s14 =	sshrl.u32 s15, $0x2;
	s15 =	ssub.s32 s16, s10  }
0x35: {  	s14 =	simm.s32 @p0 $0x0;
	p0 =	slt.s32 s15, $0x1  }
.Ltmp3:
0x36: {  	_ = 	snop;
	(pc) =	sbr.rel @p0 .LBB1_9-.Ltmp3, $4  }
0x37: {  	_ = 	snop  }
0x38: {  	_ =	swait.ge [sflag:s4], s14  }
0x39: {  	s31 =	ssub.s32 $0x0, s14;
	[sflag:s4] =	ssyncset.done $0x0  }
0x3a: {  	[sflag:s4] =	ssyncadd.s32 s31  }
0x3b: {  	s16 =	sshll.u32 s9, $0x2  }
0x3c: {  	s16 =	sand.u32 $0x10000, s16  }
0x3d: {  	s16 =	sshrl.u32 s16, $0x2  }
0x3e: {  	s18 =	simm.s32 $0x0;
	s19 =	simm.s32 $0x0;
	s17 =	sor.u32 $0x8000, s16  }
.LBB1_4:
0x3f: {  	s20 =	sshra.s32 s18, $0x2  }
0x40: {  	v0 =	vmov s20;
	_ =	sdelay $0x3  }
0x41: {  	p1 =	por $0x1, $0x1;
	s20 =	simm.s32 $0x0  }
.LBB1_5:
0x42: {  	_ = 	snop  }
0x43: {  	s21 =	sshll.u32 s20, $0xA  }
0x44: {  	s21 =	sand.u32 $0x3FFFFC00, s21  }
0x45: {  	s21 =	sadd.s32 s21, s16  }
0x46: {  	v5 =	vld.idx.msk [tilespmem:v0+s21+$0x70 ss:$0x1], $0xffff  }
0x47: {  	v6 =	vld.idx.msk [tilespmem:v0+s21+$0x10 ss:$0x1], $0xffff  }
0x48: {  	v7 =	vld.idx.msk [tilespmem:v0+s21+$0x20 ss:$0x1], $0xffff  }
0x49: {  	s31 =	sshll.u32 s20, $0x7;
	v1 =	vld.idx.msk [tilespmem:v0+s21+$0x30 ss:$0x1], $0xffff  }
0x4a: {  	s20 =	sand.u32 $0x3FFFFF80, s31;
	v2 =	vld.idx.msk [tilespmem:v0+s21+$0x40 ss:$0x1], $0xffff  }
0x4b: {  	s20 =	sadd.s32 s20, s17;
	v3 =	vld.idx.msk [tilespmem:v0+s21+$0x50 ss:$0x1], $0xffff  }
0x4c: {  	v4 =	vld.idx.msk [tilespmem:v0+s21+$0x60 ss:$0x1], $0xffff;
	[tilespmem:v0+s20+$0x70 ss:$0x1] =	vst.idx.msk $0xffff, v5  }
0x4d: {  	v5 =	vld.idx.msk [tilespmem:v0+s21+$0x0 ss:$0x1], $0xffff;
	[tilespmem:v0+s20+$0x10 ss:$0x1] =	vst.idx.msk $0xffff, v6;
	s21 =	sadd.s32 $0x80, s21  }
0x4e: {  	p0 =	por p1, p1;
	s22 =	simm.s32 $0x6;
	[tilespmem:v0+s20+$0x20 ss:$0x1] =	vst.idx.msk $0xffff, v7;
	v6 =	vld.idx.msk [tilespmem:v0+s21+$0x70 ss:$0x1], $0xffff  }
.LBB1_6:
0x4f: {  	p1 =	sne.s32 s22, $0x1;
	v7 =	vld.idx.msk [tilespmem:v0+s21+$0x10 ss:$0x1], $0xffff;
	[tilespmem:v0+s20+$0x30 ss:$0x1] =	vst.idx.msk $0xffff, v1  }
0x50: {  	v8 =	vld.idx.msk [tilespmem:v0+s21+$0x20 ss:$0x1], $0xffff;
	[tilespmem:v0+s20+$0x40 ss:$0x1] =	vst.idx.msk $0xffff, v2  }
0x51: {  	v1 =	vld.idx.msk [tilespmem:v0+s21+$0x30 ss:$0x1], $0xffff;
	[tilespmem:v0+s20+$0x50 ss:$0x1] =	vst.idx.msk $0xffff, v3  }
.Ltmp4:
0x52: {  	v2 =	vld.idx.msk [tilespmem:v0+s21+$0x40 ss:$0x1], $0xffff;
	[tilespmem:v0+s20+$0x60 ss:$0x1] =	vst.idx.msk $0xffff, v4;
	(pc) =	sbr.rel @p1 .LBB1_6-.Ltmp4, $4  }
0x53: {  	v3 =	vld.idx.msk [tilespmem:v0+s21+$0x50 ss:$0x1], $0xffff;
	[tilespmem:v0+s20+$0x0 ss:$0x1] =	vst.idx.msk $0xffff, v5;
	s20 =	sadd.s32 $0x100, s20  }
0x54: {  	v4 =	vld.idx.msk [tilespmem:v0+s21+$0x60 ss:$0x1], $0xffff;
	[tilespmem:v0+s20+$0x70 ss:$0x1] =	vst.idx.msk $0xffff, v6  }
0x55: {  	v5 =	vld.idx.msk [tilespmem:v0+s21+$0x0 ss:$0x1], $0xffff;
	[tilespmem:v0+s20+$0x10 ss:$0x1] =	vst.idx.msk $0xffff, v7;
	s21 =	sadd.s32 $0x80, s21  }
0x56: {  	s22 =	sadd.s32 $0xFFFFFFFF, s22;
	v6 =	vld.idx.msk [tilespmem:v0+s21+$0x70 ss:$0x1], $0xffff;
	[tilespmem:v0+s20+$0x20 ss:$0x1] =	vst.idx.msk $0xffff, v8  }
0x57: {  	_ =	sdelay $0x3  }
0x58: {  	[tilespmem:v0+s20+$0x30 ss:$0x1] =	vst.idx.msk $0xffff, v1  }
0x59: {  	v1 =	vld.idx.msk [tilespmem:v0+s21+$0x10 ss:$0x1], $0xffff;
	[tilespmem:v0+s20+$0x40 ss:$0x1] =	vst.idx.msk $0xffff, v2  }
0x5a: {  	v2 =	vld.idx.msk [tilespmem:v0+s21+$0x20 ss:$0x1], $0xffff;
	[tilespmem:v0+s20+$0x50 ss:$0x1] =	vst.idx.msk $0xffff, v3  }
0x5b: {  	v61 =	vld.idx.msk [tilespmem:v0+s21+$0x40 ss:$0x1], $0xffff;
	[tilespmem:v0+s20+$0x60 ss:$0x1] =	vst.idx.msk $0xffff, v4  }
0x5c: {  	s31 =	sadd.s32 $0x100, s20;
	v62 =	vld.idx.msk [tilespmem:v0+s21+$0x50 ss:$0x1], $0xffff;
	[tilespmem:v0+s20+$0x0 ss:$0x1] =	vst.idx.msk $0xffff, v5  }
0x5d: {  	v63 =	vld.idx.msk [tilespmem:v0+s21+$0x60 ss:$0x1], $0xffff;
	[tilespmem:v0+s31+$0x70 ss:$0x1] =	vst.idx.msk $0xffff, v6  }
0x5e: {  	v3 =	vld.idx.msk [tilespmem:v0+s21+$0x30 ss:$0x1], $0xffff;
	[tilespmem:v0+s31+$0x10 ss:$0x1] =	vst.idx.msk $0xffff, v1  }
0x5f: {  	v1 =	vld.idx.msk [tilespmem:v0+s21+$0x0 ss:$0x1], $0xffff;
	[tilespmem:v0+s31+$0x20 ss:$0x1] =	vst.idx.msk $0xffff, v2  }
.Ltmp5:
0x60: {  	[tilespmem:v0+s31+$0x40 ss:$0x1] =	vst.idx.msk $0xffff, v61;
	(pc) =	sbr.rel @p0 .LBB1_5-.Ltmp5, $4  }
0x61: {  	[tilespmem:v0+s31+$0x50 ss:$0x1] =	vst.idx.msk $0xffff, v62  }
0x62: {  	[tilespmem:v0+s31+$0x60 ss:$0x1] =	vst.idx.msk $0xffff, v63  }
0x63: {  	[tilespmem:v0+s31+$0x30 ss:$0x1] =	vst.idx.msk $0xffff, v3  }
0x64: {  	p1 =	por $0x0, $0x0;
	s20 =	simm.s32 $0x1;
	[tilespmem:v0+s31+$0x0 ss:$0x1] =	vst.idx.msk $0xffff, v1  }
0x65: {  	s19 =	sadd.s32 $0x1, s19  }
0x66: {  	p0 =	sne.s32 s19, s15  }
.Ltmp6:
0x67: {  	_ = 	snop;
	(pc) =	sbr.rel @p0 .LBB1_4-.Ltmp6, $4  }
.Ltmp7:
0x68: {  	_ = 	snop;
	(pc) =	sbr.rel @!p0 .LBB1_9-.Ltmp7, $4  }
0x69: {  	_ = 	snop  }
0x6a: {  	_ = 	snop  }
0x6b: {  	s18 =	sadd.s32 $0x2000, s18  }
0x6c: {  	_ = 	snop  }
.LBB1_11:
0x6d: {  	_ =	sfence.sel $0x180000  }
0x6e: {  	s2 =	simm.s32 $0x1;
	[bflag:$0x0] =	sbarrier.arrive $0xFFFF  }
0x6f: {  	s31 =	simm.s32 $0x2;
	[sflag:s2] =	ssyncpa.u1 $0x1  }
0x70: {  	[sflag:s31] =	ssyncpa.u1 $0x1  }
0x71: {  	p0 =	sne.s32 s1, $0x0;
	_ =	strace $0x90000047  }
0x72: {  	s0 =	sadd.s32 @!p0 $0x100000, s0;
	[bflag:$0x2] =	sbarrier.arrive $0xFFFF  }
0x73: {  	[sflag:s0] =	ssyncadd.tile.s32 @!p0 $0x1;
	_ =	shalt  }
.Lfunc_end1:
_tile_overlayer_lowered:
.L_overlay_start_2:
0x74: {  	(tag) =	ssettag $0x2  }
0x75: {  	s0 =	rddreg [dreg:$0x0];
	s2 =	stileid.u32  }
0x76: {  	s1 =	rddreg [dreg:$0x1];
	p0 =	sne.s32 s2, $0x0  }
0x77: {  	s3 =	rddreg [dreg:$0x2];
	[bflag:$0x3] =	sbarrier.arrive $0xFFFF;
	s2 =	simm.s32 @!p0 $0x1C01  }
0x78: {  	[timem:s3], [sflag:s2] =	dma.local @!p0 [hbm:s0], s1  }
0x79: {  	s0 =	simm.s32 @!p0 $0x1  }
0x7a: {  	_ =	swait.ge @!p0 [sflag:s0], s1  }
0x7b: {  	s1 =	ssub.s32 @!p0 $0x0, s1;
	[sflag:s0] =	ssyncset.done @!p0 $0x0  }
0x7c: {  	[sflag:s0] =	ssyncadd.s32 @!p0 s1  }
0x7d: {  	[bflag:$0x3] =	sbarrier.arrive $0xFFFF  }
0x7e: {  	_ =	shalt  }

</sc_bundles>
